<compile_context>
chip_gen: v7x
topology: tpu7x:2x2x1
jax: 0.10.2.dev20260603
libtpu: 0.0.44.dev20260713+nightly
codegen_flags: <defaults>
</compile_context>

<pallas_src>
import jax
import jax.numpy as jnp
from jax import lax
from jax.experimental import pallas as pl
from jax.experimental.pallas import tpu as pltpu
from jax.experimental.pallas import tpu_sc as plsc

N = 10000
E = 320000
F_IN = 128
F_OUT = 64
K = 8

NCORE = 2
NSUB = 16
FH = F_OUT // NCORE
EPT = E // NSUB
EROW = 160
EPAD = EROW * 128
DEPTH = 2
NGRP = EROW // DEPTH
NCMB = 4
RT = 640
RC = 160
NPAD = NSUB * RT
DUM = NPAD


def _mm_body(x_ref, w_ref, b_ref, c_ref):
    xv = x_ref[...]
    for k in range(K):
        for h in range(NCORE):
            acc = jnp.dot(xv, w_ref[k, :, h * FH:(h + 1) * FH],
                          preferred_element_type=jnp.float32)
            if k == 0:
                acc = acc + b_ref[h * FH:(h + 1) * FH][None, :]
            c_ref[k, h] = acc


def _sc_body(ei_ref, c_ref, out_ref, bA, bB,
             spbuf, dpbuf, rb0, rb1, rb2, rb3, gbuf, bppbuf, cbuf, obuf, zrow,
             ones, dgbuf, ibuf,
             hbuf, gacc, degsp,
             gs0, gs1, gs2, gs3, ss0, ss1, ss2, ss3):
    rbs = (rb0, rb1, rb2, rb3)
    gss = (gs0, gs1, gs2, gs3)
    sss = (ss0, ss1, ss2, ss3)
    cc = lax.axis_index("c")
    ss = lax.axis_index("s")
    r_lo = ss * RT

    def _zrow_init(r, carry):
        zrow[r, pl.ds(0, 16)] = jnp.zeros((16,), jnp.float32)
        zrow[r, pl.ds(16, 16)] = jnp.zeros((16,), jnp.float32)
        return carry
    lax.fori_loop(0, RC, _zrow_init, None)

    def _ones_init(i, carry):
        ones[pl.ds(i * 16, 16)] = jnp.ones((16,), jnp.float32)
        return carry
    lax.fori_loop(0, 8, _ones_init, None)

    def _dg_init(i, carry):
        dgbuf[pl.ds(i * 16, 16)] = jnp.zeros((16,), jnp.float32)
        return carry
    lax.fori_loop(0, RT // 16, _dg_init, None)

    pltpu.sync_copy(dgbuf, degsp.at[pl.ds(r_lo, RT)])

    def _zg(q, carry):
        pltpu.sync_copy(zrow, gacc.at[pl.ds(r_lo + q * RC, RC)])
        return carry
    lax.fori_loop(0, NCMB, _zg, None)

    pltpu.sync_copy(ei_ref.at[0, ss], spbuf)
    pltpu.sync_copy(ei_ref.at[1, ss], dpbuf)

    def _pp(t, carry):
        j = t // 8
        i = (t % 8) * 16
        sv = spbuf[j, pl.ds(i, 16)]
        dv = dpbuf[j, pl.ds(i, 16)]
        m = sv == dv
        spbuf[j, pl.ds(i, 16)] = jnp.where(m, jnp.int32(DUM), sv)
        dpbuf[j, pl.ds(i, 16)] = jnp.where(m, jnp.int32(DUM), dv)
        return carry
    lax.fori_loop(0, EROW * 8, _pp, None)

    plsc.subcore_barrier()

    dsems = gss + sss
    def _deg(g8, carry):
        for u in range(8):
            pltpu.async_copy(ones, degsp.at[spbuf.at[8 * g8 + u]], dsems[u], add=True)
        for u in range(8):
            pltpu.make_async_copy(ones, degsp.at[spbuf.at[0]], dsems[u]).wait()
        return carry
    lax.fori_loop(0, EROW // 8, _deg, None)

    plsc.subcore_barrier()

    pltpu.sync_copy(degsp.at[pl.ds(r_lo, RT)], dgbuf)

    def _isq(i, carry):
        d = dgbuf[pl.ds(i * 16, 16)]
        y = jnp.full((16,), 0.7, jnp.float32)
        for k in range(1, 10):
            y = y * jnp.where(d >= float(4 ** k), 0.5, 1.0)
        for _ in range(6):
            y = y * (1.5 - 0.5 * d * y * y)
        y = jnp.where(d > 0.5, y, 0.0)
        ibuf[pl.ds(i * 16, 16)] = y
        return carry
    lax.fori_loop(0, RT // 16, _isq, None)

    def _init(q, carry):
        r0 = r_lo + q * RC
        pltpu.sync_copy(c_ref.at[K - 1, cc, pl.ds(r0, RC)], cbuf)
        pltpu.sync_copy(cbuf, bA.at[cc, pl.ds(r0, RC)])

        def _rows(r, carry2):
            s = plsc.load_gather(ibuf, [jnp.full((16,), q * RC + r, jnp.int32)])
            for h in (0, 16):
                gbuf[r, pl.ds(h, 16)] = s * cbuf[r, pl.ds(h, 16)]
            return carry2
        lax.fori_loop(0, RC, _rows, None)
        pltpu.sync_copy(gbuf, hbuf.at[pl.ds(r0, RC)])
        return carry
    lax.fori_loop(0, NCMB, _init, None)

    plsc.subcore_barrier()

    def _edge_pass():
        for u in range(DEPTH):
            pltpu.async_copy(hbuf.at[spbuf.at[u]], rbs[u], gss[u])

        def _grp(j4, carry):
            base = DEPTH * j4
            for u in range(DEPTH):
                pltpu.make_async_copy(hbuf.at[spbuf.at[0]], rbs[u], gss[u]).wait()
                pltpu.async_copy(rbs[u], gacc.at[dpbuf.at[base + u]], sss[u], add=True)

            @pl.when(j4 < NGRP - 1)
            def _prefetch():
                for u in range(DEPTH):
                    pltpu.make_async_copy(rbs[u], gacc.at[dpbuf.at[0]], sss[u]).wait()
                    pltpu.async_copy(hbuf.at[spbuf.at[base + DEPTH + u]], rbs[u], gss[u])
            return carry
        lax.fori_loop(0, NGRP, _grp, None)
        for u in range(DEPTH):
            pltpu.make_async_copy(rbs[u], gacc.at[dpbuf.at[0]], sss[u]).wait()

    for k in range(K - 2, 0, -1):
        _edge_pass()
        plsc.subcore_barrier()
        slot = bB if k % 2 == 0 else bA
        first = (k == K - 2)

        def _cmb(q, carry, k=k, slot=slot, first=first):
            r0 = r_lo + q * RC

            @pl.when(q > 0)
            def _drain_prev():
                pltpu.make_async_copy(obuf, slot.at[cc, pl.ds(0, RC)], ss0).wait()
                pltpu.make_async_copy(gbuf, hbuf.at[pl.ds(0, RC)], ss1).wait()
                pltpu.make_async_copy(zrow, gacc.at[pl.ds(0, RC)], ss2).wait()

            pltpu.async_copy(gacc.at[pl.ds(r0, RC)], gbuf, gs0)
            if not first:
                pltpu.async_copy(slot.at[cc, pl.ds(r0, RC)], bppbuf, gs1)
            pltpu.async_copy(c_ref.at[k, cc, pl.ds(r0, RC)], cbuf, gs2)
            pltpu.make_async_copy(gacc.at[pl.ds(0, RC)], gbuf, gs0).wait()
            if not first:
                pltpu.make_async_copy(slot.at[cc, pl.ds(0, RC)], bppbuf, gs1).wait()
            pltpu.make_async_copy(c_ref.at[k, cc, pl.ds(0, RC)], cbuf, gs2).wait()

            def _rows(r, carry2):
                s = plsc.load_gather(ibuf, [jnp.full((16,), q * RC + r, jnp.int32)])
                for h in (0, 16):
                    v = cbuf[r, pl.ds(h, 16)] - (2.0 * s) * gbuf[r, pl.ds(h, 16)]
                    if not first:
                        v = v - bppbuf[r, pl.ds(h, 16)]
                    obuf[r, pl.ds(h, 16)] = v
                    gbuf[r, pl.ds(h, 16)] = s * v
                return carry2
            lax.fori_loop(0, RC, _rows, None)
            pltpu.async_copy(obuf, slot.at[cc, pl.ds(r0, RC)], ss0)
            pltpu.async_copy(gbuf, hbuf.at[pl.ds(r0, RC)], ss1)
            pltpu.async_copy(zrow, gacc.at[pl.ds(r0, RC)], ss2)
            return carry
        lax.fori_loop(0, NCMB, _cmb, None)
        pltpu.make_async_copy(obuf, slot.at[cc, pl.ds(0, RC)], ss0).wait()
        pltpu.make_async_copy(gbuf, hbuf.at[pl.ds(0, RC)], ss1).wait()
        pltpu.make_async_copy(zrow, gacc.at[pl.ds(0, RC)], ss2).wait()
        plsc.subcore_barrier()

    _edge_pass()
    plsc.subcore_barrier()

    def _fin(q, carry):
        r0 = r_lo + q * RC
        pltpu.sync_copy(gacc.at[pl.ds(r0, RC)], gbuf)
        pltpu.sync_copy(bB.at[cc, pl.ds(r0, RC)], bppbuf)
        pltpu.sync_copy(c_ref.at[0, cc, pl.ds(r0, RC)], cbuf)

        def _rows(r, carry2):
            s = plsc.load_gather(ibuf, [jnp.full((16,), q * RC + r, jnp.int32)])
            for h in (0, 16):
                v = (cbuf[r, pl.ds(h, 16)] - s * gbuf[r, pl.ds(h, 16)]
                     - bppbuf[r, pl.ds(h, 16)])
                obuf[r, pl.ds(h, 16)] = jnp.maximum(v, 0.0)
            return carry2
        lax.fori_loop(0, RC, _rows, None)
        pltpu.sync_copy(obuf, out_ref.at[pl.ds(r0, RC), pl.ds(FH * cc, FH)])
        return carry
    lax.fori_loop(0, NCMB, _fin, None)


@jax.jit
def kernel(x, edge_index, W, b):
    c = pl.pallas_call(
        _mm_body,
        grid=(25,),
        in_specs=[
            pl.BlockSpec((N // 25, F_IN), lambda i: (i, 0)),
            pl.BlockSpec((K, F_IN, F_OUT), lambda i: (0, 0, 0)),
            pl.BlockSpec((F_OUT,), lambda i: (0,)),
        ],
        out_specs=pl.BlockSpec((K, NCORE, N // 25, FH), lambda i: (0, 0, i, 0)),
        out_shape=jax.ShapeDtypeStruct((K, NCORE, NPAD, FH), jnp.float32),
    )(x, W, b)

    ei3 = jnp.pad(
        edge_index.reshape(2, NSUB, EPT), ((0, 0), (0, 0), (0, EPAD - EPT))
    ).reshape(2, NSUB, EROW, 128)
    mesh = plsc.VectorSubcoreMesh(core_axis_name="c", subcore_axis_name="s")
    out2 = pl.kernel(
        _sc_body,
        out_type=(
            jax.ShapeDtypeStruct((NPAD, F_OUT), jnp.float32),
            jax.ShapeDtypeStruct((NCORE, NPAD, FH), jnp.float32),
            jax.ShapeDtypeStruct((NCORE, NPAD, FH), jnp.float32),
        ),
        mesh=mesh,
        compiler_params=pltpu.CompilerParams(
            use_tc_tiling_on_sc=False, needs_layout_passes=False),
        scratch_types=[
            pltpu.VMEM((EROW, 128), jnp.int32),
            pltpu.VMEM((EROW, 128), jnp.int32),
            pltpu.VMEM((128, FH), jnp.float32),
            pltpu.VMEM((128, FH), jnp.float32),
            pltpu.VMEM((128, FH), jnp.float32),
            pltpu.VMEM((128, FH), jnp.float32),
            pltpu.VMEM((RC, FH), jnp.float32),
            pltpu.VMEM((RC, FH), jnp.float32),
            pltpu.VMEM((RC, FH), jnp.float32),
            pltpu.VMEM((RC, FH), jnp.float32),
            pltpu.VMEM((RC, FH), jnp.float32),
            pltpu.VMEM((128,), jnp.float32),
            pltpu.VMEM((RT,), jnp.float32),
            pltpu.VMEM((RT,), jnp.float32),
            pltpu.VMEM_SHARED((NPAD + 8, FH), jnp.float32),
            pltpu.VMEM_SHARED((NPAD + 8, FH), jnp.float32),
            pltpu.VMEM_SHARED((NPAD + 16,), jnp.float32),
        ] + [pltpu.SemaphoreType.DMA] * 8 + [
        ],
    )(ei3, c)[0]

    return out2[:N]

# --- scband reference (transcript-rebuilt; emitter-appended) ---
"""Pipeline reference for scband-kipf-net-simple-30210799960803 (READ-ONLY COPY).

The authoritative reference and input builder live on the scoring server;
editing this copy changes nothing except your own understanding.
"""

import jax, jax.numpy as jnp
import numpy as np

N = 10000
E = 320000
F_IN = 128
F_OUT = 64
K = 8


def setup_inputs(seed: int = 0) -> dict:
    key = jax.random.key(seed)
    k1, k2, k3 = jax.random.split(key, 3)
    x = jax.random.normal(k1, (N, F_IN), dtype=jnp.float32)
    edge_index = jax.random.randint(k2, (2, E), 0, N, dtype=jnp.int32)
    # ChebConv has K linear layers (bias=False) plus one shared bias, glorot init
    wkeys = jax.random.split(k3, K + 1)
    scale = np.sqrt(6.0 / (F_IN + F_OUT)).astype(np.float32)
    W = jnp.stack([
        jax.random.uniform(wkeys[i], (F_IN, F_OUT), dtype=jnp.float32, minval=-scale, maxval=scale)
        for i in range(K)
    ])
    b = jnp.zeros((F_OUT,), dtype=jnp.float32)
    return {"x": x, "edge_index": edge_index, "W": W, "b": b}


def _cheb_prop(h, src, dst, norm):
    # propagate: out[dst] += norm_e * h[src]  (source_to_target flow)
    return jax.ops.segment_sum(norm[:, None] * h[src], dst, num_segments=N)


def reference(x, edge_index, W, b):
    src = edge_index[0]
    dst = edge_index[1]
    # remove self loops (zero their weight; equivalent for degree and message math)
    w = jnp.where(src == dst, 0.0, 1.0).astype(jnp.float32)
    # sym-normalized Laplacian L = I - D^{-1/2} A D^{-1/2}; scaled by 2/lambda_max
    # with PyG default lambda_max=2.0 and add_self_loops(fill=-1), diagonal of
    # L_hat is 0, off-diagonal is -deg_isqrt[src]*deg_isqrt[dst]
    deg = jax.ops.segment_sum(w, src, num_segments=N)
    deg_isqrt = jnp.where(deg > 0, 1.0 / jnp.sqrt(deg), 0.0)
    norm = -deg_isqrt[src] * w * deg_isqrt[dst]
    Tx0 = x
    out = Tx0 @ W[0]
    Tx1 = _cheb_prop(x, src, dst, norm)
    out = out + Tx1 @ W[1]
    for k in range(2, K):
        Tx2 = 2.0 * _cheb_prop(Tx1, src, dst, norm) - Tx0
        out = out + Tx2 @ W[k]
        Tx0, Tx1 = Tx1, Tx2
    out = out + b
    return jax.nn.relu(out)

if __name__ == "__main__":
    import jax
    _d = setup_inputs()
    print(jax.jit(kernel)(*tuple(_d.values())))

</pallas_src>

<mosaic_0001>
#map = affine_map<(d0, d1) -> (0, 0, 0, 0)>
#map1 = affine_map<(d0, d1) -> (0, 0)>
#map2 = affine_map<(d0, d1) -> (0, 0, 0)>
module attributes {stable_mosaic.version = 14 : i64} {
  func.func @_sc_body(%arg0: i32, %arg1: i32, %arg2: memref<2x16x160x128xi32, #tpu.memory_space<hbm>>, %arg3: memref<8x2x10240x32xf32, #tpu.memory_space<hbm>>, %arg4: memref<10240x64xf32, #tpu.memory_space<hbm>>, %arg5: memref<2x10240x32xf32, #tpu.memory_space<hbm>>, %arg6: memref<2x10240x32xf32, #tpu.memory_space<hbm>>, %arg7: memref<160x128xi32, #tpu.memory_space<vmem>>, %arg8: memref<160x128xi32, #tpu.memory_space<vmem>>, %arg9: memref<128x32xf32, #tpu.memory_space<vmem>>, %arg10: memref<128x32xf32, #tpu.memory_space<vmem>>, %arg11: memref<128x32xf32, #tpu.memory_space<vmem>>, %arg12: memref<128x32xf32, #tpu.memory_space<vmem>>, %arg13: memref<160x32xf32, #tpu.memory_space<vmem>>, %arg14: memref<160x32xf32, #tpu.memory_space<vmem>>, %arg15: memref<160x32xf32, #tpu.memory_space<vmem>>, %arg16: memref<160x32xf32, #tpu.memory_space<vmem>>, %arg17: memref<160x32xf32, #tpu.memory_space<vmem>>, %arg18: memref<128xf32, #tpu.memory_space<vmem>>, %arg19: memref<640xf32, #tpu.memory_space<vmem>>, %arg20: memref<640xf32, #tpu.memory_space<vmem>>, %arg21: memref<10248x32xf32, #tpu.memory_space<vmem_shared>>, %arg22: memref<10248x32xf32, #tpu.memory_space<vmem_shared>>, %arg23: memref<10256xf32, #tpu.memory_space<vmem_shared>>, %arg24: memref<!tpu.dma_semaphore, #tpu.memory_space<semaphore_mem>>, %arg25: memref<!tpu.dma_semaphore, #tpu.memory_space<semaphore_mem>>, %arg26: memref<!tpu.dma_semaphore, #tpu.memory_space<semaphore_mem>>, %arg27: memref<!tpu.dma_semaphore, #tpu.memory_space<semaphore_mem>>, %arg28: memref<!tpu.dma_semaphore, #tpu.memory_space<semaphore_mem>>, %arg29: memref<!tpu.dma_semaphore, #tpu.memory_space<semaphore_mem>>, %arg30: memref<!tpu.dma_semaphore, #tpu.memory_space<semaphore_mem>>, %arg31: memref<!tpu.dma_semaphore, #tpu.memory_space<semaphore_mem>>) attributes {dimension_semantics = [#tpu.dimension_semantics<core_parallel>, #tpu.dimension_semantics<subcore_parallel>], iteration_bounds = array<i64: 2, 16>, scalar_prefetch = 0 : i64, scratch_operands = 25 : i64, tpu.core_type = #tpu.core_type<sc_vector_subcore>, window_params = [{transform_indices = #map}, {transform_indices = #map}, {transform_indices = #map1}, {transform_indices = #map2}, {transform_indices = #map2}]} {
    %mul3A = arith.constant 640 : i32
    %mul3A_0 = arith.muli %arg1, %mul3A : i32
    %scan3A = arith.constant 0 : i32
    %scan3A_1 = arith.constant 160 : i32
    %scan3A_2 = arith.addi %scan3A, %scan3A_1 : i32
    %scan3A_3 = arith.constant 1 : i32
    scf.for %scan3A_440 = %scan3A to %scan3A_2 step %scan3A_3  : i32 {
      %broadcast_in_dim3A = arith.constant 0.000000e+00 : f32
      %broadcast_in_dim3A_441 = vector.broadcast %broadcast_in_dim3A : f32 to vector<16xf32>
      %swap3A = arith.index_cast %scan3A_440 : i32 to index
      %swap3A_442 = arith.constant 0 : index
      %swap3A_443 = tpu.vector_load %arg17[%swap3A, %swap3A_442] {strides = array<i32>} : memref<160x32xf32, #tpu.memory_space<vmem>>, vector<16xf32>,
      tpu.vector_store %arg17[%swap3A, %swap3A_442], %broadcast_in_dim3A_441 {strides = array<i32>} : memref<160x32xf32, #tpu.memory_space<vmem>>, vector<16xf32>,
      %broadcast_in_dim3A_444 = arith.constant 0.000000e+00 : f32
      %broadcast_in_dim3A_445 = vector.broadcast %broadcast_in_dim3A_444 : f32 to vector<16xf32>
      %swap3A_446 = arith.index_cast %scan3A_440 : i32 to index
      %swap3A_447 = arith.constant 16 : index
      %swap3A_448 = tpu.vector_load %arg17[%swap3A_446, %swap3A_447] {strides = array<i32>} : memref<160x32xf32, #tpu.memory_space<vmem>>, vector<16xf32>,
      tpu.vector_store %arg17[%swap3A_446, %swap3A_447], %broadcast_in_dim3A_445 {strides = array<i32>} : memref<160x32xf32, #tpu.memory_space<vmem>>, vector<16xf32>,
    }
    %scan3A_4 = arith.constant 160 : i32
    %scan3A_5 = arith.constant 0 : i32
    %scan3A_6 = arith.constant 8 : i32
    %scan3A_7 = arith.addi %scan3A_5, %scan3A_6 : i32
    %scan3A_8 = arith.constant 1 : i32
    scf.for %scan3A_440 = %scan3A_5 to %scan3A_7 step %scan3A_8  : i32 {
      %broadcast_in_dim3A = arith.constant 1.000000e+00 : f32
      %broadcast_in_dim3A_441 = vector.broadcast %broadcast_in_dim3A : f32 to vector<16xf32>
      %mul3A_442 = arith.constant 16 : i32
      %mul3A_443 = arith.muli %scan3A_440, %mul3A_442 : i32
      %swap3A = arith.index_cast %mul3A_443 : i32 to index
      %swap3A_444 = tpu.vector_load %arg18[%swap3A] {strides = array<i32>} : memref<128xf32, #tpu.memory_space<vmem>>, vector<16xf32>,
      tpu.vector_store %arg18[%swap3A], %broadcast_in_dim3A_441 {strides = array<i32>} : memref<128xf32, #tpu.memory_space<vmem>>, vector<16xf32>,
    }
    %scan3A_9 = arith.constant 8 : i32
    %scan3A_10 = arith.constant 0 : i32
    %scan3A_11 = arith.constant 40 : i32
    %scan3A_12 = arith.addi %scan3A_10, %scan3A_11 : i32
    %scan3A_13 = arith.constant 1 : i32
    scf.for %scan3A_440 = %scan3A_10 to %scan3A_12 step %scan3A_13  : i32 {
      %broadcast_in_dim3A = arith.constant 0.000000e+00 : f32
      %broadcast_in_dim3A_441 = vector.broadcast %broadcast_in_dim3A : f32 to vector<16xf32>
      %mul3A_442 = arith.constant 16 : i32
      %mul3A_443 = arith.muli %scan3A_440, %mul3A_442 : i32
      %swap3A = arith.index_cast %mul3A_443 : i32 to index
      %swap3A_444 = tpu.vector_load %arg19[%swap3A] {strides = array<i32>} : memref<640xf32, #tpu.memory_space<vmem>>, vector<16xf32>,
      tpu.vector_store %arg19[%swap3A], %broadcast_in_dim3A_441 {strides = array<i32>} : memref<640xf32, #tpu.memory_space<vmem>>, vector<16xf32>,
    }
    %scan3A_14 = arith.constant 40 : i32
    "tpu.region"() ({
      %run_scoped3A_440 = tpu.sem_alloc : memref<!tpu.dma_semaphore, #tpu.memory_space<semaphore_mem>>
      %dma_start3A_441 = tpu.memref_slice %arg23[%mul3A_0] : memref<10256xf32, #tpu.memory_space<vmem_shared>> -> memref<640xf32, #tpu.memory_space<vmem_shared>>
      %dma_start3A_442 = tpu.memref_slice %arg23[%mul3A_0] : memref<10256xf32, #tpu.memory_space<vmem_shared>> -> memref<640xf32, #tpu.memory_space<vmem_shared>>
      tpu.enqueue_dma source(%arg19 : memref<640xf32, #tpu.memory_space<vmem>>) target(%dma_start3A_442 : memref<640xf32, #tpu.memory_space<vmem_shared>>) target_semaphore(%run_scoped3A_440 : memref<!tpu.dma_semaphore, #tpu.memory_space<semaphore_mem>>)
      %dma_wait3A_443 = tpu.memref_slice %arg23[%mul3A_0] : memref<10256xf32, #tpu.memory_space<vmem_shared>> -> memref<640xf32, #tpu.memory_space<vmem_shared>>
      %dma_wait3A_444 = tpu.memref_slice %arg23[%mul3A_0] : memref<10256xf32, #tpu.memory_space<vmem_shared>> -> memref<640xf32, #tpu.memory_space<vmem_shared>>
      tpu.wait_dma2 semaphore(%run_scoped3A_440 : memref<!tpu.dma_semaphore, #tpu.memory_space<semaphore_mem>>) src(%arg19 : memref<640xf32, #tpu.memory_space<vmem>>) dst(%dma_wait3A_444 : memref<640xf32, #tpu.memory_space<vmem_shared>>)
      tpu.yield
    }) : () -> ()
    %scan3A_15 = arith.constant 0 : i32
    %scan3A_16 = arith.constant 4 : i32
    %scan3A_17 = arith.addi %scan3A_15, %scan3A_16 : i32
    %scan3A_18 = arith.constant 1 : i32
    scf.for %scan3A_440 = %scan3A_15 to %scan3A_17 step %scan3A_18  : i32 {
      %mul3A_441 = arith.constant 160 : i32
      %mul3A_442 = arith.muli %scan3A_440, %mul3A_441 : i32
      %add3A = arith.addi %mul3A_0, %mul3A_442 : i32
      "tpu.region"() ({
        %run_scoped3A_443 = tpu.sem_alloc : memref<!tpu.dma_semaphore, #tpu.memory_space<semaphore_mem>>
        %dma_start3A_444 = arith.constant 0 : i32
        %dma_start3A_445 = tpu.memref_slice %arg22[%add3A, %dma_start3A_444] : memref<10248x32xf32, #tpu.memory_space<vmem_shared>> -> memref<160x32xf32, #tpu.memory_space<vmem_shared>>
        %dma_start3A_446 = arith.constant 0 : i32
        %dma_start3A_447 = tpu.memref_slice %arg22[%add3A, %dma_start3A_446] : memref<10248x32xf32, #tpu.memory_space<vmem_shared>> -> memref<160x32xf32, #tpu.memory_space<vmem_shared>>
        tpu.enqueue_dma source(%arg17 : memref<160x32xf32, #tpu.memory_space<vmem>>) target(%dma_start3A_447 : memref<160x32xf32, #tpu.memory_space<vmem_shared>>) target_semaphore(%run_scoped3A_443 : memref<!tpu.dma_semaphore, #tpu.memory_space<semaphore_mem>>)
        %dma_wait3A_448 = arith.constant 0 : i32
        %dma_wait3A_449 = tpu.memref_slice %arg22[%add3A, %dma_wait3A_448] : memref<10248x32xf32, #tpu.memory_space<vmem_shared>> -> memref<160x32xf32, #tpu.memory_space<vmem_shared>>
        %dma_wait3A_450 = arith.constant 0 : i32
        %dma_wait3A_451 = tpu.memref_slice %arg22[%add3A, %dma_wait3A_450] : memref<10248x32xf32, #tpu.memory_space<vmem_shared>> -> memref<160x32xf32, #tpu.memory_space<vmem_shared>>
        tpu.wait_dma2 semaphore(%run_scoped3A_443 : memref<!tpu.dma_semaphore, #tpu.memory_space<semaphore_mem>>) src(%arg17 : memref<160x32xf32, #tpu.memory_space<vmem>>) dst(%dma_wait3A_451 : memref<160x32xf32, #tpu.memory_space<vmem_shared>>)
        tpu.yield
      }) : () -> ()
    }
    %scan3A_19 = arith.constant 4 : i32
    %run_scoped3A = arith.constant 0 : i32
    "tpu.region"() ({
      %run_scoped3A_440 = tpu.sem_alloc : memref<!tpu.dma_semaphore, #tpu.memory_space<semaphore_mem>>
      %dma_start3A_441 = arith.constant 0 : i32
      %dma_start3A_442 = arith.constant 0 : i32
      %dma_start3A_443 = tpu.memref_slice %arg2[%run_scoped3A, %arg1, %dma_start3A_441, %dma_start3A_442] : memref<2x16x160x128xi32, #tpu.memory_space<hbm>> -> memref<1x1x160x128xi32, #tpu.memory_space<hbm>>
      %dma_start3A_444 = tpu.memref_squeeze %dma_start3A_443 : memref<1x1x160x128xi32, #tpu.memory_space<hbm>> -> memref<160x128xi32, #tpu.memory_space<hbm>>
      %dma_start3A_445 = arith.constant 0 : i32
      %dma_start3A_446 = arith.constant 0 : i32
      %dma_start3A_447 = tpu.memref_slice %arg2[%run_scoped3A, %arg1, %dma_start3A_445, %dma_start3A_446] : memref<2x16x160x128xi32, #tpu.memory_space<hbm>> -> memref<1x1x160x128xi32, #tpu.memory_space<hbm>>
      %dma_start3A_448 = tpu.memref_squeeze %dma_start3A_447 : memref<1x1x160x128xi32, #tpu.memory_space<hbm>> -> memref<160x128xi32, #tpu.memory_space<hbm>>
      tpu.enqueue_dma source(%dma_start3A_448 : memref<160x128xi32, #tpu.memory_space<hbm>>) target(%arg7 : memref<160x128xi32, #tpu.memory_space<vmem>>) target_semaphore(%run_scoped3A_440 : memref<!tpu.dma_semaphore, #tpu.memory_space<semaphore_mem>>)
      %dma_wait3A_449 = arith.constant 0 : i32
      %dma_wait3A_450 = arith.constant 0 : i32
      %dma_wait3A_451 = tpu.memref_slice %arg2[%run_scoped3A, %arg1, %dma_wait3A_449, %dma_wait3A_450] : memref<2x16x160x128xi32, #tpu.memory_space<hbm>> -> memref<1x1x160x128xi32, #tpu.memory_space<hbm>>
      %dma_wait3A_452 = tpu.memref_squeeze %dma_wait3A_451 : memref<1x1x160x128xi32, #tpu.memory_space<hbm>> -> memref<160x128xi32, #tpu.memory_space<hbm>>
      %dma_wait3A_453 = arith.constant 0 : i32
      %dma_wait3A_454 = arith.constant 0 : i32
      %dma_wait3A_455 = tpu.memref_slice %arg2[%run_scoped3A, %arg1, %dma_wait3A_453, %dma_wait3A_454] : memref<2x16x160x128xi32, #tpu.memory_space<hbm>> -> memref<1x1x160x128xi32, #tpu.memory_space<hbm>>
      %dma_wait3A_456 = tpu.memref_squeeze %dma_wait3A_455 : memref<1x1x160x128xi32, #tpu.memory_space<hbm>> -> memref<160x128xi32, #tpu.memory_space<hbm>>
      tpu.wait_dma2 semaphore(%run_scoped3A_440 : memref<!tpu.dma_semaphore, #tpu.memory_space<semaphore_mem>>) src(%dma_wait3A_456 : memref<160x128xi32, #tpu.memory_space<hbm>>) dst(%arg7 : memref<160x128xi32, #tpu.memory_space<vmem>>)
      tpu.yield
    }) : () -> ()
    %run_scoped3A_20 = arith.constant 1 : i32
    "tpu.region"() ({
      %run_scoped3A_440 = tpu.sem_alloc : memref<!tpu.dma_semaphore, #tpu.memory_space<semaphore_mem>>
      %dma_start3A_441 = arith.constant 0 : i32
      %dma_start3A_442 = arith.constant 0 : i32
      %dma_start3A_443 = tpu.memref_slice %arg2[%run_scoped3A_20, %arg1, %dma_start3A_441, %dma_start3A_442] : memref<2x16x160x128xi32, #tpu.memory_space<hbm>> -> memref<1x1x160x128xi32, #tpu.memory_space<hbm>>
      %dma_start3A_444 = tpu.memref_squeeze %dma_start3A_443 : memref<1x1x160x128xi32, #tpu.memory_space<hbm>> -> memref<160x128xi32, #tpu.memory_space<hbm>>
      %dma_start3A_445 = arith.constant 0 : i32
      %dma_start3A_446 = arith.constant 0 : i32
      %dma_start3A_447 = tpu.memref_slice %arg2[%run_scoped3A_20, %arg1, %dma_start3A_445, %dma_start3A_446] : memref<2x16x160x128xi32, #tpu.memory_space<hbm>> -> memref<1x1x160x128xi32, #tpu.memory_space<hbm>>
      %dma_start3A_448 = tpu.memref_squeeze %dma_start3A_447 : memref<1x1x160x128xi32, #tpu.memory_space<hbm>> -> memref<160x128xi32, #tpu.memory_space<hbm>>
      tpu.enqueue_dma source(%dma_start3A_448 : memref<160x128xi32, #tpu.memory_space<hbm>>) target(%arg8 : memref<160x128xi32, #tpu.memory_space<vmem>>) target_semaphore(%run_scoped3A_440 : memref<!tpu.dma_semaphore, #tpu.memory_space<semaphore_mem>>)
      %dma_wait3A_449 = arith.constant 0 : i32
      %dma_wait3A_450 = arith.constant 0 : i32
      %dma_wait3A_451 = tpu.memref_slice %arg2[%run_scoped3A_20, %arg1, %dma_wait3A_449, %dma_wait3A_450] : memref<2x16x160x128xi32, #tpu.memory_space<hbm>> -> memref<1x1x160x128xi32, #tpu.memory_space<hbm>>
      %dma_wait3A_452 = tpu.memref_squeeze %dma_wait3A_451 : memref<1x1x160x128xi32, #tpu.memory_space<hbm>> -> memref<160x128xi32, #tpu.memory_space<hbm>>
      %dma_wait3A_453 = arith.constant 0 : i32
      %dma_wait3A_454 = arith.constant 0 : i32
      %dma_wait3A_455 = tpu.memref_slice %arg2[%run_scoped3A_20, %arg1, %dma_wait3A_453, %dma_wait3A_454] : memref<2x16x160x128xi32, #tpu.memory_space<hbm>> -> memref<1x1x160x128xi32, #tpu.memory_space<hbm>>
      %dma_wait3A_456 = tpu.memref_squeeze %dma_wait3A_455 : memref<1x1x160x128xi32, #tpu.memory_space<hbm>> -> memref<160x128xi32, #tpu.memory_space<hbm>>
      tpu.wait_dma2 semaphore(%run_scoped3A_440 : memref<!tpu.dma_semaphore, #tpu.memory_space<semaphore_mem>>) src(%dma_wait3A_456 : memref<160x128xi32, #tpu.memory_space<hbm>>) dst(%arg8 : memref<160x128xi32, #tpu.memory_space<vmem>>)
      tpu.yield
    }) : () -> ()
    %scan3A_21 = arith.constant 0 : i32
    %scan3A_22 = arith.constant 1280 : i32
    %scan3A_23 = arith.addi %scan3A_21, %scan3A_22 : i32
    %scan3A_24 = arith.constant 1 : i32
    scf.for %scan3A_440 = %scan3A_21 to %scan3A_23 step %scan3A_24  : i32 {
      %jit3A = arith.constant 8 : i32
      %div3A = arith.divsi %scan3A_440, %jit3A : i32
      %sign3A = arith.constant 0 : i32
      %sign3A_441 = arith.cmpi sgt, %scan3A_440, %sign3A : i32
      %sign3A_442 = arith.extui %sign3A_441 : i1 to i32
      %sign3A_443 = arith.constant 0 : i32
      %sign3A_444 = arith.cmpi slt, %scan3A_440, %sign3A_443 : i32
      %sign3A_445 = arith.extui %sign3A_444 : i1 to i32
      %sign3A_446 = arith.subi %sign3A_442, %sign3A_445 : i32
      %sign3A_447 = arith.constant 0 : i32
      %sign3A_448 = arith.cmpi sgt, %jit3A, %sign3A_447 : i32
      %sign3A_449 = arith.extui %sign3A_448 : i1 to i32
      %sign3A_450 = arith.constant 0 : i32
      %sign3A_451 = arith.cmpi slt, %jit3A, %sign3A_450 : i32
      %sign3A_452 = arith.extui %sign3A_451 : i1 to i32
      %sign3A_453 = arith.subi %sign3A_449, %sign3A_452 : i32
      %ne3A = arith.cmpi ne, %sign3A_446, %sign3A_453 : i32
      %rem3A = arith.remsi %scan3A_440, %jit3A : i32
      %ne3A_454 = arith.constant 0 : i32
      %ne3A_455 = arith.cmpi ne, %rem3A, %ne3A_454 : i32
      %and3A = arith.andi %ne3A, %ne3A_455 : i1
      %sub3A = arith.constant 1 : i32
      %sub3A_456 = arith.subi %div3A, %sub3A : i32
      %select_n3A = arith.select %and3A, %sub3A_456, %div3A : i32
      %jit3A_457 = arith.constant 8 : i32
      %eq3A = arith.constant 0 : i32
      %eq3A_458 = arith.cmpi eq, %jit3A_457, %eq3A : i32
      %jit3A_459 = arith.constant 1 : i32
      %select_n3A_460 = arith.select %eq3A_458, %jit3A_459, %jit3A_457 : i32
      %rem3A_461 = arith.remsi %scan3A_440, %select_n3A_460 : i32
      %ne3A_462 = arith.constant 0 : i32
      %ne3A_463 = arith.cmpi ne, %rem3A_461, %ne3A_462 : i32
      %lt3A = arith.constant 0 : i32
      %lt3A_464 = arith.cmpi slt, %rem3A_461, %lt3A : i32
      %lt3A_465 = arith.constant 0 : i32
      %lt3A_466 = arith.cmpi slt, %select_n3A_460, %lt3A_465 : i32
      %ne3A_467 = arith.xori %lt3A_464, %lt3A_466 : i1
      %and3A_468 = arith.andi %ne3A_467, %ne3A_463 : i1
      %add3A = arith.addi %rem3A_461, %select_n3A_460 : i32
      %select_n3A_469 = arith.select %and3A_468, %add3A, %rem3A_461 : i32
      %mul3A_470 = arith.constant 16 : i32
      %mul3A_471 = arith.muli %select_n3A_469, %mul3A_470 : i32
      %get3A = arith.index_cast %select_n3A : i32 to index
      %get3A_472 = arith.index_cast %mul3A_471 : i32 to index
      %get3A_473 = tpu.vector_load %arg7[%get3A, %get3A_472] {strides = array<i32>} : memref<160x128xi32, #tpu.memory_space<vmem>>, vector<16xi32>,
      %get3A_474 = arith.index_cast %select_n3A : i32 to index
      %get3A_475 = arith.index_cast %mul3A_471 : i32 to index
      %get3A_476 = tpu.vector_load %arg8[%get3A_474, %get3A_475] {strides = array<i32>} : memref<160x128xi32, #tpu.memory_space<vmem>>, vector<16xi32>,
      %eq3A_477 = arith.cmpi eq, %get3A_473, %get3A_476 : vector<16xi32>
      %jit3A_478 = arith.constant 10240 : i32
      %broadcast_in_dim3A = vector.broadcast %jit3A_478 : i32 to vector<16xi32>
      %select_n3A_479 = arith.select %eq3A_477, %broadcast_in_dim3A, %get3A_473 : vector<16xi1>, vector<16xi32>
      %swap3A = arith.index_cast %select_n3A : i32 to index
      %swap3A_480 = arith.index_cast %mul3A_471 : i32 to index
      %swap3A_481 = tpu.vector_load %arg7[%swap3A, %swap3A_480] {strides = array<i32>} : memref<160x128xi32, #tpu.memory_space<vmem>>, vector<16xi32>,
      tpu.vector_store %arg7[%swap3A, %swap3A_480], %select_n3A_479 {strides = array<i32>} : memref<160x128xi32, #tpu.memory_space<vmem>>, vector<16xi32>,
      %jit3A_482 = arith.constant 10240 : i32
      %broadcast_in_dim3A_483 = vector.broadcast %jit3A_482 : i32 to vector<16xi32>
      %select_n3A_484 = arith.select %eq3A_477, %broadcast_in_dim3A_483, %get3A_476 : vector<16xi1>, vector<16xi32>
      %swap3A_485 = arith.index_cast %select_n3A : i32 to index
      %swap3A_486 = arith.index_cast %mul3A_471 : i32 to index
      %swap3A_487 = tpu.vector_load %arg8[%swap3A_485, %swap3A_486] {strides = array<i32>} : memref<160x128xi32, #tpu.memory_space<vmem>>, vector<16xi32>,
      tpu.vector_store %arg8[%swap3A_485, %swap3A_486], %select_n3A_484 {strides = array<i32>} : memref<160x128xi32, #tpu.memory_space<vmem>>, vector<16xi32>,
    }
    %scan3A_25 = arith.constant 1280 : i32
    %barrier3A = arith.constant 0 : index
    tpu.barrier barrier_id(%barrier3A)
    %scan3A_26 = arith.constant 0 : i32
    %scan3A_27 = arith.constant 20 : i32
    %scan3A_28 = arith.addi %scan3A_26, %scan3A_27 : i32
    %scan3A_29 = arith.constant 1 : i32
    scf.for %scan3A_440 = %scan3A_26 to %scan3A_28 step %scan3A_29  : i32 {
      %mul3A_441 = arith.constant 8 : i32
      %mul3A_442 = arith.muli %mul3A_441, %scan3A_440 : i32
      %add3A = arith.constant 0 : i32
      %add3A_443 = arith.addi %mul3A_442, %add3A : i32
      %dma_start3A_444 = arith.constant 0 : i32
      %dma_start3A_445 = tpu.memref_slice %arg7[%add3A_443, %dma_start3A_444] : memref<160x128xi32, #tpu.memory_space<vmem>> -> memref<1x128xi32, #tpu.memory_space<vmem>>
      %dma_start3A_446 = tpu.memref_squeeze %dma_start3A_445 : memref<1x128xi32, #tpu.memory_space<vmem>> -> memref<128xi32, #tpu.memory_space<vmem>>
      %dma_start3A_447 = arith.constant 0 : i32
      %dma_start3A_448 = tpu.memref_slice %arg23[%dma_start3A_447] : memref<10256xf32, #tpu.memory_space<vmem_shared>> -> memref<10256xf32, #tpu.memory_space<vmem_shared>>
      tpu.enqueue_indirect_dma source(%arg18 : memref<128xf32, #tpu.memory_space<vmem>>) target(%dma_start3A_448 : memref<10256xf32, #tpu.memory_space<vmem_shared>>) offsets(%dma_start3A_446 : memref<128xi32, #tpu.memory_space<vmem>>) semaphore(%arg24 : memref<!tpu.dma_semaphore, #tpu.memory_space<semaphore_mem>>) {add = true}
      %mul3A_449 = arith.constant 8 : i32
      %mul3A_450 = arith.muli %mul3A_449, %scan3A_440 : i32
      %add3A_451 = arith.constant 1 : i32
      %add3A_452 = arith.addi %mul3A_450, %add3A_451 : i32
      %dma_start3A_453 = arith.constant 0 : i32
      %dma_start3A_454 = tpu.memref_slice %arg7[%add3A_452, %dma_start3A_453] : memref<160x128xi32, #tpu.memory_space<vmem>> -> memref<1x128xi32, #tpu.memory_space<vmem>>
      %dma_start3A_455 = tpu.memref_squeeze %dma_start3A_454 : memref<1x128xi32, #tpu.memory_space<vmem>> -> memref<128xi32, #tpu.memory_space<vmem>>
      %dma_start3A_456 = arith.constant 0 : i32
      %dma_start3A_457 = tpu.memref_slice %arg23[%dma_start3A_456] : memref<10256xf32, #tpu.memory_space<vmem_shared>> -> memref<10256xf32, #tpu.memory_space<vmem_shared>>
      tpu.enqueue_indirect_dma source(%arg18 : memref<128xf32, #tpu.memory_space<vmem>>) target(%dma_start3A_457 : memref<10256xf32, #tpu.memory_space<vmem_shared>>) offsets(%dma_start3A_455 : memref<128xi32, #tpu.memory_space<vmem>>) semaphore(%arg25 : memref<!tpu.dma_semaphore, #tpu.memory_space<semaphore_mem>>) {add = true}
      %mul3A_458 = arith.constant 8 : i32
      %mul3A_459 = arith.muli %mul3A_458, %scan3A_440 : i32
      %add3A_460 = arith.constant 2 : i32
      %add3A_461 = arith.addi %mul3A_459, %add3A_460 : i32
      %dma_start3A_462 = arith.constant 0 : i32
      %dma_start3A_463 = tpu.memref_slice %arg7[%add3A_461, %dma_start3A_462] : memref<160x128xi32, #tpu.memory_space<vmem>> -> memref<1x128xi32, #tpu.memory_space<vmem>>
      %dma_start3A_464 = tpu.memref_squeeze %dma_start3A_463 : memref<1x128xi32, #tpu.memory_space<vmem>> -> memref<128xi32, #tpu.memory_space<vmem>>
      %dma_start3A_465 = arith.constant 0 : i32
      %dma_start3A_466 = tpu.memref_slice %arg23[%dma_start3A_465] : memref<10256xf32, #tpu.memory_space<vmem_shared>> -> memref<10256xf32, #tpu.memory_space<vmem_shared>>
      tpu.enqueue_indirect_dma source(%arg18 : memref<128xf32, #tpu.memory_space<vmem>>) target(%dma_start3A_466 : memref<10256xf32, #tpu.memory_space<vmem_shared>>) offsets(%dma_start3A_464 : memref<128xi32, #tpu.memory_space<vmem>>) semaphore(%arg26 : memref<!tpu.dma_semaphore, #tpu.memory_space<semaphore_mem>>) {add = true}
      %mul3A_467 = arith.constant 8 : i32
      %mul3A_468 = arith.muli %mul3A_467, %scan3A_440 : i32
      %add3A_469 = arith.constant 3 : i32
      %add3A_470 = arith.addi %mul3A_468, %add3A_469 : i32
      %dma_start3A_471 = arith.constant 0 : i32
      %dma_start3A_472 = tpu.memref_slice %arg7[%add3A_470, %dma_start3A_471] : memref<160x128xi32, #tpu.memory_space<vmem>> -> memref<1x128xi32, #tpu.memory_space<vmem>>
      %dma_start3A_473 = tpu.memref_squeeze %dma_start3A_472 : memref<1x128xi32, #tpu.memory_space<vmem>> -> memref<128xi32, #tpu.memory_space<vmem>>
      %dma_start3A_474 = arith.constant 0 : i32
      %dma_start3A_475 = tpu.memref_slice %arg23[%dma_start3A_474] : memref<10256xf32, #tpu.memory_space<vmem_shared>> -> memref<10256xf32, #tpu.memory_space<vmem_shared>>
      tpu.enqueue_indirect_dma source(%arg18 : memref<128xf32, #tpu.memory_space<vmem>>) target(%dma_start3A_475 : memref<10256xf32, #tpu.memory_space<vmem_shared>>) offsets(%dma_start3A_473 : memref<128xi32, #tpu.memory_space<vmem>>) semaphore(%arg27 : memref<!tpu.dma_semaphore, #tpu.memory_space<semaphore_mem>>) {add = true}
      %mul3A_476 = arith.constant 8 : i32
      %mul3A_477 = arith.muli %mul3A_476, %scan3A_440 : i32
      %add3A_478 = arith.constant 4 : i32
      %add3A_479 = arith.addi %mul3A_477, %add3A_478 : i32
      %dma_start3A_480 = arith.constant 0 : i32
      %dma_start3A_481 = tpu.memref_slice %arg7[%add3A_479, %dma_start3A_480] : memref<160x128xi32, #tpu.memory_space<vmem>> -> memref<1x128xi32, #tpu.memory_space<vmem>>
      %dma_start3A_482 = tpu.memref_squeeze %dma_start3A_481 : memref<1x128xi32, #tpu.memory_space<vmem>> -> memref<128xi32, #tpu.memory_space<vmem>>
      %dma_start3A_483 = arith.constant 0 : i32
      %dma_start3A_484 = tpu.memref_slice %arg23[%dma_start3A_483] : memref<10256xf32, #tpu.memory_space<vmem_shared>> -> memref<10256xf32, #tpu.memory_space<vmem_shared>>
      tpu.enqueue_indirect_dma source(%arg18 : memref<128xf32, #tpu.memory_space<vmem>>) target(%dma_start3A_484 : memref<10256xf32, #tpu.memory_space<vmem_shared>>) offsets(%dma_start3A_482 : memref<128xi32, #tpu.memory_space<vmem>>) semaphore(%arg28 : memref<!tpu.dma_semaphore, #tpu.memory_space<semaphore_mem>>) {add = true}
      %mul3A_485 = arith.constant 8 : i32
      %mul3A_486 = arith.muli %mul3A_485, %scan3A_440 : i32
      %add3A_487 = arith.constant 5 : i32
      %add3A_488 = arith.addi %mul3A_486, %add3A_487 : i32
      %dma_start3A_489 = arith.constant 0 : i32
      %dma_start3A_490 = tpu.memref_slice %arg7[%add3A_488, %dma_start3A_489] : memref<160x128xi32, #tpu.memory_space<vmem>> -> memref<1x128xi32, #tpu.memory_space<vmem>>
      %dma_start3A_491 = tpu.memref_squeeze %dma_start3A_490 : memref<1x128xi32, #tpu.memory_space<vmem>> -> memref<128xi32, #tpu.memory_space<vmem>>
      %dma_start3A_492 = arith.constant 0 : i32
      %dma_start3A_493 = tpu.memref_slice %arg23[%dma_start3A_492] : memref<10256xf32, #tpu.memory_space<vmem_shared>> -> memref<10256xf32, #tpu.memory_space<vmem_shared>>
      tpu.enqueue_indirect_dma source(%arg18 : memref<128xf32, #tpu.memory_space<vmem>>) target(%dma_start3A_493 : memref<10256xf32, #tpu.memory_space<vmem_shared>>) offsets(%dma_start3A_491 : memref<128xi32, #tpu.memory_space<vmem>>) semaphore(%arg29 : memref<!tpu.dma_semaphore, #tpu.memory_space<semaphore_mem>>) {add = true}
      %mul3A_494 = arith.constant 8 : i32
      %mul3A_495 = arith.muli %mul3A_494, %scan3A_440 : i32
      %add3A_496 = arith.constant 6 : i32
      %add3A_497 = arith.addi %mul3A_495, %add3A_496 : i32
      %dma_start3A_498 = arith.constant 0 : i32
      %dma_start3A_499 = tpu.memref_slice %arg7[%add3A_497, %dma_start3A_498] : memref<160x128xi32, #tpu.memory_space<vmem>> -> memref<1x128xi32, #tpu.memory_space<vmem>>
      %dma_start3A_500 = tpu.memref_squeeze %dma_start3A_499 : memref<1x128xi32, #tpu.memory_space<vmem>> -> memref<128xi32, #tpu.memory_space<vmem>>
      %dma_start3A_501 = arith.constant 0 : i32
      %dma_start3A_502 = tpu.memref_slice %arg23[%dma_start3A_501] : memref<10256xf32, #tpu.memory_space<vmem_shared>> -> memref<10256xf32, #tpu.memory_space<vmem_shared>>
      tpu.enqueue_indirect_dma source(%arg18 : memref<128xf32, #tpu.memory_space<vmem>>) target(%dma_start3A_502 : memref<10256xf32, #tpu.memory_space<vmem_shared>>) offsets(%dma_start3A_500 : memref<128xi32, #tpu.memory_space<vmem>>) semaphore(%arg30 : memref<!tpu.dma_semaphore, #tpu.memory_space<semaphore_mem>>) {add = true}
      %mul3A_503 = arith.constant 8 : i32
      %mul3A_504 = arith.muli %mul3A_503, %scan3A_440 : i32
      %add3A_505 = arith.constant 7 : i32
      %add3A_506 = arith.addi %mul3A_504, %add3A_505 : i32
      %dma_start3A_507 = arith.constant 0 : i32
      %dma_start3A_508 = tpu.memref_slice %arg7[%add3A_506, %dma_start3A_507] : memref<160x128xi32, #tpu.memory_space<vmem>> -> memref<1x128xi32, #tpu.memory_space<vmem>>
      %dma_start3A_509 = tpu.memref_squeeze %dma_start3A_508 : memref<1x128xi32, #tpu.memory_space<vmem>> -> memref<128xi32, #tpu.memory_space<vmem>>
      %dma_start3A_510 = arith.constant 0 : i32
      %dma_start3A_511 = tpu.memref_slice %arg23[%dma_start3A_510] : memref<10256xf32, #tpu.memory_space<vmem_shared>> -> memref<10256xf32, #tpu.memory_space<vmem_shared>>
      tpu.enqueue_indirect_dma source(%arg18 : memref<128xf32, #tpu.memory_space<vmem>>) target(%dma_start3A_511 : memref<10256xf32, #tpu.memory_space<vmem_shared>>) offsets(%dma_start3A_509 : memref<128xi32, #tpu.memory_space<vmem>>) semaphore(%arg31 : memref<!tpu.dma_semaphore, #tpu.memory_space<semaphore_mem>>) {add = true}
      %dma_wait3A_512 = arith.constant 0 : i32
      %dma_wait3A_513 = arith.constant 0 : i32
      %dma_wait3A_514 = tpu.memref_slice %arg7[%dma_wait3A_512, %dma_wait3A_513] : memref<160x128xi32, #tpu.memory_space<vmem>> -> memref<1x128xi32, #tpu.memory_space<vmem>>
      %dma_wait3A_515 = tpu.memref_squeeze %dma_wait3A_514 : memref<1x128xi32, #tpu.memory_space<vmem>> -> memref<128xi32, #tpu.memory_space<vmem>>
      %dma_wait3A_516 = arith.constant 0 : i32
      %dma_wait3A_517 = tpu.memref_slice %arg23[%dma_wait3A_516] : memref<10256xf32, #tpu.memory_space<vmem_shared>> -> memref<10256xf32, #tpu.memory_space<vmem_shared>>
      tpu.wait_indirect_dma semaphore(%arg24 : memref<!tpu.dma_semaphore, #tpu.memory_space<semaphore_mem>>) src(%arg18 : memref<128xf32, #tpu.memory_space<vmem>>) dst(%dma_wait3A_517 : memref<10256xf32, #tpu.memory_space<vmem_shared>>)
      %dma_wait3A_518 = arith.constant 0 : i32
      %dma_wait3A_519 = arith.constant 0 : i32
      %dma_wait3A_520 = tpu.memref_slice %arg7[%dma_wait3A_518, %dma_wait3A_519] : memref<160x128xi32, #tpu.memory_space<vmem>> -> memref<1x128xi32, #tpu.memory_space<vmem>>
      %dma_wait3A_521 = tpu.memref_squeeze %dma_wait3A_520 : memref<1x128xi32, #tpu.memory_space<vmem>> -> memref<128xi32, #tpu.memory_space<vmem>>
      %dma_wait3A_522 = arith.constant 0 : i32
      %dma_wait3A_523 = tpu.memref_slice %arg23[%dma_wait3A_522] : memref<10256xf32, #tpu.memory_space<vmem_shared>> -> memref<10256xf32, #tpu.memory_space<vmem_shared>>
      tpu.wait_indirect_dma semaphore(%arg25 : memref<!tpu.dma_semaphore, #tpu.memory_space<semaphore_mem>>) src(%arg18 : memref<128xf32, #tpu.memory_space<vmem>>) dst(%dma_wait3A_523 : memref<10256xf32, #tpu.memory_space<vmem_shared>>)
      %dma_wait3A_524 = arith.constant 0 : i32
      %dma_wait3A_525 = arith.constant 0 : i32
      %dma_wait3A_526 = tpu.memref_slice %arg7[%dma_wait3A_524, %dma_wait3A_525] : memref<160x128xi32, #tpu.memory_space<vmem>> -> memref<1x128xi32, #tpu.memory_space<vmem>>
      %dma_wait3A_527 = tpu.memref_squeeze %dma_wait3A_526 : memref<1x128xi32, #tpu.memory_space<vmem>> -> memref<128xi32, #tpu.memory_space<vmem>>
      %dma_wait3A_528 = arith.constant 0 : i32
      %dma_wait3A_529 = tpu.memref_slice %arg23[%dma_wait3A_528] : memref<10256xf32, #tpu.memory_space<vmem_shared>> -> memref<10256xf32, #tpu.memory_space<vmem_shared>>
      tpu.wait_indirect_dma semaphore(%arg26 : memref<!tpu.dma_semaphore, #tpu.memory_space<semaphore_mem>>) src(%arg18 : memref<128xf32, #tpu.memory_space<vmem>>) dst(%dma_wait3A_529 : memref<10256xf32, #tpu.memory_space<vmem_shared>>)
      %dma_wait3A_530 = arith.constant 0 : i32
      %dma_wait3A_531 = arith.constant 0 : i32
      %dma_wait3A_532 = tpu.memref_slice %arg7[%dma_wait3A_530, %dma_wait3A_531] : memref<160x128xi32, #tpu.memory_space<vmem>> -> memref<1x128xi32, #tpu.memory_space<vmem>>
      %dma_wait3A_533 = tpu.memref_squeeze %dma_wait3A_532 : memref<1x128xi32, #tpu.memory_space<vmem>> -> memref<128xi32, #tpu.memory_space<vmem>>
      %dma_wait3A_534 = arith.constant 0 : i32
      %dma_wait3A_535 = tpu.memref_slice %arg23[%dma_wait3A_534] : memref<10256xf32, #tpu.memory_space<vmem_shared>> -> memref<10256xf32, #tpu.memory_space<vmem_shared>>
      tpu.wait_indirect_dma semaphore(%arg27 : memref<!tpu.dma_semaphore, #tpu.memory_space<semaphore_mem>>) src(%arg18 : memref<128xf32, #tpu.memory_space<vmem>>) dst(%dma_wait3A_535 : memref<10256xf32, #tpu.memory_space<vmem_shared>>)
      %dma_wait3A_536 = arith.constant 0 : i32
      %dma_wait3A_537 = arith.constant 0 : i32
      %dma_wait3A_538 = tpu.memref_slice %arg7[%dma_wait3A_536, %dma_wait3A_537] : memref<160x128xi32, #tpu.memory_space<vmem>> -> memref<1x128xi32, #tpu.memory_space<vmem>>
      %dma_wait3A_539 = tpu.memref_squeeze %dma_wait3A_538 : memref<1x128xi32, #tpu.memory_space<vmem>> -> memref<128xi32, #tpu.memory_space<vmem>>
      %dma_wait3A_540 = arith.constant 0 : i32
      %dma_wait3A_541 = tpu.memref_slice %arg23[%dma_wait3A_540] : memref<10256xf32, #tpu.memory_space<vmem_shared>> -> memref<10256xf32, #tpu.memory_space<vmem_shared>>
      tpu.wait_indirect_dma semaphore(%arg28 : memref<!tpu.dma_semaphore, #tpu.memory_space<semaphore_mem>>) src(%arg18 : memref<128xf32, #tpu.memory_space<vmem>>) dst(%dma_wait3A_541 : memref<10256xf32, #tpu.memory_space<vmem_shared>>)
      %dma_wait3A_542 = arith.constant 0 : i32
      %dma_wait3A_543 = arith.constant 0 : i32
      %dma_wait3A_544 = tpu.memref_slice %arg7[%dma_wait3A_542, %dma_wait3A_543] : memref<160x128xi32, #tpu.memory_space<vmem>> -> memref<1x128xi32, #tpu.memory_space<vmem>>
      %dma_wait3A_545 = tpu.memref_squeeze %dma_wait3A_544 : memref<1x128xi32, #tpu.memory_space<vmem>> -> memref<128xi32, #tpu.memory_space<vmem>>
      %dma_wait3A_546 = arith.constant 0 : i32
      %dma_wait3A_547 = tpu.memref_slice %arg23[%dma_wait3A_546] : memref<10256xf32, #tpu.memory_space<vmem_shared>> -> memref<10256xf32, #tpu.memory_space<vmem_shared>>
      tpu.wait_indirect_dma semaphore(%arg29 : memref<!tpu.dma_semaphore, #tpu.memory_space<semaphore_mem>>) src(%arg18 : memref<128xf32, #tpu.memory_space<vmem>>) dst(%dma_wait3A_547 : memref<10256xf32, #tpu.memory_space<vmem_shared>>)
      %dma_wait3A_548 = arith.constant 0 : i32
      %dma_wait3A_549 = arith.constant 0 : i32
      %dma_wait3A_550 = tpu.memref_slice %arg7[%dma_wait3A_548, %dma_wait3A_549] : memref<160x128xi32, #tpu.memory_space<vmem>> -> memref<1x128xi32, #tpu.memory_space<vmem>>
      %dma_wait3A_551 = tpu.memref_squeeze %dma_wait3A_550 : memref<1x128xi32, #tpu.memory_space<vmem>> -> memref<128xi32, #tpu.memory_space<vmem>>
      %dma_wait3A_552 = arith.constant 0 : i32
      %dma_wait3A_553 = tpu.memref_slice %arg23[%dma_wait3A_552] : memref<10256xf32, #tpu.memory_space<vmem_shared>> -> memref<10256xf32, #tpu.memory_space<vmem_shared>>
      tpu.wait_indirect_dma semaphore(%arg30 : memref<!tpu.dma_semaphore, #tpu.memory_space<semaphore_mem>>) src(%arg18 : memref<128xf32, #tpu.memory_space<vmem>>) dst(%dma_wait3A_553 : memref<10256xf32, #tpu.memory_space<vmem_shared>>)
      %dma_wait3A_554 = arith.constant 0 : i32
      %dma_wait3A_555 = arith.constant 0 : i32
      %dma_wait3A_556 = tpu.memref_slice %arg7[%dma_wait3A_554, %dma_wait3A_555] : memref<160x128xi32, #tpu.memory_space<vmem>> -> memref<1x128xi32, #tpu.memory_space<vmem>>
      %dma_wait3A_557 = tpu.memref_squeeze %dma_wait3A_556 : memref<1x128xi32, #tpu.memory_space<vmem>> -> memref<128xi32, #tpu.memory_space<vmem>>
      %dma_wait3A_558 = arith.constant 0 : i32
      %dma_wait3A_559 = tpu.memref_slice %arg23[%dma_wait3A_558] : memref<10256xf32, #tpu.memory_space<vmem_shared>> -> memref<10256xf32, #tpu.memory_space<vmem_shared>>
      tpu.wait_indirect_dma semaphore(%arg31 : memref<!tpu.dma_semaphore, #tpu.memory_space<semaphore_mem>>) src(%arg18 : memref<128xf32, #tpu.memory_space<vmem>>) dst(%dma_wait3A_559 : memref<10256xf32, #tpu.memory_space<vmem_shared>>)
    }
    %scan3A_30 = arith.constant 20 : i32
    %barrier3A_31 = arith.constant 0 : index
    tpu.barrier barrier_id(%barrier3A_31)
    "tpu.region"() ({
      %run_scoped3A_440 = tpu.sem_alloc : memref<!tpu.dma_semaphore, #tpu.memory_space<semaphore_mem>>
      %dma_start3A_441 = tpu.memref_slice %arg23[%mul3A_0] : memref<10256xf32, #tpu.memory_space<vmem_shared>> -> memref<640xf32, #tpu.memory_space<vmem_shared>>
      %dma_start3A_442 = tpu.memref_slice %arg23[%mul3A_0] : memref<10256xf32, #tpu.memory_space<vmem_shared>> -> memref<640xf32, #tpu.memory_space<vmem_shared>>
      tpu.enqueue_dma source(%dma_start3A_442 : memref<640xf32, #tpu.memory_space<vmem_shared>>) target(%arg19 : memref<640xf32, #tpu.memory_space<vmem>>) target_semaphore(%run_scoped3A_440 : memref<!tpu.dma_semaphore, #tpu.memory_space<semaphore_mem>>)
      %dma_wait3A_443 = tpu.memref_slice %arg23[%mul3A_0] : memref<10256xf32, #tpu.memory_space<vmem_shared>> -> memref<640xf32, #tpu.memory_space<vmem_shared>>
      %dma_wait3A_444 = tpu.memref_slice %arg23[%mul3A_0] : memref<10256xf32, #tpu.memory_space<vmem_shared>> -> memref<640xf32, #tpu.memory_space<vmem_shared>>
      tpu.wait_dma2 semaphore(%run_scoped3A_440 : memref<!tpu.dma_semaphore, #tpu.memory_space<semaphore_mem>>) src(%dma_wait3A_444 : memref<640xf32, #tpu.memory_space<vmem_shared>>) dst(%arg19 : memref<640xf32, #tpu.memory_space<vmem>>)
      tpu.yield
    }) : () -> ()
    %scan3A_32 = arith.constant 0 : i32
    %scan3A_33 = arith.constant 40 : i32
    %scan3A_34 = arith.addi %scan3A_32, %scan3A_33 : i32
    %scan3A_35 = arith.constant 1 : i32
    scf.for %scan3A_440 = %scan3A_32 to %scan3A_34 step %scan3A_35  : i32 {
      %mul3A_441 = arith.constant 16 : i32
      %mul3A_442 = arith.muli %scan3A_440, %mul3A_441 : i32
      %get3A = arith.index_cast %mul3A_442 : i32 to index
      %get3A_443 = tpu.vector_load %arg19[%get3A] {strides = array<i32>} : memref<640xf32, #tpu.memory_space<vmem>>, vector<16xf32>,
      %broadcast_in_dim3A = arith.constant 0.699999988 : f32
      %broadcast_in_dim3A_444 = vector.broadcast %broadcast_in_dim3A : f32 to vector<16xf32>
      %ge3A = arith.constant 4.000000e+00 : f32
      %ge3A_445 = vector.broadcast %ge3A : f32 to vector<16xf32>
      %ge3A_446 = arith.cmpf oge, %get3A_443, %ge3A_445 : vector<16xf32>
      %jit3A = arith.constant 5.000000e-01 : f32
      %jit3A_447 = arith.constant 1.000000e+00 : f32
      %broadcast_in_dim3A_448 = vector.broadcast %jit3A : f32 to vector<16xf32>
      %broadcast_in_dim3A_449 = vector.broadcast %jit3A_447 : f32 to vector<16xf32>
      %select_n3A = arith.select %ge3A_446, %broadcast_in_dim3A_448, %broadcast_in_dim3A_449 : vector<16xi1>, vector<16xf32>
      %mul3A_450 = arith.mulf %broadcast_in_dim3A_444, %select_n3A : vector<16xf32>
      %ge3A_451 = arith.constant 1.600000e+01 : f32
      %ge3A_452 = vector.broadcast %ge3A_451 : f32 to vector<16xf32>
      %ge3A_453 = arith.cmpf oge, %get3A_443, %ge3A_452 : vector<16xf32>
      %jit3A_454 = arith.constant 5.000000e-01 : f32
      %jit3A_455 = arith.constant 1.000000e+00 : f32
      %broadcast_in_dim3A_456 = vector.broadcast %jit3A_454 : f32 to vector<16xf32>
      %broadcast_in_dim3A_457 = vector.broadcast %jit3A_455 : f32 to vector<16xf32>
      %select_n3A_458 = arith.select %ge3A_453, %broadcast_in_dim3A_456, %broadcast_in_dim3A_457 : vector<16xi1>, vector<16xf32>
      %mul3A_459 = arith.mulf %mul3A_450, %select_n3A_458 : vector<16xf32>
      %ge3A_460 = arith.constant 6.400000e+01 : f32
      %ge3A_461 = vector.broadcast %ge3A_460 : f32 to vector<16xf32>
      %ge3A_462 = arith.cmpf oge, %get3A_443, %ge3A_461 : vector<16xf32>
      %jit3A_463 = arith.constant 5.000000e-01 : f32
      %jit3A_464 = arith.constant 1.000000e+00 : f32
      %broadcast_in_dim3A_465 = vector.broadcast %jit3A_463 : f32 to vector<16xf32>
      %broadcast_in_dim3A_466 = vector.broadcast %jit3A_464 : f32 to vector<16xf32>
      %select_n3A_467 = arith.select %ge3A_462, %broadcast_in_dim3A_465, %broadcast_in_dim3A_466 : vector<16xi1>, vector<16xf32>
      %mul3A_468 = arith.mulf %mul3A_459, %select_n3A_467 : vector<16xf32>
      %ge3A_469 = arith.constant 2.560000e+02 : f32
      %ge3A_470 = vector.broadcast %ge3A_469 : f32 to vector<16xf32>
      %ge3A_471 = arith.cmpf oge, %get3A_443, %ge3A_470 : vector<16xf32>
      %jit3A_472 = arith.constant 5.000000e-01 : f32
      %jit3A_473 = arith.constant 1.000000e+00 : f32
      %broadcast_in_dim3A_474 = vector.broadcast %jit3A_472 : f32 to vector<16xf32>
      %broadcast_in_dim3A_475 = vector.broadcast %jit3A_473 : f32 to vector<16xf32>
      %select_n3A_476 = arith.select %ge3A_471, %broadcast_in_dim3A_474, %broadcast_in_dim3A_475 : vector<16xi1>, vector<16xf32>
      %mul3A_477 = arith.mulf %mul3A_468, %select_n3A_476 : vector<16xf32>
      %ge3A_478 = arith.constant 1.024000e+03 : f32
      %ge3A_479 = vector.broadcast %ge3A_478 : f32 to vector<16xf32>
      %ge3A_480 = arith.cmpf oge, %get3A_443, %ge3A_479 : vector<16xf32>
      %jit3A_481 = arith.constant 5.000000e-01 : f32
      %jit3A_482 = arith.constant 1.000000e+00 : f32
      %broadcast_in_dim3A_483 = vector.broadcast %jit3A_481 : f32 to vector<16xf32>
      %broadcast_in_dim3A_484 = vector.broadcast %jit3A_482 : f32 to vector<16xf32>
      %select_n3A_485 = arith.select %ge3A_480, %broadcast_in_dim3A_483, %broadcast_in_dim3A_484 : vector<16xi1>, vector<16xf32>
      %mul3A_486 = arith.mulf %mul3A_477, %select_n3A_485 : vector<16xf32>
      %ge3A_487 = arith.constant 4.096000e+03 : f32
      %ge3A_488 = vector.broadcast %ge3A_487 : f32 to vector<16xf32>
      %ge3A_489 = arith.cmpf oge, %get3A_443, %ge3A_488 : vector<16xf32>
      %jit3A_490 = arith.constant 5.000000e-01 : f32
      %jit3A_491 = arith.constant 1.000000e+00 : f32
      %broadcast_in_dim3A_492 = vector.broadcast %jit3A_490 : f32 to vector<16xf32>
      %broadcast_in_dim3A_493 = vector.broadcast %jit3A_491 : f32 to vector<16xf32>
      %select_n3A_494 = arith.select %ge3A_489, %broadcast_in_dim3A_492, %broadcast_in_dim3A_493 : vector<16xi1>, vector<16xf32>
      %mul3A_495 = arith.mulf %mul3A_486, %select_n3A_494 : vector<16xf32>
      %ge3A_496 = arith.constant 1.638400e+04 : f32
      %ge3A_497 = vector.broadcast %ge3A_496 : f32 to vector<16xf32>
      %ge3A_498 = arith.cmpf oge, %get3A_443, %ge3A_497 : vector<16xf32>
      %jit3A_499 = arith.constant 5.000000e-01 : f32
      %jit3A_500 = arith.constant 1.000000e+00 : f32
      %broadcast_in_dim3A_501 = vector.broadcast %jit3A_499 : f32 to vector<16xf32>
      %broadcast_in_dim3A_502 = vector.broadcast %jit3A_500 : f32 to vector<16xf32>
      %select_n3A_503 = arith.select %ge3A_498, %broadcast_in_dim3A_501, %broadcast_in_dim3A_502 : vector<16xi1>, vector<16xf32>
      %mul3A_504 = arith.mulf %mul3A_495, %select_n3A_503 : vector<16xf32>
      %ge3A_505 = arith.constant 6.553600e+04 : f32
      %ge3A_506 = vector.broadcast %ge3A_505 : f32 to vector<16xf32>
      %ge3A_507 = arith.cmpf oge, %get3A_443, %ge3A_506 : vector<16xf32>
      %jit3A_508 = arith.constant 5.000000e-01 : f32
      %jit3A_509 = arith.constant 1.000000e+00 : f32
      %broadcast_in_dim3A_510 = vector.broadcast %jit3A_508 : f32 to vector<16xf32>
      %broadcast_in_dim3A_511 = vector.broadcast %jit3A_509 : f32 to vector<16xf32>
      %select_n3A_512 = arith.select %ge3A_507, %broadcast_in_dim3A_510, %broadcast_in_dim3A_511 : vector<16xi1>, vector<16xf32>
      %mul3A_513 = arith.mulf %mul3A_504, %select_n3A_512 : vector<16xf32>
      %ge3A_514 = arith.constant 2.621440e+05 : f32
      %ge3A_515 = vector.broadcast %ge3A_514 : f32 to vector<16xf32>
      %ge3A_516 = arith.cmpf oge, %get3A_443, %ge3A_515 : vector<16xf32>
      %jit3A_517 = arith.constant 5.000000e-01 : f32
      %jit3A_518 = arith.constant 1.000000e+00 : f32
      %broadcast_in_dim3A_519 = vector.broadcast %jit3A_517 : f32 to vector<16xf32>
      %broadcast_in_dim3A_520 = vector.broadcast %jit3A_518 : f32 to vector<16xf32>
      %select_n3A_521 = arith.select %ge3A_516, %broadcast_in_dim3A_519, %broadcast_in_dim3A_520 : vector<16xi1>, vector<16xf32>
      %mul3A_522 = arith.mulf %mul3A_513, %select_n3A_521 : vector<16xf32>
      %mul3A_523 = arith.constant 5.000000e-01 : f32
      %mul3A_524 = vector.broadcast %mul3A_523 : f32 to vector<16xf32>
      %mul3A_525 = arith.mulf %mul3A_524, %get3A_443 : vector<16xf32>
      %mul3A_526 = arith.mulf %mul3A_525, %mul3A_522 : vector<16xf32>
      %mul3A_527 = arith.mulf %mul3A_526, %mul3A_522 : vector<16xf32>
      %sub3A = arith.constant 1.500000e+00 : f32
      %sub3A_528 = vector.broadcast %sub3A : f32 to vector<16xf32>
      %sub3A_529 = arith.subf %sub3A_528, %mul3A_527 : vector<16xf32>
      %mul3A_530 = arith.mulf %mul3A_522, %sub3A_529 : vector<16xf32>
      %mul3A_531 = arith.constant 5.000000e-01 : f32
      %mul3A_532 = vector.broadcast %mul3A_531 : f32 to vector<16xf32>
      %mul3A_533 = arith.mulf %mul3A_532, %get3A_443 : vector<16xf32>
      %mul3A_534 = arith.mulf %mul3A_533, %mul3A_530 : vector<16xf32>
      %mul3A_535 = arith.mulf %mul3A_534, %mul3A_530 : vector<16xf32>
      %sub3A_536 = arith.constant 1.500000e+00 : f32
      %sub3A_537 = vector.broadcast %sub3A_536 : f32 to vector<16xf32>
      %sub3A_538 = arith.subf %sub3A_537, %mul3A_535 : vector<16xf32>
      %mul3A_539 = arith.mulf %mul3A_530, %sub3A_538 : vector<16xf32>
      %mul3A_540 = arith.constant 5.000000e-01 : f32
      %mul3A_541 = vector.broadcast %mul3A_540 : f32 to vector<16xf32>
      %mul3A_542 = arith.mulf %mul3A_541, %get3A_443 : vector<16xf32>
      %mul3A_543 = arith.mulf %mul3A_542, %mul3A_539 : vector<16xf32>
      %mul3A_544 = arith.mulf %mul3A_543, %mul3A_539 : vector<16xf32>
      %sub3A_545 = arith.constant 1.500000e+00 : f32
      %sub3A_546 = vector.broadcast %sub3A_545 : f32 to vector<16xf32>
      %sub3A_547 = arith.subf %sub3A_546, %mul3A_544 : vector<16xf32>
      %mul3A_548 = arith.mulf %mul3A_539, %sub3A_547 : vector<16xf32>
      %mul3A_549 = arith.constant 5.000000e-01 : f32
      %mul3A_550 = vector.broadcast %mul3A_549 : f32 to vector<16xf32>
      %mul3A_551 = arith.mulf %mul3A_550, %get3A_443 : vector<16xf32>
      %mul3A_552 = arith.mulf %mul3A_551, %mul3A_548 : vector<16xf32>
      %mul3A_553 = arith.mulf %mul3A_552, %mul3A_548 : vector<16xf32>
      %sub3A_554 = arith.constant 1.500000e+00 : f32
      %sub3A_555 = vector.broadcast %sub3A_554 : f32 to vector<16xf32>
      %sub3A_556 = arith.subf %sub3A_555, %mul3A_553 : vector<16xf32>
      %mul3A_557 = arith.mulf %mul3A_548, %sub3A_556 : vector<16xf32>
      %mul3A_558 = arith.constant 5.000000e-01 : f32
      %mul3A_559 = vector.broadcast %mul3A_558 : f32 to vector<16xf32>
      %mul3A_560 = arith.mulf %mul3A_559, %get3A_443 : vector<16xf32>
      %mul3A_561 = arith.mulf %mul3A_560, %mul3A_557 : vector<16xf32>
      %mul3A_562 = arith.mulf %mul3A_561, %mul3A_557 : vector<16xf32>
      %sub3A_563 = arith.constant 1.500000e+00 : f32
      %sub3A_564 = vector.broadcast %sub3A_563 : f32 to vector<16xf32>
      %sub3A_565 = arith.subf %sub3A_564, %mul3A_562 : vector<16xf32>
      %mul3A_566 = arith.mulf %mul3A_557, %sub3A_565 : vector<16xf32>
      %mul3A_567 = arith.constant 5.000000e-01 : f32
      %mul3A_568 = vector.broadcast %mul3A_567 : f32 to vector<16xf32>
      %mul3A_569 = arith.mulf %mul3A_568, %get3A_443 : vector<16xf32>
      %mul3A_570 = arith.mulf %mul3A_569, %mul3A_566 : vector<16xf32>
      %mul3A_571 = arith.mulf %mul3A_570, %mul3A_566 : vector<16xf32>
      %sub3A_572 = arith.constant 1.500000e+00 : f32
      %sub3A_573 = vector.broadcast %sub3A_572 : f32 to vector<16xf32>
      %sub3A_574 = arith.subf %sub3A_573, %mul3A_571 : vector<16xf32>
      %mul3A_575 = arith.mulf %mul3A_566, %sub3A_574 : vector<16xf32>
      %gt3A = arith.constant 5.000000e-01 : f32
      %gt3A_576 = vector.broadcast %gt3A : f32 to vector<16xf32>
      %gt3A_577 = arith.cmpf ogt, %get3A_443, %gt3A_576 : vector<16xf32>
      %jit3A_578 = arith.constant 0.000000e+00 : f32
      %broadcast_in_dim3A_579 = vector.broadcast %jit3A_578 : f32 to vector<16xf32>
      %select_n3A_580 = arith.select %gt3A_577, %mul3A_575, %broadcast_in_dim3A_579 : vector<16xi1>, vector<16xf32>
      %mul3A_581 = arith.constant 16 : i32
      %mul3A_582 = arith.muli %scan3A_440, %mul3A_581 : i32
      %swap3A = arith.index_cast %mul3A_582 : i32 to index
      %swap3A_583 = tpu.vector_load %arg20[%swap3A] {strides = array<i32>} : memref<640xf32, #tpu.memory_space<vmem>>, vector<16xf32>,
      tpu.vector_store %arg20[%swap3A], %select_n3A_580 {strides = array<i32>} : memref<640xf32, #tpu.memory_space<vmem>>, vector<16xf32>,
    }
    %scan3A_36 = arith.constant 40 : i32
    %scan3A_37 = arith.constant 0 : i32
    %scan3A_38 = arith.constant 4 : i32
    %scan3A_39 = arith.addi %scan3A_37, %scan3A_38 : i32
    %scan3A_40 = arith.constant 1 : i32
    scf.for %scan3A_440 = %scan3A_37 to %scan3A_39 step %scan3A_40  : i32 {
      %mul3A_441 = arith.constant 160 : i32
      %mul3A_442 = arith.muli %scan3A_440, %mul3A_441 : i32
      %add3A = arith.addi %mul3A_0, %mul3A_442 : i32
      %run_scoped3A_443 = arith.constant 7 : i32
      "tpu.region"() ({
        %run_scoped3A_449 = tpu.sem_alloc : memref<!tpu.dma_semaphore, #tpu.memory_space<semaphore_mem>>
        %dma_start3A_450 = arith.constant 0 : i32
        %dma_start3A_451 = tpu.memref_slice %arg3[%run_scoped3A_443, %arg0, %add3A, %dma_start3A_450] : memref<8x2x10240x32xf32, #tpu.memory_space<hbm>> -> memref<1x1x160x32xf32, #tpu.memory_space<hbm>>
        %dma_start3A_452 = tpu.memref_squeeze %dma_start3A_451 : memref<1x1x160x32xf32, #tpu.memory_space<hbm>> -> memref<160x32xf32, #tpu.memory_space<hbm>>
        %dma_start3A_453 = arith.constant 0 : i32
        %dma_start3A_454 = tpu.memref_slice %arg3[%run_scoped3A_443, %arg0, %add3A, %dma_start3A_453] : memref<8x2x10240x32xf32, #tpu.memory_space<hbm>> -> memref<1x1x160x32xf32, #tpu.memory_space<hbm>>
        %dma_start3A_455 = tpu.memref_squeeze %dma_start3A_454 : memref<1x1x160x32xf32, #tpu.memory_space<hbm>> -> memref<160x32xf32, #tpu.memory_space<hbm>>
        tpu.enqueue_dma source(%dma_start3A_455 : memref<160x32xf32, #tpu.memory_space<hbm>>) target(%arg15 : memref<160x32xf32, #tpu.memory_space<vmem>>) target_semaphore(%run_scoped3A_449 : memref<!tpu.dma_semaphore, #tpu.memory_space<semaphore_mem>>)
        %dma_wait3A_456 = arith.constant 0 : i32
        %dma_wait3A_457 = tpu.memref_slice %arg3[%run_scoped3A_443, %arg0, %add3A, %dma_wait3A_456] : memref<8x2x10240x32xf32, #tpu.memory_space<hbm>> -> memref<1x1x160x32xf32, #tpu.memory_space<hbm>>
        %dma_wait3A_458 = tpu.memref_squeeze %dma_wait3A_457 : memref<1x1x160x32xf32, #tpu.memory_space<hbm>> -> memref<160x32xf32, #tpu.memory_space<hbm>>
        %dma_wait3A_459 = arith.constant 0 : i32
        %dma_wait3A_460 = tpu.memref_slice %arg3[%run_scoped3A_443, %arg0, %add3A, %dma_wait3A_459] : memref<8x2x10240x32xf32, #tpu.memory_space<hbm>> -> memref<1x1x160x32xf32, #tpu.memory_space<hbm>>
        %dma_wait3A_461 = tpu.memref_squeeze %dma_wait3A_460 : memref<1x1x160x32xf32, #tpu.memory_space<hbm>> -> memref<160x32xf32, #tpu.memory_space<hbm>>
        tpu.wait_dma2 semaphore(%run_scoped3A_449 : memref<!tpu.dma_semaphore, #tpu.memory_space<semaphore_mem>>) src(%dma_wait3A_461 : memref<160x32xf32, #tpu.memory_space<hbm>>) dst(%arg15 : memref<160x32xf32, #tpu.memory_space<vmem>>)
        tpu.yield
      }) : () -> ()
      "tpu.region"() ({
        %run_scoped3A_449 = tpu.sem_alloc : memref<!tpu.dma_semaphore, #tpu.memory_space<semaphore_mem>>
        %dma_start3A_450 = arith.constant 0 : i32
        %dma_start3A_451 = tpu.memref_slice %arg5[%arg0, %add3A, %dma_start3A_450] : memref<2x10240x32xf32, #tpu.memory_space<hbm>> -> memref<1x160x32xf32, #tpu.memory_space<hbm>>
        %dma_start3A_452 = tpu.memref_squeeze %dma_start3A_451 : memref<1x160x32xf32, #tpu.memory_space<hbm>> -> memref<160x32xf32, #tpu.memory_space<hbm>>
        %dma_start3A_453 = arith.constant 0 : i32
        %dma_start3A_454 = tpu.memref_slice %arg5[%arg0, %add3A, %dma_start3A_453] : memref<2x10240x32xf32, #tpu.memory_space<hbm>> -> memref<1x160x32xf32, #tpu.memory_space<hbm>>
        %dma_start3A_455 = tpu.memref_squeeze %dma_start3A_454 : memref<1x160x32xf32, #tpu.memory_space<hbm>> -> memref<160x32xf32, #tpu.memory_space<hbm>>
        tpu.enqueue_dma source(%arg15 : memref<160x32xf32, #tpu.memory_space<vmem>>) target(%dma_start3A_455 : memref<160x32xf32, #tpu.memory_space<hbm>>) target_semaphore(%run_scoped3A_449 : memref<!tpu.dma_semaphore, #tpu.memory_space<semaphore_mem>>)
        %dma_wait3A_456 = arith.constant 0 : i32
        %dma_wait3A_457 = tpu.memref_slice %arg5[%arg0, %add3A, %dma_wait3A_456] : memref<2x10240x32xf32, #tpu.memory_space<hbm>> -> memref<1x160x32xf32, #tpu.memory_space<hbm>>
        %dma_wait3A_458 = tpu.memref_squeeze %dma_wait3A_457 : memref<1x160x32xf32, #tpu.memory_space<hbm>> -> memref<160x32xf32, #tpu.memory_space<hbm>>
        %dma_wait3A_459 = arith.constant 0 : i32
        %dma_wait3A_460 = tpu.memref_slice %arg5[%arg0, %add3A, %dma_wait3A_459] : memref<2x10240x32xf32, #tpu.memory_space<hbm>> -> memref<1x160x32xf32, #tpu.memory_space<hbm>>
        %dma_wait3A_461 = tpu.memref_squeeze %dma_wait3A_460 : memref<1x160x32xf32, #tpu.memory_space<hbm>> -> memref<160x32xf32, #tpu.memory_space<hbm>>
        tpu.wait_dma2 semaphore(%run_scoped3A_449 : memref<!tpu.dma_semaphore, #tpu.memory_space<semaphore_mem>>) src(%arg15 : memref<160x32xf32, #tpu.memory_space<vmem>>) dst(%dma_wait3A_461 : memref<160x32xf32, #tpu.memory_space<hbm>>)
        tpu.yield
      }) : () -> ()
      %scan3A_444 = arith.constant 0 : i32
      %scan3A_445 = arith.constant 160 : i32
      %scan3A_446 = arith.addi %scan3A_444, %scan3A_445 : i32
      %scan3A_447 = arith.constant 1 : i32
      scf.for %scan3A_449 = %scan3A_444 to %scan3A_446 step %scan3A_447  : i32 {
        %mul3A_450 = arith.constant 160 : i32
        %mul3A_451 = arith.muli %scan3A_440, %mul3A_450 : i32
        %add3A_452 = arith.addi %mul3A_451, %scan3A_449 : i32
        %broadcast_in_dim3A = vector.broadcast %add3A_452 : i32 to vector<16xi32>
        %gather3A = tpu.vector_load_idx %arg20[%broadcast_in_dim3A] : memref<640xf32, #tpu.memory_space<vmem>>[vector<16xi32>], vector<16xf32>,
        %get3A = arith.index_cast %scan3A_449 : i32 to index
        %get3A_453 = arith.constant 0 : index
        %get3A_454 = tpu.vector_load %arg15[%get3A, %get3A_453] {strides = array<i32>} : memref<160x32xf32, #tpu.memory_space<vmem>>, vector<16xf32>,
        %mul3A_455 = arith.mulf %gather3A, %get3A_454 : vector<16xf32>
        %swap3A = arith.index_cast %scan3A_449 : i32 to index
        %swap3A_456 = arith.constant 0 : index
        %swap3A_457 = tpu.vector_load %arg13[%swap3A, %swap3A_456] {strides = array<i32>} : memref<160x32xf32, #tpu.memory_space<vmem>>, vector<16xf32>,
        tpu.vector_store %arg13[%swap3A, %swap3A_456], %mul3A_455 {strides = array<i32>} : memref<160x32xf32, #tpu.memory_space<vmem>>, vector<16xf32>,
        %get3A_458 = arith.index_cast %scan3A_449 : i32 to index
        %get3A_459 = arith.constant 16 : index
        %get3A_460 = tpu.vector_load %arg15[%get3A_458, %get3A_459] {strides = array<i32>} : memref<160x32xf32, #tpu.memory_space<vmem>>, vector<16xf32>,
        %mul3A_461 = arith.mulf %gather3A, %get3A_460 : vector<16xf32>
        %swap3A_462 = arith.index_cast %scan3A_449 : i32 to index
        %swap3A_463 = arith.constant 16 : index
        %swap3A_464 = tpu.vector_load %arg13[%swap3A_462, %swap3A_463] {strides = array<i32>} : memref<160x32xf32, #tpu.memory_space<vmem>>, vector<16xf32>,
        tpu.vector_store %arg13[%swap3A_462, %swap3A_463], %mul3A_461 {strides = array<i32>} : memref<160x32xf32, #tpu.memory_space<vmem>>, vector<16xf32>,
      }
      %scan3A_448 = arith.constant 160 : i32
      "tpu.region"() ({
        %run_scoped3A_449 = tpu.sem_alloc : memref<!tpu.dma_semaphore, #tpu.memory_space<semaphore_mem>>
        %dma_start3A_450 = arith.constant 0 : i32
        %dma_start3A_451 = tpu.memref_slice %arg21[%add3A, %dma_start3A_450] : memref<10248x32xf32, #tpu.memory_space<vmem_shared>> -> memref<160x32xf32, #tpu.memory_space<vmem_shared>>
        %dma_start3A_452 = arith.constant 0 : i32
        %dma_start3A_453 = tpu.memref_slice %arg21[%add3A, %dma_start3A_452] : memref<10248x32xf32, #tpu.memory_space<vmem_shared>> -> memref<160x32xf32, #tpu.memory_space<vmem_shared>>
        tpu.enqueue_dma source(%arg13 : memref<160x32xf32, #tpu.memory_space<vmem>>) target(%dma_start3A_453 : memref<160x32xf32, #tpu.memory_space<vmem_shared>>) target_semaphore(%run_scoped3A_449 : memref<!tpu.dma_semaphore, #tpu.memory_space<semaphore_mem>>)
        %dma_wait3A_454 = arith.constant 0 : i32
        %dma_wait3A_455 = tpu.memref_slice %arg21[%add3A, %dma_wait3A_454] : memref<10248x32xf32, #tpu.memory_space<vmem_shared>> -> memref<160x32xf32, #tpu.memory_space<vmem_shared>>
        %dma_wait3A_456 = arith.constant 0 : i32
        %dma_wait3A_457 = tpu.memref_slice %arg21[%add3A, %dma_wait3A_456] : memref<10248x32xf32, #tpu.memory_space<vmem_shared>> -> memref<160x32xf32, #tpu.memory_space<vmem_shared>>
        tpu.wait_dma2 semaphore(%run_scoped3A_449 : memref<!tpu.dma_semaphore, #tpu.memory_space<semaphore_mem>>) src(%arg13 : memref<160x32xf32, #tpu.memory_space<vmem>>) dst(%dma_wait3A_457 : memref<160x32xf32, #tpu.memory_space<vmem_shared>>)
        tpu.yield
      }) : () -> ()
    }
    %scan3A_41 = arith.constant 4 : i32
    %barrier3A_42 = arith.constant 0 : index
    tpu.barrier barrier_id(%barrier3A_42)
    %dma_start3A = arith.constant 0 : i32
    %dma_start3A_43 = arith.constant 0 : i32
    %dma_start3A_44 = tpu.memref_slice %arg7[%dma_start3A, %dma_start3A_43] : memref<160x128xi32, #tpu.memory_space<vmem>> -> memref<1x128xi32, #tpu.memory_space<vmem>>
    %dma_start3A_45 = tpu.memref_squeeze %dma_start3A_44 : memref<1x128xi32, #tpu.memory_space<vmem>> -> memref<128xi32, #tpu.memory_space<vmem>>
    %dma_start3A_46 = arith.constant 0 : i32
    %dma_start3A_47 = arith.constant 0 : i32
    %dma_start3A_48 = tpu.memref_slice %arg21[%dma_start3A_46, %dma_start3A_47] : memref<10248x32xf32, #tpu.memory_space<vmem_shared>> -> memref<10248x32xf32, #tpu.memory_space<vmem_shared>>
    tpu.enqueue_indirect_dma source(%dma_start3A_48 : memref<10248x32xf32, #tpu.memory_space<vmem_shared>>) target(%arg9 : memref<128x32xf32, #tpu.memory_space<vmem>>) offsets(%dma_start3A_45 : memref<128xi32, #tpu.memory_space<vmem>>) semaphore(%arg24 : memref<!tpu.dma_semaphore, #tpu.memory_space<semaphore_mem>>)
    %dma_start3A_49 = arith.constant 1 : i32
    %dma_start3A_50 = arith.constant 0 : i32
    %dma_start3A_51 = tpu.memref_slice %arg7[%dma_start3A_49, %dma_start3A_50] : memref<160x128xi32, #tpu.memory_space<vmem>> -> memref<1x128xi32, #tpu.memory_space<vmem>>
    %dma_start3A_52 = tpu.memref_squeeze %dma_start3A_51 : memref<1x128xi32, #tpu.memory_space<vmem>> -> memref<128xi32, #tpu.memory_space<vmem>>
    %dma_start3A_53 = arith.constant 0 : i32
    %dma_start3A_54 = arith.constant 0 : i32
    %dma_start3A_55 = tpu.memref_slice %arg21[%dma_start3A_53, %dma_start3A_54] : memref<10248x32xf32, #tpu.memory_space<vmem_shared>> -> memref<10248x32xf32, #tpu.memory_space<vmem_shared>>
    tpu.enqueue_indirect_dma source(%dma_start3A_55 : memref<10248x32xf32, #tpu.memory_space<vmem_shared>>) target(%arg10 : memref<128x32xf32, #tpu.memory_space<vmem>>) offsets(%dma_start3A_52 : memref<128xi32, #tpu.memory_space<vmem>>) semaphore(%arg25 : memref<!tpu.dma_semaphore, #tpu.memory_space<semaphore_mem>>)
    %scan3A_56 = arith.constant 0 : i32
    %scan3A_57 = arith.constant 80 : i32
    %scan3A_58 = arith.addi %scan3A_56, %scan3A_57 : i32
    %scan3A_59 = arith.constant 1 : i32
    scf.for %scan3A_440 = %scan3A_56 to %scan3A_58 step %scan3A_59  : i32 {
      %mul3A_441 = arith.constant 2 : i32
      %mul3A_442 = arith.muli %mul3A_441, %scan3A_440 : i32
      %dma_wait3A_443 = arith.constant 0 : i32
      %dma_wait3A_444 = arith.constant 0 : i32
      %dma_wait3A_445 = tpu.memref_slice %arg7[%dma_wait3A_443, %dma_wait3A_444] : memref<160x128xi32, #tpu.memory_space<vmem>> -> memref<1x128xi32, #tpu.memory_space<vmem>>
      %dma_wait3A_446 = tpu.memref_squeeze %dma_wait3A_445 : memref<1x128xi32, #tpu.memory_space<vmem>> -> memref<128xi32, #tpu.memory_space<vmem>>
      %dma_wait3A_447 = arith.constant 0 : i32
      %dma_wait3A_448 = arith.constant 0 : i32
      %dma_wait3A_449 = tpu.memref_slice %arg21[%dma_wait3A_447, %dma_wait3A_448] : memref<10248x32xf32, #tpu.memory_space<vmem_shared>> -> memref<10248x32xf32, #tpu.memory_space<vmem_shared>>
      tpu.wait_indirect_dma semaphore(%arg24 : memref<!tpu.dma_semaphore, #tpu.memory_space<semaphore_mem>>) src(%dma_wait3A_449 : memref<10248x32xf32, #tpu.memory_space<vmem_shared>>) dst(%arg9 : memref<128x32xf32, #tpu.memory_space<vmem>>)
      %add3A = arith.constant 0 : i32
      %add3A_450 = arith.addi %mul3A_442, %add3A : i32
      %dma_start3A_451 = arith.constant 0 : i32
      %dma_start3A_452 = tpu.memref_slice %arg8[%add3A_450, %dma_start3A_451] : memref<160x128xi32, #tpu.memory_space<vmem>> -> memref<1x128xi32, #tpu.memory_space<vmem>>
      %dma_start3A_453 = tpu.memref_squeeze %dma_start3A_452 : memref<1x128xi32, #tpu.memory_space<vmem>> -> memref<128xi32, #tpu.memory_space<vmem>>
      %dma_start3A_454 = arith.constant 0 : i32
      %dma_start3A_455 = arith.constant 0 : i32
      %dma_start3A_456 = tpu.memref_slice %arg22[%dma_start3A_454, %dma_start3A_455] : memref<10248x32xf32, #tpu.memory_space<vmem_shared>> -> memref<10248x32xf32, #tpu.memory_space<vmem_shared>>
      tpu.enqueue_indirect_dma source(%arg9 : memref<128x32xf32, #tpu.memory_space<vmem>>) target(%dma_start3A_456 : memref<10248x32xf32, #tpu.memory_space<vmem_shared>>) offsets(%dma_start3A_453 : memref<128xi32, #tpu.memory_space<vmem>>) semaphore(%arg28 : memref<!tpu.dma_semaphore, #tpu.memory_space<semaphore_mem>>) {add = true}
      %dma_wait3A_457 = arith.constant 0 : i32
      %dma_wait3A_458 = arith.constant 0 : i32
      %dma_wait3A_459 = tpu.memref_slice %arg7[%dma_wait3A_457, %dma_wait3A_458] : memref<160x128xi32, #tpu.memory_space<vmem>> -> memref<1x128xi32, #tpu.memory_space<vmem>>
      %dma_wait3A_460 = tpu.memref_squeeze %dma_wait3A_459 : memref<1x128xi32, #tpu.memory_space<vmem>> -> memref<128xi32, #tpu.memory_space<vmem>>
      %dma_wait3A_461 = arith.constant 0 : i32
      %dma_wait3A_462 = arith.constant 0 : i32
      %dma_wait3A_463 = tpu.memref_slice %arg21[%dma_wait3A_461, %dma_wait3A_462] : memref<10248x32xf32, #tpu.memory_space<vmem_shared>> -> memref<10248x32xf32, #tpu.memory_space<vmem_shared>>
      tpu.wait_indirect_dma semaphore(%arg25 : memref<!tpu.dma_semaphore, #tpu.memory_space<semaphore_mem>>) src(%dma_wait3A_463 : memref<10248x32xf32, #tpu.memory_space<vmem_shared>>) dst(%arg10 : memref<128x32xf32, #tpu.memory_space<vmem>>)
      %add3A_464 = arith.constant 1 : i32
      %add3A_465 = arith.addi %mul3A_442, %add3A_464 : i32
      %dma_start3A_466 = arith.constant 0 : i32
      %dma_start3A_467 = tpu.memref_slice %arg8[%add3A_465, %dma_start3A_466] : memref<160x128xi32, #tpu.memory_space<vmem>> -> memref<1x128xi32, #tpu.memory_space<vmem>>
      %dma_start3A_468 = tpu.memref_squeeze %dma_start3A_467 : memref<1x128xi32, #tpu.memory_space<vmem>> -> memref<128xi32, #tpu.memory_space<vmem>>
      %dma_start3A_469 = arith.constant 0 : i32
      %dma_start3A_470 = arith.constant 0 : i32
      %dma_start3A_471 = tpu.memref_slice %arg22[%dma_start3A_469, %dma_start3A_470] : memref<10248x32xf32, #tpu.memory_space<vmem_shared>> -> memref<10248x32xf32, #tpu.memory_space<vmem_shared>>
      tpu.enqueue_indirect_dma source(%arg10 : memref<128x32xf32, #tpu.memory_space<vmem>>) target(%dma_start3A_471 : memref<10248x32xf32, #tpu.memory_space<vmem_shared>>) offsets(%dma_start3A_468 : memref<128xi32, #tpu.memory_space<vmem>>) semaphore(%arg29 : memref<!tpu.dma_semaphore, #tpu.memory_space<semaphore_mem>>) {add = true}
      %lt3A = arith.constant 79 : i32
      %lt3A_472 = arith.cmpi slt, %scan3A_440, %lt3A : i32
      %convert_element_type3A = arith.extui %lt3A_472 : i1 to i32
      %cond3A = arith.constant 0 : i32
      %cond3A_473 = arith.cmpi ne, %convert_element_type3A, %cond3A : i32
      scf.if %cond3A_473 {
        %dma_wait3A_474 = arith.constant 0 : i32
        %dma_wait3A_475 = arith.constant 0 : i32
        %dma_wait3A_476 = tpu.memref_slice %arg8[%dma_wait3A_474, %dma_wait3A_475] : memref<160x128xi32, #tpu.memory_space<vmem>> -> memref<1x128xi32, #tpu.memory_space<vmem>>
        %dma_wait3A_477 = tpu.memref_squeeze %dma_wait3A_476 : memref<1x128xi32, #tpu.memory_space<vmem>> -> memref<128xi32, #tpu.memory_space<vmem>>
        %dma_wait3A_478 = arith.constant 0 : i32
        %dma_wait3A_479 = arith.constant 0 : i32
        %dma_wait3A_480 = tpu.memref_slice %arg22[%dma_wait3A_478, %dma_wait3A_479] : memref<10248x32xf32, #tpu.memory_space<vmem_shared>> -> memref<10248x32xf32, #tpu.memory_space<vmem_shared>>
        tpu.wait_indirect_dma semaphore(%arg28 : memref<!tpu.dma_semaphore, #tpu.memory_space<semaphore_mem>>) src(%arg9 : memref<128x32xf32, #tpu.memory_space<vmem>>) dst(%dma_wait3A_480 : memref<10248x32xf32, #tpu.memory_space<vmem_shared>>)
        %add3A_481 = arith.constant 2 : i32
        %add3A_482 = arith.addi %mul3A_442, %add3A_481 : i32
        %add3A_483 = arith.constant 0 : i32
        %add3A_484 = arith.addi %add3A_482, %add3A_483 : i32
        %dma_start3A_485 = arith.constant 0 : i32
        %dma_start3A_486 = tpu.memref_slice %arg7[%add3A_484, %dma_start3A_485] : memref<160x128xi32, #tpu.memory_space<vmem>> -> memref<1x128xi32, #tpu.memory_space<vmem>>
        %dma_start3A_487 = tpu.memref_squeeze %dma_start3A_486 : memref<1x128xi32, #tpu.memory_space<vmem>> -> memref<128xi32, #tpu.memory_space<vmem>>
        %dma_start3A_488 = arith.constant 0 : i32
        %dma_start3A_489 = arith.constant 0 : i32
        %dma_start3A_490 = tpu.memref_slice %arg21[%dma_start3A_488, %dma_start3A_489] : memref<10248x32xf32, #tpu.memory_space<vmem_shared>> -> memref<10248x32xf32, #tpu.memory_space<vmem_shared>>
        tpu.enqueue_indirect_dma source(%dma_start3A_490 : memref<10248x32xf32, #tpu.memory_space<vmem_shared>>) target(%arg9 : memref<128x32xf32, #tpu.memory_space<vmem>>) offsets(%dma_start3A_487 : memref<128xi32, #tpu.memory_space<vmem>>) semaphore(%arg24 : memref<!tpu.dma_semaphore, #tpu.memory_space<semaphore_mem>>)
        %dma_wait3A_491 = arith.constant 0 : i32
        %dma_wait3A_492 = arith.constant 0 : i32
        %dma_wait3A_493 = tpu.memref_slice %arg8[%dma_wait3A_491, %dma_wait3A_492] : memref<160x128xi32, #tpu.memory_space<vmem>> -> memref<1x128xi32, #tpu.memory_space<vmem>>
        %dma_wait3A_494 = tpu.memref_squeeze %dma_wait3A_493 : memref<1x128xi32, #tpu.memory_space<vmem>> -> memref<128xi32, #tpu.memory_space<vmem>>
        %dma_wait3A_495 = arith.constant 0 : i32
        %dma_wait3A_496 = arith.constant 0 : i32
        %dma_wait3A_497 = tpu.memref_slice %arg22[%dma_wait3A_495, %dma_wait3A_496] : memref<10248x32xf32, #tpu.memory_space<vmem_shared>> -> memref<10248x32xf32, #tpu.memory_space<vmem_shared>>
        tpu.wait_indirect_dma semaphore(%arg29 : memref<!tpu.dma_semaphore, #tpu.memory_space<semaphore_mem>>) src(%arg10 : memref<128x32xf32, #tpu.memory_space<vmem>>) dst(%dma_wait3A_497 : memref<10248x32xf32, #tpu.memory_space<vmem_shared>>)
        %add3A_498 = arith.constant 2 : i32
        %add3A_499 = arith.addi %mul3A_442, %add3A_498 : i32
        %add3A_500 = arith.constant 1 : i32
        %add3A_501 = arith.addi %add3A_499, %add3A_500 : i32
        %dma_start3A_502 = arith.constant 0 : i32
        %dma_start3A_503 = tpu.memref_slice %arg7[%add3A_501, %dma_start3A_502] : memref<160x128xi32, #tpu.memory_space<vmem>> -> memref<1x128xi32, #tpu.memory_space<vmem>>
        %dma_start3A_504 = tpu.memref_squeeze %dma_start3A_503 : memref<1x128xi32, #tpu.memory_space<vmem>> -> memref<128xi32, #tpu.memory_space<vmem>>
        %dma_start3A_505 = arith.constant 0 : i32
        %dma_start3A_506 = arith.constant 0 : i32
        %dma_start3A_507 = tpu.memref_slice %arg21[%dma_start3A_505, %dma_start3A_506] : memref<10248x32xf32, #tpu.memory_space<vmem_shared>> -> memref<10248x32xf32, #tpu.memory_space<vmem_shared>>
        tpu.enqueue_indirect_dma source(%dma_start3A_507 : memref<10248x32xf32, #tpu.memory_space<vmem_shared>>) target(%arg10 : memref<128x32xf32, #tpu.memory_space<vmem>>) offsets(%dma_start3A_504 : memref<128xi32, #tpu.memory_space<vmem>>) semaphore(%arg25 : memref<!tpu.dma_semaphore, #tpu.memory_space<semaphore_mem>>)
      } else {
      }
    }
    %scan3A_60 = arith.constant 80 : i32
    %dma_wait3A = arith.constant 0 : i32
    %dma_wait3A_61 = arith.constant 0 : i32
    %dma_wait3A_62 = tpu.memref_slice %arg8[%dma_wait3A, %dma_wait3A_61] : memref<160x128xi32, #tpu.memory_space<vmem>> -> memref<1x128xi32, #tpu.memory_space<vmem>>
    %dma_wait3A_63 = tpu.memref_squeeze %dma_wait3A_62 : memref<1x128xi32, #tpu.memory_space<vmem>> -> memref<128xi32, #tpu.memory_space<vmem>>
    %dma_wait3A_64 = arith.constant 0 : i32
    %dma_wait3A_65 = arith.constant 0 : i32
    %dma_wait3A_66 = tpu.memref_slice %arg22[%dma_wait3A_64, %dma_wait3A_65] : memref<10248x32xf32, #tpu.memory_space<vmem_shared>> -> memref<10248x32xf32, #tpu.memory_space<vmem_shared>>
    tpu.wait_indirect_dma semaphore(%arg28 : memref<!tpu.dma_semaphore, #tpu.memory_space<semaphore_mem>>) src(%arg9 : memref<128x32xf32, #tpu.memory_space<vmem>>) dst(%dma_wait3A_66 : memref<10248x32xf32, #tpu.memory_space<vmem_shared>>)
    %dma_wait3A_67 = arith.constant 0 : i32
    %dma_wait3A_68 = arith.constant 0 : i32
    %dma_wait3A_69 = tpu.memref_slice %arg8[%dma_wait3A_67, %dma_wait3A_68] : memref<160x128xi32, #tpu.memory_space<vmem>> -> memref<1x128xi32, #tpu.memory_space<vmem>>
    %dma_wait3A_70 = tpu.memref_squeeze %dma_wait3A_69 : memref<1x128xi32, #tpu.memory_space<vmem>> -> memref<128xi32, #tpu.memory_space<vmem>>
    %dma_wait3A_71 = arith.constant 0 : i32
    %dma_wait3A_72 = arith.constant 0 : i32
    %dma_wait3A_73 = tpu.memref_slice %arg22[%dma_wait3A_71, %dma_wait3A_72] : memref<10248x32xf32, #tpu.memory_space<vmem_shared>> -> memref<10248x32xf32, #tpu.memory_space<vmem_shared>>
    tpu.wait_indirect_dma semaphore(%arg29 : memref<!tpu.dma_semaphore, #tpu.memory_space<semaphore_mem>>) src(%arg10 : memref<128x32xf32, #tpu.memory_space<vmem>>) dst(%dma_wait3A_73 : memref<10248x32xf32, #tpu.memory_space<vmem_shared>>)
    %barrier3A_74 = arith.constant 0 : index
    tpu.barrier barrier_id(%barrier3A_74)
    %scan3A_75 = arith.constant 0 : i32
    %scan3A_76 = arith.constant 4 : i32
    %scan3A_77 = arith.addi %scan3A_75, %scan3A_76 : i32
    %scan3A_78 = arith.constant 1 : i32
    scf.for %scan3A_440 = %scan3A_75 to %scan3A_77 step %scan3A_78  : i32 {
      %mul3A_441 = arith.constant 160 : i32
      %mul3A_442 = arith.muli %scan3A_440, %mul3A_441 : i32
      %add3A = arith.addi %mul3A_0, %mul3A_442 : i32
      %gt3A = arith.constant 0 : i32
      %gt3A_443 = arith.cmpi sgt, %scan3A_440, %gt3A : i32
      %convert_element_type3A = arith.extui %gt3A_443 : i1 to i32
      %cond3A = arith.constant 0 : i32
      %cond3A_444 = arith.cmpi ne, %convert_element_type3A, %cond3A : i32
      scf.if %cond3A_444 {
        %dma_wait3A_490 = arith.constant 0 : i32
        %dma_wait3A_491 = arith.constant 0 : i32
        %dma_wait3A_492 = tpu.memref_slice %arg6[%arg0, %dma_wait3A_490, %dma_wait3A_491] : memref<2x10240x32xf32, #tpu.memory_space<hbm>> -> memref<1x160x32xf32, #tpu.memory_space<hbm>>
        %dma_wait3A_493 = tpu.memref_squeeze %dma_wait3A_492 : memref<1x160x32xf32, #tpu.memory_space<hbm>> -> memref<160x32xf32, #tpu.memory_space<hbm>>
        %dma_wait3A_494 = arith.constant 0 : i32
        %dma_wait3A_495 = arith.constant 0 : i32
        %dma_wait3A_496 = tpu.memref_slice %arg6[%arg0, %dma_wait3A_494, %dma_wait3A_495] : memref<2x10240x32xf32, #tpu.memory_space<hbm>> -> memref<1x160x32xf32, #tpu.memory_space<hbm>>
        %dma_wait3A_497 = tpu.memref_squeeze %dma_wait3A_496 : memref<1x160x32xf32, #tpu.memory_space<hbm>> -> memref<160x32xf32, #tpu.memory_space<hbm>>
        tpu.wait_dma2 semaphore(%arg28 : memref<!tpu.dma_semaphore, #tpu.memory_space<semaphore_mem>>) src(%arg16 : memref<160x32xf32, #tpu.memory_space<vmem>>) dst(%dma_wait3A_497 : memref<160x32xf32, #tpu.memory_space<hbm>>)
        %dma_wait3A_498 = arith.constant 0 : i32
        %dma_wait3A_499 = arith.constant 0 : i32
        %dma_wait3A_500 = tpu.memref_slice %arg21[%dma_wait3A_498, %dma_wait3A_499] : memref<10248x32xf32, #tpu.memory_space<vmem_shared>> -> memref<160x32xf32, #tpu.memory_space<vmem_shared>>
        %dma_wait3A_501 = arith.constant 0 : i32
        %dma_wait3A_502 = arith.constant 0 : i32
        %dma_wait3A_503 = tpu.memref_slice %arg21[%dma_wait3A_501, %dma_wait3A_502] : memref<10248x32xf32, #tpu.memory_space<vmem_shared>> -> memref<160x32xf32, #tpu.memory_space<vmem_shared>>
        tpu.wait_dma2 semaphore(%arg29 : memref<!tpu.dma_semaphore, #tpu.memory_space<semaphore_mem>>) src(%arg13 : memref<160x32xf32, #tpu.memory_space<vmem>>) dst(%dma_wait3A_503 : memref<160x32xf32, #tpu.memory_space<vmem_shared>>)
        %dma_wait3A_504 = arith.constant 0 : i32
        %dma_wait3A_505 = arith.constant 0 : i32
        %dma_wait3A_506 = tpu.memref_slice %arg22[%dma_wait3A_504, %dma_wait3A_505] : memref<10248x32xf32, #tpu.memory_space<vmem_shared>> -> memref<160x32xf32, #tpu.memory_space<vmem_shared>>
        %dma_wait3A_507 = arith.constant 0 : i32
        %dma_wait3A_508 = arith.constant 0 : i32
        %dma_wait3A_509 = tpu.memref_slice %arg22[%dma_wait3A_507, %dma_wait3A_508] : memref<10248x32xf32, #tpu.memory_space<vmem_shared>> -> memref<160x32xf32, #tpu.memory_space<vmem_shared>>
        tpu.wait_dma2 semaphore(%arg30 : memref<!tpu.dma_semaphore, #tpu.memory_space<semaphore_mem>>) src(%arg17 : memref<160x32xf32, #tpu.memory_space<vmem>>) dst(%dma_wait3A_509 : memref<160x32xf32, #tpu.memory_space<vmem_shared>>)
      } else {
      }
      %dma_start3A_445 = arith.constant 0 : i32
      %dma_start3A_446 = tpu.memref_slice %arg22[%add3A, %dma_start3A_445] : memref<10248x32xf32, #tpu.memory_space<vmem_shared>> -> memref<160x32xf32, #tpu.memory_space<vmem_shared>>
      %dma_start3A_447 = arith.constant 0 : i32
      %dma_start3A_448 = tpu.memref_slice %arg22[%add3A, %dma_start3A_447] : memref<10248x32xf32, #tpu.memory_space<vmem_shared>> -> memref<160x32xf32, #tpu.memory_space<vmem_shared>>
      tpu.enqueue_dma source(%dma_start3A_448 : memref<160x32xf32, #tpu.memory_space<vmem_shared>>) target(%arg13 : memref<160x32xf32, #tpu.memory_space<vmem>>) target_semaphore(%arg24 : memref<!tpu.dma_semaphore, #tpu.memory_space<semaphore_mem>>)
      %dma_start3A_449 = arith.constant 6 : i32
      %dma_start3A_450 = arith.constant 0 : i32
      %dma_start3A_451 = tpu.memref_slice %arg3[%dma_start3A_449, %arg0, %add3A, %dma_start3A_450] : memref<8x2x10240x32xf32, #tpu.memory_space<hbm>> -> memref<1x1x160x32xf32, #tpu.memory_space<hbm>>
      %dma_start3A_452 = tpu.memref_squeeze %dma_start3A_451 : memref<1x1x160x32xf32, #tpu.memory_space<hbm>> -> memref<160x32xf32, #tpu.memory_space<hbm>>
      %dma_start3A_453 = arith.constant 0 : i32
      %dma_start3A_454 = tpu.memref_slice %arg3[%dma_start3A_449, %arg0, %add3A, %dma_start3A_453] : memref<8x2x10240x32xf32, #tpu.memory_space<hbm>> -> memref<1x1x160x32xf32, #tpu.memory_space<hbm>>
      %dma_start3A_455 = tpu.memref_squeeze %dma_start3A_454 : memref<1x1x160x32xf32, #tpu.memory_space<hbm>> -> memref<160x32xf32, #tpu.memory_space<hbm>>
      tpu.enqueue_dma source(%dma_start3A_455 : memref<160x32xf32, #tpu.memory_space<hbm>>) target(%arg15 : memref<160x32xf32, #tpu.memory_space<vmem>>) target_semaphore(%arg26 : memref<!tpu.dma_semaphore, #tpu.memory_space<semaphore_mem>>)
      %dma_wait3A_456 = arith.constant 0 : i32
      %dma_wait3A_457 = arith.constant 0 : i32
      %dma_wait3A_458 = tpu.memref_slice %arg22[%dma_wait3A_456, %dma_wait3A_457] : memref<10248x32xf32, #tpu.memory_space<vmem_shared>> -> memref<160x32xf32, #tpu.memory_space<vmem_shared>>
      %dma_wait3A_459 = arith.constant 0 : i32
      %dma_wait3A_460 = arith.constant 0 : i32
      %dma_wait3A_461 = tpu.memref_slice %arg22[%dma_wait3A_459, %dma_wait3A_460] : memref<10248x32xf32, #tpu.memory_space<vmem_shared>> -> memref<160x32xf32, #tpu.memory_space<vmem_shared>>
      tpu.wait_dma2 semaphore(%arg24 : memref<!tpu.dma_semaphore, #tpu.memory_space<semaphore_mem>>) src(%dma_wait3A_461 : memref<160x32xf32, #tpu.memory_space<vmem_shared>>) dst(%arg13 : memref<160x32xf32, #tpu.memory_space<vmem>>)
      %dma_wait3A_462 = arith.constant 6 : i32
      %dma_wait3A_463 = arith.constant 0 : i32
      %dma_wait3A_464 = arith.constant 0 : i32
      %dma_wait3A_465 = tpu.memref_slice %arg3[%dma_wait3A_462, %arg0, %dma_wait3A_463, %dma_wait3A_464] : memref<8x2x10240x32xf32, #tpu.memory_space<hbm>> -> memref<1x1x160x32xf32, #tpu.memory_space<hbm>>
      %dma_wait3A_466 = tpu.memref_squeeze %dma_wait3A_465 : memref<1x1x160x32xf32, #tpu.memory_space<hbm>> -> memref<160x32xf32, #tpu.memory_space<hbm>>
      %dma_wait3A_467 = arith.constant 0 : i32
      %dma_wait3A_468 = arith.constant 0 : i32
      %dma_wait3A_469 = tpu.memref_slice %arg3[%dma_wait3A_462, %arg0, %dma_wait3A_467, %dma_wait3A_468] : memref<8x2x10240x32xf32, #tpu.memory_space<hbm>> -> memref<1x1x160x32xf32, #tpu.memory_space<hbm>>
      %dma_wait3A_470 = tpu.memref_squeeze %dma_wait3A_469 : memref<1x1x160x32xf32, #tpu.memory_space<hbm>> -> memref<160x32xf32, #tpu.memory_space<hbm>>
      tpu.wait_dma2 semaphore(%arg26 : memref<!tpu.dma_semaphore, #tpu.memory_space<semaphore_mem>>) src(%dma_wait3A_470 : memref<160x32xf32, #tpu.memory_space<hbm>>) dst(%arg15 : memref<160x32xf32, #tpu.memory_space<vmem>>)
      %scan3A_471 = arith.constant 0 : i32
      %scan3A_472 = arith.constant 160 : i32
      %scan3A_473 = arith.addi %scan3A_471, %scan3A_472 : i32
      %scan3A_474 = arith.constant 1 : i32
      scf.for %scan3A_490 = %scan3A_471 to %scan3A_473 step %scan3A_474  : i32 {
        %mul3A_491 = arith.constant 160 : i32
        %mul3A_492 = arith.muli %scan3A_440, %mul3A_491 : i32
        %add3A_493 = arith.addi %mul3A_492, %scan3A_490 : i32
        %broadcast_in_dim3A = vector.broadcast %add3A_493 : i32 to vector<16xi32>
        %gather3A = tpu.vector_load_idx %arg20[%broadcast_in_dim3A] : memref<640xf32, #tpu.memory_space<vmem>>[vector<16xi32>], vector<16xf32>,
        %get3A = arith.index_cast %scan3A_490 : i32 to index
        %get3A_494 = arith.constant 0 : index
        %get3A_495 = tpu.vector_load %arg15[%get3A, %get3A_494] {strides = array<i32>} : memref<160x32xf32, #tpu.memory_space<vmem>>, vector<16xf32>,
        %mul3A_496 = arith.constant 2.000000e+00 : f32
        %mul3A_497 = vector.broadcast %mul3A_496 : f32 to vector<16xf32>
        %mul3A_498 = arith.mulf %mul3A_497, %gather3A : vector<16xf32>
        %get3A_499 = arith.index_cast %scan3A_490 : i32 to index
        %get3A_500 = arith.constant 0 : index
        %get3A_501 = tpu.vector_load %arg13[%get3A_499, %get3A_500] {strides = array<i32>} : memref<160x32xf32, #tpu.memory_space<vmem>>, vector<16xf32>,
        %mul3A_502 = arith.mulf %mul3A_498, %get3A_501 : vector<16xf32>
        %sub3A = arith.subf %get3A_495, %mul3A_502 : vector<16xf32>
        %swap3A = arith.index_cast %scan3A_490 : i32 to index
        %swap3A_503 = arith.constant 0 : index
        %swap3A_504 = tpu.vector_load %arg16[%swap3A, %swap3A_503] {strides = array<i32>} : memref<160x32xf32, #tpu.memory_space<vmem>>, vector<16xf32>,
        tpu.vector_store %arg16[%swap3A, %swap3A_503], %sub3A {strides = array<i32>} : memref<160x32xf32, #tpu.memory_space<vmem>>, vector<16xf32>,
        %mul3A_505 = arith.mulf %gather3A, %sub3A : vector<16xf32>
        %swap3A_506 = arith.index_cast %scan3A_490 : i32 to index
        %swap3A_507 = arith.constant 0 : index
        %swap3A_508 = tpu.vector_load %arg13[%swap3A_506, %swap3A_507] {strides = array<i32>} : memref<160x32xf32, #tpu.memory_space<vmem>>, vector<16xf32>,
        tpu.vector_store %arg13[%swap3A_506, %swap3A_507], %mul3A_505 {strides = array<i32>} : memref<160x32xf32, #tpu.memory_space<vmem>>, vector<16xf32>,
        %get3A_509 = arith.index_cast %scan3A_490 : i32 to index
        %get3A_510 = arith.constant 16 : index
        %get3A_511 = tpu.vector_load %arg15[%get3A_509, %get3A_510] {strides = array<i32>} : memref<160x32xf32, #tpu.memory_space<vmem>>, vector<16xf32>,
        %mul3A_512 = arith.constant 2.000000e+00 : f32
        %mul3A_513 = vector.broadcast %mul3A_512 : f32 to vector<16xf32>
        %mul3A_514 = arith.mulf %mul3A_513, %gather3A : vector<16xf32>
        %get3A_515 = arith.index_cast %scan3A_490 : i32 to index
        %get3A_516 = arith.constant 16 : index
        %get3A_517 = tpu.vector_load %arg13[%get3A_515, %get3A_516] {strides = array<i32>} : memref<160x32xf32, #tpu.memory_space<vmem>>, vector<16xf32>,
        %mul3A_518 = arith.mulf %mul3A_514, %get3A_517 : vector<16xf32>
        %sub3A_519 = arith.subf %get3A_511, %mul3A_518 : vector<16xf32>
        %swap3A_520 = arith.index_cast %scan3A_490 : i32 to index
        %swap3A_521 = arith.constant 16 : index
        %swap3A_522 = tpu.vector_load %arg16[%swap3A_520, %swap3A_521] {strides = array<i32>} : memref<160x32xf32, #tpu.memory_space<vmem>>, vector<16xf32>,
        tpu.vector_store %arg16[%swap3A_520, %swap3A_521], %sub3A_519 {strides = array<i32>} : memref<160x32xf32, #tpu.memory_space<vmem>>, vector<16xf32>,
        %mul3A_523 = arith.mulf %gather3A, %sub3A_519 : vector<16xf32>
        %swap3A_524 = arith.index_cast %scan3A_490 : i32 to index
        %swap3A_525 = arith.constant 16 : index
        %swap3A_526 = tpu.vector_load %arg13[%swap3A_524, %swap3A_525] {strides = array<i32>} : memref<160x32xf32, #tpu.memory_space<vmem>>, vector<16xf32>,
        tpu.vector_store %arg13[%swap3A_524, %swap3A_525], %mul3A_523 {strides = array<i32>} : memref<160x32xf32, #tpu.memory_space<vmem>>, vector<16xf32>,
      }
      %scan3A_475 = arith.constant 160 : i32
      %dma_start3A_476 = arith.constant 0 : i32
      %dma_start3A_477 = tpu.memref_slice %arg6[%arg0, %add3A, %dma_start3A_476] : memref<2x10240x32xf32, #tpu.memory_space<hbm>> -> memref<1x160x32xf32, #tpu.memory_space<hbm>>
      %dma_start3A_478 = tpu.memref_squeeze %dma_start3A_477 : memref<1x160x32xf32, #tpu.memory_space<hbm>> -> memref<160x32xf32, #tpu.memory_space<hbm>>
      %dma_start3A_479 = arith.constant 0 : i32
      %dma_start3A_480 = tpu.memref_slice %arg6[%arg0, %add3A, %dma_start3A_479] : memref<2x10240x32xf32, #tpu.memory_space<hbm>> -> memref<1x160x32xf32, #tpu.memory_space<hbm>>
      %dma_start3A_481 = tpu.memref_squeeze %dma_start3A_480 : memref<1x160x32xf32, #tpu.memory_space<hbm>> -> memref<160x32xf32, #tpu.memory_space<hbm>>
      tpu.enqueue_dma source(%arg16 : memref<160x32xf32, #tpu.memory_space<vmem>>) target(%dma_start3A_481 : memref<160x32xf32, #tpu.memory_space<hbm>>) target_semaphore(%arg28 : memref<!tpu.dma_semaphore, #tpu.memory_space<semaphore_mem>>)
      %dma_start3A_482 = arith.constant 0 : i32
      %dma_start3A_483 = tpu.memref_slice %arg21[%add3A, %dma_start3A_482] : memref<10248x32xf32, #tpu.memory_space<vmem_shared>> -> memref<160x32xf32, #tpu.memory_space<vmem_shared>>
      %dma_start3A_484 = arith.constant 0 : i32
      %dma_start3A_485 = tpu.memref_slice %arg21[%add3A, %dma_start3A_484] : memref<10248x32xf32, #tpu.memory_space<vmem_shared>> -> memref<160x32xf32, #tpu.memory_space<vmem_shared>>
      tpu.enqueue_dma source(%arg13 : memref<160x32xf32, #tpu.memory_space<vmem>>) target(%dma_start3A_485 : memref<160x32xf32, #tpu.memory_space<vmem_shared>>) target_semaphore(%arg29 : memref<!tpu.dma_semaphore, #tpu.memory_space<semaphore_mem>>)
      %dma_start3A_486 = arith.constant 0 : i32
      %dma_start3A_487 = tpu.memref_slice %arg22[%add3A, %dma_start3A_486] : memref<10248x32xf32, #tpu.memory_space<vmem_shared>> -> memref<160x32xf32, #tpu.memory_space<vmem_shared>>
      %dma_start3A_488 = arith.constant 0 : i32
      %dma_start3A_489 = tpu.memref_slice %arg22[%add3A, %dma_start3A_488] : memref<10248x32xf32, #tpu.memory_space<vmem_shared>> -> memref<160x32xf32, #tpu.memory_space<vmem_shared>>
      tpu.enqueue_dma source(%arg17 : memref<160x32xf32, #tpu.memory_space<vmem>>) target(%dma_start3A_489 : memref<160x32xf32, #tpu.memory_space<vmem_shared>>) target_semaphore(%arg30 : memref<!tpu.dma_semaphore, #tpu.memory_space<semaphore_mem>>)
    }
    %scan3A_79 = arith.constant 4 : i32
    %dma_wait3A_80 = arith.constant 0 : i32
    %dma_wait3A_81 = arith.constant 0 : i32
    %dma_wait3A_82 = tpu.memref_slice %arg6[%arg0, %dma_wait3A_80, %dma_wait3A_81] : memref<2x10240x32xf32, #tpu.memory_space<hbm>> -> memref<1x160x32xf32, #tpu.memory_space<hbm>>
    %dma_wait3A_83 = tpu.memref_squeeze %dma_wait3A_82 : memref<1x160x32xf32, #tpu.memory_space<hbm>> -> memref<160x32xf32, #tpu.memory_space<hbm>>
    %dma_wait3A_84 = arith.constant 0 : i32
    %dma_wait3A_85 = arith.constant 0 : i32
    %dma_wait3A_86 = tpu.memref_slice %arg6[%arg0, %dma_wait3A_84, %dma_wait3A_85] : memref<2x10240x32xf32, #tpu.memory_space<hbm>> -> memref<1x160x32xf32, #tpu.memory_space<hbm>>
    %dma_wait3A_87 = tpu.memref_squeeze %dma_wait3A_86 : memref<1x160x32xf32, #tpu.memory_space<hbm>> -> memref<160x32xf32, #tpu.memory_space<hbm>>
    tpu.wait_dma2 semaphore(%arg28 : memref<!tpu.dma_semaphore, #tpu.memory_space<semaphore_mem>>) src(%arg16 : memref<160x32xf32, #tpu.memory_space<vmem>>) dst(%dma_wait3A_87 : memref<160x32xf32, #tpu.memory_space<hbm>>)
    %dma_wait3A_88 = arith.constant 0 : i32
    %dma_wait3A_89 = arith.constant 0 : i32
    %dma_wait3A_90 = tpu.memref_slice %arg21[%dma_wait3A_88, %dma_wait3A_89] : memref<10248x32xf32, #tpu.memory_space<vmem_shared>> -> memref<160x32xf32, #tpu.memory_space<vmem_shared>>
    %dma_wait3A_91 = arith.constant 0 : i32
    %dma_wait3A_92 = arith.constant 0 : i32
    %dma_wait3A_93 = tpu.memref_slice %arg21[%dma_wait3A_91, %dma_wait3A_92] : memref<10248x32xf32, #tpu.memory_space<vmem_shared>> -> memref<160x32xf32, #tpu.memory_space<vmem_shared>>
    tpu.wait_dma2 semaphore(%arg29 : memref<!tpu.dma_semaphore, #tpu.memory_space<semaphore_mem>>) src(%arg13 : memref<160x32xf32, #tpu.memory_space<vmem>>) dst(%dma_wait3A_93 : memref<160x32xf32, #tpu.memory_space<vmem_shared>>)
    %dma_wait3A_94 = arith.constant 0 : i32
    %dma_wait3A_95 = arith.constant 0 : i32
    %dma_wait3A_96 = tpu.memref_slice %arg22[%dma_wait3A_94, %dma_wait3A_95] : memref<10248x32xf32, #tpu.memory_space<vmem_shared>> -> memref<160x32xf32, #tpu.memory_space<vmem_shared>>
    %dma_wait3A_97 = arith.constant 0 : i32
    %dma_wait3A_98 = arith.constant 0 : i32
    %dma_wait3A_99 = tpu.memref_slice %arg22[%dma_wait3A_97, %dma_wait3A_98] : memref<10248x32xf32, #tpu.memory_space<vmem_shared>> -> memref<160x32xf32, #tpu.memory_space<vmem_shared>>
    tpu.wait_dma2 semaphore(%arg30 : memref<!tpu.dma_semaphore, #tpu.memory_space<semaphore_mem>>) src(%arg17 : memref<160x32xf32, #tpu.memory_space<vmem>>) dst(%dma_wait3A_99 : memref<160x32xf32, #tpu.memory_space<vmem_shared>>)
    %barrier3A_100 = arith.constant 0 : index
    tpu.barrier barrier_id(%barrier3A_100)
    %dma_start3A_101 = arith.constant 0 : i32
    %dma_start3A_102 = arith.constant 0 : i32
    %dma_start3A_103 = tpu.memref_slice %arg7[%dma_start3A_101, %dma_start3A_102] : memref<160x128xi32, #tpu.memory_space<vmem>> -> memref<1x128xi32, #tpu.memory_space<vmem>>
    %dma_start3A_104 = tpu.memref_squeeze %dma_start3A_103 : memref<1x128xi32, #tpu.memory_space<vmem>> -> memref<128xi32, #tpu.memory_space<vmem>>
    %dma_start3A_105 = arith.constant 0 : i32
    %dma_start3A_106 = arith.constant 0 : i32
    %dma_start3A_107 = tpu.memref_slice %arg21[%dma_start3A_105, %dma_start3A_106] : memref<10248x32xf32, #tpu.memory_space<vmem_shared>> -> memref<10248x32xf32, #tpu.memory_space<vmem_shared>>
    tpu.enqueue_indirect_dma source(%dma_start3A_107 : memref<10248x32xf32, #tpu.memory_space<vmem_shared>>) target(%arg9 : memref<128x32xf32, #tpu.memory_space<vmem>>) offsets(%dma_start3A_104 : memref<128xi32, #tpu.memory_space<vmem>>) semaphore(%arg24 : memref<!tpu.dma_semaphore, #tpu.memory_space<semaphore_mem>>)
    %dma_start3A_108 = arith.constant 1 : i32
    %dma_start3A_109 = arith.constant 0 : i32
    %dma_start3A_110 = tpu.memref_slice %arg7[%dma_start3A_108, %dma_start3A_109] : memref<160x128xi32, #tpu.memory_space<vmem>> -> memref<1x128xi32, #tpu.memory_space<vmem>>
    %dma_start3A_111 = tpu.memref_squeeze %dma_start3A_110 : memref<1x128xi32, #tpu.memory_space<vmem>> -> memref<128xi32, #tpu.memory_space<vmem>>
    %dma_start3A_112 = arith.constant 0 : i32
    %dma_start3A_113 = arith.constant 0 : i32
    %dma_start3A_114 = tpu.memref_slice %arg21[%dma_start3A_112, %dma_start3A_113] : memref<10248x32xf32, #tpu.memory_space<vmem_shared>> -> memref<10248x32xf32, #tpu.memory_space<vmem_shared>>
    tpu.enqueue_indirect_dma source(%dma_start3A_114 : memref<10248x32xf32, #tpu.memory_space<vmem_shared>>) target(%arg10 : memref<128x32xf32, #tpu.memory_space<vmem>>) offsets(%dma_start3A_111 : memref<128xi32, #tpu.memory_space<vmem>>) semaphore(%arg25 : memref<!tpu.dma_semaphore, #tpu.memory_space<semaphore_mem>>)
    %scan3A_115 = arith.constant 0 : i32
    %scan3A_116 = arith.constant 80 : i32
    %scan3A_117 = arith.addi %scan3A_115, %scan3A_116 : i32
    %scan3A_118 = arith.constant 1 : i32
    scf.for %scan3A_440 = %scan3A_115 to %scan3A_117 step %scan3A_118  : i32 {
      %mul3A_441 = arith.constant 2 : i32
      %mul3A_442 = arith.muli %mul3A_441, %scan3A_440 : i32
      %dma_wait3A_443 = arith.constant 0 : i32
      %dma_wait3A_444 = arith.constant 0 : i32
      %dma_wait3A_445 = tpu.memref_slice %arg7[%dma_wait3A_443, %dma_wait3A_444] : memref<160x128xi32, #tpu.memory_space<vmem>> -> memref<1x128xi32, #tpu.memory_space<vmem>>
      %dma_wait3A_446 = tpu.memref_squeeze %dma_wait3A_445 : memref<1x128xi32, #tpu.memory_space<vmem>> -> memref<128xi32, #tpu.memory_space<vmem>>
      %dma_wait3A_447 = arith.constant 0 : i32
      %dma_wait3A_448 = arith.constant 0 : i32
      %dma_wait3A_449 = tpu.memref_slice %arg21[%dma_wait3A_447, %dma_wait3A_448] : memref<10248x32xf32, #tpu.memory_space<vmem_shared>> -> memref<10248x32xf32, #tpu.memory_space<vmem_shared>>
      tpu.wait_indirect_dma semaphore(%arg24 : memref<!tpu.dma_semaphore, #tpu.memory_space<semaphore_mem>>) src(%dma_wait3A_449 : memref<10248x32xf32, #tpu.memory_space<vmem_shared>>) dst(%arg9 : memref<128x32xf32, #tpu.memory_space<vmem>>)
      %add3A = arith.constant 0 : i32
      %add3A_450 = arith.addi %mul3A_442, %add3A : i32
      %dma_start3A_451 = arith.constant 0 : i32
      %dma_start3A_452 = tpu.memref_slice %arg8[%add3A_450, %dma_start3A_451] : memref<160x128xi32, #tpu.memory_space<vmem>> -> memref<1x128xi32, #tpu.memory_space<vmem>>
      %dma_start3A_453 = tpu.memref_squeeze %dma_start3A_452 : memref<1x128xi32, #tpu.memory_space<vmem>> -> memref<128xi32, #tpu.memory_space<vmem>>
      %dma_start3A_454 = arith.constant 0 : i32
      %dma_start3A_455 = arith.constant 0 : i32
      %dma_start3A_456 = tpu.memref_slice %arg22[%dma_start3A_454, %dma_start3A_455] : memref<10248x32xf32, #tpu.memory_space<vmem_shared>> -> memref<10248x32xf32, #tpu.memory_space<vmem_shared>>
      tpu.enqueue_indirect_dma source(%arg9 : memref<128x32xf32, #tpu.memory_space<vmem>>) target(%dma_start3A_456 : memref<10248x32xf32, #tpu.memory_space<vmem_shared>>) offsets(%dma_start3A_453 : memref<128xi32, #tpu.memory_space<vmem>>) semaphore(%arg28 : memref<!tpu.dma_semaphore, #tpu.memory_space<semaphore_mem>>) {add = true}
      %dma_wait3A_457 = arith.constant 0 : i32
      %dma_wait3A_458 = arith.constant 0 : i32
      %dma_wait3A_459 = tpu.memref_slice %arg7[%dma_wait3A_457, %dma_wait3A_458] : memref<160x128xi32, #tpu.memory_space<vmem>> -> memref<1x128xi32, #tpu.memory_space<vmem>>
      %dma_wait3A_460 = tpu.memref_squeeze %dma_wait3A_459 : memref<1x128xi32, #tpu.memory_space<vmem>> -> memref<128xi32, #tpu.memory_space<vmem>>
      %dma_wait3A_461 = arith.constant 0 : i32
      %dma_wait3A_462 = arith.constant 0 : i32
      %dma_wait3A_463 = tpu.memref_slice %arg21[%dma_wait3A_461, %dma_wait3A_462] : memref<10248x32xf32, #tpu.memory_space<vmem_shared>> -> memref<10248x32xf32, #tpu.memory_space<vmem_shared>>
      tpu.wait_indirect_dma semaphore(%arg25 : memref<!tpu.dma_semaphore, #tpu.memory_space<semaphore_mem>>) src(%dma_wait3A_463 : memref<10248x32xf32, #tpu.memory_space<vmem_shared>>) dst(%arg10 : memref<128x32xf32, #tpu.memory_space<vmem>>)
      %add3A_464 = arith.constant 1 : i32
      %add3A_465 = arith.addi %mul3A_442, %add3A_464 : i32
      %dma_start3A_466 = arith.constant 0 : i32
      %dma_start3A_467 = tpu.memref_slice %arg8[%add3A_465, %dma_start3A_466] : memref<160x128xi32, #tpu.memory_space<vmem>> -> memref<1x128xi32, #tpu.memory_space<vmem>>
      %dma_start3A_468 = tpu.memref_squeeze %dma_start3A_467 : memref<1x128xi32, #tpu.memory_space<vmem>> -> memref<128xi32, #tpu.memory_space<vmem>>
      %dma_start3A_469 = arith.constant 0 : i32
      %dma_start3A_470 = arith.constant 0 : i32
      %dma_start3A_471 = tpu.memref_slice %arg22[%dma_start3A_469, %dma_start3A_470] : memref<10248x32xf32, #tpu.memory_space<vmem_shared>> -> memref<10248x32xf32, #tpu.memory_space<vmem_shared>>
      tpu.enqueue_indirect_dma source(%arg10 : memref<128x32xf32, #tpu.memory_space<vmem>>) target(%dma_start3A_471 : memref<10248x32xf32, #tpu.memory_space<vmem_shared>>) offsets(%dma_start3A_468 : memref<128xi32, #tpu.memory_space<vmem>>) semaphore(%arg29 : memref<!tpu.dma_semaphore, #tpu.memory_space<semaphore_mem>>) {add = true}
      %lt3A = arith.constant 79 : i32
      %lt3A_472 = arith.cmpi slt, %scan3A_440, %lt3A : i32
      %convert_element_type3A = arith.extui %lt3A_472 : i1 to i32
      %cond3A = arith.constant 0 : i32
      %cond3A_473 = arith.cmpi ne, %convert_element_type3A, %cond3A : i32
      scf.if %cond3A_473 {
        %dma_wait3A_474 = arith.constant 0 : i32
        %dma_wait3A_475 = arith.constant 0 : i32
        %dma_wait3A_476 = tpu.memref_slice %arg8[%dma_wait3A_474, %dma_wait3A_475] : memref<160x128xi32, #tpu.memory_space<vmem>> -> memref<1x128xi32, #tpu.memory_space<vmem>>
        %dma_wait3A_477 = tpu.memref_squeeze %dma_wait3A_476 : memref<1x128xi32, #tpu.memory_space<vmem>> -> memref<128xi32, #tpu.memory_space<vmem>>
        %dma_wait3A_478 = arith.constant 0 : i32
        %dma_wait3A_479 = arith.constant 0 : i32
        %dma_wait3A_480 = tpu.memref_slice %arg22[%dma_wait3A_478, %dma_wait3A_479] : memref<10248x32xf32, #tpu.memory_space<vmem_shared>> -> memref<10248x32xf32, #tpu.memory_space<vmem_shared>>
        tpu.wait_indirect_dma semaphore(%arg28 : memref<!tpu.dma_semaphore, #tpu.memory_space<semaphore_mem>>) src(%arg9 : memref<128x32xf32, #tpu.memory_space<vmem>>) dst(%dma_wait3A_480 : memref<10248x32xf32, #tpu.memory_space<vmem_shared>>)
        %add3A_481 = arith.constant 2 : i32
        %add3A_482 = arith.addi %mul3A_442, %add3A_481 : i32
        %add3A_483 = arith.constant 0 : i32
        %add3A_484 = arith.addi %add3A_482, %add3A_483 : i32
        %dma_start3A_485 = arith.constant 0 : i32
        %dma_start3A_486 = tpu.memref_slice %arg7[%add3A_484, %dma_start3A_485] : memref<160x128xi32, #tpu.memory_space<vmem>> -> memref<1x128xi32, #tpu.memory_space<vmem>>
        %dma_start3A_487 = tpu.memref_squeeze %dma_start3A_486 : memref<1x128xi32, #tpu.memory_space<vmem>> -> memref<128xi32, #tpu.memory_space<vmem>>
        %dma_start3A_488 = arith.constant 0 : i32
        %dma_start3A_489 = arith.constant 0 : i32
        %dma_start3A_490 = tpu.memref_slice %arg21[%dma_start3A_488, %dma_start3A_489] : memref<10248x32xf32, #tpu.memory_space<vmem_shared>> -> memref<10248x32xf32, #tpu.memory_space<vmem_shared>>
        tpu.enqueue_indirect_dma source(%dma_start3A_490 : memref<10248x32xf32, #tpu.memory_space<vmem_shared>>) target(%arg9 : memref<128x32xf32, #tpu.memory_space<vmem>>) offsets(%dma_start3A_487 : memref<128xi32, #tpu.memory_space<vmem>>) semaphore(%arg24 : memref<!tpu.dma_semaphore, #tpu.memory_space<semaphore_mem>>)
        %dma_wait3A_491 = arith.constant 0 : i32
        %dma_wait3A_492 = arith.constant 0 : i32
        %dma_wait3A_493 = tpu.memref_slice %arg8[%dma_wait3A_491, %dma_wait3A_492] : memref<160x128xi32, #tpu.memory_space<vmem>> -> memref<1x128xi32, #tpu.memory_space<vmem>>
        %dma_wait3A_494 = tpu.memref_squeeze %dma_wait3A_493 : memref<1x128xi32, #tpu.memory_space<vmem>> -> memref<128xi32, #tpu.memory_space<vmem>>
        %dma_wait3A_495 = arith.constant 0 : i32
        %dma_wait3A_496 = arith.constant 0 : i32
        %dma_wait3A_497 = tpu.memref_slice %arg22[%dma_wait3A_495, %dma_wait3A_496] : memref<10248x32xf32, #tpu.memory_space<vmem_shared>> -> memref<10248x32xf32, #tpu.memory_space<vmem_shared>>
        tpu.wait_indirect_dma semaphore(%arg29 : memref<!tpu.dma_semaphore, #tpu.memory_space<semaphore_mem>>) src(%arg10 : memref<128x32xf32, #tpu.memory_space<vmem>>) dst(%dma_wait3A_497 : memref<10248x32xf32, #tpu.memory_space<vmem_shared>>)
        %add3A_498 = arith.constant 2 : i32
        %add3A_499 = arith.addi %mul3A_442, %add3A_498 : i32
        %add3A_500 = arith.constant 1 : i32
        %add3A_501 = arith.addi %add3A_499, %add3A_500 : i32
        %dma_start3A_502 = arith.constant 0 : i32
        %dma_start3A_503 = tpu.memref_slice %arg7[%add3A_501, %dma_start3A_502] : memref<160x128xi32, #tpu.memory_space<vmem>> -> memref<1x128xi32, #tpu.memory_space<vmem>>
        %dma_start3A_504 = tpu.memref_squeeze %dma_start3A_503 : memref<1x128xi32, #tpu.memory_space<vmem>> -> memref<128xi32, #tpu.memory_space<vmem>>
        %dma_start3A_505 = arith.constant 0 : i32
        %dma_start3A_506 = arith.constant 0 : i32
        %dma_start3A_507 = tpu.memref_slice %arg21[%dma_start3A_505, %dma_start3A_506] : memref<10248x32xf32, #tpu.memory_space<vmem_shared>> -> memref<10248x32xf32, #tpu.memory_space<vmem_shared>>
        tpu.enqueue_indirect_dma source(%dma_start3A_507 : memref<10248x32xf32, #tpu.memory_space<vmem_shared>>) target(%arg10 : memref<128x32xf32, #tpu.memory_space<vmem>>) offsets(%dma_start3A_504 : memref<128xi32, #tpu.memory_space<vmem>>) semaphore(%arg25 : memref<!tpu.dma_semaphore, #tpu.memory_space<semaphore_mem>>)
      } else {
      }
    }
    %scan3A_119 = arith.constant 80 : i32
    %dma_wait3A_120 = arith.constant 0 : i32
    %dma_wait3A_121 = arith.constant 0 : i32
    %dma_wait3A_122 = tpu.memref_slice %arg8[%dma_wait3A_120, %dma_wait3A_121] : memref<160x128xi32, #tpu.memory_space<vmem>> -> memref<1x128xi32, #tpu.memory_space<vmem>>
    %dma_wait3A_123 = tpu.memref_squeeze %dma_wait3A_122 : memref<1x128xi32, #tpu.memory_space<vmem>> -> memref<128xi32, #tpu.memory_space<vmem>>
    %dma_wait3A_124 = arith.constant 0 : i32
    %dma_wait3A_125 = arith.constant 0 : i32
    %dma_wait3A_126 = tpu.memref_slice %arg22[%dma_wait3A_124, %dma_wait3A_125] : memref<10248x32xf32, #tpu.memory_space<vmem_shared>> -> memref<10248x32xf32, #tpu.memory_space<vmem_shared>>
    tpu.wait_indirect_dma semaphore(%arg28 : memref<!tpu.dma_semaphore, #tpu.memory_space<semaphore_mem>>) src(%arg9 : memref<128x32xf32, #tpu.memory_space<vmem>>) dst(%dma_wait3A_126 : memref<10248x32xf32, #tpu.memory_space<vmem_shared>>)
    %dma_wait3A_127 = arith.constant 0 : i32
    %dma_wait3A_128 = arith.constant 0 : i32
    %dma_wait3A_129 = tpu.memref_slice %arg8[%dma_wait3A_127, %dma_wait3A_128] : memref<160x128xi32, #tpu.memory_space<vmem>> -> memref<1x128xi32, #tpu.memory_space<vmem>>
    %dma_wait3A_130 = tpu.memref_squeeze %dma_wait3A_129 : memref<1x128xi32, #tpu.memory_space<vmem>> -> memref<128xi32, #tpu.memory_space<vmem>>
    %dma_wait3A_131 = arith.constant 0 : i32
    %dma_wait3A_132 = arith.constant 0 : i32
    %dma_wait3A_133 = tpu.memref_slice %arg22[%dma_wait3A_131, %dma_wait3A_132] : memref<10248x32xf32, #tpu.memory_space<vmem_shared>> -> memref<10248x32xf32, #tpu.memory_space<vmem_shared>>
    tpu.wait_indirect_dma semaphore(%arg29 : memref<!tpu.dma_semaphore, #tpu.memory_space<semaphore_mem>>) src(%arg10 : memref<128x32xf32, #tpu.memory_space<vmem>>) dst(%dma_wait3A_133 : memref<10248x32xf32, #tpu.memory_space<vmem_shared>>)
    %barrier3A_134 = arith.constant 0 : index
    tpu.barrier barrier_id(%barrier3A_134)
    %scan3A_135 = arith.constant 0 : i32
    %scan3A_136 = arith.constant 4 : i32
    %scan3A_137 = arith.addi %scan3A_135, %scan3A_136 : i32
    %scan3A_138 = arith.constant 1 : i32
    scf.for %scan3A_440 = %scan3A_135 to %scan3A_137 step %scan3A_138  : i32 {
      %mul3A_441 = arith.constant 160 : i32
      %mul3A_442 = arith.muli %scan3A_440, %mul3A_441 : i32
      %add3A = arith.addi %mul3A_0, %mul3A_442 : i32
      %gt3A = arith.constant 0 : i32
      %gt3A_443 = arith.cmpi sgt, %scan3A_440, %gt3A : i32
      %convert_element_type3A = arith.extui %gt3A_443 : i1 to i32
      %cond3A = arith.constant 0 : i32
      %cond3A_444 = arith.cmpi ne, %convert_element_type3A, %cond3A : i32
      scf.if %cond3A_444 {
        %dma_wait3A_504 = arith.constant 0 : i32
        %dma_wait3A_505 = arith.constant 0 : i32
        %dma_wait3A_506 = tpu.memref_slice %arg5[%arg0, %dma_wait3A_504, %dma_wait3A_505] : memref<2x10240x32xf32, #tpu.memory_space<hbm>> -> memref<1x160x32xf32, #tpu.memory_space<hbm>>
        %dma_wait3A_507 = tpu.memref_squeeze %dma_wait3A_506 : memref<1x160x32xf32, #tpu.memory_space<hbm>> -> memref<160x32xf32, #tpu.memory_space<hbm>>
        %dma_wait3A_508 = arith.constant 0 : i32
        %dma_wait3A_509 = arith.constant 0 : i32
        %dma_wait3A_510 = tpu.memref_slice %arg5[%arg0, %dma_wait3A_508, %dma_wait3A_509] : memref<2x10240x32xf32, #tpu.memory_space<hbm>> -> memref<1x160x32xf32, #tpu.memory_space<hbm>>
        %dma_wait3A_511 = tpu.memref_squeeze %dma_wait3A_510 : memref<1x160x32xf32, #tpu.memory_space<hbm>> -> memref<160x32xf32, #tpu.memory_space<hbm>>
        tpu.wait_dma2 semaphore(%arg28 : memref<!tpu.dma_semaphore, #tpu.memory_space<semaphore_mem>>) src(%arg16 : memref<160x32xf32, #tpu.memory_space<vmem>>) dst(%dma_wait3A_511 : memref<160x32xf32, #tpu.memory_space<hbm>>)
        %dma_wait3A_512 = arith.constant 0 : i32
        %dma_wait3A_513 = arith.constant 0 : i32
        %dma_wait3A_514 = tpu.memref_slice %arg21[%dma_wait3A_512, %dma_wait3A_513] : memref<10248x32xf32, #tpu.memory_space<vmem_shared>> -> memref<160x32xf32, #tpu.memory_space<vmem_shared>>
        %dma_wait3A_515 = arith.constant 0 : i32
        %dma_wait3A_516 = arith.constant 0 : i32
        %dma_wait3A_517 = tpu.memref_slice %arg21[%dma_wait3A_515, %dma_wait3A_516] : memref<10248x32xf32, #tpu.memory_space<vmem_shared>> -> memref<160x32xf32, #tpu.memory_space<vmem_shared>>
        tpu.wait_dma2 semaphore(%arg29 : memref<!tpu.dma_semaphore, #tpu.memory_space<semaphore_mem>>) src(%arg13 : memref<160x32xf32, #tpu.memory_space<vmem>>) dst(%dma_wait3A_517 : memref<160x32xf32, #tpu.memory_space<vmem_shared>>)
        %dma_wait3A_518 = arith.constant 0 : i32
        %dma_wait3A_519 = arith.constant 0 : i32
        %dma_wait3A_520 = tpu.memref_slice %arg22[%dma_wait3A_518, %dma_wait3A_519] : memref<10248x32xf32, #tpu.memory_space<vmem_shared>> -> memref<160x32xf32, #tpu.memory_space<vmem_shared>>
        %dma_wait3A_521 = arith.constant 0 : i32
        %dma_wait3A_522 = arith.constant 0 : i32
        %dma_wait3A_523 = tpu.memref_slice %arg22[%dma_wait3A_521, %dma_wait3A_522] : memref<10248x32xf32, #tpu.memory_space<vmem_shared>> -> memref<160x32xf32, #tpu.memory_space<vmem_shared>>
        tpu.wait_dma2 semaphore(%arg30 : memref<!tpu.dma_semaphore, #tpu.memory_space<semaphore_mem>>) src(%arg17 : memref<160x32xf32, #tpu.memory_space<vmem>>) dst(%dma_wait3A_523 : memref<160x32xf32, #tpu.memory_space<vmem_shared>>)
      } else {
      }
      %dma_start3A_445 = arith.constant 0 : i32
      %dma_start3A_446 = tpu.memref_slice %arg22[%add3A, %dma_start3A_445] : memref<10248x32xf32, #tpu.memory_space<vmem_shared>> -> memref<160x32xf32, #tpu.memory_space<vmem_shared>>
      %dma_start3A_447 = arith.constant 0 : i32
      %dma_start3A_448 = tpu.memref_slice %arg22[%add3A, %dma_start3A_447] : memref<10248x32xf32, #tpu.memory_space<vmem_shared>> -> memref<160x32xf32, #tpu.memory_space<vmem_shared>>
      tpu.enqueue_dma source(%dma_start3A_448 : memref<160x32xf32, #tpu.memory_space<vmem_shared>>) target(%arg13 : memref<160x32xf32, #tpu.memory_space<vmem>>) target_semaphore(%arg24 : memref<!tpu.dma_semaphore, #tpu.memory_space<semaphore_mem>>)
      %dma_start3A_449 = arith.constant 0 : i32
      %dma_start3A_450 = tpu.memref_slice %arg5[%arg0, %add3A, %dma_start3A_449] : memref<2x10240x32xf32, #tpu.memory_space<hbm>> -> memref<1x160x32xf32, #tpu.memory_space<hbm>>
      %dma_start3A_451 = tpu.memref_squeeze %dma_start3A_450 : memref<1x160x32xf32, #tpu.memory_space<hbm>> -> memref<160x32xf32, #tpu.memory_space<hbm>>
      %dma_start3A_452 = arith.constant 0 : i32
      %dma_start3A_453 = tpu.memref_slice %arg5[%arg0, %add3A, %dma_start3A_452] : memref<2x10240x32xf32, #tpu.memory_space<hbm>> -> memref<1x160x32xf32, #tpu.memory_space<hbm>>
      %dma_start3A_454 = tpu.memref_squeeze %dma_start3A_453 : memref<1x160x32xf32, #tpu.memory_space<hbm>> -> memref<160x32xf32, #tpu.memory_space<hbm>>
      tpu.enqueue_dma source(%dma_start3A_454 : memref<160x32xf32, #tpu.memory_space<hbm>>) target(%arg14 : memref<160x32xf32, #tpu.memory_space<vmem>>) target_semaphore(%arg25 : memref<!tpu.dma_semaphore, #tpu.memory_space<semaphore_mem>>)
      %dma_start3A_455 = arith.constant 5 : i32
      %dma_start3A_456 = arith.constant 0 : i32
      %dma_start3A_457 = tpu.memref_slice %arg3[%dma_start3A_455, %arg0, %add3A, %dma_start3A_456] : memref<8x2x10240x32xf32, #tpu.memory_space<hbm>> -> memref<1x1x160x32xf32, #tpu.memory_space<hbm>>
      %dma_start3A_458 = tpu.memref_squeeze %dma_start3A_457 : memref<1x1x160x32xf32, #tpu.memory_space<hbm>> -> memref<160x32xf32, #tpu.memory_space<hbm>>
      %dma_start3A_459 = arith.constant 0 : i32
      %dma_start3A_460 = tpu.memref_slice %arg3[%dma_start3A_455, %arg0, %add3A, %dma_start3A_459] : memref<8x2x10240x32xf32, #tpu.memory_space<hbm>> -> memref<1x1x160x32xf32, #tpu.memory_space<hbm>>
      %dma_start3A_461 = tpu.memref_squeeze %dma_start3A_460 : memref<1x1x160x32xf32, #tpu.memory_space<hbm>> -> memref<160x32xf32, #tpu.memory_space<hbm>>
      tpu.enqueue_dma source(%dma_start3A_461 : memref<160x32xf32, #tpu.memory_space<hbm>>) target(%arg15 : memref<160x32xf32, #tpu.memory_space<vmem>>) target_semaphore(%arg26 : memref<!tpu.dma_semaphore, #tpu.memory_space<semaphore_mem>>)
      %dma_wait3A_462 = arith.constant 0 : i32
      %dma_wait3A_463 = arith.constant 0 : i32
      %dma_wait3A_464 = tpu.memref_slice %arg22[%dma_wait3A_462, %dma_wait3A_463] : memref<10248x32xf32, #tpu.memory_space<vmem_shared>> -> memref<160x32xf32, #tpu.memory_space<vmem_shared>>
      %dma_wait3A_465 = arith.constant 0 : i32
      %dma_wait3A_466 = arith.constant 0 : i32
      %dma_wait3A_467 = tpu.memref_slice %arg22[%dma_wait3A_465, %dma_wait3A_466] : memref<10248x32xf32, #tpu.memory_space<vmem_shared>> -> memref<160x32xf32, #tpu.memory_space<vmem_shared>>
      tpu.wait_dma2 semaphore(%arg24 : memref<!tpu.dma_semaphore, #tpu.memory_space<semaphore_mem>>) src(%dma_wait3A_467 : memref<160x32xf32, #tpu.memory_space<vmem_shared>>) dst(%arg13 : memref<160x32xf32, #tpu.memory_space<vmem>>)
      %dma_wait3A_468 = arith.constant 0 : i32
      %dma_wait3A_469 = arith.constant 0 : i32
      %dma_wait3A_470 = tpu.memref_slice %arg5[%arg0, %dma_wait3A_468, %dma_wait3A_469] : memref<2x10240x32xf32, #tpu.memory_space<hbm>> -> memref<1x160x32xf32, #tpu.memory_space<hbm>>
      %dma_wait3A_471 = tpu.memref_squeeze %dma_wait3A_470 : memref<1x160x32xf32, #tpu.memory_space<hbm>> -> memref<160x32xf32, #tpu.memory_space<hbm>>
      %dma_wait3A_472 = arith.constant 0 : i32
      %dma_wait3A_473 = arith.constant 0 : i32
      %dma_wait3A_474 = tpu.memref_slice %arg5[%arg0, %dma_wait3A_472, %dma_wait3A_473] : memref<2x10240x32xf32, #tpu.memory_space<hbm>> -> memref<1x160x32xf32, #tpu.memory_space<hbm>>
      %dma_wait3A_475 = tpu.memref_squeeze %dma_wait3A_474 : memref<1x160x32xf32, #tpu.memory_space<hbm>> -> memref<160x32xf32, #tpu.memory_space<hbm>>
      tpu.wait_dma2 semaphore(%arg25 : memref<!tpu.dma_semaphore, #tpu.memory_space<semaphore_mem>>) src(%dma_wait3A_475 : memref<160x32xf32, #tpu.memory_space<hbm>>) dst(%arg14 : memref<160x32xf32, #tpu.memory_space<vmem>>)
      %dma_wait3A_476 = arith.constant 5 : i32
      %dma_wait3A_477 = arith.constant 0 : i32
      %dma_wait3A_478 = arith.constant 0 : i32
      %dma_wait3A_479 = tpu.memref_slice %arg3[%dma_wait3A_476, %arg0, %dma_wait3A_477, %dma_wait3A_478] : memref<8x2x10240x32xf32, #tpu.memory_space<hbm>> -> memref<1x1x160x32xf32, #tpu.memory_space<hbm>>
      %dma_wait3A_480 = tpu.memref_squeeze %dma_wait3A_479 : memref<1x1x160x32xf32, #tpu.memory_space<hbm>> -> memref<160x32xf32, #tpu.memory_space<hbm>>
      %dma_wait3A_481 = arith.constant 0 : i32
      %dma_wait3A_482 = arith.constant 0 : i32
      %dma_wait3A_483 = tpu.memref_slice %arg3[%dma_wait3A_476, %arg0, %dma_wait3A_481, %dma_wait3A_482] : memref<8x2x10240x32xf32, #tpu.memory_space<hbm>> -> memref<1x1x160x32xf32, #tpu.memory_space<hbm>>
      %dma_wait3A_484 = tpu.memref_squeeze %dma_wait3A_483 : memref<1x1x160x32xf32, #tpu.memory_space<hbm>> -> memref<160x32xf32, #tpu.memory_space<hbm>>
      tpu.wait_dma2 semaphore(%arg26 : memref<!tpu.dma_semaphore, #tpu.memory_space<semaphore_mem>>) src(%dma_wait3A_484 : memref<160x32xf32, #tpu.memory_space<hbm>>) dst(%arg15 : memref<160x32xf32, #tpu.memory_space<vmem>>)
      %scan3A_485 = arith.constant 0 : i32
      %scan3A_486 = arith.constant 160 : i32
      %scan3A_487 = arith.addi %scan3A_485, %scan3A_486 : i32
      %scan3A_488 = arith.constant 1 : i32
      scf.for %scan3A_504 = %scan3A_485 to %scan3A_487 step %scan3A_488  : i32 {
        %mul3A_505 = arith.constant 160 : i32
        %mul3A_506 = arith.muli %scan3A_440, %mul3A_505 : i32
        %add3A_507 = arith.addi %mul3A_506, %scan3A_504 : i32
        %broadcast_in_dim3A = vector.broadcast %add3A_507 : i32 to vector<16xi32>
        %gather3A = tpu.vector_load_idx %arg20[%broadcast_in_dim3A] : memref<640xf32, #tpu.memory_space<vmem>>[vector<16xi32>], vector<16xf32>,
        %get3A = arith.index_cast %scan3A_504 : i32 to index
        %get3A_508 = arith.constant 0 : index
        %get3A_509 = tpu.vector_load %arg15[%get3A, %get3A_508] {strides = array<i32>} : memref<160x32xf32, #tpu.memory_space<vmem>>, vector<16xf32>,
        %mul3A_510 = arith.constant 2.000000e+00 : f32
        %mul3A_511 = vector.broadcast %mul3A_510 : f32 to vector<16xf32>
        %mul3A_512 = arith.mulf %mul3A_511, %gather3A : vector<16xf32>
        %get3A_513 = arith.index_cast %scan3A_504 : i32 to index
        %get3A_514 = arith.constant 0 : index
        %get3A_515 = tpu.vector_load %arg13[%get3A_513, %get3A_514] {strides = array<i32>} : memref<160x32xf32, #tpu.memory_space<vmem>>, vector<16xf32>,
        %mul3A_516 = arith.mulf %mul3A_512, %get3A_515 : vector<16xf32>
        %sub3A = arith.subf %get3A_509, %mul3A_516 : vector<16xf32>
        %get3A_517 = arith.index_cast %scan3A_504 : i32 to index
        %get3A_518 = arith.constant 0 : index
        %get3A_519 = tpu.vector_load %arg14[%get3A_517, %get3A_518] {strides = array<i32>} : memref<160x32xf32, #tpu.memory_space<vmem>>, vector<16xf32>,
        %sub3A_520 = arith.subf %sub3A, %get3A_519 : vector<16xf32>
        %swap3A = arith.index_cast %scan3A_504 : i32 to index
        %swap3A_521 = arith.constant 0 : index
        %swap3A_522 = tpu.vector_load %arg16[%swap3A, %swap3A_521] {strides = array<i32>} : memref<160x32xf32, #tpu.memory_space<vmem>>, vector<16xf32>,
        tpu.vector_store %arg16[%swap3A, %swap3A_521], %sub3A_520 {strides = array<i32>} : memref<160x32xf32, #tpu.memory_space<vmem>>, vector<16xf32>,
        %mul3A_523 = arith.mulf %gather3A, %sub3A_520 : vector<16xf32>
        %swap3A_524 = arith.index_cast %scan3A_504 : i32 to index
        %swap3A_525 = arith.constant 0 : index
        %swap3A_526 = tpu.vector_load %arg13[%swap3A_524, %swap3A_525] {strides = array<i32>} : memref<160x32xf32, #tpu.memory_space<vmem>>, vector<16xf32>,
        tpu.vector_store %arg13[%swap3A_524, %swap3A_525], %mul3A_523 {strides = array<i32>} : memref<160x32xf32, #tpu.memory_space<vmem>>, vector<16xf32>,
        %get3A_527 = arith.index_cast %scan3A_504 : i32 to index
        %get3A_528 = arith.constant 16 : index
        %get3A_529 = tpu.vector_load %arg15[%get3A_527, %get3A_528] {strides = array<i32>} : memref<160x32xf32, #tpu.memory_space<vmem>>, vector<16xf32>,
        %mul3A_530 = arith.constant 2.000000e+00 : f32
        %mul3A_531 = vector.broadcast %mul3A_530 : f32 to vector<16xf32>
        %mul3A_532 = arith.mulf %mul3A_531, %gather3A : vector<16xf32>
        %get3A_533 = arith.index_cast %scan3A_504 : i32 to index
        %get3A_534 = arith.constant 16 : index
        %get3A_535 = tpu.vector_load %arg13[%get3A_533, %get3A_534] {strides = array<i32>} : memref<160x32xf32, #tpu.memory_space<vmem>>, vector<16xf32>,
        %mul3A_536 = arith.mulf %mul3A_532, %get3A_535 : vector<16xf32>
        %sub3A_537 = arith.subf %get3A_529, %mul3A_536 : vector<16xf32>
        %get3A_538 = arith.index_cast %scan3A_504 : i32 to index
        %get3A_539 = arith.constant 16 : index
        %get3A_540 = tpu.vector_load %arg14[%get3A_538, %get3A_539] {strides = array<i32>} : memref<160x32xf32, #tpu.memory_space<vmem>>, vector<16xf32>,
        %sub3A_541 = arith.subf %sub3A_537, %get3A_540 : vector<16xf32>
        %swap3A_542 = arith.index_cast %scan3A_504 : i32 to index
        %swap3A_543 = arith.constant 16 : index
        %swap3A_544 = tpu.vector_load %arg16[%swap3A_542, %swap3A_543] {strides = array<i32>} : memref<160x32xf32, #tpu.memory_space<vmem>>, vector<16xf32>,
        tpu.vector_store %arg16[%swap3A_542, %swap3A_543], %sub3A_541 {strides = array<i32>} : memref<160x32xf32, #tpu.memory_space<vmem>>, vector<16xf32>,
        %mul3A_545 = arith.mulf %gather3A, %sub3A_541 : vector<16xf32>
        %swap3A_546 = arith.index_cast %scan3A_504 : i32 to index
        %swap3A_547 = arith.constant 16 : index
        %swap3A_548 = tpu.vector_load %arg13[%swap3A_546, %swap3A_547] {strides = array<i32>} : memref<160x32xf32, #tpu.memory_space<vmem>>, vector<16xf32>,
        tpu.vector_store %arg13[%swap3A_546, %swap3A_547], %mul3A_545 {strides = array<i32>} : memref<160x32xf32, #tpu.memory_space<vmem>>, vector<16xf32>,
      }
      %scan3A_489 = arith.constant 160 : i32
      %dma_start3A_490 = arith.constant 0 : i32
      %dma_start3A_491 = tpu.memref_slice %arg5[%arg0, %add3A, %dma_start3A_490] : memref<2x10240x32xf32, #tpu.memory_space<hbm>> -> memref<1x160x32xf32, #tpu.memory_space<hbm>>
      %dma_start3A_492 = tpu.memref_squeeze %dma_start3A_491 : memref<1x160x32xf32, #tpu.memory_space<hbm>> -> memref<160x32xf32, #tpu.memory_space<hbm>>
      %dma_start3A_493 = arith.constant 0 : i32
      %dma_start3A_494 = tpu.memref_slice %arg5[%arg0, %add3A, %dma_start3A_493] : memref<2x10240x32xf32, #tpu.memory_space<hbm>> -> memref<1x160x32xf32, #tpu.memory_space<hbm>>
      %dma_start3A_495 = tpu.memref_squeeze %dma_start3A_494 : memref<1x160x32xf32, #tpu.memory_space<hbm>> -> memref<160x32xf32, #tpu.memory_space<hbm>>
      tpu.enqueue_dma source(%arg16 : memref<160x32xf32, #tpu.memory_space<vmem>>) target(%dma_start3A_495 : memref<160x32xf32, #tpu.memory_space<hbm>>) target_semaphore(%arg28 : memref<!tpu.dma_semaphore, #tpu.memory_space<semaphore_mem>>)
      %dma_start3A_496 = arith.constant 0 : i32
      %dma_start3A_497 = tpu.memref_slice %arg21[%add3A, %dma_start3A_496] : memref<10248x32xf32, #tpu.memory_space<vmem_shared>> -> memref<160x32xf32, #tpu.memory_space<vmem_shared>>
      %dma_start3A_498 = arith.constant 0 : i32
      %dma_start3A_499 = tpu.memref_slice %arg21[%add3A, %dma_start3A_498] : memref<10248x32xf32, #tpu.memory_space<vmem_shared>> -> memref<160x32xf32, #tpu.memory_space<vmem_shared>>
      tpu.enqueue_dma source(%arg13 : memref<160x32xf32, #tpu.memory_space<vmem>>) target(%dma_start3A_499 : memref<160x32xf32, #tpu.memory_space<vmem_shared>>) target_semaphore(%arg29 : memref<!tpu.dma_semaphore, #tpu.memory_space<semaphore_mem>>)
      %dma_start3A_500 = arith.constant 0 : i32
      %dma_start3A_501 = tpu.memref_slice %arg22[%add3A, %dma_start3A_500] : memref<10248x32xf32, #tpu.memory_space<vmem_shared>> -> memref<160x32xf32, #tpu.memory_space<vmem_shared>>
      %dma_start3A_502 = arith.constant 0 : i32
      %dma_start3A_503 = tpu.memref_slice %arg22[%add3A, %dma_start3A_502] : memref<10248x32xf32, #tpu.memory_space<vmem_shared>> -> memref<160x32xf32, #tpu.memory_space<vmem_shared>>
      tpu.enqueue_dma source(%arg17 : memref<160x32xf32, #tpu.memory_space<vmem>>) target(%dma_start3A_503 : memref<160x32xf32, #tpu.memory_space<vmem_shared>>) target_semaphore(%arg30 : memref<!tpu.dma_semaphore, #tpu.memory_space<semaphore_mem>>)
    }
    %scan3A_139 = arith.constant 4 : i32
    %dma_wait3A_140 = arith.constant 0 : i32
    %dma_wait3A_141 = arith.constant 0 : i32
    %dma_wait3A_142 = tpu.memref_slice %arg5[%arg0, %dma_wait3A_140, %dma_wait3A_141] : memref<2x10240x32xf32, #tpu.memory_space<hbm>> -> memref<1x160x32xf32, #tpu.memory_space<hbm>>
    %dma_wait3A_143 = tpu.memref_squeeze %dma_wait3A_142 : memref<1x160x32xf32, #tpu.memory_space<hbm>> -> memref<160x32xf32, #tpu.memory_space<hbm>>
    %dma_wait3A_144 = arith.constant 0 : i32
    %dma_wait3A_145 = arith.constant 0 : i32
    %dma_wait3A_146 = tpu.memref_slice %arg5[%arg0, %dma_wait3A_144, %dma_wait3A_145] : memref<2x10240x32xf32, #tpu.memory_space<hbm>> -> memref<1x160x32xf32, #tpu.memory_space<hbm>>
    %dma_wait3A_147 = tpu.memref_squeeze %dma_wait3A_146 : memref<1x160x32xf32, #tpu.memory_space<hbm>> -> memref<160x32xf32, #tpu.memory_space<hbm>>
    tpu.wait_dma2 semaphore(%arg28 : memref<!tpu.dma_semaphore, #tpu.memory_space<semaphore_mem>>) src(%arg16 : memref<160x32xf32, #tpu.memory_space<vmem>>) dst(%dma_wait3A_147 : memref<160x32xf32, #tpu.memory_space<hbm>>)
    %dma_wait3A_148 = arith.constant 0 : i32
    %dma_wait3A_149 = arith.constant 0 : i32
    %dma_wait3A_150 = tpu.memref_slice %arg21[%dma_wait3A_148, %dma_wait3A_149] : memref<10248x32xf32, #tpu.memory_space<vmem_shared>> -> memref<160x32xf32, #tpu.memory_space<vmem_shared>>
    %dma_wait3A_151 = arith.constant 0 : i32
    %dma_wait3A_152 = arith.constant 0 : i32
    %dma_wait3A_153 = tpu.memref_slice %arg21[%dma_wait3A_151, %dma_wait3A_152] : memref<10248x32xf32, #tpu.memory_space<vmem_shared>> -> memref<160x32xf32, #tpu.memory_space<vmem_shared>>
    tpu.wait_dma2 semaphore(%arg29 : memref<!tpu.dma_semaphore, #tpu.memory_space<semaphore_mem>>) src(%arg13 : memref<160x32xf32, #tpu.memory_space<vmem>>) dst(%dma_wait3A_153 : memref<160x32xf32, #tpu.memory_space<vmem_shared>>)
    %dma_wait3A_154 = arith.constant 0 : i32
    %dma_wait3A_155 = arith.constant 0 : i32
    %dma_wait3A_156 = tpu.memref_slice %arg22[%dma_wait3A_154, %dma_wait3A_155] : memref<10248x32xf32, #tpu.memory_space<vmem_shared>> -> memref<160x32xf32, #tpu.memory_space<vmem_shared>>
    %dma_wait3A_157 = arith.constant 0 : i32
    %dma_wait3A_158 = arith.constant 0 : i32
    %dma_wait3A_159 = tpu.memref_slice %arg22[%dma_wait3A_157, %dma_wait3A_158] : memref<10248x32xf32, #tpu.memory_space<vmem_shared>> -> memref<160x32xf32, #tpu.memory_space<vmem_shared>>
    tpu.wait_dma2 semaphore(%arg30 : memref<!tpu.dma_semaphore, #tpu.memory_space<semaphore_mem>>) src(%arg17 : memref<160x32xf32, #tpu.memory_space<vmem>>) dst(%dma_wait3A_159 : memref<160x32xf32, #tpu.memory_space<vmem_shared>>)
    %barrier3A_160 = arith.constant 0 : index
    tpu.barrier barrier_id(%barrier3A_160)
    %dma_start3A_161 = arith.constant 0 : i32
    %dma_start3A_162 = arith.constant 0 : i32
    %dma_start3A_163 = tpu.memref_slice %arg7[%dma_start3A_161, %dma_start3A_162] : memref<160x128xi32, #tpu.memory_space<vmem>> -> memref<1x128xi32, #tpu.memory_space<vmem>>
    %dma_start3A_164 = tpu.memref_squeeze %dma_start3A_163 : memref<1x128xi32, #tpu.memory_space<vmem>> -> memref<128xi32, #tpu.memory_space<vmem>>
    %dma_start3A_165 = arith.constant 0 : i32
    %dma_start3A_166 = arith.constant 0 : i32
    %dma_start3A_167 = tpu.memref_slice %arg21[%dma_start3A_165, %dma_start3A_166] : memref<10248x32xf32, #tpu.memory_space<vmem_shared>> -> memref<10248x32xf32, #tpu.memory_space<vmem_shared>>
    tpu.enqueue_indirect_dma source(%dma_start3A_167 : memref<10248x32xf32, #tpu.memory_space<vmem_shared>>) target(%arg9 : memref<128x32xf32, #tpu.memory_space<vmem>>) offsets(%dma_start3A_164 : memref<128xi32, #tpu.memory_space<vmem>>) semaphore(%arg24 : memref<!tpu.dma_semaphore, #tpu.memory_space<semaphore_mem>>)
    %dma_start3A_168 = arith.constant 1 : i32
    %dma_start3A_169 = arith.constant 0 : i32
    %dma_start3A_170 = tpu.memref_slice %arg7[%dma_start3A_168, %dma_start3A_169] : memref<160x128xi32, #tpu.memory_space<vmem>> -> memref<1x128xi32, #tpu.memory_space<vmem>>
    %dma_start3A_171 = tpu.memref_squeeze %dma_start3A_170 : memref<1x128xi32, #tpu.memory_space<vmem>> -> memref<128xi32, #tpu.memory_space<vmem>>
    %dma_start3A_172 = arith.constant 0 : i32
    %dma_start3A_173 = arith.constant 0 : i32
    %dma_start3A_174 = tpu.memref_slice %arg21[%dma_start3A_172, %dma_start3A_173] : memref<10248x32xf32, #tpu.memory_space<vmem_shared>> -> memref<10248x32xf32, #tpu.memory_space<vmem_shared>>
    tpu.enqueue_indirect_dma source(%dma_start3A_174 : memref<10248x32xf32, #tpu.memory_space<vmem_shared>>) target(%arg10 : memref<128x32xf32, #tpu.memory_space<vmem>>) offsets(%dma_start3A_171 : memref<128xi32, #tpu.memory_space<vmem>>) semaphore(%arg25 : memref<!tpu.dma_semaphore, #tpu.memory_space<semaphore_mem>>)
    %scan3A_175 = arith.constant 0 : i32
    %scan3A_176 = arith.constant 80 : i32
    %scan3A_177 = arith.addi %scan3A_175, %scan3A_176 : i32
    %scan3A_178 = arith.constant 1 : i32
    scf.for %scan3A_440 = %scan3A_175 to %scan3A_177 step %scan3A_178  : i32 {
      %mul3A_441 = arith.constant 2 : i32
      %mul3A_442 = arith.muli %mul3A_441, %scan3A_440 : i32
      %dma_wait3A_443 = arith.constant 0 : i32
      %dma_wait3A_444 = arith.constant 0 : i32
      %dma_wait3A_445 = tpu.memref_slice %arg7[%dma_wait3A_443, %dma_wait3A_444] : memref<160x128xi32, #tpu.memory_space<vmem>> -> memref<1x128xi32, #tpu.memory_space<vmem>>
      %dma_wait3A_446 = tpu.memref_squeeze %dma_wait3A_445 : memref<1x128xi32, #tpu.memory_space<vmem>> -> memref<128xi32, #tpu.memory_space<vmem>>
      %dma_wait3A_447 = arith.constant 0 : i32
      %dma_wait3A_448 = arith.constant 0 : i32
      %dma_wait3A_449 = tpu.memref_slice %arg21[%dma_wait3A_447, %dma_wait3A_448] : memref<10248x32xf32, #tpu.memory_space<vmem_shared>> -> memref<10248x32xf32, #tpu.memory_space<vmem_shared>>
      tpu.wait_indirect_dma semaphore(%arg24 : memref<!tpu.dma_semaphore, #tpu.memory_space<semaphore_mem>>) src(%dma_wait3A_449 : memref<10248x32xf32, #tpu.memory_space<vmem_shared>>) dst(%arg9 : memref<128x32xf32, #tpu.memory_space<vmem>>)
      %add3A = arith.constant 0 : i32
      %add3A_450 = arith.addi %mul3A_442, %add3A : i32
      %dma_start3A_451 = arith.constant 0 : i32
      %dma_start3A_452 = tpu.memref_slice %arg8[%add3A_450, %dma_start3A_451] : memref<160x128xi32, #tpu.memory_space<vmem>> -> memref<1x128xi32, #tpu.memory_space<vmem>>
      %dma_start3A_453 = tpu.memref_squeeze %dma_start3A_452 : memref<1x128xi32, #tpu.memory_space<vmem>> -> memref<128xi32, #tpu.memory_space<vmem>>
      %dma_start3A_454 = arith.constant 0 : i32
      %dma_start3A_455 = arith.constant 0 : i32
      %dma_start3A_456 = tpu.memref_slice %arg22[%dma_start3A_454, %dma_start3A_455] : memref<10248x32xf32, #tpu.memory_space<vmem_shared>> -> memref<10248x32xf32, #tpu.memory_space<vmem_shared>>
      tpu.enqueue_indirect_dma source(%arg9 : memref<128x32xf32, #tpu.memory_space<vmem>>) target(%dma_start3A_456 : memref<10248x32xf32, #tpu.memory_space<vmem_shared>>) offsets(%dma_start3A_453 : memref<128xi32, #tpu.memory_space<vmem>>) semaphore(%arg28 : memref<!tpu.dma_semaphore, #tpu.memory_space<semaphore_mem>>) {add = true}
      %dma_wait3A_457 = arith.constant 0 : i32
      %dma_wait3A_458 = arith.constant 0 : i32
      %dma_wait3A_459 = tpu.memref_slice %arg7[%dma_wait3A_457, %dma_wait3A_458] : memref<160x128xi32, #tpu.memory_space<vmem>> -> memref<1x128xi32, #tpu.memory_space<vmem>>
      %dma_wait3A_460 = tpu.memref_squeeze %dma_wait3A_459 : memref<1x128xi32, #tpu.memory_space<vmem>> -> memref<128xi32, #tpu.memory_space<vmem>>
      %dma_wait3A_461 = arith.constant 0 : i32
      %dma_wait3A_462 = arith.constant 0 : i32
      %dma_wait3A_463 = tpu.memref_slice %arg21[%dma_wait3A_461, %dma_wait3A_462] : memref<10248x32xf32, #tpu.memory_space<vmem_shared>> -> memref<10248x32xf32, #tpu.memory_space<vmem_shared>>
      tpu.wait_indirect_dma semaphore(%arg25 : memref<!tpu.dma_semaphore, #tpu.memory_space<semaphore_mem>>) src(%dma_wait3A_463 : memref<10248x32xf32, #tpu.memory_space<vmem_shared>>) dst(%arg10 : memref<128x32xf32, #tpu.memory_space<vmem>>)
      %add3A_464 = arith.constant 1 : i32
      %add3A_465 = arith.addi %mul3A_442, %add3A_464 : i32
      %dma_start3A_466 = arith.constant 0 : i32
      %dma_start3A_467 = tpu.memref_slice %arg8[%add3A_465, %dma_start3A_466] : memref<160x128xi32, #tpu.memory_space<vmem>> -> memref<1x128xi32, #tpu.memory_space<vmem>>
      %dma_start3A_468 = tpu.memref_squeeze %dma_start3A_467 : memref<1x128xi32, #tpu.memory_space<vmem>> -> memref<128xi32, #tpu.memory_space<vmem>>
      %dma_start3A_469 = arith.constant 0 : i32
      %dma_start3A_470 = arith.constant 0 : i32
      %dma_start3A_471 = tpu.memref_slice %arg22[%dma_start3A_469, %dma_start3A_470] : memref<10248x32xf32, #tpu.memory_space<vmem_shared>> -> memref<10248x32xf32, #tpu.memory_space<vmem_shared>>
      tpu.enqueue_indirect_dma source(%arg10 : memref<128x32xf32, #tpu.memory_space<vmem>>) target(%dma_start3A_471 : memref<10248x32xf32, #tpu.memory_space<vmem_shared>>) offsets(%dma_start3A_468 : memref<128xi32, #tpu.memory_space<vmem>>) semaphore(%arg29 : memref<!tpu.dma_semaphore, #tpu.memory_space<semaphore_mem>>) {add = true}
      %lt3A = arith.constant 79 : i32
      %lt3A_472 = arith.cmpi slt, %scan3A_440, %lt3A : i32
      %convert_element_type3A = arith.extui %lt3A_472 : i1 to i32
      %cond3A = arith.constant 0 : i32
      %cond3A_473 = arith.cmpi ne, %convert_element_type3A, %cond3A : i32
      scf.if %cond3A_473 {
        %dma_wait3A_474 = arith.constant 0 : i32
        %dma_wait3A_475 = arith.constant 0 : i32
        %dma_wait3A_476 = tpu.memref_slice %arg8[%dma_wait3A_474, %dma_wait3A_475] : memref<160x128xi32, #tpu.memory_space<vmem>> -> memref<1x128xi32, #tpu.memory_space<vmem>>
        %dma_wait3A_477 = tpu.memref_squeeze %dma_wait3A_476 : memref<1x128xi32, #tpu.memory_space<vmem>> -> memref<128xi32, #tpu.memory_space<vmem>>
        %dma_wait3A_478 = arith.constant 0 : i32
        %dma_wait3A_479 = arith.constant 0 : i32
        %dma_wait3A_480 = tpu.memref_slice %arg22[%dma_wait3A_478, %dma_wait3A_479] : memref<10248x32xf32, #tpu.memory_space<vmem_shared>> -> memref<10248x32xf32, #tpu.memory_space<vmem_shared>>
        tpu.wait_indirect_dma semaphore(%arg28 : memref<!tpu.dma_semaphore, #tpu.memory_space<semaphore_mem>>) src(%arg9 : memref<128x32xf32, #tpu.memory_space<vmem>>) dst(%dma_wait3A_480 : memref<10248x32xf32, #tpu.memory_space<vmem_shared>>)
        %add3A_481 = arith.constant 2 : i32
        %add3A_482 = arith.addi %mul3A_442, %add3A_481 : i32
        %add3A_483 = arith.constant 0 : i32
        %add3A_484 = arith.addi %add3A_482, %add3A_483 : i32
        %dma_start3A_485 = arith.constant 0 : i32
        %dma_start3A_486 = tpu.memref_slice %arg7[%add3A_484, %dma_start3A_485] : memref<160x128xi32, #tpu.memory_space<vmem>> -> memref<1x128xi32, #tpu.memory_space<vmem>>
        %dma_start3A_487 = tpu.memref_squeeze %dma_start3A_486 : memref<1x128xi32, #tpu.memory_space<vmem>> -> memref<128xi32, #tpu.memory_space<vmem>>
        %dma_start3A_488 = arith.constant 0 : i32
        %dma_start3A_489 = arith.constant 0 : i32
        %dma_start3A_490 = tpu.memref_slice %arg21[%dma_start3A_488, %dma_start3A_489] : memref<10248x32xf32, #tpu.memory_space<vmem_shared>> -> memref<10248x32xf32, #tpu.memory_space<vmem_shared>>
        tpu.enqueue_indirect_dma source(%dma_start3A_490 : memref<10248x32xf32, #tpu.memory_space<vmem_shared>>) target(%arg9 : memref<128x32xf32, #tpu.memory_space<vmem>>) offsets(%dma_start3A_487 : memref<128xi32, #tpu.memory_space<vmem>>) semaphore(%arg24 : memref<!tpu.dma_semaphore, #tpu.memory_space<semaphore_mem>>)
        %dma_wait3A_491 = arith.constant 0 : i32
        %dma_wait3A_492 = arith.constant 0 : i32
        %dma_wait3A_493 = tpu.memref_slice %arg8[%dma_wait3A_491, %dma_wait3A_492] : memref<160x128xi32, #tpu.memory_space<vmem>> -> memref<1x128xi32, #tpu.memory_space<vmem>>
        %dma_wait3A_494 = tpu.memref_squeeze %dma_wait3A_493 : memref<1x128xi32, #tpu.memory_space<vmem>> -> memref<128xi32, #tpu.memory_space<vmem>>
        %dma_wait3A_495 = arith.constant 0 : i32
        %dma_wait3A_496 = arith.constant 0 : i32
        %dma_wait3A_497 = tpu.memref_slice %arg22[%dma_wait3A_495, %dma_wait3A_496] : memref<10248x32xf32, #tpu.memory_space<vmem_shared>> -> memref<10248x32xf32, #tpu.memory_space<vmem_shared>>
        tpu.wait_indirect_dma semaphore(%arg29 : memref<!tpu.dma_semaphore, #tpu.memory_space<semaphore_mem>>) src(%arg10 : memref<128x32xf32, #tpu.memory_space<vmem>>) dst(%dma_wait3A_497 : memref<10248x32xf32, #tpu.memory_space<vmem_shared>>)
        %add3A_498 = arith.constant 2 : i32
        %add3A_499 = arith.addi %mul3A_442, %add3A_498 : i32
        %add3A_500 = arith.constant 1 : i32
        %add3A_501 = arith.addi %add3A_499, %add3A_500 : i32
        %dma_start3A_502 = arith.constant 0 : i32
        %dma_start3A_503 = tpu.memref_slice %arg7[%add3A_501, %dma_start3A_502] : memref<160x128xi32, #tpu.memory_space<vmem>> -> memref<1x128xi32, #tpu.memory_space<vmem>>
        %dma_start3A_504 = tpu.memref_squeeze %dma_start3A_503 : memref<1x128xi32, #tpu.memory_space<vmem>> -> memref<128xi32, #tpu.memory_space<vmem>>
        %dma_start3A_505 = arith.constant 0 : i32
        %dma_start3A_506 = arith.constant 0 : i32
        %dma_start3A_507 = tpu.memref_slice %arg21[%dma_start3A_505, %dma_start3A_506] : memref<10248x32xf32, #tpu.memory_space<vmem_shared>> -> memref<10248x32xf32, #tpu.memory_space<vmem_shared>>
        tpu.enqueue_indirect_dma source(%dma_start3A_507 : memref<10248x32xf32, #tpu.memory_space<vmem_shared>>) target(%arg10 : memref<128x32xf32, #tpu.memory_space<vmem>>) offsets(%dma_start3A_504 : memref<128xi32, #tpu.memory_space<vmem>>) semaphore(%arg25 : memref<!tpu.dma_semaphore, #tpu.memory_space<semaphore_mem>>)
      } else {
      }
    }
    %scan3A_179 = arith.constant 80 : i32
    %dma_wait3A_180 = arith.constant 0 : i32
    %dma_wait3A_181 = arith.constant 0 : i32
    %dma_wait3A_182 = tpu.memref_slice %arg8[%dma_wait3A_180, %dma_wait3A_181] : memref<160x128xi32, #tpu.memory_space<vmem>> -> memref<1x128xi32, #tpu.memory_space<vmem>>
    %dma_wait3A_183 = tpu.memref_squeeze %dma_wait3A_182 : memref<1x128xi32, #tpu.memory_space<vmem>> -> memref<128xi32, #tpu.memory_space<vmem>>
    %dma_wait3A_184 = arith.constant 0 : i32
    %dma_wait3A_185 = arith.constant 0 : i32
    %dma_wait3A_186 = tpu.memref_slice %arg22[%dma_wait3A_184, %dma_wait3A_185] : memref<10248x32xf32, #tpu.memory_space<vmem_shared>> -> memref<10248x32xf32, #tpu.memory_space<vmem_shared>>
    tpu.wait_indirect_dma semaphore(%arg28 : memref<!tpu.dma_semaphore, #tpu.memory_space<semaphore_mem>>) src(%arg9 : memref<128x32xf32, #tpu.memory_space<vmem>>) dst(%dma_wait3A_186 : memref<10248x32xf32, #tpu.memory_space<vmem_shared>>)
    %dma_wait3A_187 = arith.constant 0 : i32
    %dma_wait3A_188 = arith.constant 0 : i32
    %dma_wait3A_189 = tpu.memref_slice %arg8[%dma_wait3A_187, %dma_wait3A_188] : memref<160x128xi32, #tpu.memory_space<vmem>> -> memref<1x128xi32, #tpu.memory_space<vmem>>
    %dma_wait3A_190 = tpu.memref_squeeze %dma_wait3A_189 : memref<1x128xi32, #tpu.memory_space<vmem>> -> memref<128xi32, #tpu.memory_space<vmem>>
    %dma_wait3A_191 = arith.constant 0 : i32
    %dma_wait3A_192 = arith.constant 0 : i32
    %dma_wait3A_193 = tpu.memref_slice %arg22[%dma_wait3A_191, %dma_wait3A_192] : memref<10248x32xf32, #tpu.memory_space<vmem_shared>> -> memref<10248x32xf32, #tpu.memory_space<vmem_shared>>
    tpu.wait_indirect_dma semaphore(%arg29 : memref<!tpu.dma_semaphore, #tpu.memory_space<semaphore_mem>>) src(%arg10 : memref<128x32xf32, #tpu.memory_space<vmem>>) dst(%dma_wait3A_193 : memref<10248x32xf32, #tpu.memory_space<vmem_shared>>)
    %barrier3A_194 = arith.constant 0 : index
    tpu.barrier barrier_id(%barrier3A_194)
    %scan3A_195 = arith.constant 0 : i32
    %scan3A_196 = arith.constant 4 : i32
    %scan3A_197 = arith.addi %scan3A_195, %scan3A_196 : i32
    %scan3A_198 = arith.constant 1 : i32
    scf.for %scan3A_440 = %scan3A_195 to %scan3A_197 step %scan3A_198  : i32 {
      %mul3A_441 = arith.constant 160 : i32
      %mul3A_442 = arith.muli %scan3A_440, %mul3A_441 : i32
      %add3A = arith.addi %mul3A_0, %mul3A_442 : i32
      %gt3A = arith.constant 0 : i32
      %gt3A_443 = arith.cmpi sgt, %scan3A_440, %gt3A : i32
      %convert_element_type3A = arith.extui %gt3A_443 : i1 to i32
      %cond3A = arith.constant 0 : i32
      %cond3A_444 = arith.cmpi ne, %convert_element_type3A, %cond3A : i32
      scf.if %cond3A_444 {
        %dma_wait3A_504 = arith.constant 0 : i32
        %dma_wait3A_505 = arith.constant 0 : i32
        %dma_wait3A_506 = tpu.memref_slice %arg6[%arg0, %dma_wait3A_504, %dma_wait3A_505] : memref<2x10240x32xf32, #tpu.memory_space<hbm>> -> memref<1x160x32xf32, #tpu.memory_space<hbm>>
        %dma_wait3A_507 = tpu.memref_squeeze %dma_wait3A_506 : memref<1x160x32xf32, #tpu.memory_space<hbm>> -> memref<160x32xf32, #tpu.memory_space<hbm>>
        %dma_wait3A_508 = arith.constant 0 : i32
        %dma_wait3A_509 = arith.constant 0 : i32
        %dma_wait3A_510 = tpu.memref_slice %arg6[%arg0, %dma_wait3A_508, %dma_wait3A_509] : memref<2x10240x32xf32, #tpu.memory_space<hbm>> -> memref<1x160x32xf32, #tpu.memory_space<hbm>>
        %dma_wait3A_511 = tpu.memref_squeeze %dma_wait3A_510 : memref<1x160x32xf32, #tpu.memory_space<hbm>> -> memref<160x32xf32, #tpu.memory_space<hbm>>
        tpu.wait_dma2 semaphore(%arg28 : memref<!tpu.dma_semaphore, #tpu.memory_space<semaphore_mem>>) src(%arg16 : memref<160x32xf32, #tpu.memory_space<vmem>>) dst(%dma_wait3A_511 : memref<160x32xf32, #tpu.memory_space<hbm>>)
        %dma_wait3A_512 = arith.constant 0 : i32
        %dma_wait3A_513 = arith.constant 0 : i32
        %dma_wait3A_514 = tpu.memref_slice %arg21[%dma_wait3A_512, %dma_wait3A_513] : memref<10248x32xf32, #tpu.memory_space<vmem_shared>> -> memref<160x32xf32, #tpu.memory_space<vmem_shared>>
        %dma_wait3A_515 = arith.constant 0 : i32
        %dma_wait3A_516 = arith.constant 0 : i32
        %dma_wait3A_517 = tpu.memref_slice %arg21[%dma_wait3A_515, %dma_wait3A_516] : memref<10248x32xf32, #tpu.memory_space<vmem_shared>> -> memref<160x32xf32, #tpu.memory_space<vmem_shared>>
        tpu.wait_dma2 semaphore(%arg29 : memref<!tpu.dma_semaphore, #tpu.memory_space<semaphore_mem>>) src(%arg13 : memref<160x32xf32, #tpu.memory_space<vmem>>) dst(%dma_wait3A_517 : memref<160x32xf32, #tpu.memory_space<vmem_shared>>)
        %dma_wait3A_518 = arith.constant 0 : i32
        %dma_wait3A_519 = arith.constant 0 : i32
        %dma_wait3A_520 = tpu.memref_slice %arg22[%dma_wait3A_518, %dma_wait3A_519] : memref<10248x32xf32, #tpu.memory_space<vmem_shared>> -> memref<160x32xf32, #tpu.memory_space<vmem_shared>>
        %dma_wait3A_521 = arith.constant 0 : i32
        %dma_wait3A_522 = arith.constant 0 : i32
        %dma_wait3A_523 = tpu.memref_slice %arg22[%dma_wait3A_521, %dma_wait3A_522] : memref<10248x32xf32, #tpu.memory_space<vmem_shared>> -> memref<160x32xf32, #tpu.memory_space<vmem_shared>>
        tpu.wait_dma2 semaphore(%arg30 : memref<!tpu.dma_semaphore, #tpu.memory_space<semaphore_mem>>) src(%arg17 : memref<160x32xf32, #tpu.memory_space<vmem>>) dst(%dma_wait3A_523 : memref<160x32xf32, #tpu.memory_space<vmem_shared>>)
      } else {
      }
      %dma_start3A_445 = arith.constant 0 : i32
      %dma_start3A_446 = tpu.memref_slice %arg22[%add3A, %dma_start3A_445] : memref<10248x32xf32, #tpu.memory_space<vmem_shared>> -> memref<160x32xf32, #tpu.memory_space<vmem_shared>>
      %dma_start3A_447 = arith.constant 0 : i32
      %dma_start3A_448 = tpu.memref_slice %arg22[%add3A, %dma_start3A_447] : memref<10248x32xf32, #tpu.memory_space<vmem_shared>> -> memref<160x32xf32, #tpu.memory_space<vmem_shared>>
      tpu.enqueue_dma source(%dma_start3A_448 : memref<160x32xf32, #tpu.memory_space<vmem_shared>>) target(%arg13 : memref<160x32xf32, #tpu.memory_space<vmem>>) target_semaphore(%arg24 : memref<!tpu.dma_semaphore, #tpu.memory_space<semaphore_mem>>)
      %dma_start3A_449 = arith.constant 0 : i32
      %dma_start3A_450 = tpu.memref_slice %arg6[%arg0, %add3A, %dma_start3A_449] : memref<2x10240x32xf32, #tpu.memory_space<hbm>> -> memref<1x160x32xf32, #tpu.memory_space<hbm>>
      %dma_start3A_451 = tpu.memref_squeeze %dma_start3A_450 : memref<1x160x32xf32, #tpu.memory_space<hbm>> -> memref<160x32xf32, #tpu.memory_space<hbm>>
      %dma_start3A_452 = arith.constant 0 : i32
      %dma_start3A_453 = tpu.memref_slice %arg6[%arg0, %add3A, %dma_start3A_452] : memref<2x10240x32xf32, #tpu.memory_space<hbm>> -> memref<1x160x32xf32, #tpu.memory_space<hbm>>
      %dma_start3A_454 = tpu.memref_squeeze %dma_start3A_453 : memref<1x160x32xf32, #tpu.memory_space<hbm>> -> memref<160x32xf32, #tpu.memory_space<hbm>>
      tpu.enqueue_dma source(%dma_start3A_454 : memref<160x32xf32, #tpu.memory_space<hbm>>) target(%arg14 : memref<160x32xf32, #tpu.memory_space<vmem>>) target_semaphore(%arg25 : memref<!tpu.dma_semaphore, #tpu.memory_space<semaphore_mem>>)
      %dma_start3A_455 = arith.constant 4 : i32
      %dma_start3A_456 = arith.constant 0 : i32
      %dma_start3A_457 = tpu.memref_slice %arg3[%dma_start3A_455, %arg0, %add3A, %dma_start3A_456] : memref<8x2x10240x32xf32, #tpu.memory_space<hbm>> -> memref<1x1x160x32xf32, #tpu.memory_space<hbm>>
      %dma_start3A_458 = tpu.memref_squeeze %dma_start3A_457 : memref<1x1x160x32xf32, #tpu.memory_space<hbm>> -> memref<160x32xf32, #tpu.memory_space<hbm>>
      %dma_start3A_459 = arith.constant 0 : i32
      %dma_start3A_460 = tpu.memref_slice %arg3[%dma_start3A_455, %arg0, %add3A, %dma_start3A_459] : memref<8x2x10240x32xf32, #tpu.memory_space<hbm>> -> memref<1x1x160x32xf32, #tpu.memory_space<hbm>>
      %dma_start3A_461 = tpu.memref_squeeze %dma_start3A_460 : memref<1x1x160x32xf32, #tpu.memory_space<hbm>> -> memref<160x32xf32, #tpu.memory_space<hbm>>
      tpu.enqueue_dma source(%dma_start3A_461 : memref<160x32xf32, #tpu.memory_space<hbm>>) target(%arg15 : memref<160x32xf32, #tpu.memory_space<vmem>>) target_semaphore(%arg26 : memref<!tpu.dma_semaphore, #tpu.memory_space<semaphore_mem>>)
      %dma_wait3A_462 = arith.constant 0 : i32
      %dma_wait3A_463 = arith.constant 0 : i32
      %dma_wait3A_464 = tpu.memref_slice %arg22[%dma_wait3A_462, %dma_wait3A_463] : memref<10248x32xf32, #tpu.memory_space<vmem_shared>> -> memref<160x32xf32, #tpu.memory_space<vmem_shared>>
      %dma_wait3A_465 = arith.constant 0 : i32
      %dma_wait3A_466 = arith.constant 0 : i32
      %dma_wait3A_467 = tpu.memref_slice %arg22[%dma_wait3A_465, %dma_wait3A_466] : memref<10248x32xf32, #tpu.memory_space<vmem_shared>> -> memref<160x32xf32, #tpu.memory_space<vmem_shared>>
      tpu.wait_dma2 semaphore(%arg24 : memref<!tpu.dma_semaphore, #tpu.memory_space<semaphore_mem>>) src(%dma_wait3A_467 : memref<160x32xf32, #tpu.memory_space<vmem_shared>>) dst(%arg13 : memref<160x32xf32, #tpu.memory_space<vmem>>)
      %dma_wait3A_468 = arith.constant 0 : i32
      %dma_wait3A_469 = arith.constant 0 : i32
      %dma_wait3A_470 = tpu.memref_slice %arg6[%arg0, %dma_wait3A_468, %dma_wait3A_469] : memref<2x10240x32xf32, #tpu.memory_space<hbm>> -> memref<1x160x32xf32, #tpu.memory_space<hbm>>
      %dma_wait3A_471 = tpu.memref_squeeze %dma_wait3A_470 : memref<1x160x32xf32, #tpu.memory_space<hbm>> -> memref<160x32xf32, #tpu.memory_space<hbm>>
      %dma_wait3A_472 = arith.constant 0 : i32
      %dma_wait3A_473 = arith.constant 0 : i32
      %dma_wait3A_474 = tpu.memref_slice %arg6[%arg0, %dma_wait3A_472, %dma_wait3A_473] : memref<2x10240x32xf32, #tpu.memory_space<hbm>> -> memref<1x160x32xf32, #tpu.memory_space<hbm>>
      %dma_wait3A_475 = tpu.memref_squeeze %dma_wait3A_474 : memref<1x160x32xf32, #tpu.memory_space<hbm>> -> memref<160x32xf32, #tpu.memory_space<hbm>>
      tpu.wait_dma2 semaphore(%arg25 : memref<!tpu.dma_semaphore, #tpu.memory_space<semaphore_mem>>) src(%dma_wait3A_475 : memref<160x32xf32, #tpu.memory_space<hbm>>) dst(%arg14 : memref<160x32xf32, #tpu.memory_space<vmem>>)
      %dma_wait3A_476 = arith.constant 4 : i32
      %dma_wait3A_477 = arith.constant 0 : i32
      %dma_wait3A_478 = arith.constant 0 : i32
      %dma_wait3A_479 = tpu.memref_slice %arg3[%dma_wait3A_476, %arg0, %dma_wait3A_477, %dma_wait3A_478] : memref<8x2x10240x32xf32, #tpu.memory_space<hbm>> -> memref<1x1x160x32xf32, #tpu.memory_space<hbm>>
      %dma_wait3A_480 = tpu.memref_squeeze %dma_wait3A_479 : memref<1x1x160x32xf32, #tpu.memory_space<hbm>> -> memref<160x32xf32, #tpu.memory_space<hbm>>
      %dma_wait3A_481 = arith.constant 0 : i32
      %dma_wait3A_482 = arith.constant 0 : i32
      %dma_wait3A_483 = tpu.memref_slice %arg3[%dma_wait3A_476, %arg0, %dma_wait3A_481, %dma_wait3A_482] : memref<8x2x10240x32xf32, #tpu.memory_space<hbm>> -> memref<1x1x160x32xf32, #tpu.memory_space<hbm>>
      %dma_wait3A_484 = tpu.memref_squeeze %dma_wait3A_483 : memref<1x1x160x32xf32, #tpu.memory_space<hbm>> -> memref<160x32xf32, #tpu.memory_space<hbm>>
      tpu.wait_dma2 semaphore(%arg26 : memref<!tpu.dma_semaphore, #tpu.memory_space<semaphore_mem>>) src(%dma_wait3A_484 : memref<160x32xf32, #tpu.memory_space<hbm>>) dst(%arg15 : memref<160x32xf32, #tpu.memory_space<vmem>>)
      %scan3A_485 = arith.constant 0 : i32
      %scan3A_486 = arith.constant 160 : i32
      %scan3A_487 = arith.addi %scan3A_485, %scan3A_486 : i32
      %scan3A_488 = arith.constant 1 : i32
      scf.for %scan3A_504 = %scan3A_485 to %scan3A_487 step %scan3A_488  : i32 {
        %mul3A_505 = arith.constant 160 : i32
        %mul3A_506 = arith.muli %scan3A_440, %mul3A_505 : i32
        %add3A_507 = arith.addi %mul3A_506, %scan3A_504 : i32
        %broadcast_in_dim3A = vector.broadcast %add3A_507 : i32 to vector<16xi32>
        %gather3A = tpu.vector_load_idx %arg20[%broadcast_in_dim3A] : memref<640xf32, #tpu.memory_space<vmem>>[vector<16xi32>], vector<16xf32>,
        %get3A = arith.index_cast %scan3A_504 : i32 to index
        %get3A_508 = arith.constant 0 : index
        %get3A_509 = tpu.vector_load %arg15[%get3A, %get3A_508] {strides = array<i32>} : memref<160x32xf32, #tpu.memory_space<vmem>>, vector<16xf32>,
        %mul3A_510 = arith.constant 2.000000e+00 : f32
        %mul3A_511 = vector.broadcast %mul3A_510 : f32 to vector<16xf32>
        %mul3A_512 = arith.mulf %mul3A_511, %gather3A : vector<16xf32>
        %get3A_513 = arith.index_cast %scan3A_504 : i32 to index
        %get3A_514 = arith.constant 0 : index
        %get3A_515 = tpu.vector_load %arg13[%get3A_513, %get3A_514] {strides = array<i32>} : memref<160x32xf32, #tpu.memory_space<vmem>>, vector<16xf32>,
        %mul3A_516 = arith.mulf %mul3A_512, %get3A_515 : vector<16xf32>
        %sub3A = arith.subf %get3A_509, %mul3A_516 : vector<16xf32>
        %get3A_517 = arith.index_cast %scan3A_504 : i32 to index
        %get3A_518 = arith.constant 0 : index
        %get3A_519 = tpu.vector_load %arg14[%get3A_517, %get3A_518] {strides = array<i32>} : memref<160x32xf32, #tpu.memory_space<vmem>>, vector<16xf32>,
        %sub3A_520 = arith.subf %sub3A, %get3A_519 : vector<16xf32>
        %swap3A = arith.index_cast %scan3A_504 : i32 to index
        %swap3A_521 = arith.constant 0 : index
        %swap3A_522 = tpu.vector_load %arg16[%swap3A, %swap3A_521] {strides = array<i32>} : memref<160x32xf32, #tpu.memory_space<vmem>>, vector<16xf32>,
        tpu.vector_store %arg16[%swap3A, %swap3A_521], %sub3A_520 {strides = array<i32>} : memref<160x32xf32, #tpu.memory_space<vmem>>, vector<16xf32>,
        %mul3A_523 = arith.mulf %gather3A, %sub3A_520 : vector<16xf32>
        %swap3A_524 = arith.index_cast %scan3A_504 : i32 to index
        %swap3A_525 = arith.constant 0 : index
        %swap3A_526 = tpu.vector_load %arg13[%swap3A_524, %swap3A_525] {strides = array<i32>} : memref<160x32xf32, #tpu.memory_space<vmem>>, vector<16xf32>,
        tpu.vector_store %arg13[%swap3A_524, %swap3A_525], %mul3A_523 {strides = array<i32>} : memref<160x32xf32, #tpu.memory_space<vmem>>, vector<16xf32>,
        %get3A_527 = arith.index_cast %scan3A_504 : i32 to index
        %get3A_528 = arith.constant 16 : index
        %get3A_529 = tpu.vector_load %arg15[%get3A_527, %get3A_528] {strides = array<i32>} : memref<160x32xf32, #tpu.memory_space<vmem>>, vector<16xf32>,
        %mul3A_530 = arith.constant 2.000000e+00 : f32
        %mul3A_531 = vector.broadcast %mul3A_530 : f32 to vector<16xf32>
        %mul3A_532 = arith.mulf %mul3A_531, %gather3A : vector<16xf32>
        %get3A_533 = arith.index_cast %scan3A_504 : i32 to index
        %get3A_534 = arith.constant 16 : index
        %get3A_535 = tpu.vector_load %arg13[%get3A_533, %get3A_534] {strides = array<i32>} : memref<160x32xf32, #tpu.memory_space<vmem>>, vector<16xf32>,
        %mul3A_536 = arith.mulf %mul3A_532, %get3A_535 : vector<16xf32>
        %sub3A_537 = arith.subf %get3A_529, %mul3A_536 : vector<16xf32>
        %get3A_538 = arith.index_cast %scan3A_504 : i32 to index
        %get3A_539 = arith.constant 16 : index
        %get3A_540 = tpu.vector_load %arg14[%get3A_538, %get3A_539] {strides = array<i32>} : memref<160x32xf32, #tpu.memory_space<vmem>>, vector<16xf32>,
        %sub3A_541 = arith.subf %sub3A_537, %get3A_540 : vector<16xf32>
        %swap3A_542 = arith.index_cast %scan3A_504 : i32 to index
        %swap3A_543 = arith.constant 16 : index
        %swap3A_544 = tpu.vector_load %arg16[%swap3A_542, %swap3A_543] {strides = array<i32>} : memref<160x32xf32, #tpu.memory_space<vmem>>, vector<16xf32>,
        tpu.vector_store %arg16[%swap3A_542, %swap3A_543], %sub3A_541 {strides = array<i32>} : memref<160x32xf32, #tpu.memory_space<vmem>>, vector<16xf32>,
        %mul3A_545 = arith.mulf %gather3A, %sub3A_541 : vector<16xf32>
        %swap3A_546 = arith.index_cast %scan3A_504 : i32 to index
        %swap3A_547 = arith.constant 16 : index
        %swap3A_548 = tpu.vector_load %arg13[%swap3A_546, %swap3A_547] {strides = array<i32>} : memref<160x32xf32, #tpu.memory_space<vmem>>, vector<16xf32>,
        tpu.vector_store %arg13[%swap3A_546, %swap3A_547], %mul3A_545 {strides = array<i32>} : memref<160x32xf32, #tpu.memory_space<vmem>>, vector<16xf32>,
      }
      %scan3A_489 = arith.constant 160 : i32
      %dma_start3A_490 = arith.constant 0 : i32
      %dma_start3A_491 = tpu.memref_slice %arg6[%arg0, %add3A, %dma_start3A_490] : memref<2x10240x32xf32, #tpu.memory_space<hbm>> -> memref<1x160x32xf32, #tpu.memory_space<hbm>>
      %dma_start3A_492 = tpu.memref_squeeze %dma_start3A_491 : memref<1x160x32xf32, #tpu.memory_space<hbm>> -> memref<160x32xf32, #tpu.memory_space<hbm>>
      %dma_start3A_493 = arith.constant 0 : i32
      %dma_start3A_494 = tpu.memref_slice %arg6[%arg0, %add3A, %dma_start3A_493] : memref<2x10240x32xf32, #tpu.memory_space<hbm>> -> memref<1x160x32xf32, #tpu.memory_space<hbm>>
      %dma_start3A_495 = tpu.memref_squeeze %dma_start3A_494 : memref<1x160x32xf32, #tpu.memory_space<hbm>> -> memref<160x32xf32, #tpu.memory_space<hbm>>
      tpu.enqueue_dma source(%arg16 : memref<160x32xf32, #tpu.memory_space<vmem>>) target(%dma_start3A_495 : memref<160x32xf32, #tpu.memory_space<hbm>>) target_semaphore(%arg28 : memref<!tpu.dma_semaphore, #tpu.memory_space<semaphore_mem>>)
      %dma_start3A_496 = arith.constant 0 : i32
      %dma_start3A_497 = tpu.memref_slice %arg21[%add3A, %dma_start3A_496] : memref<10248x32xf32, #tpu.memory_space<vmem_shared>> -> memref<160x32xf32, #tpu.memory_space<vmem_shared>>
      %dma_start3A_498 = arith.constant 0 : i32
      %dma_start3A_499 = tpu.memref_slice %arg21[%add3A, %dma_start3A_498] : memref<10248x32xf32, #tpu.memory_space<vmem_shared>> -> memref<160x32xf32, #tpu.memory_space<vmem_shared>>
      tpu.enqueue_dma source(%arg13 : memref<160x32xf32, #tpu.memory_space<vmem>>) target(%dma_start3A_499 : memref<160x32xf32, #tpu.memory_space<vmem_shared>>) target_semaphore(%arg29 : memref<!tpu.dma_semaphore, #tpu.memory_space<semaphore_mem>>)
      %dma_start3A_500 = arith.constant 0 : i32
      %dma_start3A_501 = tpu.memref_slice %arg22[%add3A, %dma_start3A_500] : memref<10248x32xf32, #tpu.memory_space<vmem_shared>> -> memref<160x32xf32, #tpu.memory_space<vmem_shared>>
      %dma_start3A_502 = arith.constant 0 : i32
      %dma_start3A_503 = tpu.memref_slice %arg22[%add3A, %dma_start3A_502] : memref<10248x32xf32, #tpu.memory_space<vmem_shared>> -> memref<160x32xf32, #tpu.memory_space<vmem_shared>>
      tpu.enqueue_dma source(%arg17 : memref<160x32xf32, #tpu.memory_space<vmem>>) target(%dma_start3A_503 : memref<160x32xf32, #tpu.memory_space<vmem_shared>>) target_semaphore(%arg30 : memref<!tpu.dma_semaphore, #tpu.memory_space<semaphore_mem>>)
    }
    %scan3A_199 = arith.constant 4 : i32
    %dma_wait3A_200 = arith.constant 0 : i32
    %dma_wait3A_201 = arith.constant 0 : i32
    %dma_wait3A_202 = tpu.memref_slice %arg6[%arg0, %dma_wait3A_200, %dma_wait3A_201] : memref<2x10240x32xf32, #tpu.memory_space<hbm>> -> memref<1x160x32xf32, #tpu.memory_space<hbm>>
    %dma_wait3A_203 = tpu.memref_squeeze %dma_wait3A_202 : memref<1x160x32xf32, #tpu.memory_space<hbm>> -> memref<160x32xf32, #tpu.memory_space<hbm>>
    %dma_wait3A_204 = arith.constant 0 : i32
    %dma_wait3A_205 = arith.constant 0 : i32
    %dma_wait3A_206 = tpu.memref_slice %arg6[%arg0, %dma_wait3A_204, %dma_wait3A_205] : memref<2x10240x32xf32, #tpu.memory_space<hbm>> -> memref<1x160x32xf32, #tpu.memory_space<hbm>>
    %dma_wait3A_207 = tpu.memref_squeeze %dma_wait3A_206 : memref<1x160x32xf32, #tpu.memory_space<hbm>> -> memref<160x32xf32, #tpu.memory_space<hbm>>
    tpu.wait_dma2 semaphore(%arg28 : memref<!tpu.dma_semaphore, #tpu.memory_space<semaphore_mem>>) src(%arg16 : memref<160x32xf32, #tpu.memory_space<vmem>>) dst(%dma_wait3A_207 : memref<160x32xf32, #tpu.memory_space<hbm>>)
    %dma_wait3A_208 = arith.constant 0 : i32
    %dma_wait3A_209 = arith.constant 0 : i32
    %dma_wait3A_210 = tpu.memref_slice %arg21[%dma_wait3A_208, %dma_wait3A_209] : memref<10248x32xf32, #tpu.memory_space<vmem_shared>> -> memref<160x32xf32, #tpu.memory_space<vmem_shared>>
    %dma_wait3A_211 = arith.constant 0 : i32
    %dma_wait3A_212 = arith.constant 0 : i32
    %dma_wait3A_213 = tpu.memref_slice %arg21[%dma_wait3A_211, %dma_wait3A_212] : memref<10248x32xf32, #tpu.memory_space<vmem_shared>> -> memref<160x32xf32, #tpu.memory_space<vmem_shared>>
    tpu.wait_dma2 semaphore(%arg29 : memref<!tpu.dma_semaphore, #tpu.memory_space<semaphore_mem>>) src(%arg13 : memref<160x32xf32, #tpu.memory_space<vmem>>) dst(%dma_wait3A_213 : memref<160x32xf32, #tpu.memory_space<vmem_shared>>)
    %dma_wait3A_214 = arith.constant 0 : i32
    %dma_wait3A_215 = arith.constant 0 : i32
    %dma_wait3A_216 = tpu.memref_slice %arg22[%dma_wait3A_214, %dma_wait3A_215] : memref<10248x32xf32, #tpu.memory_space<vmem_shared>> -> memref<160x32xf32, #tpu.memory_space<vmem_shared>>
    %dma_wait3A_217 = arith.constant 0 : i32
    %dma_wait3A_218 = arith.constant 0 : i32
    %dma_wait3A_219 = tpu.memref_slice %arg22[%dma_wait3A_217, %dma_wait3A_218] : memref<10248x32xf32, #tpu.memory_space<vmem_shared>> -> memref<160x32xf32, #tpu.memory_space<vmem_shared>>
    tpu.wait_dma2 semaphore(%arg30 : memref<!tpu.dma_semaphore, #tpu.memory_space<semaphore_mem>>) src(%arg17 : memref<160x32xf32, #tpu.memory_space<vmem>>) dst(%dma_wait3A_219 : memref<160x32xf32, #tpu.memory_space<vmem_shared>>)
    %barrier3A_220 = arith.constant 0 : index
    tpu.barrier barrier_id(%barrier3A_220)
    %dma_start3A_221 = arith.constant 0 : i32
    %dma_start3A_222 = arith.constant 0 : i32
    %dma_start3A_223 = tpu.memref_slice %arg7[%dma_start3A_221, %dma_start3A_222] : memref<160x128xi32, #tpu.memory_space<vmem>> -> memref<1x128xi32, #tpu.memory_space<vmem>>
    %dma_start3A_224 = tpu.memref_squeeze %dma_start3A_223 : memref<1x128xi32, #tpu.memory_space<vmem>> -> memref<128xi32, #tpu.memory_space<vmem>>
    %dma_start3A_225 = arith.constant 0 : i32
    %dma_start3A_226 = arith.constant 0 : i32
    %dma_start3A_227 = tpu.memref_slice %arg21[%dma_start3A_225, %dma_start3A_226] : memref<10248x32xf32, #tpu.memory_space<vmem_shared>> -> memref<10248x32xf32, #tpu.memory_space<vmem_shared>>
    tpu.enqueue_indirect_dma source(%dma_start3A_227 : memref<10248x32xf32, #tpu.memory_space<vmem_shared>>) target(%arg9 : memref<128x32xf32, #tpu.memory_space<vmem>>) offsets(%dma_start3A_224 : memref<128xi32, #tpu.memory_space<vmem>>) semaphore(%arg24 : memref<!tpu.dma_semaphore, #tpu.memory_space<semaphore_mem>>)
    %dma_start3A_228 = arith.constant 1 : i32
    %dma_start3A_229 = arith.constant 0 : i32
    %dma_start3A_230 = tpu.memref_slice %arg7[%dma_start3A_228, %dma_start3A_229] : memref<160x128xi32, #tpu.memory_space<vmem>> -> memref<1x128xi32, #tpu.memory_space<vmem>>
    %dma_start3A_231 = tpu.memref_squeeze %dma_start3A_230 : memref<1x128xi32, #tpu.memory_space<vmem>> -> memref<128xi32, #tpu.memory_space<vmem>>
    %dma_start3A_232 = arith.constant 0 : i32
    %dma_start3A_233 = arith.constant 0 : i32
    %dma_start3A_234 = tpu.memref_slice %arg21[%dma_start3A_232, %dma_start3A_233] : memref<10248x32xf32, #tpu.memory_space<vmem_shared>> -> memref<10248x32xf32, #tpu.memory_space<vmem_shared>>
    tpu.enqueue_indirect_dma source(%dma_start3A_234 : memref<10248x32xf32, #tpu.memory_space<vmem_shared>>) target(%arg10 : memref<128x32xf32, #tpu.memory_space<vmem>>) offsets(%dma_start3A_231 : memref<128xi32, #tpu.memory_space<vmem>>) semaphore(%arg25 : memref<!tpu.dma_semaphore, #tpu.memory_space<semaphore_mem>>)
    %scan3A_235 = arith.constant 0 : i32
    %scan3A_236 = arith.constant 80 : i32
    %scan3A_237 = arith.addi %scan3A_235, %scan3A_236 : i32
    %scan3A_238 = arith.constant 1 : i32
    scf.for %scan3A_440 = %scan3A_235 to %scan3A_237 step %scan3A_238  : i32 {
      %mul3A_441 = arith.constant 2 : i32
      %mul3A_442 = arith.muli %mul3A_441, %scan3A_440 : i32
      %dma_wait3A_443 = arith.constant 0 : i32
      %dma_wait3A_444 = arith.constant 0 : i32
      %dma_wait3A_445 = tpu.memref_slice %arg7[%dma_wait3A_443, %dma_wait3A_444] : memref<160x128xi32, #tpu.memory_space<vmem>> -> memref<1x128xi32, #tpu.memory_space<vmem>>
      %dma_wait3A_446 = tpu.memref_squeeze %dma_wait3A_445 : memref<1x128xi32, #tpu.memory_space<vmem>> -> memref<128xi32, #tpu.memory_space<vmem>>
      %dma_wait3A_447 = arith.constant 0 : i32
      %dma_wait3A_448 = arith.constant 0 : i32
      %dma_wait3A_449 = tpu.memref_slice %arg21[%dma_wait3A_447, %dma_wait3A_448] : memref<10248x32xf32, #tpu.memory_space<vmem_shared>> -> memref<10248x32xf32, #tpu.memory_space<vmem_shared>>
      tpu.wait_indirect_dma semaphore(%arg24 : memref<!tpu.dma_semaphore, #tpu.memory_space<semaphore_mem>>) src(%dma_wait3A_449 : memref<10248x32xf32, #tpu.memory_space<vmem_shared>>) dst(%arg9 : memref<128x32xf32, #tpu.memory_space<vmem>>)
      %add3A = arith.constant 0 : i32
      %add3A_450 = arith.addi %mul3A_442, %add3A : i32
      %dma_start3A_451 = arith.constant 0 : i32
      %dma_start3A_452 = tpu.memref_slice %arg8[%add3A_450, %dma_start3A_451] : memref<160x128xi32, #tpu.memory_space<vmem>> -> memref<1x128xi32, #tpu.memory_space<vmem>>
      %dma_start3A_453 = tpu.memref_squeeze %dma_start3A_452 : memref<1x128xi32, #tpu.memory_space<vmem>> -> memref<128xi32, #tpu.memory_space<vmem>>
      %dma_start3A_454 = arith.constant 0 : i32
      %dma_start3A_455 = arith.constant 0 : i32
      %dma_start3A_456 = tpu.memref_slice %arg22[%dma_start3A_454, %dma_start3A_455] : memref<10248x32xf32, #tpu.memory_space<vmem_shared>> -> memref<10248x32xf32, #tpu.memory_space<vmem_shared>>
      tpu.enqueue_indirect_dma source(%arg9 : memref<128x32xf32, #tpu.memory_space<vmem>>) target(%dma_start3A_456 : memref<10248x32xf32, #tpu.memory_space<vmem_shared>>) offsets(%dma_start3A_453 : memref<128xi32, #tpu.memory_space<vmem>>) semaphore(%arg28 : memref<!tpu.dma_semaphore, #tpu.memory_space<semaphore_mem>>) {add = true}
      %dma_wait3A_457 = arith.constant 0 : i32
      %dma_wait3A_458 = arith.constant 0 : i32
      %dma_wait3A_459 = tpu.memref_slice %arg7[%dma_wait3A_457, %dma_wait3A_458] : memref<160x128xi32, #tpu.memory_space<vmem>> -> memref<1x128xi32, #tpu.memory_space<vmem>>
      %dma_wait3A_460 = tpu.memref_squeeze %dma_wait3A_459 : memref<1x128xi32, #tpu.memory_space<vmem>> -> memref<128xi32, #tpu.memory_space<vmem>>
      %dma_wait3A_461 = arith.constant 0 : i32
      %dma_wait3A_462 = arith.constant 0 : i32
      %dma_wait3A_463 = tpu.memref_slice %arg21[%dma_wait3A_461, %dma_wait3A_462] : memref<10248x32xf32, #tpu.memory_space<vmem_shared>> -> memref<10248x32xf32, #tpu.memory_space<vmem_shared>>
      tpu.wait_indirect_dma semaphore(%arg25 : memref<!tpu.dma_semaphore, #tpu.memory_space<semaphore_mem>>) src(%dma_wait3A_463 : memref<10248x32xf32, #tpu.memory_space<vmem_shared>>) dst(%arg10 : memref<128x32xf32, #tpu.memory_space<vmem>>)
      %add3A_464 = arith.constant 1 : i32
      %add3A_465 = arith.addi %mul3A_442, %add3A_464 : i32
      %dma_start3A_466 = arith.constant 0 : i32
      %dma_start3A_467 = tpu.memref_slice %arg8[%add3A_465, %dma_start3A_466] : memref<160x128xi32, #tpu.memory_space<vmem>> -> memref<1x128xi32, #tpu.memory_space<vmem>>
      %dma_start3A_468 = tpu.memref_squeeze %dma_start3A_467 : memref<1x128xi32, #tpu.memory_space<vmem>> -> memref<128xi32, #tpu.memory_space<vmem>>
      %dma_start3A_469 = arith.constant 0 : i32
      %dma_start3A_470 = arith.constant 0 : i32
      %dma_start3A_471 = tpu.memref_slice %arg22[%dma_start3A_469, %dma_start3A_470] : memref<10248x32xf32, #tpu.memory_space<vmem_shared>> -> memref<10248x32xf32, #tpu.memory_space<vmem_shared>>
      tpu.enqueue_indirect_dma source(%arg10 : memref<128x32xf32, #tpu.memory_space<vmem>>) target(%dma_start3A_471 : memref<10248x32xf32, #tpu.memory_space<vmem_shared>>) offsets(%dma_start3A_468 : memref<128xi32, #tpu.memory_space<vmem>>) semaphore(%arg29 : memref<!tpu.dma_semaphore, #tpu.memory_space<semaphore_mem>>) {add = true}
      %lt3A = arith.constant 79 : i32
      %lt3A_472 = arith.cmpi slt, %scan3A_440, %lt3A : i32
      %convert_element_type3A = arith.extui %lt3A_472 : i1 to i32
      %cond3A = arith.constant 0 : i32
      %cond3A_473 = arith.cmpi ne, %convert_element_type3A, %cond3A : i32
      scf.if %cond3A_473 {
        %dma_wait3A_474 = arith.constant 0 : i32
        %dma_wait3A_475 = arith.constant 0 : i32
        %dma_wait3A_476 = tpu.memref_slice %arg8[%dma_wait3A_474, %dma_wait3A_475] : memref<160x128xi32, #tpu.memory_space<vmem>> -> memref<1x128xi32, #tpu.memory_space<vmem>>
        %dma_wait3A_477 = tpu.memref_squeeze %dma_wait3A_476 : memref<1x128xi32, #tpu.memory_space<vmem>> -> memref<128xi32, #tpu.memory_space<vmem>>
        %dma_wait3A_478 = arith.constant 0 : i32
        %dma_wait3A_479 = arith.constant 0 : i32
        %dma_wait3A_480 = tpu.memref_slice %arg22[%dma_wait3A_478, %dma_wait3A_479] : memref<10248x32xf32, #tpu.memory_space<vmem_shared>> -> memref<10248x32xf32, #tpu.memory_space<vmem_shared>>
        tpu.wait_indirect_dma semaphore(%arg28 : memref<!tpu.dma_semaphore, #tpu.memory_space<semaphore_mem>>) src(%arg9 : memref<128x32xf32, #tpu.memory_space<vmem>>) dst(%dma_wait3A_480 : memref<10248x32xf32, #tpu.memory_space<vmem_shared>>)
        %add3A_481 = arith.constant 2 : i32
        %add3A_482 = arith.addi %mul3A_442, %add3A_481 : i32
        %add3A_483 = arith.constant 0 : i32
        %add3A_484 = arith.addi %add3A_482, %add3A_483 : i32
        %dma_start3A_485 = arith.constant 0 : i32
        %dma_start3A_486 = tpu.memref_slice %arg7[%add3A_484, %dma_start3A_485] : memref<160x128xi32, #tpu.memory_space<vmem>> -> memref<1x128xi32, #tpu.memory_space<vmem>>
        %dma_start3A_487 = tpu.memref_squeeze %dma_start3A_486 : memref<1x128xi32, #tpu.memory_space<vmem>> -> memref<128xi32, #tpu.memory_space<vmem>>
        %dma_start3A_488 = arith.constant 0 : i32
        %dma_start3A_489 = arith.constant 0 : i32
        %dma_start3A_490 = tpu.memref_slice %arg21[%dma_start3A_488, %dma_start3A_489] : memref<10248x32xf32, #tpu.memory_space<vmem_shared>> -> memref<10248x32xf32, #tpu.memory_space<vmem_shared>>
        tpu.enqueue_indirect_dma source(%dma_start3A_490 : memref<10248x32xf32, #tpu.memory_space<vmem_shared>>) target(%arg9 : memref<128x32xf32, #tpu.memory_space<vmem>>) offsets(%dma_start3A_487 : memref<128xi32, #tpu.memory_space<vmem>>) semaphore(%arg24 : memref<!tpu.dma_semaphore, #tpu.memory_space<semaphore_mem>>)
        %dma_wait3A_491 = arith.constant 0 : i32
        %dma_wait3A_492 = arith.constant 0 : i32
        %dma_wait3A_493 = tpu.memref_slice %arg8[%dma_wait3A_491, %dma_wait3A_492] : memref<160x128xi32, #tpu.memory_space<vmem>> -> memref<1x128xi32, #tpu.memory_space<vmem>>
        %dma_wait3A_494 = tpu.memref_squeeze %dma_wait3A_493 : memref<1x128xi32, #tpu.memory_space<vmem>> -> memref<128xi32, #tpu.memory_space<vmem>>
        %dma_wait3A_495 = arith.constant 0 : i32
        %dma_wait3A_496 = arith.constant 0 : i32
        %dma_wait3A_497 = tpu.memref_slice %arg22[%dma_wait3A_495, %dma_wait3A_496] : memref<10248x32xf32, #tpu.memory_space<vmem_shared>> -> memref<10248x32xf32, #tpu.memory_space<vmem_shared>>
        tpu.wait_indirect_dma semaphore(%arg29 : memref<!tpu.dma_semaphore, #tpu.memory_space<semaphore_mem>>) src(%arg10 : memref<128x32xf32, #tpu.memory_space<vmem>>) dst(%dma_wait3A_497 : memref<10248x32xf32, #tpu.memory_space<vmem_shared>>)
        %add3A_498 = arith.constant 2 : i32
        %add3A_499 = arith.addi %mul3A_442, %add3A_498 : i32
        %add3A_500 = arith.constant 1 : i32
        %add3A_501 = arith.addi %add3A_499, %add3A_500 : i32
        %dma_start3A_502 = arith.constant 0 : i32
        %dma_start3A_503 = tpu.memref_slice %arg7[%add3A_501, %dma_start3A_502] : memref<160x128xi32, #tpu.memory_space<vmem>> -> memref<1x128xi32, #tpu.memory_space<vmem>>
        %dma_start3A_504 = tpu.memref_squeeze %dma_start3A_503 : memref<1x128xi32, #tpu.memory_space<vmem>> -> memref<128xi32, #tpu.memory_space<vmem>>
        %dma_start3A_505 = arith.constant 0 : i32
        %dma_start3A_506 = arith.constant 0 : i32
        %dma_start3A_507 = tpu.memref_slice %arg21[%dma_start3A_505, %dma_start3A_506] : memref<10248x32xf32, #tpu.memory_space<vmem_shared>> -> memref<10248x32xf32, #tpu.memory_space<vmem_shared>>
        tpu.enqueue_indirect_dma source(%dma_start3A_507 : memref<10248x32xf32, #tpu.memory_space<vmem_shared>>) target(%arg10 : memref<128x32xf32, #tpu.memory_space<vmem>>) offsets(%dma_start3A_504 : memref<128xi32, #tpu.memory_space<vmem>>) semaphore(%arg25 : memref<!tpu.dma_semaphore, #tpu.memory_space<semaphore_mem>>)
      } else {
      }
    }
    %scan3A_239 = arith.constant 80 : i32
    %dma_wait3A_240 = arith.constant 0 : i32
    %dma_wait3A_241 = arith.constant 0 : i32
    %dma_wait3A_242 = tpu.memref_slice %arg8[%dma_wait3A_240, %dma_wait3A_241] : memref<160x128xi32, #tpu.memory_space<vmem>> -> memref<1x128xi32, #tpu.memory_space<vmem>>
    %dma_wait3A_243 = tpu.memref_squeeze %dma_wait3A_242 : memref<1x128xi32, #tpu.memory_space<vmem>> -> memref<128xi32, #tpu.memory_space<vmem>>
    %dma_wait3A_244 = arith.constant 0 : i32
    %dma_wait3A_245 = arith.constant 0 : i32
    %dma_wait3A_246 = tpu.memref_slice %arg22[%dma_wait3A_244, %dma_wait3A_245] : memref<10248x32xf32, #tpu.memory_space<vmem_shared>> -> memref<10248x32xf32, #tpu.memory_space<vmem_shared>>
    tpu.wait_indirect_dma semaphore(%arg28 : memref<!tpu.dma_semaphore, #tpu.memory_space<semaphore_mem>>) src(%arg9 : memref<128x32xf32, #tpu.memory_space<vmem>>) dst(%dma_wait3A_246 : memref<10248x32xf32, #tpu.memory_space<vmem_shared>>)
    %dma_wait3A_247 = arith.constant 0 : i32
    %dma_wait3A_248 = arith.constant 0 : i32
    %dma_wait3A_249 = tpu.memref_slice %arg8[%dma_wait3A_247, %dma_wait3A_248] : memref<160x128xi32, #tpu.memory_space<vmem>> -> memref<1x128xi32, #tpu.memory_space<vmem>>
    %dma_wait3A_250 = tpu.memref_squeeze %dma_wait3A_249 : memref<1x128xi32, #tpu.memory_space<vmem>> -> memref<128xi32, #tpu.memory_space<vmem>>
    %dma_wait3A_251 = arith.constant 0 : i32
    %dma_wait3A_252 = arith.constant 0 : i32
    %dma_wait3A_253 = tpu.memref_slice %arg22[%dma_wait3A_251, %dma_wait3A_252] : memref<10248x32xf32, #tpu.memory_space<vmem_shared>> -> memref<10248x32xf32, #tpu.memory_space<vmem_shared>>
    tpu.wait_indirect_dma semaphore(%arg29 : memref<!tpu.dma_semaphore, #tpu.memory_space<semaphore_mem>>) src(%arg10 : memref<128x32xf32, #tpu.memory_space<vmem>>) dst(%dma_wait3A_253 : memref<10248x32xf32, #tpu.memory_space<vmem_shared>>)
    %barrier3A_254 = arith.constant 0 : index
    tpu.barrier barrier_id(%barrier3A_254)
    %scan3A_255 = arith.constant 0 : i32
    %scan3A_256 = arith.constant 4 : i32
    %scan3A_257 = arith.addi %scan3A_255, %scan3A_256 : i32
    %scan3A_258 = arith.constant 1 : i32
    scf.for %scan3A_440 = %scan3A_255 to %scan3A_257 step %scan3A_258  : i32 {
      %mul3A_441 = arith.constant 160 : i32
      %mul3A_442 = arith.muli %scan3A_440, %mul3A_441 : i32
      %add3A = arith.addi %mul3A_0, %mul3A_442 : i32
      %gt3A = arith.constant 0 : i32
      %gt3A_443 = arith.cmpi sgt, %scan3A_440, %gt3A : i32
      %convert_element_type3A = arith.extui %gt3A_443 : i1 to i32
      %cond3A = arith.constant 0 : i32
      %cond3A_444 = arith.cmpi ne, %convert_element_type3A, %cond3A : i32
      scf.if %cond3A_444 {
        %dma_wait3A_504 = arith.constant 0 : i32
        %dma_wait3A_505 = arith.constant 0 : i32
        %dma_wait3A_506 = tpu.memref_slice %arg5[%arg0, %dma_wait3A_504, %dma_wait3A_505] : memref<2x10240x32xf32, #tpu.memory_space<hbm>> -> memref<1x160x32xf32, #tpu.memory_space<hbm>>
        %dma_wait3A_507 = tpu.memref_squeeze %dma_wait3A_506 : memref<1x160x32xf32, #tpu.memory_space<hbm>> -> memref<160x32xf32, #tpu.memory_space<hbm>>
        %dma_wait3A_508 = arith.constant 0 : i32
        %dma_wait3A_509 = arith.constant 0 : i32
        %dma_wait3A_510 = tpu.memref_slice %arg5[%arg0, %dma_wait3A_508, %dma_wait3A_509] : memref<2x10240x32xf32, #tpu.memory_space<hbm>> -> memref<1x160x32xf32, #tpu.memory_space<hbm>>
        %dma_wait3A_511 = tpu.memref_squeeze %dma_wait3A_510 : memref<1x160x32xf32, #tpu.memory_space<hbm>> -> memref<160x32xf32, #tpu.memory_space<hbm>>
        tpu.wait_dma2 semaphore(%arg28 : memref<!tpu.dma_semaphore, #tpu.memory_space<semaphore_mem>>) src(%arg16 : memref<160x32xf32, #tpu.memory_space<vmem>>) dst(%dma_wait3A_511 : memref<160x32xf32, #tpu.memory_space<hbm>>)
        %dma_wait3A_512 = arith.constant 0 : i32
        %dma_wait3A_513 = arith.constant 0 : i32
        %dma_wait3A_514 = tpu.memref_slice %arg21[%dma_wait3A_512, %dma_wait3A_513] : memref<10248x32xf32, #tpu.memory_space<vmem_shared>> -> memref<160x32xf32, #tpu.memory_space<vmem_shared>>
        %dma_wait3A_515 = arith.constant 0 : i32
        %dma_wait3A_516 = arith.constant 0 : i32
        %dma_wait3A_517 = tpu.memref_slice %arg21[%dma_wait3A_515, %dma_wait3A_516] : memref<10248x32xf32, #tpu.memory_space<vmem_shared>> -> memref<160x32xf32, #tpu.memory_space<vmem_shared>>
        tpu.wait_dma2 semaphore(%arg29 : memref<!tpu.dma_semaphore, #tpu.memory_space<semaphore_mem>>) src(%arg13 : memref<160x32xf32, #tpu.memory_space<vmem>>) dst(%dma_wait3A_517 : memref<160x32xf32, #tpu.memory_space<vmem_shared>>)
        %dma_wait3A_518 = arith.constant 0 : i32
        %dma_wait3A_519 = arith.constant 0 : i32
        %dma_wait3A_520 = tpu.memref_slice %arg22[%dma_wait3A_518, %dma_wait3A_519] : memref<10248x32xf32, #tpu.memory_space<vmem_shared>> -> memref<160x32xf32, #tpu.memory_space<vmem_shared>>
        %dma_wait3A_521 = arith.constant 0 : i32
        %dma_wait3A_522 = arith.constant 0 : i32
        %dma_wait3A_523 = tpu.memref_slice %arg22[%dma_wait3A_521, %dma_wait3A_522] : memref<10248x32xf32, #tpu.memory_space<vmem_shared>> -> memref<160x32xf32, #tpu.memory_space<vmem_shared>>
        tpu.wait_dma2 semaphore(%arg30 : memref<!tpu.dma_semaphore, #tpu.memory_space<semaphore_mem>>) src(%arg17 : memref<160x32xf32, #tpu.memory_space<vmem>>) dst(%dma_wait3A_523 : memref<160x32xf32, #tpu.memory_space<vmem_shared>>)
      } else {
      }
      %dma_start3A_445 = arith.constant 0 : i32
      %dma_start3A_446 = tpu.memref_slice %arg22[%add3A, %dma_start3A_445] : memref<10248x32xf32, #tpu.memory_space<vmem_shared>> -> memref<160x32xf32, #tpu.memory_space<vmem_shared>>
      %dma_start3A_447 = arith.constant 0 : i32
      %dma_start3A_448 = tpu.memref_slice %arg22[%add3A, %dma_start3A_447] : memref<10248x32xf32, #tpu.memory_space<vmem_shared>> -> memref<160x32xf32, #tpu.memory_space<vmem_shared>>
      tpu.enqueue_dma source(%dma_start3A_448 : memref<160x32xf32, #tpu.memory_space<vmem_shared>>) target(%arg13 : memref<160x32xf32, #tpu.memory_space<vmem>>) target_semaphore(%arg24 : memref<!tpu.dma_semaphore, #tpu.memory_space<semaphore_mem>>)
      %dma_start3A_449 = arith.constant 0 : i32
      %dma_start3A_450 = tpu.memref_slice %arg5[%arg0, %add3A, %dma_start3A_449] : memref<2x10240x32xf32, #tpu.memory_space<hbm>> -> memref<1x160x32xf32, #tpu.memory_space<hbm>>
      %dma_start3A_451 = tpu.memref_squeeze %dma_start3A_450 : memref<1x160x32xf32, #tpu.memory_space<hbm>> -> memref<160x32xf32, #tpu.memory_space<hbm>>
      %dma_start3A_452 = arith.constant 0 : i32
      %dma_start3A_453 = tpu.memref_slice %arg5[%arg0, %add3A, %dma_start3A_452] : memref<2x10240x32xf32, #tpu.memory_space<hbm>> -> memref<1x160x32xf32, #tpu.memory_space<hbm>>
      %dma_start3A_454 = tpu.memref_squeeze %dma_start3A_453 : memref<1x160x32xf32, #tpu.memory_space<hbm>> -> memref<160x32xf32, #tpu.memory_space<hbm>>
      tpu.enqueue_dma source(%dma_start3A_454 : memref<160x32xf32, #tpu.memory_space<hbm>>) target(%arg14 : memref<160x32xf32, #tpu.memory_space<vmem>>) target_semaphore(%arg25 : memref<!tpu.dma_semaphore, #tpu.memory_space<semaphore_mem>>)
      %dma_start3A_455 = arith.constant 3 : i32
      %dma_start3A_456 = arith.constant 0 : i32
      %dma_start3A_457 = tpu.memref_slice %arg3[%dma_start3A_455, %arg0, %add3A, %dma_start3A_456] : memref<8x2x10240x32xf32, #tpu.memory_space<hbm>> -> memref<1x1x160x32xf32, #tpu.memory_space<hbm>>
      %dma_start3A_458 = tpu.memref_squeeze %dma_start3A_457 : memref<1x1x160x32xf32, #tpu.memory_space<hbm>> -> memref<160x32xf32, #tpu.memory_space<hbm>>
      %dma_start3A_459 = arith.constant 0 : i32
      %dma_start3A_460 = tpu.memref_slice %arg3[%dma_start3A_455, %arg0, %add3A, %dma_start3A_459] : memref<8x2x10240x32xf32, #tpu.memory_space<hbm>> -> memref<1x1x160x32xf32, #tpu.memory_space<hbm>>
      %dma_start3A_461 = tpu.memref_squeeze %dma_start3A_460 : memref<1x1x160x32xf32, #tpu.memory_space<hbm>> -> memref<160x32xf32, #tpu.memory_space<hbm>>
      tpu.enqueue_dma source(%dma_start3A_461 : memref<160x32xf32, #tpu.memory_space<hbm>>) target(%arg15 : memref<160x32xf32, #tpu.memory_space<vmem>>) target_semaphore(%arg26 : memref<!tpu.dma_semaphore, #tpu.memory_space<semaphore_mem>>)
      %dma_wait3A_462 = arith.constant 0 : i32
      %dma_wait3A_463 = arith.constant 0 : i32
      %dma_wait3A_464 = tpu.memref_slice %arg22[%dma_wait3A_462, %dma_wait3A_463] : memref<10248x32xf32, #tpu.memory_space<vmem_shared>> -> memref<160x32xf32, #tpu.memory_space<vmem_shared>>
      %dma_wait3A_465 = arith.constant 0 : i32
      %dma_wait3A_466 = arith.constant 0 : i32
      %dma_wait3A_467 = tpu.memref_slice %arg22[%dma_wait3A_465, %dma_wait3A_466] : memref<10248x32xf32, #tpu.memory_space<vmem_shared>> -> memref<160x32xf32, #tpu.memory_space<vmem_shared>>
      tpu.wait_dma2 semaphore(%arg24 : memref<!tpu.dma_semaphore, #tpu.memory_space<semaphore_mem>>) src(%dma_wait3A_467 : memref<160x32xf32, #tpu.memory_space<vmem_shared>>) dst(%arg13 : memref<160x32xf32, #tpu.memory_space<vmem>>)
      %dma_wait3A_468 = arith.constant 0 : i32
      %dma_wait3A_469 = arith.constant 0 : i32
      %dma_wait3A_470 = tpu.memref_slice %arg5[%arg0, %dma_wait3A_468, %dma_wait3A_469] : memref<2x10240x32xf32, #tpu.memory_space<hbm>> -> memref<1x160x32xf32, #tpu.memory_space<hbm>>
      %dma_wait3A_471 = tpu.memref_squeeze %dma_wait3A_470 : memref<1x160x32xf32, #tpu.memory_space<hbm>> -> memref<160x32xf32, #tpu.memory_space<hbm>>
      %dma_wait3A_472 = arith.constant 0 : i32
      %dma_wait3A_473 = arith.constant 0 : i32
      %dma_wait3A_474 = tpu.memref_slice %arg5[%arg0, %dma_wait3A_472, %dma_wait3A_473] : memref<2x10240x32xf32, #tpu.memory_space<hbm>> -> memref<1x160x32xf32, #tpu.memory_space<hbm>>
      %dma_wait3A_475 = tpu.memref_squeeze %dma_wait3A_474 : memref<1x160x32xf32, #tpu.memory_space<hbm>> -> memref<160x32xf32, #tpu.memory_space<hbm>>
      tpu.wait_dma2 semaphore(%arg25 : memref<!tpu.dma_semaphore, #tpu.memory_space<semaphore_mem>>) src(%dma_wait3A_475 : memref<160x32xf32, #tpu.memory_space<hbm>>) dst(%arg14 : memref<160x32xf32, #tpu.memory_space<vmem>>)
      %dma_wait3A_476 = arith.constant 3 : i32
      %dma_wait3A_477 = arith.constant 0 : i32
      %dma_wait3A_478 = arith.constant 0 : i32
      %dma_wait3A_479 = tpu.memref_slice %arg3[%dma_wait3A_476, %arg0, %dma_wait3A_477, %dma_wait3A_478] : memref<8x2x10240x32xf32, #tpu.memory_space<hbm>> -> memref<1x1x160x32xf32, #tpu.memory_space<hbm>>
      %dma_wait3A_480 = tpu.memref_squeeze %dma_wait3A_479 : memref<1x1x160x32xf32, #tpu.memory_space<hbm>> -> memref<160x32xf32, #tpu.memory_space<hbm>>
      %dma_wait3A_481 = arith.constant 0 : i32
      %dma_wait3A_482 = arith.constant 0 : i32
      %dma_wait3A_483 = tpu.memref_slice %arg3[%dma_wait3A_476, %arg0, %dma_wait3A_481, %dma_wait3A_482] : memref<8x2x10240x32xf32, #tpu.memory_space<hbm>> -> memref<1x1x160x32xf32, #tpu.memory_space<hbm>>
      %dma_wait3A_484 = tpu.memref_squeeze %dma_wait3A_483 : memref<1x1x160x32xf32, #tpu.memory_space<hbm>> -> memref<160x32xf32, #tpu.memory_space<hbm>>
      tpu.wait_dma2 semaphore(%arg26 : memref<!tpu.dma_semaphore, #tpu.memory_space<semaphore_mem>>) src(%dma_wait3A_484 : memref<160x32xf32, #tpu.memory_space<hbm>>) dst(%arg15 : memref<160x32xf32, #tpu.memory_space<vmem>>)
      %scan3A_485 = arith.constant 0 : i32
      %scan3A_486 = arith.constant 160 : i32
      %scan3A_487 = arith.addi %scan3A_485, %scan3A_486 : i32
      %scan3A_488 = arith.constant 1 : i32
      scf.for %scan3A_504 = %scan3A_485 to %scan3A_487 step %scan3A_488  : i32 {
        %mul3A_505 = arith.constant 160 : i32
        %mul3A_506 = arith.muli %scan3A_440, %mul3A_505 : i32
        %add3A_507 = arith.addi %mul3A_506, %scan3A_504 : i32
        %broadcast_in_dim3A = vector.broadcast %add3A_507 : i32 to vector<16xi32>
        %gather3A = tpu.vector_load_idx %arg20[%broadcast_in_dim3A] : memref<640xf32, #tpu.memory_space<vmem>>[vector<16xi32>], vector<16xf32>,
        %get3A = arith.index_cast %scan3A_504 : i32 to index
        %get3A_508 = arith.constant 0 : index
        %get3A_509 = tpu.vector_load %arg15[%get3A, %get3A_508] {strides = array<i32>} : memref<160x32xf32, #tpu.memory_space<vmem>>, vector<16xf32>,
        %mul3A_510 = arith.constant 2.000000e+00 : f32
        %mul3A_511 = vector.broadcast %mul3A_510 : f32 to vector<16xf32>
        %mul3A_512 = arith.mulf %mul3A_511, %gather3A : vector<16xf32>
        %get3A_513 = arith.index_cast %scan3A_504 : i32 to index
        %get3A_514 = arith.constant 0 : index
        %get3A_515 = tpu.vector_load %arg13[%get3A_513, %get3A_514] {strides = array<i32>} : memref<160x32xf32, #tpu.memory_space<vmem>>, vector<16xf32>,
        %mul3A_516 = arith.mulf %mul3A_512, %get3A_515 : vector<16xf32>
        %sub3A = arith.subf %get3A_509, %mul3A_516 : vector<16xf32>
        %get3A_517 = arith.index_cast %scan3A_504 : i32 to index
        %get3A_518 = arith.constant 0 : index
        %get3A_519 = tpu.vector_load %arg14[%get3A_517, %get3A_518] {strides = array<i32>} : memref<160x32xf32, #tpu.memory_space<vmem>>, vector<16xf32>,
        %sub3A_520 = arith.subf %sub3A, %get3A_519 : vector<16xf32>
        %swap3A = arith.index_cast %scan3A_504 : i32 to index
        %swap3A_521 = arith.constant 0 : index
        %swap3A_522 = tpu.vector_load %arg16[%swap3A, %swap3A_521] {strides = array<i32>} : memref<160x32xf32, #tpu.memory_space<vmem>>, vector<16xf32>,
        tpu.vector_store %arg16[%swap3A, %swap3A_521], %sub3A_520 {strides = array<i32>} : memref<160x32xf32, #tpu.memory_space<vmem>>, vector<16xf32>,
        %mul3A_523 = arith.mulf %gather3A, %sub3A_520 : vector<16xf32>
        %swap3A_524 = arith.index_cast %scan3A_504 : i32 to index
        %swap3A_525 = arith.constant 0 : index
        %swap3A_526 = tpu.vector_load %arg13[%swap3A_524, %swap3A_525] {strides = array<i32>} : memref<160x32xf32, #tpu.memory_space<vmem>>, vector<16xf32>,
        tpu.vector_store %arg13[%swap3A_524, %swap3A_525], %mul3A_523 {strides = array<i32>} : memref<160x32xf32, #tpu.memory_space<vmem>>, vector<16xf32>,
        %get3A_527 = arith.index_cast %scan3A_504 : i32 to index
        %get3A_528 = arith.constant 16 : index
        %get3A_529 = tpu.vector_load %arg15[%get3A_527, %get3A_528] {strides = array<i32>} : memref<160x32xf32, #tpu.memory_space<vmem>>, vector<16xf32>,
        %mul3A_530 = arith.constant 2.000000e+00 : f32
        %mul3A_531 = vector.broadcast %mul3A_530 : f32 to vector<16xf32>
        %mul3A_532 = arith.mulf %mul3A_531, %gather3A : vector<16xf32>
        %get3A_533 = arith.index_cast %scan3A_504 : i32 to index
        %get3A_534 = arith.constant 16 : index
        %get3A_535 = tpu.vector_load %arg13[%get3A_533, %get3A_534] {strides = array<i32>} : memref<160x32xf32, #tpu.memory_space<vmem>>, vector<16xf32>,
        %mul3A_536 = arith.mulf %mul3A_532, %get3A_535 : vector<16xf32>
        %sub3A_537 = arith.subf %get3A_529, %mul3A_536 : vector<16xf32>
        %get3A_538 = arith.index_cast %scan3A_504 : i32 to index
        %get3A_539 = arith.constant 16 : index
        %get3A_540 = tpu.vector_load %arg14[%get3A_538, %get3A_539] {strides = array<i32>} : memref<160x32xf32, #tpu.memory_space<vmem>>, vector<16xf32>,
        %sub3A_541 = arith.subf %sub3A_537, %get3A_540 : vector<16xf32>
        %swap3A_542 = arith.index_cast %scan3A_504 : i32 to index
        %swap3A_543 = arith.constant 16 : index
        %swap3A_544 = tpu.vector_load %arg16[%swap3A_542, %swap3A_543] {strides = array<i32>} : memref<160x32xf32, #tpu.memory_space<vmem>>, vector<16xf32>,
        tpu.vector_store %arg16[%swap3A_542, %swap3A_543], %sub3A_541 {strides = array<i32>} : memref<160x32xf32, #tpu.memory_space<vmem>>, vector<16xf32>,
        %mul3A_545 = arith.mulf %gather3A, %sub3A_541 : vector<16xf32>
        %swap3A_546 = arith.index_cast %scan3A_504 : i32 to index
        %swap3A_547 = arith.constant 16 : index
        %swap3A_548 = tpu.vector_load %arg13[%swap3A_546, %swap3A_547] {strides = array<i32>} : memref<160x32xf32, #tpu.memory_space<vmem>>, vector<16xf32>,
        tpu.vector_store %arg13[%swap3A_546, %swap3A_547], %mul3A_545 {strides = array<i32>} : memref<160x32xf32, #tpu.memory_space<vmem>>, vector<16xf32>,
      }
      %scan3A_489 = arith.constant 160 : i32
      %dma_start3A_490 = arith.constant 0 : i32
      %dma_start3A_491 = tpu.memref_slice %arg5[%arg0, %add3A, %dma_start3A_490] : memref<2x10240x32xf32, #tpu.memory_space<hbm>> -> memref<1x160x32xf32, #tpu.memory_space<hbm>>
      %dma_start3A_492 = tpu.memref_squeeze %dma_start3A_491 : memref<1x160x32xf32, #tpu.memory_space<hbm>> -> memref<160x32xf32, #tpu.memory_space<hbm>>
      %dma_start3A_493 = arith.constant 0 : i32
      %dma_start3A_494 = tpu.memref_slice %arg5[%arg0, %add3A, %dma_start3A_493] : memref<2x10240x32xf32, #tpu.memory_space<hbm>> -> memref<1x160x32xf32, #tpu.memory_space<hbm>>
      %dma_start3A_495 = tpu.memref_squeeze %dma_start3A_494 : memref<1x160x32xf32, #tpu.memory_space<hbm>> -> memref<160x32xf32, #tpu.memory_space<hbm>>
      tpu.enqueue_dma source(%arg16 : memref<160x32xf32, #tpu.memory_space<vmem>>) target(%dma_start3A_495 : memref<160x32xf32, #tpu.memory_space<hbm>>) target_semaphore(%arg28 : memref<!tpu.dma_semaphore, #tpu.memory_space<semaphore_mem>>)
      %dma_start3A_496 = arith.constant 0 : i32
      %dma_start3A_497 = tpu.memref_slice %arg21[%add3A, %dma_start3A_496] : memref<10248x32xf32, #tpu.memory_space<vmem_shared>> -> memref<160x32xf32, #tpu.memory_space<vmem_shared>>
      %dma_start3A_498 = arith.constant 0 : i32
      %dma_start3A_499 = tpu.memref_slice %arg21[%add3A, %dma_start3A_498] : memref<10248x32xf32, #tpu.memory_space<vmem_shared>> -> memref<160x32xf32, #tpu.memory_space<vmem_shared>>
      tpu.enqueue_dma source(%arg13 : memref<160x32xf32, #tpu.memory_space<vmem>>) target(%dma_start3A_499 : memref<160x32xf32, #tpu.memory_space<vmem_shared>>) target_semaphore(%arg29 : memref<!tpu.dma_semaphore, #tpu.memory_space<semaphore_mem>>)
      %dma_start3A_500 = arith.constant 0 : i32
      %dma_start3A_501 = tpu.memref_slice %arg22[%add3A, %dma_start3A_500] : memref<10248x32xf32, #tpu.memory_space<vmem_shared>> -> memref<160x32xf32, #tpu.memory_space<vmem_shared>>
      %dma_start3A_502 = arith.constant 0 : i32
      %dma_start3A_503 = tpu.memref_slice %arg22[%add3A, %dma_start3A_502] : memref<10248x32xf32, #tpu.memory_space<vmem_shared>> -> memref<160x32xf32, #tpu.memory_space<vmem_shared>>
      tpu.enqueue_dma source(%arg17 : memref<160x32xf32, #tpu.memory_space<vmem>>) target(%dma_start3A_503 : memref<160x32xf32, #tpu.memory_space<vmem_shared>>) target_semaphore(%arg30 : memref<!tpu.dma_semaphore, #tpu.memory_space<semaphore_mem>>)
    }
    %scan3A_259 = arith.constant 4 : i32
    %dma_wait3A_260 = arith.constant 0 : i32
    %dma_wait3A_261 = arith.constant 0 : i32
    %dma_wait3A_262 = tpu.memref_slice %arg5[%arg0, %dma_wait3A_260, %dma_wait3A_261] : memref<2x10240x32xf32, #tpu.memory_space<hbm>> -> memref<1x160x32xf32, #tpu.memory_space<hbm>>
    %dma_wait3A_263 = tpu.memref_squeeze %dma_wait3A_262 : memref<1x160x32xf32, #tpu.memory_space<hbm>> -> memref<160x32xf32, #tpu.memory_space<hbm>>
    %dma_wait3A_264 = arith.constant 0 : i32
    %dma_wait3A_265 = arith.constant 0 : i32
    %dma_wait3A_266 = tpu.memref_slice %arg5[%arg0, %dma_wait3A_264, %dma_wait3A_265] : memref<2x10240x32xf32, #tpu.memory_space<hbm>> -> memref<1x160x32xf32, #tpu.memory_space<hbm>>
    %dma_wait3A_267 = tpu.memref_squeeze %dma_wait3A_266 : memref<1x160x32xf32, #tpu.memory_space<hbm>> -> memref<160x32xf32, #tpu.memory_space<hbm>>
    tpu.wait_dma2 semaphore(%arg28 : memref<!tpu.dma_semaphore, #tpu.memory_space<semaphore_mem>>) src(%arg16 : memref<160x32xf32, #tpu.memory_space<vmem>>) dst(%dma_wait3A_267 : memref<160x32xf32, #tpu.memory_space<hbm>>)
    %dma_wait3A_268 = arith.constant 0 : i32
    %dma_wait3A_269 = arith.constant 0 : i32
    %dma_wait3A_270 = tpu.memref_slice %arg21[%dma_wait3A_268, %dma_wait3A_269] : memref<10248x32xf32, #tpu.memory_space<vmem_shared>> -> memref<160x32xf32, #tpu.memory_space<vmem_shared>>
    %dma_wait3A_271 = arith.constant 0 : i32
    %dma_wait3A_272 = arith.constant 0 : i32
    %dma_wait3A_273 = tpu.memref_slice %arg21[%dma_wait3A_271, %dma_wait3A_272] : memref<10248x32xf32, #tpu.memory_space<vmem_shared>> -> memref<160x32xf32, #tpu.memory_space<vmem_shared>>
    tpu.wait_dma2 semaphore(%arg29 : memref<!tpu.dma_semaphore, #tpu.memory_space<semaphore_mem>>) src(%arg13 : memref<160x32xf32, #tpu.memory_space<vmem>>) dst(%dma_wait3A_273 : memref<160x32xf32, #tpu.memory_space<vmem_shared>>)
    %dma_wait3A_274 = arith.constant 0 : i32
    %dma_wait3A_275 = arith.constant 0 : i32
    %dma_wait3A_276 = tpu.memref_slice %arg22[%dma_wait3A_274, %dma_wait3A_275] : memref<10248x32xf32, #tpu.memory_space<vmem_shared>> -> memref<160x32xf32, #tpu.memory_space<vmem_shared>>
    %dma_wait3A_277 = arith.constant 0 : i32
    %dma_wait3A_278 = arith.constant 0 : i32
    %dma_wait3A_279 = tpu.memref_slice %arg22[%dma_wait3A_277, %dma_wait3A_278] : memref<10248x32xf32, #tpu.memory_space<vmem_shared>> -> memref<160x32xf32, #tpu.memory_space<vmem_shared>>
    tpu.wait_dma2 semaphore(%arg30 : memref<!tpu.dma_semaphore, #tpu.memory_space<semaphore_mem>>) src(%arg17 : memref<160x32xf32, #tpu.memory_space<vmem>>) dst(%dma_wait3A_279 : memref<160x32xf32, #tpu.memory_space<vmem_shared>>)
    %barrier3A_280 = arith.constant 0 : index
    tpu.barrier barrier_id(%barrier3A_280)
    %dma_start3A_281 = arith.constant 0 : i32
    %dma_start3A_282 = arith.constant 0 : i32
    %dma_start3A_283 = tpu.memref_slice %arg7[%dma_start3A_281, %dma_start3A_282] : memref<160x128xi32, #tpu.memory_space<vmem>> -> memref<1x128xi32, #tpu.memory_space<vmem>>
    %dma_start3A_284 = tpu.memref_squeeze %dma_start3A_283 : memref<1x128xi32, #tpu.memory_space<vmem>> -> memref<128xi32, #tpu.memory_space<vmem>>
    %dma_start3A_285 = arith.constant 0 : i32
    %dma_start3A_286 = arith.constant 0 : i32
    %dma_start3A_287 = tpu.memref_slice %arg21[%dma_start3A_285, %dma_start3A_286] : memref<10248x32xf32, #tpu.memory_space<vmem_shared>> -> memref<10248x32xf32, #tpu.memory_space<vmem_shared>>
    tpu.enqueue_indirect_dma source(%dma_start3A_287 : memref<10248x32xf32, #tpu.memory_space<vmem_shared>>) target(%arg9 : memref<128x32xf32, #tpu.memory_space<vmem>>) offsets(%dma_start3A_284 : memref<128xi32, #tpu.memory_space<vmem>>) semaphore(%arg24 : memref<!tpu.dma_semaphore, #tpu.memory_space<semaphore_mem>>)
    %dma_start3A_288 = arith.constant 1 : i32
    %dma_start3A_289 = arith.constant 0 : i32
    %dma_start3A_290 = tpu.memref_slice %arg7[%dma_start3A_288, %dma_start3A_289] : memref<160x128xi32, #tpu.memory_space<vmem>> -> memref<1x128xi32, #tpu.memory_space<vmem>>
    %dma_start3A_291 = tpu.memref_squeeze %dma_start3A_290 : memref<1x128xi32, #tpu.memory_space<vmem>> -> memref<128xi32, #tpu.memory_space<vmem>>
    %dma_start3A_292 = arith.constant 0 : i32
    %dma_start3A_293 = arith.constant 0 : i32
    %dma_start3A_294 = tpu.memref_slice %arg21[%dma_start3A_292, %dma_start3A_293] : memref<10248x32xf32, #tpu.memory_space<vmem_shared>> -> memref<10248x32xf32, #tpu.memory_space<vmem_shared>>
    tpu.enqueue_indirect_dma source(%dma_start3A_294 : memref<10248x32xf32, #tpu.memory_space<vmem_shared>>) target(%arg10 : memref<128x32xf32, #tpu.memory_space<vmem>>) offsets(%dma_start3A_291 : memref<128xi32, #tpu.memory_space<vmem>>) semaphore(%arg25 : memref<!tpu.dma_semaphore, #tpu.memory_space<semaphore_mem>>)
    %scan3A_295 = arith.constant 0 : i32
    %scan3A_296 = arith.constant 80 : i32
    %scan3A_297 = arith.addi %scan3A_295, %scan3A_296 : i32
    %scan3A_298 = arith.constant 1 : i32
    scf.for %scan3A_440 = %scan3A_295 to %scan3A_297 step %scan3A_298  : i32 {
      %mul3A_441 = arith.constant 2 : i32
      %mul3A_442 = arith.muli %mul3A_441, %scan3A_440 : i32
      %dma_wait3A_443 = arith.constant 0 : i32
      %dma_wait3A_444 = arith.constant 0 : i32
      %dma_wait3A_445 = tpu.memref_slice %arg7[%dma_wait3A_443, %dma_wait3A_444] : memref<160x128xi32, #tpu.memory_space<vmem>> -> memref<1x128xi32, #tpu.memory_space<vmem>>
      %dma_wait3A_446 = tpu.memref_squeeze %dma_wait3A_445 : memref<1x128xi32, #tpu.memory_space<vmem>> -> memref<128xi32, #tpu.memory_space<vmem>>
      %dma_wait3A_447 = arith.constant 0 : i32
      %dma_wait3A_448 = arith.constant 0 : i32
      %dma_wait3A_449 = tpu.memref_slice %arg21[%dma_wait3A_447, %dma_wait3A_448] : memref<10248x32xf32, #tpu.memory_space<vmem_shared>> -> memref<10248x32xf32, #tpu.memory_space<vmem_shared>>
      tpu.wait_indirect_dma semaphore(%arg24 : memref<!tpu.dma_semaphore, #tpu.memory_space<semaphore_mem>>) src(%dma_wait3A_449 : memref<10248x32xf32, #tpu.memory_space<vmem_shared>>) dst(%arg9 : memref<128x32xf32, #tpu.memory_space<vmem>>)
      %add3A = arith.constant 0 : i32
      %add3A_450 = arith.addi %mul3A_442, %add3A : i32
      %dma_start3A_451 = arith.constant 0 : i32
      %dma_start3A_452 = tpu.memref_slice %arg8[%add3A_450, %dma_start3A_451] : memref<160x128xi32, #tpu.memory_space<vmem>> -> memref<1x128xi32, #tpu.memory_space<vmem>>
      %dma_start3A_453 = tpu.memref_squeeze %dma_start3A_452 : memref<1x128xi32, #tpu.memory_space<vmem>> -> memref<128xi32, #tpu.memory_space<vmem>>
      %dma_start3A_454 = arith.constant 0 : i32
      %dma_start3A_455 = arith.constant 0 : i32
      %dma_start3A_456 = tpu.memref_slice %arg22[%dma_start3A_454, %dma_start3A_455] : memref<10248x32xf32, #tpu.memory_space<vmem_shared>> -> memref<10248x32xf32, #tpu.memory_space<vmem_shared>>
      tpu.enqueue_indirect_dma source(%arg9 : memref<128x32xf32, #tpu.memory_space<vmem>>) target(%dma_start3A_456 : memref<10248x32xf32, #tpu.memory_space<vmem_shared>>) offsets(%dma_start3A_453 : memref<128xi32, #tpu.memory_space<vmem>>) semaphore(%arg28 : memref<!tpu.dma_semaphore, #tpu.memory_space<semaphore_mem>>) {add = true}
      %dma_wait3A_457 = arith.constant 0 : i32
      %dma_wait3A_458 = arith.constant 0 : i32
      %dma_wait3A_459 = tpu.memref_slice %arg7[%dma_wait3A_457, %dma_wait3A_458] : memref<160x128xi32, #tpu.memory_space<vmem>> -> memref<1x128xi32, #tpu.memory_space<vmem>>
      %dma_wait3A_460 = tpu.memref_squeeze %dma_wait3A_459 : memref<1x128xi32, #tpu.memory_space<vmem>> -> memref<128xi32, #tpu.memory_space<vmem>>
      %dma_wait3A_461 = arith.constant 0 : i32
      %dma_wait3A_462 = arith.constant 0 : i32
      %dma_wait3A_463 = tpu.memref_slice %arg21[%dma_wait3A_461, %dma_wait3A_462] : memref<10248x32xf32, #tpu.memory_space<vmem_shared>> -> memref<10248x32xf32, #tpu.memory_space<vmem_shared>>
      tpu.wait_indirect_dma semaphore(%arg25 : memref<!tpu.dma_semaphore, #tpu.memory_space<semaphore_mem>>) src(%dma_wait3A_463 : memref<10248x32xf32, #tpu.memory_space<vmem_shared>>) dst(%arg10 : memref<128x32xf32, #tpu.memory_space<vmem>>)
      %add3A_464 = arith.constant 1 : i32
      %add3A_465 = arith.addi %mul3A_442, %add3A_464 : i32
      %dma_start3A_466 = arith.constant 0 : i32
      %dma_start3A_467 = tpu.memref_slice %arg8[%add3A_465, %dma_start3A_466] : memref<160x128xi32, #tpu.memory_space<vmem>> -> memref<1x128xi32, #tpu.memory_space<vmem>>
      %dma_start3A_468 = tpu.memref_squeeze %dma_start3A_467 : memref<1x128xi32, #tpu.memory_space<vmem>> -> memref<128xi32, #tpu.memory_space<vmem>>
      %dma_start3A_469 = arith.constant 0 : i32
      %dma_start3A_470 = arith.constant 0 : i32
      %dma_start3A_471 = tpu.memref_slice %arg22[%dma_start3A_469, %dma_start3A_470] : memref<10248x32xf32, #tpu.memory_space<vmem_shared>> -> memref<10248x32xf32, #tpu.memory_space<vmem_shared>>
      tpu.enqueue_indirect_dma source(%arg10 : memref<128x32xf32, #tpu.memory_space<vmem>>) target(%dma_start3A_471 : memref<10248x32xf32, #tpu.memory_space<vmem_shared>>) offsets(%dma_start3A_468 : memref<128xi32, #tpu.memory_space<vmem>>) semaphore(%arg29 : memref<!tpu.dma_semaphore, #tpu.memory_space<semaphore_mem>>) {add = true}
      %lt3A = arith.constant 79 : i32
      %lt3A_472 = arith.cmpi slt, %scan3A_440, %lt3A : i32
      %convert_element_type3A = arith.extui %lt3A_472 : i1 to i32
      %cond3A = arith.constant 0 : i32
      %cond3A_473 = arith.cmpi ne, %convert_element_type3A, %cond3A : i32
      scf.if %cond3A_473 {
        %dma_wait3A_474 = arith.constant 0 : i32
        %dma_wait3A_475 = arith.constant 0 : i32
        %dma_wait3A_476 = tpu.memref_slice %arg8[%dma_wait3A_474, %dma_wait3A_475] : memref<160x128xi32, #tpu.memory_space<vmem>> -> memref<1x128xi32, #tpu.memory_space<vmem>>
        %dma_wait3A_477 = tpu.memref_squeeze %dma_wait3A_476 : memref<1x128xi32, #tpu.memory_space<vmem>> -> memref<128xi32, #tpu.memory_space<vmem>>
        %dma_wait3A_478 = arith.constant 0 : i32
        %dma_wait3A_479 = arith.constant 0 : i32
        %dma_wait3A_480 = tpu.memref_slice %arg22[%dma_wait3A_478, %dma_wait3A_479] : memref<10248x32xf32, #tpu.memory_space<vmem_shared>> -> memref<10248x32xf32, #tpu.memory_space<vmem_shared>>
        tpu.wait_indirect_dma semaphore(%arg28 : memref<!tpu.dma_semaphore, #tpu.memory_space<semaphore_mem>>) src(%arg9 : memref<128x32xf32, #tpu.memory_space<vmem>>) dst(%dma_wait3A_480 : memref<10248x32xf32, #tpu.memory_space<vmem_shared>>)
        %add3A_481 = arith.constant 2 : i32
        %add3A_482 = arith.addi %mul3A_442, %add3A_481 : i32
        %add3A_483 = arith.constant 0 : i32
        %add3A_484 = arith.addi %add3A_482, %add3A_483 : i32
        %dma_start3A_485 = arith.constant 0 : i32
        %dma_start3A_486 = tpu.memref_slice %arg7[%add3A_484, %dma_start3A_485] : memref<160x128xi32, #tpu.memory_space<vmem>> -> memref<1x128xi32, #tpu.memory_space<vmem>>
        %dma_start3A_487 = tpu.memref_squeeze %dma_start3A_486 : memref<1x128xi32, #tpu.memory_space<vmem>> -> memref<128xi32, #tpu.memory_space<vmem>>
        %dma_start3A_488 = arith.constant 0 : i32
        %dma_start3A_489 = arith.constant 0 : i32
        %dma_start3A_490 = tpu.memref_slice %arg21[%dma_start3A_488, %dma_start3A_489] : memref<10248x32xf32, #tpu.memory_space<vmem_shared>> -> memref<10248x32xf32, #tpu.memory_space<vmem_shared>>
        tpu.enqueue_indirect_dma source(%dma_start3A_490 : memref<10248x32xf32, #tpu.memory_space<vmem_shared>>) target(%arg9 : memref<128x32xf32, #tpu.memory_space<vmem>>) offsets(%dma_start3A_487 : memref<128xi32, #tpu.memory_space<vmem>>) semaphore(%arg24 : memref<!tpu.dma_semaphore, #tpu.memory_space<semaphore_mem>>)
        %dma_wait3A_491 = arith.constant 0 : i32
        %dma_wait3A_492 = arith.constant 0 : i32
        %dma_wait3A_493 = tpu.memref_slice %arg8[%dma_wait3A_491, %dma_wait3A_492] : memref<160x128xi32, #tpu.memory_space<vmem>> -> memref<1x128xi32, #tpu.memory_space<vmem>>
        %dma_wait3A_494 = tpu.memref_squeeze %dma_wait3A_493 : memref<1x128xi32, #tpu.memory_space<vmem>> -> memref<128xi32, #tpu.memory_space<vmem>>
        %dma_wait3A_495 = arith.constant 0 : i32
        %dma_wait3A_496 = arith.constant 0 : i32
        %dma_wait3A_497 = tpu.memref_slice %arg22[%dma_wait3A_495, %dma_wait3A_496] : memref<10248x32xf32, #tpu.memory_space<vmem_shared>> -> memref<10248x32xf32, #tpu.memory_space<vmem_shared>>
        tpu.wait_indirect_dma semaphore(%arg29 : memref<!tpu.dma_semaphore, #tpu.memory_space<semaphore_mem>>) src(%arg10 : memref<128x32xf32, #tpu.memory_space<vmem>>) dst(%dma_wait3A_497 : memref<10248x32xf32, #tpu.memory_space<vmem_shared>>)
        %add3A_498 = arith.constant 2 : i32
        %add3A_499 = arith.addi %mul3A_442, %add3A_498 : i32
        %add3A_500 = arith.constant 1 : i32
        %add3A_501 = arith.addi %add3A_499, %add3A_500 : i32
        %dma_start3A_502 = arith.constant 0 : i32
        %dma_start3A_503 = tpu.memref_slice %arg7[%add3A_501, %dma_start3A_502] : memref<160x128xi32, #tpu.memory_space<vmem>> -> memref<1x128xi32, #tpu.memory_space<vmem>>
        %dma_start3A_504 = tpu.memref_squeeze %dma_start3A_503 : memref<1x128xi32, #tpu.memory_space<vmem>> -> memref<128xi32, #tpu.memory_space<vmem>>
        %dma_start3A_505 = arith.constant 0 : i32
        %dma_start3A_506 = arith.constant 0 : i32
        %dma_start3A_507 = tpu.memref_slice %arg21[%dma_start3A_505, %dma_start3A_506] : memref<10248x32xf32, #tpu.memory_space<vmem_shared>> -> memref<10248x32xf32, #tpu.memory_space<vmem_shared>>
        tpu.enqueue_indirect_dma source(%dma_start3A_507 : memref<10248x32xf32, #tpu.memory_space<vmem_shared>>) target(%arg10 : memref<128x32xf32, #tpu.memory_space<vmem>>) offsets(%dma_start3A_504 : memref<128xi32, #tpu.memory_space<vmem>>) semaphore(%arg25 : memref<!tpu.dma_semaphore, #tpu.memory_space<semaphore_mem>>)
      } else {
      }
    }
    %scan3A_299 = arith.constant 80 : i32
    %dma_wait3A_300 = arith.constant 0 : i32
    %dma_wait3A_301 = arith.constant 0 : i32
    %dma_wait3A_302 = tpu.memref_slice %arg8[%dma_wait3A_300, %dma_wait3A_301] : memref<160x128xi32, #tpu.memory_space<vmem>> -> memref<1x128xi32, #tpu.memory_space<vmem>>
    %dma_wait3A_303 = tpu.memref_squeeze %dma_wait3A_302 : memref<1x128xi32, #tpu.memory_space<vmem>> -> memref<128xi32, #tpu.memory_space<vmem>>
    %dma_wait3A_304 = arith.constant 0 : i32
    %dma_wait3A_305 = arith.constant 0 : i32
    %dma_wait3A_306 = tpu.memref_slice %arg22[%dma_wait3A_304, %dma_wait3A_305] : memref<10248x32xf32, #tpu.memory_space<vmem_shared>> -> memref<10248x32xf32, #tpu.memory_space<vmem_shared>>
    tpu.wait_indirect_dma semaphore(%arg28 : memref<!tpu.dma_semaphore, #tpu.memory_space<semaphore_mem>>) src(%arg9 : memref<128x32xf32, #tpu.memory_space<vmem>>) dst(%dma_wait3A_306 : memref<10248x32xf32, #tpu.memory_space<vmem_shared>>)
    %dma_wait3A_307 = arith.constant 0 : i32
    %dma_wait3A_308 = arith.constant 0 : i32
    %dma_wait3A_309 = tpu.memref_slice %arg8[%dma_wait3A_307, %dma_wait3A_308] : memref<160x128xi32, #tpu.memory_space<vmem>> -> memref<1x128xi32, #tpu.memory_space<vmem>>
    %dma_wait3A_310 = tpu.memref_squeeze %dma_wait3A_309 : memref<1x128xi32, #tpu.memory_space<vmem>> -> memref<128xi32, #tpu.memory_space<vmem>>
    %dma_wait3A_311 = arith.constant 0 : i32
    %dma_wait3A_312 = arith.constant 0 : i32
    %dma_wait3A_313 = tpu.memref_slice %arg22[%dma_wait3A_311, %dma_wait3A_312] : memref<10248x32xf32, #tpu.memory_space<vmem_shared>> -> memref<10248x32xf32, #tpu.memory_space<vmem_shared>>
    tpu.wait_indirect_dma semaphore(%arg29 : memref<!tpu.dma_semaphore, #tpu.memory_space<semaphore_mem>>) src(%arg10 : memref<128x32xf32, #tpu.memory_space<vmem>>) dst(%dma_wait3A_313 : memref<10248x32xf32, #tpu.memory_space<vmem_shared>>)
    %barrier3A_314 = arith.constant 0 : index
    tpu.barrier barrier_id(%barrier3A_314)
    %scan3A_315 = arith.constant 0 : i32
    %scan3A_316 = arith.constant 4 : i32
    %scan3A_317 = arith.addi %scan3A_315, %scan3A_316 : i32
    %scan3A_318 = arith.constant 1 : i32
    scf.for %scan3A_440 = %scan3A_315 to %scan3A_317 step %scan3A_318  : i32 {
      %mul3A_441 = arith.constant 160 : i32
      %mul3A_442 = arith.muli %scan3A_440, %mul3A_441 : i32
      %add3A = arith.addi %mul3A_0, %mul3A_442 : i32
      %gt3A = arith.constant 0 : i32
      %gt3A_443 = arith.cmpi sgt, %scan3A_440, %gt3A : i32
      %convert_element_type3A = arith.extui %gt3A_443 : i1 to i32
      %cond3A = arith.constant 0 : i32
      %cond3A_444 = arith.cmpi ne, %convert_element_type3A, %cond3A : i32
      scf.if %cond3A_444 {
        %dma_wait3A_504 = arith.constant 0 : i32
        %dma_wait3A_505 = arith.constant 0 : i32
        %dma_wait3A_506 = tpu.memref_slice %arg6[%arg0, %dma_wait3A_504, %dma_wait3A_505] : memref<2x10240x32xf32, #tpu.memory_space<hbm>> -> memref<1x160x32xf32, #tpu.memory_space<hbm>>
        %dma_wait3A_507 = tpu.memref_squeeze %dma_wait3A_506 : memref<1x160x32xf32, #tpu.memory_space<hbm>> -> memref<160x32xf32, #tpu.memory_space<hbm>>
        %dma_wait3A_508 = arith.constant 0 : i32
        %dma_wait3A_509 = arith.constant 0 : i32
        %dma_wait3A_510 = tpu.memref_slice %arg6[%arg0, %dma_wait3A_508, %dma_wait3A_509] : memref<2x10240x32xf32, #tpu.memory_space<hbm>> -> memref<1x160x32xf32, #tpu.memory_space<hbm>>
        %dma_wait3A_511 = tpu.memref_squeeze %dma_wait3A_510 : memref<1x160x32xf32, #tpu.memory_space<hbm>> -> memref<160x32xf32, #tpu.memory_space<hbm>>
        tpu.wait_dma2 semaphore(%arg28 : memref<!tpu.dma_semaphore, #tpu.memory_space<semaphore_mem>>) src(%arg16 : memref<160x32xf32, #tpu.memory_space<vmem>>) dst(%dma_wait3A_511 : memref<160x32xf32, #tpu.memory_space<hbm>>)
        %dma_wait3A_512 = arith.constant 0 : i32
        %dma_wait3A_513 = arith.constant 0 : i32
        %dma_wait3A_514 = tpu.memref_slice %arg21[%dma_wait3A_512, %dma_wait3A_513] : memref<10248x32xf32, #tpu.memory_space<vmem_shared>> -> memref<160x32xf32, #tpu.memory_space<vmem_shared>>
        %dma_wait3A_515 = arith.constant 0 : i32
        %dma_wait3A_516 = arith.constant 0 : i32
        %dma_wait3A_517 = tpu.memref_slice %arg21[%dma_wait3A_515, %dma_wait3A_516] : memref<10248x32xf32, #tpu.memory_space<vmem_shared>> -> memref<160x32xf32, #tpu.memory_space<vmem_shared>>
        tpu.wait_dma2 semaphore(%arg29 : memref<!tpu.dma_semaphore, #tpu.memory_space<semaphore_mem>>) src(%arg13 : memref<160x32xf32, #tpu.memory_space<vmem>>) dst(%dma_wait3A_517 : memref<160x32xf32, #tpu.memory_space<vmem_shared>>)
        %dma_wait3A_518 = arith.constant 0 : i32
        %dma_wait3A_519 = arith.constant 0 : i32
        %dma_wait3A_520 = tpu.memref_slice %arg22[%dma_wait3A_518, %dma_wait3A_519] : memref<10248x32xf32, #tpu.memory_space<vmem_shared>> -> memref<160x32xf32, #tpu.memory_space<vmem_shared>>
        %dma_wait3A_521 = arith.constant 0 : i32
        %dma_wait3A_522 = arith.constant 0 : i32
        %dma_wait3A_523 = tpu.memref_slice %arg22[%dma_wait3A_521, %dma_wait3A_522] : memref<10248x32xf32, #tpu.memory_space<vmem_shared>> -> memref<160x32xf32, #tpu.memory_space<vmem_shared>>
        tpu.wait_dma2 semaphore(%arg30 : memref<!tpu.dma_semaphore, #tpu.memory_space<semaphore_mem>>) src(%arg17 : memref<160x32xf32, #tpu.memory_space<vmem>>) dst(%dma_wait3A_523 : memref<160x32xf32, #tpu.memory_space<vmem_shared>>)
      } else {
      }
      %dma_start3A_445 = arith.constant 0 : i32
      %dma_start3A_446 = tpu.memref_slice %arg22[%add3A, %dma_start3A_445] : memref<10248x32xf32, #tpu.memory_space<vmem_shared>> -> memref<160x32xf32, #tpu.memory_space<vmem_shared>>
      %dma_start3A_447 = arith.constant 0 : i32
      %dma_start3A_448 = tpu.memref_slice %arg22[%add3A, %dma_start3A_447] : memref<10248x32xf32, #tpu.memory_space<vmem_shared>> -> memref<160x32xf32, #tpu.memory_space<vmem_shared>>
      tpu.enqueue_dma source(%dma_start3A_448 : memref<160x32xf32, #tpu.memory_space<vmem_shared>>) target(%arg13 : memref<160x32xf32, #tpu.memory_space<vmem>>) target_semaphore(%arg24 : memref<!tpu.dma_semaphore, #tpu.memory_space<semaphore_mem>>)
      %dma_start3A_449 = arith.constant 0 : i32
      %dma_start3A_450 = tpu.memref_slice %arg6[%arg0, %add3A, %dma_start3A_449] : memref<2x10240x32xf32, #tpu.memory_space<hbm>> -> memref<1x160x32xf32, #tpu.memory_space<hbm>>
      %dma_start3A_451 = tpu.memref_squeeze %dma_start3A_450 : memref<1x160x32xf32, #tpu.memory_space<hbm>> -> memref<160x32xf32, #tpu.memory_space<hbm>>
      %dma_start3A_452 = arith.constant 0 : i32
      %dma_start3A_453 = tpu.memref_slice %arg6[%arg0, %add3A, %dma_start3A_452] : memref<2x10240x32xf32, #tpu.memory_space<hbm>> -> memref<1x160x32xf32, #tpu.memory_space<hbm>>
      %dma_start3A_454 = tpu.memref_squeeze %dma_start3A_453 : memref<1x160x32xf32, #tpu.memory_space<hbm>> -> memref<160x32xf32, #tpu.memory_space<hbm>>
      tpu.enqueue_dma source(%dma_start3A_454 : memref<160x32xf32, #tpu.memory_space<hbm>>) target(%arg14 : memref<160x32xf32, #tpu.memory_space<vmem>>) target_semaphore(%arg25 : memref<!tpu.dma_semaphore, #tpu.memory_space<semaphore_mem>>)
      %dma_start3A_455 = arith.constant 2 : i32
      %dma_start3A_456 = arith.constant 0 : i32
      %dma_start3A_457 = tpu.memref_slice %arg3[%dma_start3A_455, %arg0, %add3A, %dma_start3A_456] : memref<8x2x10240x32xf32, #tpu.memory_space<hbm>> -> memref<1x1x160x32xf32, #tpu.memory_space<hbm>>
      %dma_start3A_458 = tpu.memref_squeeze %dma_start3A_457 : memref<1x1x160x32xf32, #tpu.memory_space<hbm>> -> memref<160x32xf32, #tpu.memory_space<hbm>>
      %dma_start3A_459 = arith.constant 0 : i32
      %dma_start3A_460 = tpu.memref_slice %arg3[%dma_start3A_455, %arg0, %add3A, %dma_start3A_459] : memref<8x2x10240x32xf32, #tpu.memory_space<hbm>> -> memref<1x1x160x32xf32, #tpu.memory_space<hbm>>
      %dma_start3A_461 = tpu.memref_squeeze %dma_start3A_460 : memref<1x1x160x32xf32, #tpu.memory_space<hbm>> -> memref<160x32xf32, #tpu.memory_space<hbm>>
      tpu.enqueue_dma source(%dma_start3A_461 : memref<160x32xf32, #tpu.memory_space<hbm>>) target(%arg15 : memref<160x32xf32, #tpu.memory_space<vmem>>) target_semaphore(%arg26 : memref<!tpu.dma_semaphore, #tpu.memory_space<semaphore_mem>>)
      %dma_wait3A_462 = arith.constant 0 : i32
      %dma_wait3A_463 = arith.constant 0 : i32
      %dma_wait3A_464 = tpu.memref_slice %arg22[%dma_wait3A_462, %dma_wait3A_463] : memref<10248x32xf32, #tpu.memory_space<vmem_shared>> -> memref<160x32xf32, #tpu.memory_space<vmem_shared>>
      %dma_wait3A_465 = arith.constant 0 : i32
      %dma_wait3A_466 = arith.constant 0 : i32
      %dma_wait3A_467 = tpu.memref_slice %arg22[%dma_wait3A_465, %dma_wait3A_466] : memref<10248x32xf32, #tpu.memory_space<vmem_shared>> -> memref<160x32xf32, #tpu.memory_space<vmem_shared>>
      tpu.wait_dma2 semaphore(%arg24 : memref<!tpu.dma_semaphore, #tpu.memory_space<semaphore_mem>>) src(%dma_wait3A_467 : memref<160x32xf32, #tpu.memory_space<vmem_shared>>) dst(%arg13 : memref<160x32xf32, #tpu.memory_space<vmem>>)
      %dma_wait3A_468 = arith.constant 0 : i32
      %dma_wait3A_469 = arith.constant 0 : i32
      %dma_wait3A_470 = tpu.memref_slice %arg6[%arg0, %dma_wait3A_468, %dma_wait3A_469] : memref<2x10240x32xf32, #tpu.memory_space<hbm>> -> memref<1x160x32xf32, #tpu.memory_space<hbm>>
      %dma_wait3A_471 = tpu.memref_squeeze %dma_wait3A_470 : memref<1x160x32xf32, #tpu.memory_space<hbm>> -> memref<160x32xf32, #tpu.memory_space<hbm>>
      %dma_wait3A_472 = arith.constant 0 : i32
      %dma_wait3A_473 = arith.constant 0 : i32
      %dma_wait3A_474 = tpu.memref_slice %arg6[%arg0, %dma_wait3A_472, %dma_wait3A_473] : memref<2x10240x32xf32, #tpu.memory_space<hbm>> -> memref<1x160x32xf32, #tpu.memory_space<hbm>>
      %dma_wait3A_475 = tpu.memref_squeeze %dma_wait3A_474 : memref<1x160x32xf32, #tpu.memory_space<hbm>> -> memref<160x32xf32, #tpu.memory_space<hbm>>
      tpu.wait_dma2 semaphore(%arg25 : memref<!tpu.dma_semaphore, #tpu.memory_space<semaphore_mem>>) src(%dma_wait3A_475 : memref<160x32xf32, #tpu.memory_space<hbm>>) dst(%arg14 : memref<160x32xf32, #tpu.memory_space<vmem>>)
      %dma_wait3A_476 = arith.constant 2 : i32
      %dma_wait3A_477 = arith.constant 0 : i32
      %dma_wait3A_478 = arith.constant 0 : i32
      %dma_wait3A_479 = tpu.memref_slice %arg3[%dma_wait3A_476, %arg0, %dma_wait3A_477, %dma_wait3A_478] : memref<8x2x10240x32xf32, #tpu.memory_space<hbm>> -> memref<1x1x160x32xf32, #tpu.memory_space<hbm>>
      %dma_wait3A_480 = tpu.memref_squeeze %dma_wait3A_479 : memref<1x1x160x32xf32, #tpu.memory_space<hbm>> -> memref<160x32xf32, #tpu.memory_space<hbm>>
      %dma_wait3A_481 = arith.constant 0 : i32
      %dma_wait3A_482 = arith.constant 0 : i32
      %dma_wait3A_483 = tpu.memref_slice %arg3[%dma_wait3A_476, %arg0, %dma_wait3A_481, %dma_wait3A_482] : memref<8x2x10240x32xf32, #tpu.memory_space<hbm>> -> memref<1x1x160x32xf32, #tpu.memory_space<hbm>>
      %dma_wait3A_484 = tpu.memref_squeeze %dma_wait3A_483 : memref<1x1x160x32xf32, #tpu.memory_space<hbm>> -> memref<160x32xf32, #tpu.memory_space<hbm>>
      tpu.wait_dma2 semaphore(%arg26 : memref<!tpu.dma_semaphore, #tpu.memory_space<semaphore_mem>>) src(%dma_wait3A_484 : memref<160x32xf32, #tpu.memory_space<hbm>>) dst(%arg15 : memref<160x32xf32, #tpu.memory_space<vmem>>)
      %scan3A_485 = arith.constant 0 : i32
      %scan3A_486 = arith.constant 160 : i32
      %scan3A_487 = arith.addi %scan3A_485, %scan3A_486 : i32
      %scan3A_488 = arith.constant 1 : i32
      scf.for %scan3A_504 = %scan3A_485 to %scan3A_487 step %scan3A_488  : i32 {
        %mul3A_505 = arith.constant 160 : i32
        %mul3A_506 = arith.muli %scan3A_440, %mul3A_505 : i32
        %add3A_507 = arith.addi %mul3A_506, %scan3A_504 : i32
        %broadcast_in_dim3A = vector.broadcast %add3A_507 : i32 to vector<16xi32>
        %gather3A = tpu.vector_load_idx %arg20[%broadcast_in_dim3A] : memref<640xf32, #tpu.memory_space<vmem>>[vector<16xi32>], vector<16xf32>,
        %get3A = arith.index_cast %scan3A_504 : i32 to index
        %get3A_508 = arith.constant 0 : index
        %get3A_509 = tpu.vector_load %arg15[%get3A, %get3A_508] {strides = array<i32>} : memref<160x32xf32, #tpu.memory_space<vmem>>, vector<16xf32>,
        %mul3A_510 = arith.constant 2.000000e+00 : f32
        %mul3A_511 = vector.broadcast %mul3A_510 : f32 to vector<16xf32>
        %mul3A_512 = arith.mulf %mul3A_511, %gather3A : vector<16xf32>
        %get3A_513 = arith.index_cast %scan3A_504 : i32 to index
        %get3A_514 = arith.constant 0 : index
        %get3A_515 = tpu.vector_load %arg13[%get3A_513, %get3A_514] {strides = array<i32>} : memref<160x32xf32, #tpu.memory_space<vmem>>, vector<16xf32>,
        %mul3A_516 = arith.mulf %mul3A_512, %get3A_515 : vector<16xf32>
        %sub3A = arith.subf %get3A_509, %mul3A_516 : vector<16xf32>
        %get3A_517 = arith.index_cast %scan3A_504 : i32 to index
        %get3A_518 = arith.constant 0 : index
        %get3A_519 = tpu.vector_load %arg14[%get3A_517, %get3A_518] {strides = array<i32>} : memref<160x32xf32, #tpu.memory_space<vmem>>, vector<16xf32>,
        %sub3A_520 = arith.subf %sub3A, %get3A_519 : vector<16xf32>
        %swap3A = arith.index_cast %scan3A_504 : i32 to index
        %swap3A_521 = arith.constant 0 : index
        %swap3A_522 = tpu.vector_load %arg16[%swap3A, %swap3A_521] {strides = array<i32>} : memref<160x32xf32, #tpu.memory_space<vmem>>, vector<16xf32>,
        tpu.vector_store %arg16[%swap3A, %swap3A_521], %sub3A_520 {strides = array<i32>} : memref<160x32xf32, #tpu.memory_space<vmem>>, vector<16xf32>,
        %mul3A_523 = arith.mulf %gather3A, %sub3A_520 : vector<16xf32>
        %swap3A_524 = arith.index_cast %scan3A_504 : i32 to index
        %swap3A_525 = arith.constant 0 : index
        %swap3A_526 = tpu.vector_load %arg13[%swap3A_524, %swap3A_525] {strides = array<i32>} : memref<160x32xf32, #tpu.memory_space<vmem>>, vector<16xf32>,
        tpu.vector_store %arg13[%swap3A_524, %swap3A_525], %mul3A_523 {strides = array<i32>} : memref<160x32xf32, #tpu.memory_space<vmem>>, vector<16xf32>,
        %get3A_527 = arith.index_cast %scan3A_504 : i32 to index
        %get3A_528 = arith.constant 16 : index
        %get3A_529 = tpu.vector_load %arg15[%get3A_527, %get3A_528] {strides = array<i32>} : memref<160x32xf32, #tpu.memory_space<vmem>>, vector<16xf32>,
        %mul3A_530 = arith.constant 2.000000e+00 : f32
        %mul3A_531 = vector.broadcast %mul3A_530 : f32 to vector<16xf32>
        %mul3A_532 = arith.mulf %mul3A_531, %gather3A : vector<16xf32>
        %get3A_533 = arith.index_cast %scan3A_504 : i32 to index
        %get3A_534 = arith.constant 16 : index
        %get3A_535 = tpu.vector_load %arg13[%get3A_533, %get3A_534] {strides = array<i32>} : memref<160x32xf32, #tpu.memory_space<vmem>>, vector<16xf32>,
        %mul3A_536 = arith.mulf %mul3A_532, %get3A_535 : vector<16xf32>
        %sub3A_537 = arith.subf %get3A_529, %mul3A_536 : vector<16xf32>
        %get3A_538 = arith.index_cast %scan3A_504 : i32 to index
        %get3A_539 = arith.constant 16 : index
        %get3A_540 = tpu.vector_load %arg14[%get3A_538, %get3A_539] {strides = array<i32>} : memref<160x32xf32, #tpu.memory_space<vmem>>, vector<16xf32>,
        %sub3A_541 = arith.subf %sub3A_537, %get3A_540 : vector<16xf32>
        %swap3A_542 = arith.index_cast %scan3A_504 : i32 to index
        %swap3A_543 = arith.constant 16 : index
        %swap3A_544 = tpu.vector_load %arg16[%swap3A_542, %swap3A_543] {strides = array<i32>} : memref<160x32xf32, #tpu.memory_space<vmem>>, vector<16xf32>,
        tpu.vector_store %arg16[%swap3A_542, %swap3A_543], %sub3A_541 {strides = array<i32>} : memref<160x32xf32, #tpu.memory_space<vmem>>, vector<16xf32>,
        %mul3A_545 = arith.mulf %gather3A, %sub3A_541 : vector<16xf32>
        %swap3A_546 = arith.index_cast %scan3A_504 : i32 to index
        %swap3A_547 = arith.constant 16 : index
        %swap3A_548 = tpu.vector_load %arg13[%swap3A_546, %swap3A_547] {strides = array<i32>} : memref<160x32xf32, #tpu.memory_space<vmem>>, vector<16xf32>,
        tpu.vector_store %arg13[%swap3A_546, %swap3A_547], %mul3A_545 {strides = array<i32>} : memref<160x32xf32, #tpu.memory_space<vmem>>, vector<16xf32>,
      }
      %scan3A_489 = arith.constant 160 : i32
      %dma_start3A_490 = arith.constant 0 : i32
      %dma_start3A_491 = tpu.memref_slice %arg6[%arg0, %add3A, %dma_start3A_490] : memref<2x10240x32xf32, #tpu.memory_space<hbm>> -> memref<1x160x32xf32, #tpu.memory_space<hbm>>
      %dma_start3A_492 = tpu.memref_squeeze %dma_start3A_491 : memref<1x160x32xf32, #tpu.memory_space<hbm>> -> memref<160x32xf32, #tpu.memory_space<hbm>>
      %dma_start3A_493 = arith.constant 0 : i32
      %dma_start3A_494 = tpu.memref_slice %arg6[%arg0, %add3A, %dma_start3A_493] : memref<2x10240x32xf32, #tpu.memory_space<hbm>> -> memref<1x160x32xf32, #tpu.memory_space<hbm>>
      %dma_start3A_495 = tpu.memref_squeeze %dma_start3A_494 : memref<1x160x32xf32, #tpu.memory_space<hbm>> -> memref<160x32xf32, #tpu.memory_space<hbm>>
      tpu.enqueue_dma source(%arg16 : memref<160x32xf32, #tpu.memory_space<vmem>>) target(%dma_start3A_495 : memref<160x32xf32, #tpu.memory_space<hbm>>) target_semaphore(%arg28 : memref<!tpu.dma_semaphore, #tpu.memory_space<semaphore_mem>>)
      %dma_start3A_496 = arith.constant 0 : i32
      %dma_start3A_497 = tpu.memref_slice %arg21[%add3A, %dma_start3A_496] : memref<10248x32xf32, #tpu.memory_space<vmem_shared>> -> memref<160x32xf32, #tpu.memory_space<vmem_shared>>
      %dma_start3A_498 = arith.constant 0 : i32
      %dma_start3A_499 = tpu.memref_slice %arg21[%add3A, %dma_start3A_498] : memref<10248x32xf32, #tpu.memory_space<vmem_shared>> -> memref<160x32xf32, #tpu.memory_space<vmem_shared>>
      tpu.enqueue_dma source(%arg13 : memref<160x32xf32, #tpu.memory_space<vmem>>) target(%dma_start3A_499 : memref<160x32xf32, #tpu.memory_space<vmem_shared>>) target_semaphore(%arg29 : memref<!tpu.dma_semaphore, #tpu.memory_space<semaphore_mem>>)
      %dma_start3A_500 = arith.constant 0 : i32
      %dma_start3A_501 = tpu.memref_slice %arg22[%add3A, %dma_start3A_500] : memref<10248x32xf32, #tpu.memory_space<vmem_shared>> -> memref<160x32xf32, #tpu.memory_space<vmem_shared>>
      %dma_start3A_502 = arith.constant 0 : i32
      %dma_start3A_503 = tpu.memref_slice %arg22[%add3A, %dma_start3A_502] : memref<10248x32xf32, #tpu.memory_space<vmem_shared>> -> memref<160x32xf32, #tpu.memory_space<vmem_shared>>
      tpu.enqueue_dma source(%arg17 : memref<160x32xf32, #tpu.memory_space<vmem>>) target(%dma_start3A_503 : memref<160x32xf32, #tpu.memory_space<vmem_shared>>) target_semaphore(%arg30 : memref<!tpu.dma_semaphore, #tpu.memory_space<semaphore_mem>>)
    }
    %scan3A_319 = arith.constant 4 : i32
    %dma_wait3A_320 = arith.constant 0 : i32
    %dma_wait3A_321 = arith.constant 0 : i32
    %dma_wait3A_322 = tpu.memref_slice %arg6[%arg0, %dma_wait3A_320, %dma_wait3A_321] : memref<2x10240x32xf32, #tpu.memory_space<hbm>> -> memref<1x160x32xf32, #tpu.memory_space<hbm>>
    %dma_wait3A_323 = tpu.memref_squeeze %dma_wait3A_322 : memref<1x160x32xf32, #tpu.memory_space<hbm>> -> memref<160x32xf32, #tpu.memory_space<hbm>>
    %dma_wait3A_324 = arith.constant 0 : i32
    %dma_wait3A_325 = arith.constant 0 : i32
    %dma_wait3A_326 = tpu.memref_slice %arg6[%arg0, %dma_wait3A_324, %dma_wait3A_325] : memref<2x10240x32xf32, #tpu.memory_space<hbm>> -> memref<1x160x32xf32, #tpu.memory_space<hbm>>
    %dma_wait3A_327 = tpu.memref_squeeze %dma_wait3A_326 : memref<1x160x32xf32, #tpu.memory_space<hbm>> -> memref<160x32xf32, #tpu.memory_space<hbm>>
    tpu.wait_dma2 semaphore(%arg28 : memref<!tpu.dma_semaphore, #tpu.memory_space<semaphore_mem>>) src(%arg16 : memref<160x32xf32, #tpu.memory_space<vmem>>) dst(%dma_wait3A_327 : memref<160x32xf32, #tpu.memory_space<hbm>>)
    %dma_wait3A_328 = arith.constant 0 : i32
    %dma_wait3A_329 = arith.constant 0 : i32
    %dma_wait3A_330 = tpu.memref_slice %arg21[%dma_wait3A_328, %dma_wait3A_329] : memref<10248x32xf32, #tpu.memory_space<vmem_shared>> -> memref<160x32xf32, #tpu.memory_space<vmem_shared>>
    %dma_wait3A_331 = arith.constant 0 : i32
    %dma_wait3A_332 = arith.constant 0 : i32
    %dma_wait3A_333 = tpu.memref_slice %arg21[%dma_wait3A_331, %dma_wait3A_332] : memref<10248x32xf32, #tpu.memory_space<vmem_shared>> -> memref<160x32xf32, #tpu.memory_space<vmem_shared>>
    tpu.wait_dma2 semaphore(%arg29 : memref<!tpu.dma_semaphore, #tpu.memory_space<semaphore_mem>>) src(%arg13 : memref<160x32xf32, #tpu.memory_space<vmem>>) dst(%dma_wait3A_333 : memref<160x32xf32, #tpu.memory_space<vmem_shared>>)
    %dma_wait3A_334 = arith.constant 0 : i32
    %dma_wait3A_335 = arith.constant 0 : i32
    %dma_wait3A_336 = tpu.memref_slice %arg22[%dma_wait3A_334, %dma_wait3A_335] : memref<10248x32xf32, #tpu.memory_space<vmem_shared>> -> memref<160x32xf32, #tpu.memory_space<vmem_shared>>
    %dma_wait3A_337 = arith.constant 0 : i32
    %dma_wait3A_338 = arith.constant 0 : i32
    %dma_wait3A_339 = tpu.memref_slice %arg22[%dma_wait3A_337, %dma_wait3A_338] : memref<10248x32xf32, #tpu.memory_space<vmem_shared>> -> memref<160x32xf32, #tpu.memory_space<vmem_shared>>
    tpu.wait_dma2 semaphore(%arg30 : memref<!tpu.dma_semaphore, #tpu.memory_space<semaphore_mem>>) src(%arg17 : memref<160x32xf32, #tpu.memory_space<vmem>>) dst(%dma_wait3A_339 : memref<160x32xf32, #tpu.memory_space<vmem_shared>>)
    %barrier3A_340 = arith.constant 0 : index
    tpu.barrier barrier_id(%barrier3A_340)
    %dma_start3A_341 = arith.constant 0 : i32
    %dma_start3A_342 = arith.constant 0 : i32
    %dma_start3A_343 = tpu.memref_slice %arg7[%dma_start3A_341, %dma_start3A_342] : memref<160x128xi32, #tpu.memory_space<vmem>> -> memref<1x128xi32, #tpu.memory_space<vmem>>
    %dma_start3A_344 = tpu.memref_squeeze %dma_start3A_343 : memref<1x128xi32, #tpu.memory_space<vmem>> -> memref<128xi32, #tpu.memory_space<vmem>>
    %dma_start3A_345 = arith.constant 0 : i32
    %dma_start3A_346 = arith.constant 0 : i32
    %dma_start3A_347 = tpu.memref_slice %arg21[%dma_start3A_345, %dma_start3A_346] : memref<10248x32xf32, #tpu.memory_space<vmem_shared>> -> memref<10248x32xf32, #tpu.memory_space<vmem_shared>>
    tpu.enqueue_indirect_dma source(%dma_start3A_347 : memref<10248x32xf32, #tpu.memory_space<vmem_shared>>) target(%arg9 : memref<128x32xf32, #tpu.memory_space<vmem>>) offsets(%dma_start3A_344 : memref<128xi32, #tpu.memory_space<vmem>>) semaphore(%arg24 : memref<!tpu.dma_semaphore, #tpu.memory_space<semaphore_mem>>)
    %dma_start3A_348 = arith.constant 1 : i32
    %dma_start3A_349 = arith.constant 0 : i32
    %dma_start3A_350 = tpu.memref_slice %arg7[%dma_start3A_348, %dma_start3A_349] : memref<160x128xi32, #tpu.memory_space<vmem>> -> memref<1x128xi32, #tpu.memory_space<vmem>>
    %dma_start3A_351 = tpu.memref_squeeze %dma_start3A_350 : memref<1x128xi32, #tpu.memory_space<vmem>> -> memref<128xi32, #tpu.memory_space<vmem>>
    %dma_start3A_352 = arith.constant 0 : i32
    %dma_start3A_353 = arith.constant 0 : i32
    %dma_start3A_354 = tpu.memref_slice %arg21[%dma_start3A_352, %dma_start3A_353] : memref<10248x32xf32, #tpu.memory_space<vmem_shared>> -> memref<10248x32xf32, #tpu.memory_space<vmem_shared>>
    tpu.enqueue_indirect_dma source(%dma_start3A_354 : memref<10248x32xf32, #tpu.memory_space<vmem_shared>>) target(%arg10 : memref<128x32xf32, #tpu.memory_space<vmem>>) offsets(%dma_start3A_351 : memref<128xi32, #tpu.memory_space<vmem>>) semaphore(%arg25 : memref<!tpu.dma_semaphore, #tpu.memory_space<semaphore_mem>>)
    %scan3A_355 = arith.constant 0 : i32
    %scan3A_356 = arith.constant 80 : i32
    %scan3A_357 = arith.addi %scan3A_355, %scan3A_356 : i32
    %scan3A_358 = arith.constant 1 : i32
    scf.for %scan3A_440 = %scan3A_355 to %scan3A_357 step %scan3A_358  : i32 {
      %mul3A_441 = arith.constant 2 : i32
      %mul3A_442 = arith.muli %mul3A_441, %scan3A_440 : i32
      %dma_wait3A_443 = arith.constant 0 : i32
      %dma_wait3A_444 = arith.constant 0 : i32
      %dma_wait3A_445 = tpu.memref_slice %arg7[%dma_wait3A_443, %dma_wait3A_444] : memref<160x128xi32, #tpu.memory_space<vmem>> -> memref<1x128xi32, #tpu.memory_space<vmem>>
      %dma_wait3A_446 = tpu.memref_squeeze %dma_wait3A_445 : memref<1x128xi32, #tpu.memory_space<vmem>> -> memref<128xi32, #tpu.memory_space<vmem>>
      %dma_wait3A_447 = arith.constant 0 : i32
      %dma_wait3A_448 = arith.constant 0 : i32
      %dma_wait3A_449 = tpu.memref_slice %arg21[%dma_wait3A_447, %dma_wait3A_448] : memref<10248x32xf32, #tpu.memory_space<vmem_shared>> -> memref<10248x32xf32, #tpu.memory_space<vmem_shared>>
      tpu.wait_indirect_dma semaphore(%arg24 : memref<!tpu.dma_semaphore, #tpu.memory_space<semaphore_mem>>) src(%dma_wait3A_449 : memref<10248x32xf32, #tpu.memory_space<vmem_shared>>) dst(%arg9 : memref<128x32xf32, #tpu.memory_space<vmem>>)
      %add3A = arith.constant 0 : i32
      %add3A_450 = arith.addi %mul3A_442, %add3A : i32
      %dma_start3A_451 = arith.constant 0 : i32
      %dma_start3A_452 = tpu.memref_slice %arg8[%add3A_450, %dma_start3A_451] : memref<160x128xi32, #tpu.memory_space<vmem>> -> memref<1x128xi32, #tpu.memory_space<vmem>>
      %dma_start3A_453 = tpu.memref_squeeze %dma_start3A_452 : memref<1x128xi32, #tpu.memory_space<vmem>> -> memref<128xi32, #tpu.memory_space<vmem>>
      %dma_start3A_454 = arith.constant 0 : i32
      %dma_start3A_455 = arith.constant 0 : i32
      %dma_start3A_456 = tpu.memref_slice %arg22[%dma_start3A_454, %dma_start3A_455] : memref<10248x32xf32, #tpu.memory_space<vmem_shared>> -> memref<10248x32xf32, #tpu.memory_space<vmem_shared>>
      tpu.enqueue_indirect_dma source(%arg9 : memref<128x32xf32, #tpu.memory_space<vmem>>) target(%dma_start3A_456 : memref<10248x32xf32, #tpu.memory_space<vmem_shared>>) offsets(%dma_start3A_453 : memref<128xi32, #tpu.memory_space<vmem>>) semaphore(%arg28 : memref<!tpu.dma_semaphore, #tpu.memory_space<semaphore_mem>>) {add = true}
      %dma_wait3A_457 = arith.constant 0 : i32
      %dma_wait3A_458 = arith.constant 0 : i32
      %dma_wait3A_459 = tpu.memref_slice %arg7[%dma_wait3A_457, %dma_wait3A_458] : memref<160x128xi32, #tpu.memory_space<vmem>> -> memref<1x128xi32, #tpu.memory_space<vmem>>
      %dma_wait3A_460 = tpu.memref_squeeze %dma_wait3A_459 : memref<1x128xi32, #tpu.memory_space<vmem>> -> memref<128xi32, #tpu.memory_space<vmem>>
      %dma_wait3A_461 = arith.constant 0 : i32
      %dma_wait3A_462 = arith.constant 0 : i32
      %dma_wait3A_463 = tpu.memref_slice %arg21[%dma_wait3A_461, %dma_wait3A_462] : memref<10248x32xf32, #tpu.memory_space<vmem_shared>> -> memref<10248x32xf32, #tpu.memory_space<vmem_shared>>
      tpu.wait_indirect_dma semaphore(%arg25 : memref<!tpu.dma_semaphore, #tpu.memory_space<semaphore_mem>>) src(%dma_wait3A_463 : memref<10248x32xf32, #tpu.memory_space<vmem_shared>>) dst(%arg10 : memref<128x32xf32, #tpu.memory_space<vmem>>)
      %add3A_464 = arith.constant 1 : i32
      %add3A_465 = arith.addi %mul3A_442, %add3A_464 : i32
      %dma_start3A_466 = arith.constant 0 : i32
      %dma_start3A_467 = tpu.memref_slice %arg8[%add3A_465, %dma_start3A_466] : memref<160x128xi32, #tpu.memory_space<vmem>> -> memref<1x128xi32, #tpu.memory_space<vmem>>
      %dma_start3A_468 = tpu.memref_squeeze %dma_start3A_467 : memref<1x128xi32, #tpu.memory_space<vmem>> -> memref<128xi32, #tpu.memory_space<vmem>>
      %dma_start3A_469 = arith.constant 0 : i32
      %dma_start3A_470 = arith.constant 0 : i32
      %dma_start3A_471 = tpu.memref_slice %arg22[%dma_start3A_469, %dma_start3A_470] : memref<10248x32xf32, #tpu.memory_space<vmem_shared>> -> memref<10248x32xf32, #tpu.memory_space<vmem_shared>>
      tpu.enqueue_indirect_dma source(%arg10 : memref<128x32xf32, #tpu.memory_space<vmem>>) target(%dma_start3A_471 : memref<10248x32xf32, #tpu.memory_space<vmem_shared>>) offsets(%dma_start3A_468 : memref<128xi32, #tpu.memory_space<vmem>>) semaphore(%arg29 : memref<!tpu.dma_semaphore, #tpu.memory_space<semaphore_mem>>) {add = true}
      %lt3A = arith.constant 79 : i32
      %lt3A_472 = arith.cmpi slt, %scan3A_440, %lt3A : i32
      %convert_element_type3A = arith.extui %lt3A_472 : i1 to i32
      %cond3A = arith.constant 0 : i32
      %cond3A_473 = arith.cmpi ne, %convert_element_type3A, %cond3A : i32
      scf.if %cond3A_473 {
        %dma_wait3A_474 = arith.constant 0 : i32
        %dma_wait3A_475 = arith.constant 0 : i32
        %dma_wait3A_476 = tpu.memref_slice %arg8[%dma_wait3A_474, %dma_wait3A_475] : memref<160x128xi32, #tpu.memory_space<vmem>> -> memref<1x128xi32, #tpu.memory_space<vmem>>
        %dma_wait3A_477 = tpu.memref_squeeze %dma_wait3A_476 : memref<1x128xi32, #tpu.memory_space<vmem>> -> memref<128xi32, #tpu.memory_space<vmem>>
        %dma_wait3A_478 = arith.constant 0 : i32
        %dma_wait3A_479 = arith.constant 0 : i32
        %dma_wait3A_480 = tpu.memref_slice %arg22[%dma_wait3A_478, %dma_wait3A_479] : memref<10248x32xf32, #tpu.memory_space<vmem_shared>> -> memref<10248x32xf32, #tpu.memory_space<vmem_shared>>
        tpu.wait_indirect_dma semaphore(%arg28 : memref<!tpu.dma_semaphore, #tpu.memory_space<semaphore_mem>>) src(%arg9 : memref<128x32xf32, #tpu.memory_space<vmem>>) dst(%dma_wait3A_480 : memref<10248x32xf32, #tpu.memory_space<vmem_shared>>)
        %add3A_481 = arith.constant 2 : i32
        %add3A_482 = arith.addi %mul3A_442, %add3A_481 : i32
        %add3A_483 = arith.constant 0 : i32
        %add3A_484 = arith.addi %add3A_482, %add3A_483 : i32
        %dma_start3A_485 = arith.constant 0 : i32
        %dma_start3A_486 = tpu.memref_slice %arg7[%add3A_484, %dma_start3A_485] : memref<160x128xi32, #tpu.memory_space<vmem>> -> memref<1x128xi32, #tpu.memory_space<vmem>>
        %dma_start3A_487 = tpu.memref_squeeze %dma_start3A_486 : memref<1x128xi32, #tpu.memory_space<vmem>> -> memref<128xi32, #tpu.memory_space<vmem>>
        %dma_start3A_488 = arith.constant 0 : i32
        %dma_start3A_489 = arith.constant 0 : i32
        %dma_start3A_490 = tpu.memref_slice %arg21[%dma_start3A_488, %dma_start3A_489] : memref<10248x32xf32, #tpu.memory_space<vmem_shared>> -> memref<10248x32xf32, #tpu.memory_space<vmem_shared>>
        tpu.enqueue_indirect_dma source(%dma_start3A_490 : memref<10248x32xf32, #tpu.memory_space<vmem_shared>>) target(%arg9 : memref<128x32xf32, #tpu.memory_space<vmem>>) offsets(%dma_start3A_487 : memref<128xi32, #tpu.memory_space<vmem>>) semaphore(%arg24 : memref<!tpu.dma_semaphore, #tpu.memory_space<semaphore_mem>>)
        %dma_wait3A_491 = arith.constant 0 : i32
        %dma_wait3A_492 = arith.constant 0 : i32
        %dma_wait3A_493 = tpu.memref_slice %arg8[%dma_wait3A_491, %dma_wait3A_492] : memref<160x128xi32, #tpu.memory_space<vmem>> -> memref<1x128xi32, #tpu.memory_space<vmem>>
        %dma_wait3A_494 = tpu.memref_squeeze %dma_wait3A_493 : memref<1x128xi32, #tpu.memory_space<vmem>> -> memref<128xi32, #tpu.memory_space<vmem>>
        %dma_wait3A_495 = arith.constant 0 : i32
        %dma_wait3A_496 = arith.constant 0 : i32
        %dma_wait3A_497 = tpu.memref_slice %arg22[%dma_wait3A_495, %dma_wait3A_496] : memref<10248x32xf32, #tpu.memory_space<vmem_shared>> -> memref<10248x32xf32, #tpu.memory_space<vmem_shared>>
        tpu.wait_indirect_dma semaphore(%arg29 : memref<!tpu.dma_semaphore, #tpu.memory_space<semaphore_mem>>) src(%arg10 : memref<128x32xf32, #tpu.memory_space<vmem>>) dst(%dma_wait3A_497 : memref<10248x32xf32, #tpu.memory_space<vmem_shared>>)
        %add3A_498 = arith.constant 2 : i32
        %add3A_499 = arith.addi %mul3A_442, %add3A_498 : i32
        %add3A_500 = arith.constant 1 : i32
        %add3A_501 = arith.addi %add3A_499, %add3A_500 : i32
        %dma_start3A_502 = arith.constant 0 : i32
        %dma_start3A_503 = tpu.memref_slice %arg7[%add3A_501, %dma_start3A_502] : memref<160x128xi32, #tpu.memory_space<vmem>> -> memref<1x128xi32, #tpu.memory_space<vmem>>
        %dma_start3A_504 = tpu.memref_squeeze %dma_start3A_503 : memref<1x128xi32, #tpu.memory_space<vmem>> -> memref<128xi32, #tpu.memory_space<vmem>>
        %dma_start3A_505 = arith.constant 0 : i32
        %dma_start3A_506 = arith.constant 0 : i32
        %dma_start3A_507 = tpu.memref_slice %arg21[%dma_start3A_505, %dma_start3A_506] : memref<10248x32xf32, #tpu.memory_space<vmem_shared>> -> memref<10248x32xf32, #tpu.memory_space<vmem_shared>>
        tpu.enqueue_indirect_dma source(%dma_start3A_507 : memref<10248x32xf32, #tpu.memory_space<vmem_shared>>) target(%arg10 : memref<128x32xf32, #tpu.memory_space<vmem>>) offsets(%dma_start3A_504 : memref<128xi32, #tpu.memory_space<vmem>>) semaphore(%arg25 : memref<!tpu.dma_semaphore, #tpu.memory_space<semaphore_mem>>)
      } else {
      }
    }
    %scan3A_359 = arith.constant 80 : i32
    %dma_wait3A_360 = arith.constant 0 : i32
    %dma_wait3A_361 = arith.constant 0 : i32
    %dma_wait3A_362 = tpu.memref_slice %arg8[%dma_wait3A_360, %dma_wait3A_361] : memref<160x128xi32, #tpu.memory_space<vmem>> -> memref<1x128xi32, #tpu.memory_space<vmem>>
    %dma_wait3A_363 = tpu.memref_squeeze %dma_wait3A_362 : memref<1x128xi32, #tpu.memory_space<vmem>> -> memref<128xi32, #tpu.memory_space<vmem>>
    %dma_wait3A_364 = arith.constant 0 : i32
    %dma_wait3A_365 = arith.constant 0 : i32
    %dma_wait3A_366 = tpu.memref_slice %arg22[%dma_wait3A_364, %dma_wait3A_365] : memref<10248x32xf32, #tpu.memory_space<vmem_shared>> -> memref<10248x32xf32, #tpu.memory_space<vmem_shared>>
    tpu.wait_indirect_dma semaphore(%arg28 : memref<!tpu.dma_semaphore, #tpu.memory_space<semaphore_mem>>) src(%arg9 : memref<128x32xf32, #tpu.memory_space<vmem>>) dst(%dma_wait3A_366 : memref<10248x32xf32, #tpu.memory_space<vmem_shared>>)
    %dma_wait3A_367 = arith.constant 0 : i32
    %dma_wait3A_368 = arith.constant 0 : i32
    %dma_wait3A_369 = tpu.memref_slice %arg8[%dma_wait3A_367, %dma_wait3A_368] : memref<160x128xi32, #tpu.memory_space<vmem>> -> memref<1x128xi32, #tpu.memory_space<vmem>>
    %dma_wait3A_370 = tpu.memref_squeeze %dma_wait3A_369 : memref<1x128xi32, #tpu.memory_space<vmem>> -> memref<128xi32, #tpu.memory_space<vmem>>
    %dma_wait3A_371 = arith.constant 0 : i32
    %dma_wait3A_372 = arith.constant 0 : i32
    %dma_wait3A_373 = tpu.memref_slice %arg22[%dma_wait3A_371, %dma_wait3A_372] : memref<10248x32xf32, #tpu.memory_space<vmem_shared>> -> memref<10248x32xf32, #tpu.memory_space<vmem_shared>>
    tpu.wait_indirect_dma semaphore(%arg29 : memref<!tpu.dma_semaphore, #tpu.memory_space<semaphore_mem>>) src(%arg10 : memref<128x32xf32, #tpu.memory_space<vmem>>) dst(%dma_wait3A_373 : memref<10248x32xf32, #tpu.memory_space<vmem_shared>>)
    %barrier3A_374 = arith.constant 0 : index
    tpu.barrier barrier_id(%barrier3A_374)
    %scan3A_375 = arith.constant 0 : i32
    %scan3A_376 = arith.constant 4 : i32
    %scan3A_377 = arith.addi %scan3A_375, %scan3A_376 : i32
    %scan3A_378 = arith.constant 1 : i32
    scf.for %scan3A_440 = %scan3A_375 to %scan3A_377 step %scan3A_378  : i32 {
      %mul3A_441 = arith.constant 160 : i32
      %mul3A_442 = arith.muli %scan3A_440, %mul3A_441 : i32
      %add3A = arith.addi %mul3A_0, %mul3A_442 : i32
      %gt3A = arith.constant 0 : i32
      %gt3A_443 = arith.cmpi sgt, %scan3A_440, %gt3A : i32
      %convert_element_type3A = arith.extui %gt3A_443 : i1 to i32
      %cond3A = arith.constant 0 : i32
      %cond3A_444 = arith.cmpi ne, %convert_element_type3A, %cond3A : i32
      scf.if %cond3A_444 {
        %dma_wait3A_504 = arith.constant 0 : i32
        %dma_wait3A_505 = arith.constant 0 : i32
        %dma_wait3A_506 = tpu.memref_slice %arg5[%arg0, %dma_wait3A_504, %dma_wait3A_505] : memref<2x10240x32xf32, #tpu.memory_space<hbm>> -> memref<1x160x32xf32, #tpu.memory_space<hbm>>
        %dma_wait3A_507 = tpu.memref_squeeze %dma_wait3A_506 : memref<1x160x32xf32, #tpu.memory_space<hbm>> -> memref<160x32xf32, #tpu.memory_space<hbm>>
        %dma_wait3A_508 = arith.constant 0 : i32
        %dma_wait3A_509 = arith.constant 0 : i32
        %dma_wait3A_510 = tpu.memref_slice %arg5[%arg0, %dma_wait3A_508, %dma_wait3A_509] : memref<2x10240x32xf32, #tpu.memory_space<hbm>> -> memref<1x160x32xf32, #tpu.memory_space<hbm>>
        %dma_wait3A_511 = tpu.memref_squeeze %dma_wait3A_510 : memref<1x160x32xf32, #tpu.memory_space<hbm>> -> memref<160x32xf32, #tpu.memory_space<hbm>>
        tpu.wait_dma2 semaphore(%arg28 : memref<!tpu.dma_semaphore, #tpu.memory_space<semaphore_mem>>) src(%arg16 : memref<160x32xf32, #tpu.memory_space<vmem>>) dst(%dma_wait3A_511 : memref<160x32xf32, #tpu.memory_space<hbm>>)
        %dma_wait3A_512 = arith.constant 0 : i32
        %dma_wait3A_513 = arith.constant 0 : i32
        %dma_wait3A_514 = tpu.memref_slice %arg21[%dma_wait3A_512, %dma_wait3A_513] : memref<10248x32xf32, #tpu.memory_space<vmem_shared>> -> memref<160x32xf32, #tpu.memory_space<vmem_shared>>
        %dma_wait3A_515 = arith.constant 0 : i32
        %dma_wait3A_516 = arith.constant 0 : i32
        %dma_wait3A_517 = tpu.memref_slice %arg21[%dma_wait3A_515, %dma_wait3A_516] : memref<10248x32xf32, #tpu.memory_space<vmem_shared>> -> memref<160x32xf32, #tpu.memory_space<vmem_shared>>
        tpu.wait_dma2 semaphore(%arg29 : memref<!tpu.dma_semaphore, #tpu.memory_space<semaphore_mem>>) src(%arg13 : memref<160x32xf32, #tpu.memory_space<vmem>>) dst(%dma_wait3A_517 : memref<160x32xf32, #tpu.memory_space<vmem_shared>>)
        %dma_wait3A_518 = arith.constant 0 : i32
        %dma_wait3A_519 = arith.constant 0 : i32
        %dma_wait3A_520 = tpu.memref_slice %arg22[%dma_wait3A_518, %dma_wait3A_519] : memref<10248x32xf32, #tpu.memory_space<vmem_shared>> -> memref<160x32xf32, #tpu.memory_space<vmem_shared>>
        %dma_wait3A_521 = arith.constant 0 : i32
        %dma_wait3A_522 = arith.constant 0 : i32
        %dma_wait3A_523 = tpu.memref_slice %arg22[%dma_wait3A_521, %dma_wait3A_522] : memref<10248x32xf32, #tpu.memory_space<vmem_shared>> -> memref<160x32xf32, #tpu.memory_space<vmem_shared>>
        tpu.wait_dma2 semaphore(%arg30 : memref<!tpu.dma_semaphore, #tpu.memory_space<semaphore_mem>>) src(%arg17 : memref<160x32xf32, #tpu.memory_space<vmem>>) dst(%dma_wait3A_523 : memref<160x32xf32, #tpu.memory_space<vmem_shared>>)
      } else {
      }
      %dma_start3A_445 = arith.constant 0 : i32
      %dma_start3A_446 = tpu.memref_slice %arg22[%add3A, %dma_start3A_445] : memref<10248x32xf32, #tpu.memory_space<vmem_shared>> -> memref<160x32xf32, #tpu.memory_space<vmem_shared>>
      %dma_start3A_447 = arith.constant 0 : i32
      %dma_start3A_448 = tpu.memref_slice %arg22[%add3A, %dma_start3A_447] : memref<10248x32xf32, #tpu.memory_space<vmem_shared>> -> memref<160x32xf32, #tpu.memory_space<vmem_shared>>
      tpu.enqueue_dma source(%dma_start3A_448 : memref<160x32xf32, #tpu.memory_space<vmem_shared>>) target(%arg13 : memref<160x32xf32, #tpu.memory_space<vmem>>) target_semaphore(%arg24 : memref<!tpu.dma_semaphore, #tpu.memory_space<semaphore_mem>>)
      %dma_start3A_449 = arith.constant 0 : i32
      %dma_start3A_450 = tpu.memref_slice %arg5[%arg0, %add3A, %dma_start3A_449] : memref<2x10240x32xf32, #tpu.memory_space<hbm>> -> memref<1x160x32xf32, #tpu.memory_space<hbm>>
      %dma_start3A_451 = tpu.memref_squeeze %dma_start3A_450 : memref<1x160x32xf32, #tpu.memory_space<hbm>> -> memref<160x32xf32, #tpu.memory_space<hbm>>
      %dma_start3A_452 = arith.constant 0 : i32
      %dma_start3A_453 = tpu.memref_slice %arg5[%arg0, %add3A, %dma_start3A_452] : memref<2x10240x32xf32, #tpu.memory_space<hbm>> -> memref<1x160x32xf32, #tpu.memory_space<hbm>>
      %dma_start3A_454 = tpu.memref_squeeze %dma_start3A_453 : memref<1x160x32xf32, #tpu.memory_space<hbm>> -> memref<160x32xf32, #tpu.memory_space<hbm>>
      tpu.enqueue_dma source(%dma_start3A_454 : memref<160x32xf32, #tpu.memory_space<hbm>>) target(%arg14 : memref<160x32xf32, #tpu.memory_space<vmem>>) target_semaphore(%arg25 : memref<!tpu.dma_semaphore, #tpu.memory_space<semaphore_mem>>)
      %dma_start3A_455 = arith.constant 1 : i32
      %dma_start3A_456 = arith.constant 0 : i32
      %dma_start3A_457 = tpu.memref_slice %arg3[%dma_start3A_455, %arg0, %add3A, %dma_start3A_456] : memref<8x2x10240x32xf32, #tpu.memory_space<hbm>> -> memref<1x1x160x32xf32, #tpu.memory_space<hbm>>
      %dma_start3A_458 = tpu.memref_squeeze %dma_start3A_457 : memref<1x1x160x32xf32, #tpu.memory_space<hbm>> -> memref<160x32xf32, #tpu.memory_space<hbm>>
      %dma_start3A_459 = arith.constant 0 : i32
      %dma_start3A_460 = tpu.memref_slice %arg3[%dma_start3A_455, %arg0, %add3A, %dma_start3A_459] : memref<8x2x10240x32xf32, #tpu.memory_space<hbm>> -> memref<1x1x160x32xf32, #tpu.memory_space<hbm>>
      %dma_start3A_461 = tpu.memref_squeeze %dma_start3A_460 : memref<1x1x160x32xf32, #tpu.memory_space<hbm>> -> memref<160x32xf32, #tpu.memory_space<hbm>>
      tpu.enqueue_dma source(%dma_start3A_461 : memref<160x32xf32, #tpu.memory_space<hbm>>) target(%arg15 : memref<160x32xf32, #tpu.memory_space<vmem>>) target_semaphore(%arg26 : memref<!tpu.dma_semaphore, #tpu.memory_space<semaphore_mem>>)
      %dma_wait3A_462 = arith.constant 0 : i32
      %dma_wait3A_463 = arith.constant 0 : i32
      %dma_wait3A_464 = tpu.memref_slice %arg22[%dma_wait3A_462, %dma_wait3A_463] : memref<10248x32xf32, #tpu.memory_space<vmem_shared>> -> memref<160x32xf32, #tpu.memory_space<vmem_shared>>
      %dma_wait3A_465 = arith.constant 0 : i32
      %dma_wait3A_466 = arith.constant 0 : i32
      %dma_wait3A_467 = tpu.memref_slice %arg22[%dma_wait3A_465, %dma_wait3A_466] : memref<10248x32xf32, #tpu.memory_space<vmem_shared>> -> memref<160x32xf32, #tpu.memory_space<vmem_shared>>
      tpu.wait_dma2 semaphore(%arg24 : memref<!tpu.dma_semaphore, #tpu.memory_space<semaphore_mem>>) src(%dma_wait3A_467 : memref<160x32xf32, #tpu.memory_space<vmem_shared>>) dst(%arg13 : memref<160x32xf32, #tpu.memory_space<vmem>>)
      %dma_wait3A_468 = arith.constant 0 : i32
      %dma_wait3A_469 = arith.constant 0 : i32
      %dma_wait3A_470 = tpu.memref_slice %arg5[%arg0, %dma_wait3A_468, %dma_wait3A_469] : memref<2x10240x32xf32, #tpu.memory_space<hbm>> -> memref<1x160x32xf32, #tpu.memory_space<hbm>>
      %dma_wait3A_471 = tpu.memref_squeeze %dma_wait3A_470 : memref<1x160x32xf32, #tpu.memory_space<hbm>> -> memref<160x32xf32, #tpu.memory_space<hbm>>
      %dma_wait3A_472 = arith.constant 0 : i32
      %dma_wait3A_473 = arith.constant 0 : i32
      %dma_wait3A_474 = tpu.memref_slice %arg5[%arg0, %dma_wait3A_472, %dma_wait3A_473] : memref<2x10240x32xf32, #tpu.memory_space<hbm>> -> memref<1x160x32xf32, #tpu.memory_space<hbm>>
      %dma_wait3A_475 = tpu.memref_squeeze %dma_wait3A_474 : memref<1x160x32xf32, #tpu.memory_space<hbm>> -> memref<160x32xf32, #tpu.memory_space<hbm>>
      tpu.wait_dma2 semaphore(%arg25 : memref<!tpu.dma_semaphore, #tpu.memory_space<semaphore_mem>>) src(%dma_wait3A_475 : memref<160x32xf32, #tpu.memory_space<hbm>>) dst(%arg14 : memref<160x32xf32, #tpu.memory_space<vmem>>)
      %dma_wait3A_476 = arith.constant 1 : i32
      %dma_wait3A_477 = arith.constant 0 : i32
      %dma_wait3A_478 = arith.constant 0 : i32
      %dma_wait3A_479 = tpu.memref_slice %arg3[%dma_wait3A_476, %arg0, %dma_wait3A_477, %dma_wait3A_478] : memref<8x2x10240x32xf32, #tpu.memory_space<hbm>> -> memref<1x1x160x32xf32, #tpu.memory_space<hbm>>
      %dma_wait3A_480 = tpu.memref_squeeze %dma_wait3A_479 : memref<1x1x160x32xf32, #tpu.memory_space<hbm>> -> memref<160x32xf32, #tpu.memory_space<hbm>>
      %dma_wait3A_481 = arith.constant 0 : i32
      %dma_wait3A_482 = arith.constant 0 : i32
      %dma_wait3A_483 = tpu.memref_slice %arg3[%dma_wait3A_476, %arg0, %dma_wait3A_481, %dma_wait3A_482] : memref<8x2x10240x32xf32, #tpu.memory_space<hbm>> -> memref<1x1x160x32xf32, #tpu.memory_space<hbm>>
      %dma_wait3A_484 = tpu.memref_squeeze %dma_wait3A_483 : memref<1x1x160x32xf32, #tpu.memory_space<hbm>> -> memref<160x32xf32, #tpu.memory_space<hbm>>
      tpu.wait_dma2 semaphore(%arg26 : memref<!tpu.dma_semaphore, #tpu.memory_space<semaphore_mem>>) src(%dma_wait3A_484 : memref<160x32xf32, #tpu.memory_space<hbm>>) dst(%arg15 : memref<160x32xf32, #tpu.memory_space<vmem>>)
      %scan3A_485 = arith.constant 0 : i32
      %scan3A_486 = arith.constant 160 : i32
      %scan3A_487 = arith.addi %scan3A_485, %scan3A_486 : i32
      %scan3A_488 = arith.constant 1 : i32
      scf.for %scan3A_504 = %scan3A_485 to %scan3A_487 step %scan3A_488  : i32 {
        %mul3A_505 = arith.constant 160 : i32
        %mul3A_506 = arith.muli %scan3A_440, %mul3A_505 : i32
        %add3A_507 = arith.addi %mul3A_506, %scan3A_504 : i32
        %broadcast_in_dim3A = vector.broadcast %add3A_507 : i32 to vector<16xi32>
        %gather3A = tpu.vector_load_idx %arg20[%broadcast_in_dim3A] : memref<640xf32, #tpu.memory_space<vmem>>[vector<16xi32>], vector<16xf32>,
        %get3A = arith.index_cast %scan3A_504 : i32 to index
        %get3A_508 = arith.constant 0 : index
        %get3A_509 = tpu.vector_load %arg15[%get3A, %get3A_508] {strides = array<i32>} : memref<160x32xf32, #tpu.memory_space<vmem>>, vector<16xf32>,
        %mul3A_510 = arith.constant 2.000000e+00 : f32
        %mul3A_511 = vector.broadcast %mul3A_510 : f32 to vector<16xf32>
        %mul3A_512 = arith.mulf %mul3A_511, %gather3A : vector<16xf32>
        %get3A_513 = arith.index_cast %scan3A_504 : i32 to index
        %get3A_514 = arith.constant 0 : index
        %get3A_515 = tpu.vector_load %arg13[%get3A_513, %get3A_514] {strides = array<i32>} : memref<160x32xf32, #tpu.memory_space<vmem>>, vector<16xf32>,
        %mul3A_516 = arith.mulf %mul3A_512, %get3A_515 : vector<16xf32>
        %sub3A = arith.subf %get3A_509, %mul3A_516 : vector<16xf32>
        %get3A_517 = arith.index_cast %scan3A_504 : i32 to index
        %get3A_518 = arith.constant 0 : index
        %get3A_519 = tpu.vector_load %arg14[%get3A_517, %get3A_518] {strides = array<i32>} : memref<160x32xf32, #tpu.memory_space<vmem>>, vector<16xf32>,
        %sub3A_520 = arith.subf %sub3A, %get3A_519 : vector<16xf32>
        %swap3A = arith.index_cast %scan3A_504 : i32 to index
        %swap3A_521 = arith.constant 0 : index
        %swap3A_522 = tpu.vector_load %arg16[%swap3A, %swap3A_521] {strides = array<i32>} : memref<160x32xf32, #tpu.memory_space<vmem>>, vector<16xf32>,
        tpu.vector_store %arg16[%swap3A, %swap3A_521], %sub3A_520 {strides = array<i32>} : memref<160x32xf32, #tpu.memory_space<vmem>>, vector<16xf32>,
        %mul3A_523 = arith.mulf %gather3A, %sub3A_520 : vector<16xf32>
        %swap3A_524 = arith.index_cast %scan3A_504 : i32 to index
        %swap3A_525 = arith.constant 0 : index
        %swap3A_526 = tpu.vector_load %arg13[%swap3A_524, %swap3A_525] {strides = array<i32>} : memref<160x32xf32, #tpu.memory_space<vmem>>, vector<16xf32>,
        tpu.vector_store %arg13[%swap3A_524, %swap3A_525], %mul3A_523 {strides = array<i32>} : memref<160x32xf32, #tpu.memory_space<vmem>>, vector<16xf32>,
        %get3A_527 = arith.index_cast %scan3A_504 : i32 to index
        %get3A_528 = arith.constant 16 : index
        %get3A_529 = tpu.vector_load %arg15[%get3A_527, %get3A_528] {strides = array<i32>} : memref<160x32xf32, #tpu.memory_space<vmem>>, vector<16xf32>,
        %mul3A_530 = arith.constant 2.000000e+00 : f32
        %mul3A_531 = vector.broadcast %mul3A_530 : f32 to vector<16xf32>
        %mul3A_532 = arith.mulf %mul3A_531, %gather3A : vector<16xf32>
        %get3A_533 = arith.index_cast %scan3A_504 : i32 to index
        %get3A_534 = arith.constant 16 : index
        %get3A_535 = tpu.vector_load %arg13[%get3A_533, %get3A_534] {strides = array<i32>} : memref<160x32xf32, #tpu.memory_space<vmem>>, vector<16xf32>,
        %mul3A_536 = arith.mulf %mul3A_532, %get3A_535 : vector<16xf32>
        %sub3A_537 = arith.subf %get3A_529, %mul3A_536 : vector<16xf32>
        %get3A_538 = arith.index_cast %scan3A_504 : i32 to index
        %get3A_539 = arith.constant 16 : index
        %get3A_540 = tpu.vector_load %arg14[%get3A_538, %get3A_539] {strides = array<i32>} : memref<160x32xf32, #tpu.memory_space<vmem>>, vector<16xf32>,
        %sub3A_541 = arith.subf %sub3A_537, %get3A_540 : vector<16xf32>
        %swap3A_542 = arith.index_cast %scan3A_504 : i32 to index
        %swap3A_543 = arith.constant 16 : index
        %swap3A_544 = tpu.vector_load %arg16[%swap3A_542, %swap3A_543] {strides = array<i32>} : memref<160x32xf32, #tpu.memory_space<vmem>>, vector<16xf32>,
        tpu.vector_store %arg16[%swap3A_542, %swap3A_543], %sub3A_541 {strides = array<i32>} : memref<160x32xf32, #tpu.memory_space<vmem>>, vector<16xf32>,
        %mul3A_545 = arith.mulf %gather3A, %sub3A_541 : vector<16xf32>
        %swap3A_546 = arith.index_cast %scan3A_504 : i32 to index
        %swap3A_547 = arith.constant 16 : index
        %swap3A_548 = tpu.vector_load %arg13[%swap3A_546, %swap3A_547] {strides = array<i32>} : memref<160x32xf32, #tpu.memory_space<vmem>>, vector<16xf32>,
        tpu.vector_store %arg13[%swap3A_546, %swap3A_547], %mul3A_545 {strides = array<i32>} : memref<160x32xf32, #tpu.memory_space<vmem>>, vector<16xf32>,
      }
      %scan3A_489 = arith.constant 160 : i32
      %dma_start3A_490 = arith.constant 0 : i32
      %dma_start3A_491 = tpu.memref_slice %arg5[%arg0, %add3A, %dma_start3A_490] : memref<2x10240x32xf32, #tpu.memory_space<hbm>> -> memref<1x160x32xf32, #tpu.memory_space<hbm>>
      %dma_start3A_492 = tpu.memref_squeeze %dma_start3A_491 : memref<1x160x32xf32, #tpu.memory_space<hbm>> -> memref<160x32xf32, #tpu.memory_space<hbm>>
      %dma_start3A_493 = arith.constant 0 : i32
      %dma_start3A_494 = tpu.memref_slice %arg5[%arg0, %add3A, %dma_start3A_493] : memref<2x10240x32xf32, #tpu.memory_space<hbm>> -> memref<1x160x32xf32, #tpu.memory_space<hbm>>
      %dma_start3A_495 = tpu.memref_squeeze %dma_start3A_494 : memref<1x160x32xf32, #tpu.memory_space<hbm>> -> memref<160x32xf32, #tpu.memory_space<hbm>>
      tpu.enqueue_dma source(%arg16 : memref<160x32xf32, #tpu.memory_space<vmem>>) target(%dma_start3A_495 : memref<160x32xf32, #tpu.memory_space<hbm>>) target_semaphore(%arg28 : memref<!tpu.dma_semaphore, #tpu.memory_space<semaphore_mem>>)
      %dma_start3A_496 = arith.constant 0 : i32
      %dma_start3A_497 = tpu.memref_slice %arg21[%add3A, %dma_start3A_496] : memref<10248x32xf32, #tpu.memory_space<vmem_shared>> -> memref<160x32xf32, #tpu.memory_space<vmem_shared>>
      %dma_start3A_498 = arith.constant 0 : i32
      %dma_start3A_499 = tpu.memref_slice %arg21[%add3A, %dma_start3A_498] : memref<10248x32xf32, #tpu.memory_space<vmem_shared>> -> memref<160x32xf32, #tpu.memory_space<vmem_shared>>
      tpu.enqueue_dma source(%arg13 : memref<160x32xf32, #tpu.memory_space<vmem>>) target(%dma_start3A_499 : memref<160x32xf32, #tpu.memory_space<vmem_shared>>) target_semaphore(%arg29 : memref<!tpu.dma_semaphore, #tpu.memory_space<semaphore_mem>>)
      %dma_start3A_500 = arith.constant 0 : i32
      %dma_start3A_501 = tpu.memref_slice %arg22[%add3A, %dma_start3A_500] : memref<10248x32xf32, #tpu.memory_space<vmem_shared>> -> memref<160x32xf32, #tpu.memory_space<vmem_shared>>
      %dma_start3A_502 = arith.constant 0 : i32
      %dma_start3A_503 = tpu.memref_slice %arg22[%add3A, %dma_start3A_502] : memref<10248x32xf32, #tpu.memory_space<vmem_shared>> -> memref<160x32xf32, #tpu.memory_space<vmem_shared>>
      tpu.enqueue_dma source(%arg17 : memref<160x32xf32, #tpu.memory_space<vmem>>) target(%dma_start3A_503 : memref<160x32xf32, #tpu.memory_space<vmem_shared>>) target_semaphore(%arg30 : memref<!tpu.dma_semaphore, #tpu.memory_space<semaphore_mem>>)
    }
    %scan3A_379 = arith.constant 4 : i32
    %dma_wait3A_380 = arith.constant 0 : i32
    %dma_wait3A_381 = arith.constant 0 : i32
    %dma_wait3A_382 = tpu.memref_slice %arg5[%arg0, %dma_wait3A_380, %dma_wait3A_381] : memref<2x10240x32xf32, #tpu.memory_space<hbm>> -> memref<1x160x32xf32, #tpu.memory_space<hbm>>
    %dma_wait3A_383 = tpu.memref_squeeze %dma_wait3A_382 : memref<1x160x32xf32, #tpu.memory_space<hbm>> -> memref<160x32xf32, #tpu.memory_space<hbm>>
    %dma_wait3A_384 = arith.constant 0 : i32
    %dma_wait3A_385 = arith.constant 0 : i32
    %dma_wait3A_386 = tpu.memref_slice %arg5[%arg0, %dma_wait3A_384, %dma_wait3A_385] : memref<2x10240x32xf32, #tpu.memory_space<hbm>> -> memref<1x160x32xf32, #tpu.memory_space<hbm>>
    %dma_wait3A_387 = tpu.memref_squeeze %dma_wait3A_386 : memref<1x160x32xf32, #tpu.memory_space<hbm>> -> memref<160x32xf32, #tpu.memory_space<hbm>>
    tpu.wait_dma2 semaphore(%arg28 : memref<!tpu.dma_semaphore, #tpu.memory_space<semaphore_mem>>) src(%arg16 : memref<160x32xf32, #tpu.memory_space<vmem>>) dst(%dma_wait3A_387 : memref<160x32xf32, #tpu.memory_space<hbm>>)
    %dma_wait3A_388 = arith.constant 0 : i32
    %dma_wait3A_389 = arith.constant 0 : i32
    %dma_wait3A_390 = tpu.memref_slice %arg21[%dma_wait3A_388, %dma_wait3A_389] : memref<10248x32xf32, #tpu.memory_space<vmem_shared>> -> memref<160x32xf32, #tpu.memory_space<vmem_shared>>
    %dma_wait3A_391 = arith.constant 0 : i32
    %dma_wait3A_392 = arith.constant 0 : i32
    %dma_wait3A_393 = tpu.memref_slice %arg21[%dma_wait3A_391, %dma_wait3A_392] : memref<10248x32xf32, #tpu.memory_space<vmem_shared>> -> memref<160x32xf32, #tpu.memory_space<vmem_shared>>
    tpu.wait_dma2 semaphore(%arg29 : memref<!tpu.dma_semaphore, #tpu.memory_space<semaphore_mem>>) src(%arg13 : memref<160x32xf32, #tpu.memory_space<vmem>>) dst(%dma_wait3A_393 : memref<160x32xf32, #tpu.memory_space<vmem_shared>>)
    %dma_wait3A_394 = arith.constant 0 : i32
    %dma_wait3A_395 = arith.constant 0 : i32
    %dma_wait3A_396 = tpu.memref_slice %arg22[%dma_wait3A_394, %dma_wait3A_395] : memref<10248x32xf32, #tpu.memory_space<vmem_shared>> -> memref<160x32xf32, #tpu.memory_space<vmem_shared>>
    %dma_wait3A_397 = arith.constant 0 : i32
    %dma_wait3A_398 = arith.constant 0 : i32
    %dma_wait3A_399 = tpu.memref_slice %arg22[%dma_wait3A_397, %dma_wait3A_398] : memref<10248x32xf32, #tpu.memory_space<vmem_shared>> -> memref<160x32xf32, #tpu.memory_space<vmem_shared>>
    tpu.wait_dma2 semaphore(%arg30 : memref<!tpu.dma_semaphore, #tpu.memory_space<semaphore_mem>>) src(%arg17 : memref<160x32xf32, #tpu.memory_space<vmem>>) dst(%dma_wait3A_399 : memref<160x32xf32, #tpu.memory_space<vmem_shared>>)
    %barrier3A_400 = arith.constant 0 : index
    tpu.barrier barrier_id(%barrier3A_400)
    %dma_start3A_401 = arith.constant 0 : i32
    %dma_start3A_402 = arith.constant 0 : i32
    %dma_start3A_403 = tpu.memref_slice %arg7[%dma_start3A_401, %dma_start3A_402] : memref<160x128xi32, #tpu.memory_space<vmem>> -> memref<1x128xi32, #tpu.memory_space<vmem>>
    %dma_start3A_404 = tpu.memref_squeeze %dma_start3A_403 : memref<1x128xi32, #tpu.memory_space<vmem>> -> memref<128xi32, #tpu.memory_space<vmem>>
    %dma_start3A_405 = arith.constant 0 : i32
    %dma_start3A_406 = arith.constant 0 : i32
    %dma_start3A_407 = tpu.memref_slice %arg21[%dma_start3A_405, %dma_start3A_406] : memref<10248x32xf32, #tpu.memory_space<vmem_shared>> -> memref<10248x32xf32, #tpu.memory_space<vmem_shared>>
    tpu.enqueue_indirect_dma source(%dma_start3A_407 : memref<10248x32xf32, #tpu.memory_space<vmem_shared>>) target(%arg9 : memref<128x32xf32, #tpu.memory_space<vmem>>) offsets(%dma_start3A_404 : memref<128xi32, #tpu.memory_space<vmem>>) semaphore(%arg24 : memref<!tpu.dma_semaphore, #tpu.memory_space<semaphore_mem>>)
    %dma_start3A_408 = arith.constant 1 : i32
    %dma_start3A_409 = arith.constant 0 : i32
    %dma_start3A_410 = tpu.memref_slice %arg7[%dma_start3A_408, %dma_start3A_409] : memref<160x128xi32, #tpu.memory_space<vmem>> -> memref<1x128xi32, #tpu.memory_space<vmem>>
    %dma_start3A_411 = tpu.memref_squeeze %dma_start3A_410 : memref<1x128xi32, #tpu.memory_space<vmem>> -> memref<128xi32, #tpu.memory_space<vmem>>
    %dma_start3A_412 = arith.constant 0 : i32
    %dma_start3A_413 = arith.constant 0 : i32
    %dma_start3A_414 = tpu.memref_slice %arg21[%dma_start3A_412, %dma_start3A_413] : memref<10248x32xf32, #tpu.memory_space<vmem_shared>> -> memref<10248x32xf32, #tpu.memory_space<vmem_shared>>
    tpu.enqueue_indirect_dma source(%dma_start3A_414 : memref<10248x32xf32, #tpu.memory_space<vmem_shared>>) target(%arg10 : memref<128x32xf32, #tpu.memory_space<vmem>>) offsets(%dma_start3A_411 : memref<128xi32, #tpu.memory_space<vmem>>) semaphore(%arg25 : memref<!tpu.dma_semaphore, #tpu.memory_space<semaphore_mem>>)
    %scan3A_415 = arith.constant 0 : i32
    %scan3A_416 = arith.constant 80 : i32
    %scan3A_417 = arith.addi %scan3A_415, %scan3A_416 : i32
    %scan3A_418 = arith.constant 1 : i32
    scf.for %scan3A_440 = %scan3A_415 to %scan3A_417 step %scan3A_418  : i32 {
      %mul3A_441 = arith.constant 2 : i32
      %mul3A_442 = arith.muli %mul3A_441, %scan3A_440 : i32
      %dma_wait3A_443 = arith.constant 0 : i32
      %dma_wait3A_444 = arith.constant 0 : i32
      %dma_wait3A_445 = tpu.memref_slice %arg7[%dma_wait3A_443, %dma_wait3A_444] : memref<160x128xi32, #tpu.memory_space<vmem>> -> memref<1x128xi32, #tpu.memory_space<vmem>>
      %dma_wait3A_446 = tpu.memref_squeeze %dma_wait3A_445 : memref<1x128xi32, #tpu.memory_space<vmem>> -> memref<128xi32, #tpu.memory_space<vmem>>
      %dma_wait3A_447 = arith.constant 0 : i32
      %dma_wait3A_448 = arith.constant 0 : i32
      %dma_wait3A_449 = tpu.memref_slice %arg21[%dma_wait3A_447, %dma_wait3A_448] : memref<10248x32xf32, #tpu.memory_space<vmem_shared>> -> memref<10248x32xf32, #tpu.memory_space<vmem_shared>>
      tpu.wait_indirect_dma semaphore(%arg24 : memref<!tpu.dma_semaphore, #tpu.memory_space<semaphore_mem>>) src(%dma_wait3A_449 : memref<10248x32xf32, #tpu.memory_space<vmem_shared>>) dst(%arg9 : memref<128x32xf32, #tpu.memory_space<vmem>>)
      %add3A = arith.constant 0 : i32
      %add3A_450 = arith.addi %mul3A_442, %add3A : i32
      %dma_start3A_451 = arith.constant 0 : i32
      %dma_start3A_452 = tpu.memref_slice %arg8[%add3A_450, %dma_start3A_451] : memref<160x128xi32, #tpu.memory_space<vmem>> -> memref<1x128xi32, #tpu.memory_space<vmem>>
      %dma_start3A_453 = tpu.memref_squeeze %dma_start3A_452 : memref<1x128xi32, #tpu.memory_space<vmem>> -> memref<128xi32, #tpu.memory_space<vmem>>
      %dma_start3A_454 = arith.constant 0 : i32
      %dma_start3A_455 = arith.constant 0 : i32
      %dma_start3A_456 = tpu.memref_slice %arg22[%dma_start3A_454, %dma_start3A_455] : memref<10248x32xf32, #tpu.memory_space<vmem_shared>> -> memref<10248x32xf32, #tpu.memory_space<vmem_shared>>
      tpu.enqueue_indirect_dma source(%arg9 : memref<128x32xf32, #tpu.memory_space<vmem>>) target(%dma_start3A_456 : memref<10248x32xf32, #tpu.memory_space<vmem_shared>>) offsets(%dma_start3A_453 : memref<128xi32, #tpu.memory_space<vmem>>) semaphore(%arg28 : memref<!tpu.dma_semaphore, #tpu.memory_space<semaphore_mem>>) {add = true}
      %dma_wait3A_457 = arith.constant 0 : i32
      %dma_wait3A_458 = arith.constant 0 : i32
      %dma_wait3A_459 = tpu.memref_slice %arg7[%dma_wait3A_457, %dma_wait3A_458] : memref<160x128xi32, #tpu.memory_space<vmem>> -> memref<1x128xi32, #tpu.memory_space<vmem>>
      %dma_wait3A_460 = tpu.memref_squeeze %dma_wait3A_459 : memref<1x128xi32, #tpu.memory_space<vmem>> -> memref<128xi32, #tpu.memory_space<vmem>>
      %dma_wait3A_461 = arith.constant 0 : i32
      %dma_wait3A_462 = arith.constant 0 : i32
      %dma_wait3A_463 = tpu.memref_slice %arg21[%dma_wait3A_461, %dma_wait3A_462] : memref<10248x32xf32, #tpu.memory_space<vmem_shared>> -> memref<10248x32xf32, #tpu.memory_space<vmem_shared>>
      tpu.wait_indirect_dma semaphore(%arg25 : memref<!tpu.dma_semaphore, #tpu.memory_space<semaphore_mem>>) src(%dma_wait3A_463 : memref<10248x32xf32, #tpu.memory_space<vmem_shared>>) dst(%arg10 : memref<128x32xf32, #tpu.memory_space<vmem>>)
      %add3A_464 = arith.constant 1 : i32
      %add3A_465 = arith.addi %mul3A_442, %add3A_464 : i32
      %dma_start3A_466 = arith.constant 0 : i32
      %dma_start3A_467 = tpu.memref_slice %arg8[%add3A_465, %dma_start3A_466] : memref<160x128xi32, #tpu.memory_space<vmem>> -> memref<1x128xi32, #tpu.memory_space<vmem>>
      %dma_start3A_468 = tpu.memref_squeeze %dma_start3A_467 : memref<1x128xi32, #tpu.memory_space<vmem>> -> memref<128xi32, #tpu.memory_space<vmem>>
      %dma_start3A_469 = arith.constant 0 : i32
      %dma_start3A_470 = arith.constant 0 : i32
      %dma_start3A_471 = tpu.memref_slice %arg22[%dma_start3A_469, %dma_start3A_470] : memref<10248x32xf32, #tpu.memory_space<vmem_shared>> -> memref<10248x32xf32, #tpu.memory_space<vmem_shared>>
      tpu.enqueue_indirect_dma source(%arg10 : memref<128x32xf32, #tpu.memory_space<vmem>>) target(%dma_start3A_471 : memref<10248x32xf32, #tpu.memory_space<vmem_shared>>) offsets(%dma_start3A_468 : memref<128xi32, #tpu.memory_space<vmem>>) semaphore(%arg29 : memref<!tpu.dma_semaphore, #tpu.memory_space<semaphore_mem>>) {add = true}
      %lt3A = arith.constant 79 : i32
      %lt3A_472 = arith.cmpi slt, %scan3A_440, %lt3A : i32
      %convert_element_type3A = arith.extui %lt3A_472 : i1 to i32
      %cond3A = arith.constant 0 : i32
      %cond3A_473 = arith.cmpi ne, %convert_element_type3A, %cond3A : i32
      scf.if %cond3A_473 {
        %dma_wait3A_474 = arith.constant 0 : i32
        %dma_wait3A_475 = arith.constant 0 : i32
        %dma_wait3A_476 = tpu.memref_slice %arg8[%dma_wait3A_474, %dma_wait3A_475] : memref<160x128xi32, #tpu.memory_space<vmem>> -> memref<1x128xi32, #tpu.memory_space<vmem>>
        %dma_wait3A_477 = tpu.memref_squeeze %dma_wait3A_476 : memref<1x128xi32, #tpu.memory_space<vmem>> -> memref<128xi32, #tpu.memory_space<vmem>>
        %dma_wait3A_478 = arith.constant 0 : i32
        %dma_wait3A_479 = arith.constant 0 : i32
        %dma_wait3A_480 = tpu.memref_slice %arg22[%dma_wait3A_478, %dma_wait3A_479] : memref<10248x32xf32, #tpu.memory_space<vmem_shared>> -> memref<10248x32xf32, #tpu.memory_space<vmem_shared>>
        tpu.wait_indirect_dma semaphore(%arg28 : memref<!tpu.dma_semaphore, #tpu.memory_space<semaphore_mem>>) src(%arg9 : memref<128x32xf32, #tpu.memory_space<vmem>>) dst(%dma_wait3A_480 : memref<10248x32xf32, #tpu.memory_space<vmem_shared>>)
        %add3A_481 = arith.constant 2 : i32
        %add3A_482 = arith.addi %mul3A_442, %add3A_481 : i32
        %add3A_483 = arith.constant 0 : i32
        %add3A_484 = arith.addi %add3A_482, %add3A_483 : i32
        %dma_start3A_485 = arith.constant 0 : i32
        %dma_start3A_486 = tpu.memref_slice %arg7[%add3A_484, %dma_start3A_485] : memref<160x128xi32, #tpu.memory_space<vmem>> -> memref<1x128xi32, #tpu.memory_space<vmem>>
        %dma_start3A_487 = tpu.memref_squeeze %dma_start3A_486 : memref<1x128xi32, #tpu.memory_space<vmem>> -> memref<128xi32, #tpu.memory_space<vmem>>
        %dma_start3A_488 = arith.constant 0 : i32
        %dma_start3A_489 = arith.constant 0 : i32
        %dma_start3A_490 = tpu.memref_slice %arg21[%dma_start3A_488, %dma_start3A_489] : memref<10248x32xf32, #tpu.memory_space<vmem_shared>> -> memref<10248x32xf32, #tpu.memory_space<vmem_shared>>
        tpu.enqueue_indirect_dma source(%dma_start3A_490 : memref<10248x32xf32, #tpu.memory_space<vmem_shared>>) target(%arg9 : memref<128x32xf32, #tpu.memory_space<vmem>>) offsets(%dma_start3A_487 : memref<128xi32, #tpu.memory_space<vmem>>) semaphore(%arg24 : memref<!tpu.dma_semaphore, #tpu.memory_space<semaphore_mem>>)
        %dma_wait3A_491 = arith.constant 0 : i32
        %dma_wait3A_492 = arith.constant 0 : i32
        %dma_wait3A_493 = tpu.memref_slice %arg8[%dma_wait3A_491, %dma_wait3A_492] : memref<160x128xi32, #tpu.memory_space<vmem>> -> memref<1x128xi32, #tpu.memory_space<vmem>>
        %dma_wait3A_494 = tpu.memref_squeeze %dma_wait3A_493 : memref<1x128xi32, #tpu.memory_space<vmem>> -> memref<128xi32, #tpu.memory_space<vmem>>
        %dma_wait3A_495 = arith.constant 0 : i32
        %dma_wait3A_496 = arith.constant 0 : i32
        %dma_wait3A_497 = tpu.memref_slice %arg22[%dma_wait3A_495, %dma_wait3A_496] : memref<10248x32xf32, #tpu.memory_space<vmem_shared>> -> memref<10248x32xf32, #tpu.memory_space<vmem_shared>>
        tpu.wait_indirect_dma semaphore(%arg29 : memref<!tpu.dma_semaphore, #tpu.memory_space<semaphore_mem>>) src(%arg10 : memref<128x32xf32, #tpu.memory_space<vmem>>) dst(%dma_wait3A_497 : memref<10248x32xf32, #tpu.memory_space<vmem_shared>>)
        %add3A_498 = arith.constant 2 : i32
        %add3A_499 = arith.addi %mul3A_442, %add3A_498 : i32
        %add3A_500 = arith.constant 1 : i32
        %add3A_501 = arith.addi %add3A_499, %add3A_500 : i32
        %dma_start3A_502 = arith.constant 0 : i32
        %dma_start3A_503 = tpu.memref_slice %arg7[%add3A_501, %dma_start3A_502] : memref<160x128xi32, #tpu.memory_space<vmem>> -> memref<1x128xi32, #tpu.memory_space<vmem>>
        %dma_start3A_504 = tpu.memref_squeeze %dma_start3A_503 : memref<1x128xi32, #tpu.memory_space<vmem>> -> memref<128xi32, #tpu.memory_space<vmem>>
        %dma_start3A_505 = arith.constant 0 : i32
        %dma_start3A_506 = arith.constant 0 : i32
        %dma_start3A_507 = tpu.memref_slice %arg21[%dma_start3A_505, %dma_start3A_506] : memref<10248x32xf32, #tpu.memory_space<vmem_shared>> -> memref<10248x32xf32, #tpu.memory_space<vmem_shared>>
        tpu.enqueue_indirect_dma source(%dma_start3A_507 : memref<10248x32xf32, #tpu.memory_space<vmem_shared>>) target(%arg10 : memref<128x32xf32, #tpu.memory_space<vmem>>) offsets(%dma_start3A_504 : memref<128xi32, #tpu.memory_space<vmem>>) semaphore(%arg25 : memref<!tpu.dma_semaphore, #tpu.memory_space<semaphore_mem>>)
      } else {
      }
    }
    %scan3A_419 = arith.constant 80 : i32
    %dma_wait3A_420 = arith.constant 0 : i32
    %dma_wait3A_421 = arith.constant 0 : i32
    %dma_wait3A_422 = tpu.memref_slice %arg8[%dma_wait3A_420, %dma_wait3A_421] : memref<160x128xi32, #tpu.memory_space<vmem>> -> memref<1x128xi32, #tpu.memory_space<vmem>>
    %dma_wait3A_423 = tpu.memref_squeeze %dma_wait3A_422 : memref<1x128xi32, #tpu.memory_space<vmem>> -> memref<128xi32, #tpu.memory_space<vmem>>
    %dma_wait3A_424 = arith.constant 0 : i32
    %dma_wait3A_425 = arith.constant 0 : i32
    %dma_wait3A_426 = tpu.memref_slice %arg22[%dma_wait3A_424, %dma_wait3A_425] : memref<10248x32xf32, #tpu.memory_space<vmem_shared>> -> memref<10248x32xf32, #tpu.memory_space<vmem_shared>>
    tpu.wait_indirect_dma semaphore(%arg28 : memref<!tpu.dma_semaphore, #tpu.memory_space<semaphore_mem>>) src(%arg9 : memref<128x32xf32, #tpu.memory_space<vmem>>) dst(%dma_wait3A_426 : memref<10248x32xf32, #tpu.memory_space<vmem_shared>>)
    %dma_wait3A_427 = arith.constant 0 : i32
    %dma_wait3A_428 = arith.constant 0 : i32
    %dma_wait3A_429 = tpu.memref_slice %arg8[%dma_wait3A_427, %dma_wait3A_428] : memref<160x128xi32, #tpu.memory_space<vmem>> -> memref<1x128xi32, #tpu.memory_space<vmem>>
    %dma_wait3A_430 = tpu.memref_squeeze %dma_wait3A_429 : memref<1x128xi32, #tpu.memory_space<vmem>> -> memref<128xi32, #tpu.memory_space<vmem>>
    %dma_wait3A_431 = arith.constant 0 : i32
    %dma_wait3A_432 = arith.constant 0 : i32
    %dma_wait3A_433 = tpu.memref_slice %arg22[%dma_wait3A_431, %dma_wait3A_432] : memref<10248x32xf32, #tpu.memory_space<vmem_shared>> -> memref<10248x32xf32, #tpu.memory_space<vmem_shared>>
    tpu.wait_indirect_dma semaphore(%arg29 : memref<!tpu.dma_semaphore, #tpu.memory_space<semaphore_mem>>) src(%arg10 : memref<128x32xf32, #tpu.memory_space<vmem>>) dst(%dma_wait3A_433 : memref<10248x32xf32, #tpu.memory_space<vmem_shared>>)
    %barrier3A_434 = arith.constant 0 : index
    tpu.barrier barrier_id(%barrier3A_434)
    %scan3A_435 = arith.constant 0 : i32
    %scan3A_436 = arith.constant 4 : i32
    %scan3A_437 = arith.addi %scan3A_435, %scan3A_436 : i32
    %scan3A_438 = arith.constant 1 : i32
    scf.for %scan3A_440 = %scan3A_435 to %scan3A_437 step %scan3A_438  : i32 {
      %mul3A_441 = arith.constant 160 : i32
      %mul3A_442 = arith.muli %scan3A_440, %mul3A_441 : i32
      %add3A = arith.addi %mul3A_0, %mul3A_442 : i32
      "tpu.region"() ({
        %run_scoped3A_451 = tpu.sem_alloc : memref<!tpu.dma_semaphore, #tpu.memory_space<semaphore_mem>>
        %dma_start3A_452 = arith.constant 0 : i32
        %dma_start3A_453 = tpu.memref_slice %arg22[%add3A, %dma_start3A_452] : memref<10248x32xf32, #tpu.memory_space<vmem_shared>> -> memref<160x32xf32, #tpu.memory_space<vmem_shared>>
        %dma_start3A_454 = arith.constant 0 : i32
        %dma_start3A_455 = tpu.memref_slice %arg22[%add3A, %dma_start3A_454] : memref<10248x32xf32, #tpu.memory_space<vmem_shared>> -> memref<160x32xf32, #tpu.memory_space<vmem_shared>>
        tpu.enqueue_dma source(%dma_start3A_455 : memref<160x32xf32, #tpu.memory_space<vmem_shared>>) target(%arg13 : memref<160x32xf32, #tpu.memory_space<vmem>>) target_semaphore(%run_scoped3A_451 : memref<!tpu.dma_semaphore, #tpu.memory_space<semaphore_mem>>)
        %dma_wait3A_456 = arith.constant 0 : i32
        %dma_wait3A_457 = tpu.memref_slice %arg22[%add3A, %dma_wait3A_456] : memref<10248x32xf32, #tpu.memory_space<vmem_shared>> -> memref<160x32xf32, #tpu.memory_space<vmem_shared>>
        %dma_wait3A_458 = arith.constant 0 : i32
        %dma_wait3A_459 = tpu.memref_slice %arg22[%add3A, %dma_wait3A_458] : memref<10248x32xf32, #tpu.memory_space<vmem_shared>> -> memref<160x32xf32, #tpu.memory_space<vmem_shared>>
        tpu.wait_dma2 semaphore(%run_scoped3A_451 : memref<!tpu.dma_semaphore, #tpu.memory_space<semaphore_mem>>) src(%dma_wait3A_459 : memref<160x32xf32, #tpu.memory_space<vmem_shared>>) dst(%arg13 : memref<160x32xf32, #tpu.memory_space<vmem>>)
        tpu.yield
      }) : () -> ()
      "tpu.region"() ({
        %run_scoped3A_451 = tpu.sem_alloc : memref<!tpu.dma_semaphore, #tpu.memory_space<semaphore_mem>>
        %dma_start3A_452 = arith.constant 0 : i32
        %dma_start3A_453 = tpu.memref_slice %arg6[%arg0, %add3A, %dma_start3A_452] : memref<2x10240x32xf32, #tpu.memory_space<hbm>> -> memref<1x160x32xf32, #tpu.memory_space<hbm>>
        %dma_start3A_454 = tpu.memref_squeeze %dma_start3A_453 : memref<1x160x32xf32, #tpu.memory_space<hbm>> -> memref<160x32xf32, #tpu.memory_space<hbm>>
        %dma_start3A_455 = arith.constant 0 : i32
        %dma_start3A_456 = tpu.memref_slice %arg6[%arg0, %add3A, %dma_start3A_455] : memref<2x10240x32xf32, #tpu.memory_space<hbm>> -> memref<1x160x32xf32, #tpu.memory_space<hbm>>
        %dma_start3A_457 = tpu.memref_squeeze %dma_start3A_456 : memref<1x160x32xf32, #tpu.memory_space<hbm>> -> memref<160x32xf32, #tpu.memory_space<hbm>>
        tpu.enqueue_dma source(%dma_start3A_457 : memref<160x32xf32, #tpu.memory_space<hbm>>) target(%arg14 : memref<160x32xf32, #tpu.memory_space<vmem>>) target_semaphore(%run_scoped3A_451 : memref<!tpu.dma_semaphore, #tpu.memory_space<semaphore_mem>>)
        %dma_wait3A_458 = arith.constant 0 : i32
        %dma_wait3A_459 = tpu.memref_slice %arg6[%arg0, %add3A, %dma_wait3A_458] : memref<2x10240x32xf32, #tpu.memory_space<hbm>> -> memref<1x160x32xf32, #tpu.memory_space<hbm>>
        %dma_wait3A_460 = tpu.memref_squeeze %dma_wait3A_459 : memref<1x160x32xf32, #tpu.memory_space<hbm>> -> memref<160x32xf32, #tpu.memory_space<hbm>>
        %dma_wait3A_461 = arith.constant 0 : i32
        %dma_wait3A_462 = tpu.memref_slice %arg6[%arg0, %add3A, %dma_wait3A_461] : memref<2x10240x32xf32, #tpu.memory_space<hbm>> -> memref<1x160x32xf32, #tpu.memory_space<hbm>>
        %dma_wait3A_463 = tpu.memref_squeeze %dma_wait3A_462 : memref<1x160x32xf32, #tpu.memory_space<hbm>> -> memref<160x32xf32, #tpu.memory_space<hbm>>
        tpu.wait_dma2 semaphore(%run_scoped3A_451 : memref<!tpu.dma_semaphore, #tpu.memory_space<semaphore_mem>>) src(%dma_wait3A_463 : memref<160x32xf32, #tpu.memory_space<hbm>>) dst(%arg14 : memref<160x32xf32, #tpu.memory_space<vmem>>)
        tpu.yield
      }) : () -> ()
      %run_scoped3A_443 = arith.constant 0 : i32
      "tpu.region"() ({
        %run_scoped3A_451 = tpu.sem_alloc : memref<!tpu.dma_semaphore, #tpu.memory_space<semaphore_mem>>
        %dma_start3A_452 = arith.constant 0 : i32
        %dma_start3A_453 = tpu.memref_slice %arg3[%run_scoped3A_443, %arg0, %add3A, %dma_start3A_452] : memref<8x2x10240x32xf32, #tpu.memory_space<hbm>> -> memref<1x1x160x32xf32, #tpu.memory_space<hbm>>
        %dma_start3A_454 = tpu.memref_squeeze %dma_start3A_453 : memref<1x1x160x32xf32, #tpu.memory_space<hbm>> -> memref<160x32xf32, #tpu.memory_space<hbm>>
        %dma_start3A_455 = arith.constant 0 : i32
        %dma_start3A_456 = tpu.memref_slice %arg3[%run_scoped3A_443, %arg0, %add3A, %dma_start3A_455] : memref<8x2x10240x32xf32, #tpu.memory_space<hbm>> -> memref<1x1x160x32xf32, #tpu.memory_space<hbm>>
        %dma_start3A_457 = tpu.memref_squeeze %dma_start3A_456 : memref<1x1x160x32xf32, #tpu.memory_space<hbm>> -> memref<160x32xf32, #tpu.memory_space<hbm>>
        tpu.enqueue_dma source(%dma_start3A_457 : memref<160x32xf32, #tpu.memory_space<hbm>>) target(%arg15 : memref<160x32xf32, #tpu.memory_space<vmem>>) target_semaphore(%run_scoped3A_451 : memref<!tpu.dma_semaphore, #tpu.memory_space<semaphore_mem>>)
        %dma_wait3A_458 = arith.constant 0 : i32
        %dma_wait3A_459 = tpu.memref_slice %arg3[%run_scoped3A_443, %arg0, %add3A, %dma_wait3A_458] : memref<8x2x10240x32xf32, #tpu.memory_space<hbm>> -> memref<1x1x160x32xf32, #tpu.memory_space<hbm>>
        %dma_wait3A_460 = tpu.memref_squeeze %dma_wait3A_459 : memref<1x1x160x32xf32, #tpu.memory_space<hbm>> -> memref<160x32xf32, #tpu.memory_space<hbm>>
        %dma_wait3A_461 = arith.constant 0 : i32
        %dma_wait3A_462 = tpu.memref_slice %arg3[%run_scoped3A_443, %arg0, %add3A, %dma_wait3A_461] : memref<8x2x10240x32xf32, #tpu.memory_space<hbm>> -> memref<1x1x160x32xf32, #tpu.memory_space<hbm>>
        %dma_wait3A_463 = tpu.memref_squeeze %dma_wait3A_462 : memref<1x1x160x32xf32, #tpu.memory_space<hbm>> -> memref<160x32xf32, #tpu.memory_space<hbm>>
        tpu.wait_dma2 semaphore(%run_scoped3A_451 : memref<!tpu.dma_semaphore, #tpu.memory_space<semaphore_mem>>) src(%dma_wait3A_463 : memref<160x32xf32, #tpu.memory_space<hbm>>) dst(%arg15 : memref<160x32xf32, #tpu.memory_space<vmem>>)
        tpu.yield
      }) : () -> ()
      %scan3A_444 = arith.constant 0 : i32
      %scan3A_445 = arith.constant 160 : i32
      %scan3A_446 = arith.addi %scan3A_444, %scan3A_445 : i32
      %scan3A_447 = arith.constant 1 : i32
      scf.for %scan3A_451 = %scan3A_444 to %scan3A_446 step %scan3A_447  : i32 {
        %mul3A_452 = arith.constant 160 : i32
        %mul3A_453 = arith.muli %scan3A_440, %mul3A_452 : i32
        %add3A_454 = arith.addi %mul3A_453, %scan3A_451 : i32
        %broadcast_in_dim3A = vector.broadcast %add3A_454 : i32 to vector<16xi32>
        %gather3A = tpu.vector_load_idx %arg20[%broadcast_in_dim3A] : memref<640xf32, #tpu.memory_space<vmem>>[vector<16xi32>], vector<16xf32>,
        %get3A = arith.index_cast %scan3A_451 : i32 to index
        %get3A_455 = arith.constant 0 : index
        %get3A_456 = tpu.vector_load %arg15[%get3A, %get3A_455] {strides = array<i32>} : memref<160x32xf32, #tpu.memory_space<vmem>>, vector<16xf32>,
        %get3A_457 = arith.index_cast %scan3A_451 : i32 to index
        %get3A_458 = arith.constant 0 : index
        %get3A_459 = tpu.vector_load %arg13[%get3A_457, %get3A_458] {strides = array<i32>} : memref<160x32xf32, #tpu.memory_space<vmem>>, vector<16xf32>,
        %mul3A_460 = arith.mulf %gather3A, %get3A_459 : vector<16xf32>
        %sub3A = arith.subf %get3A_456, %mul3A_460 : vector<16xf32>
        %get3A_461 = arith.index_cast %scan3A_451 : i32 to index
        %get3A_462 = arith.constant 0 : index
        %get3A_463 = tpu.vector_load %arg14[%get3A_461, %get3A_462] {strides = array<i32>} : memref<160x32xf32, #tpu.memory_space<vmem>>, vector<16xf32>,
        %sub3A_464 = arith.subf %sub3A, %get3A_463 : vector<16xf32>
        %max3A = arith.constant 0.000000e+00 : f32
        %max3A_465 = vector.broadcast %max3A : f32 to vector<16xf32>
        %max3A_466 = arith.maximumf %sub3A_464, %max3A_465 : vector<16xf32>
        %swap3A = arith.index_cast %scan3A_451 : i32 to index
        %swap3A_467 = arith.constant 0 : index
        %swap3A_468 = tpu.vector_load %arg16[%swap3A, %swap3A_467] {strides = array<i32>} : memref<160x32xf32, #tpu.memory_space<vmem>>, vector<16xf32>,
        tpu.vector_store %arg16[%swap3A, %swap3A_467], %max3A_466 {strides = array<i32>} : memref<160x32xf32, #tpu.memory_space<vmem>>, vector<16xf32>,
        %get3A_469 = arith.index_cast %scan3A_451 : i32 to index
        %get3A_470 = arith.constant 16 : index
        %get3A_471 = tpu.vector_load %arg15[%get3A_469, %get3A_470] {strides = array<i32>} : memref<160x32xf32, #tpu.memory_space<vmem>>, vector<16xf32>,
        %get3A_472 = arith.index_cast %scan3A_451 : i32 to index
        %get3A_473 = arith.constant 16 : index
        %get3A_474 = tpu.vector_load %arg13[%get3A_472, %get3A_473] {strides = array<i32>} : memref<160x32xf32, #tpu.memory_space<vmem>>, vector<16xf32>,
        %mul3A_475 = arith.mulf %gather3A, %get3A_474 : vector<16xf32>
        %sub3A_476 = arith.subf %get3A_471, %mul3A_475 : vector<16xf32>
        %get3A_477 = arith.index_cast %scan3A_451 : i32 to index
        %get3A_478 = arith.constant 16 : index
        %get3A_479 = tpu.vector_load %arg14[%get3A_477, %get3A_478] {strides = array<i32>} : memref<160x32xf32, #tpu.memory_space<vmem>>, vector<16xf32>,
        %sub3A_480 = arith.subf %sub3A_476, %get3A_479 : vector<16xf32>
        %max3A_481 = arith.constant 0.000000e+00 : f32
        %max3A_482 = vector.broadcast %max3A_481 : f32 to vector<16xf32>
        %max3A_483 = arith.maximumf %sub3A_480, %max3A_482 : vector<16xf32>
        %swap3A_484 = arith.index_cast %scan3A_451 : i32 to index
        %swap3A_485 = arith.constant 16 : index
        %swap3A_486 = tpu.vector_load %arg16[%swap3A_484, %swap3A_485] {strides = array<i32>} : memref<160x32xf32, #tpu.memory_space<vmem>>, vector<16xf32>,
        tpu.vector_store %arg16[%swap3A_484, %swap3A_485], %max3A_483 {strides = array<i32>} : memref<160x32xf32, #tpu.memory_space<vmem>>, vector<16xf32>,
      }
      %scan3A_448 = arith.constant 160 : i32
      %mul3A_449 = arith.constant 32 : i32
      %mul3A_450 = arith.muli %mul3A_449, %arg0 : i32
      "tpu.region"() ({
        %run_scoped3A_451 = tpu.sem_alloc : memref<!tpu.dma_semaphore, #tpu.memory_space<semaphore_mem>>
        %dma_start3A_452 = tpu.memref_slice %arg4[%add3A, %mul3A_450] : memref<10240x64xf32, #tpu.memory_space<hbm>> -> memref<160x32xf32, #tpu.memory_space<hbm>>
        %dma_start3A_453 = tpu.memref_slice %arg4[%add3A, %mul3A_450] : memref<10240x64xf32, #tpu.memory_space<hbm>> -> memref<160x32xf32, #tpu.memory_space<hbm>>
        tpu.enqueue_dma source(%arg16 : memref<160x32xf32, #tpu.memory_space<vmem>>) target(%dma_start3A_453 : memref<160x32xf32, #tpu.memory_space<hbm>>) target_semaphore(%run_scoped3A_451 : memref<!tpu.dma_semaphore, #tpu.memory_space<semaphore_mem>>)
        %dma_wait3A_454 = tpu.memref_slice %arg4[%add3A, %mul3A_450] : memref<10240x64xf32, #tpu.memory_space<hbm>> -> memref<160x32xf32, #tpu.memory_space<hbm>>
        %dma_wait3A_455 = tpu.memref_slice %arg4[%add3A, %mul3A_450] : memref<10240x64xf32, #tpu.memory_space<hbm>> -> memref<160x32xf32, #tpu.memory_space<hbm>>
        tpu.wait_dma2 semaphore(%run_scoped3A_451 : memref<!tpu.dma_semaphore, #tpu.memory_space<semaphore_mem>>) src(%arg16 : memref<160x32xf32, #tpu.memory_space<vmem>>) dst(%dma_wait3A_455 : memref<160x32xf32, #tpu.memory_space<hbm>>)
        tpu.yield
      }) : () -> ()
    }
    %scan3A_439 = arith.constant 4 : i32
    return
  }
}

module attributes {stable_mosaic.version = 14 : i64} {
  func.func @_mm_body(%arg0: i32, %arg1: memref<400x128xf32, #tpu.memory_space<vmem>>, %arg2: memref<8x128x64xf32, #tpu.memory_space<vmem>>, %arg3: memref<64xf32, #tpu.memory_space<vmem>>, %arg4: memref<8x2x400x32xf32, #tpu.memory_space<vmem>>) attributes {dimension_semantics = [#tpu.dimension_semantics<arbitrary>], iteration_bounds = array<i64: 25>, scalar_prefetch = 0 : i64, scratch_operands = 0 : i64, tpu.core_type = #tpu.core_type<tc>, window_params = [{transform_indices = @transform_0, window_bounds = array<i64: 400, 128>}, {pipeline_mode = #tpu.pipeline_mode<synchronous>, transform_indices = @transform_1, window_bounds = array<i64: 8, 128, 64>}, {pipeline_mode = #tpu.pipeline_mode<synchronous>, transform_indices = @transform_2, window_bounds = array<i64: 64>}, {transform_indices = @transform_3, window_bounds = array<i64: 8, 2, 400, 32>}]} {
    %get3A = arith.constant 0 : index
    %get3A_0 = arith.constant 0 : index
    %get3A_1 = vector.load %arg1[%get3A, %get3A_0] : memref<400x128xf32, #tpu.memory_space<vmem>>, vector<400x128xf32>
    %get3A_2 = arith.constant 0 : index
    %get3A_3 = arith.constant 0 : index
    %get3A_4 = arith.constant 0 : index
    %get3A_5 = vector.load %arg2[%get3A_2, %get3A_3, %get3A_4] : memref<8x128x64xf32, #tpu.memory_space<vmem>>, vector<1x128x32xf32>
    %get3A_6 = vector.shape_cast %get3A_5 : vector<1x128x32xf32> to vector<128x32xf32>
    %dot_general3A = arith.constant dense<0.000000e+00> : vector<400x32xf32>
    %dot_general3A_7 = tpu.matmul %get3A_1, %get3A_6, %dot_general3A {dimension_numbers = #tpu.dot_dimension_numbers<[1], [0], [0], [1], [0, 0, 1, 1], [], []>, transpose_lhs_hint = false} : vector<400x128xf32>, vector<128x32xf32>, vector<400x32xf32> -> vector<400x32xf32>
    %get3A_8 = arith.constant 0 : index
    %get3A_9 = vector.load %arg3[%get3A_8] : memref<64xf32, #tpu.memory_space<vmem>>, vector<32xf32>
    %broadcast_in_dim3A = vector.shape_cast %get3A_9 : vector<32xf32> to vector<1x32xf32>
    %add3A = vector.broadcast %broadcast_in_dim3A : vector<1x32xf32> to vector<400x32xf32>
    %add3A_10 = arith.addf %dot_general3A_7, %add3A : vector<400x32xf32>
    %swap3A = arith.constant 0 : index
    %swap3A_11 = arith.constant 0 : index
    %swap3A_12 = arith.constant 0 : index
    %swap3A_13 = arith.constant 0 : index
    %swap3A_14 = vector.load %arg4[%swap3A, %swap3A_11, %swap3A_12, %swap3A_13] : memref<8x2x400x32xf32, #tpu.memory_space<vmem>>, vector<1x1x400x32xf32>
    %swap3A_15 = vector.shape_cast %swap3A_14 : vector<1x1x400x32xf32> to vector<400x32xf32>
    %swap3A_16 = vector.shape_cast %add3A_10 : vector<400x32xf32> to vector<1x1x400x32xf32>
    tpu.vector_store %arg4[%swap3A, %swap3A_11, %swap3A_12, %swap3A_13], %swap3A_16 {strides = array<i32>} : memref<8x2x400x32xf32, #tpu.memory_space<vmem>>, vector<1x1x400x32xf32>,
    %get3A_17 = arith.constant 0 : index
    %get3A_18 = arith.constant 0 : index
    %get3A_19 = arith.constant 32 : index
    %get3A_20 = vector.load %arg2[%get3A_17, %get3A_18, %get3A_19] : memref<8x128x64xf32, #tpu.memory_space<vmem>>, vector<1x128x32xf32>
    %get3A_21 = vector.shape_cast %get3A_20 : vector<1x128x32xf32> to vector<128x32xf32>
    %dot_general3A_22 = arith.constant dense<0.000000e+00> : vector<400x32xf32>
    %dot_general3A_23 = tpu.matmul %get3A_1, %get3A_21, %dot_general3A_22 {dimension_numbers = #tpu.dot_dimension_numbers<[1], [0], [0], [1], [0, 0, 1, 1], [], []>, transpose_lhs_hint = false} : vector<400x128xf32>, vector<128x32xf32>, vector<400x32xf32> -> vector<400x32xf32>
    %get3A_24 = arith.constant 32 : index
    %get3A_25 = vector.load %arg3[%get3A_24] : memref<64xf32, #tpu.memory_space<vmem>>, vector<32xf32>
    %broadcast_in_dim3A_26 = vector.shape_cast %get3A_25 : vector<32xf32> to vector<1x32xf32>
    %add3A_27 = vector.broadcast %broadcast_in_dim3A_26 : vector<1x32xf32> to vector<400x32xf32>
    %add3A_28 = arith.addf %dot_general3A_23, %add3A_27 : vector<400x32xf32>
    %swap3A_29 = arith.constant 0 : index
    %swap3A_30 = arith.constant 1 : index
    %swap3A_31 = arith.constant 0 : index
    %swap3A_32 = arith.constant 0 : index
    %swap3A_33 = vector.load %arg4[%swap3A_29, %swap3A_30, %swap3A_31, %swap3A_32] : memref<8x2x400x32xf32, #tpu.memory_space<vmem>>, vector<1x1x400x32xf32>
    %swap3A_34 = vector.shape_cast %swap3A_33 : vector<1x1x400x32xf32> to vector<400x32xf32>
    %swap3A_35 = vector.shape_cast %add3A_28 : vector<400x32xf32> to vector<1x1x400x32xf32>
    tpu.vector_store %arg4[%swap3A_29, %swap3A_30, %swap3A_31, %swap3A_32], %swap3A_35 {strides = array<i32>} : memref<8x2x400x32xf32, #tpu.memory_space<vmem>>, vector<1x1x400x32xf32>,
    %get3A_36 = arith.constant 1 : index
    %get3A_37 = arith.constant 0 : index
    %get3A_38 = arith.constant 0 : index
    %get3A_39 = vector.load %arg2[%get3A_36, %get3A_37, %get3A_38] : memref<8x128x64xf32, #tpu.memory_space<vmem>>, vector<1x128x32xf32>
    %get3A_40 = vector.shape_cast %get3A_39 : vector<1x128x32xf32> to vector<128x32xf32>
    %dot_general3A_41 = arith.constant dense<0.000000e+00> : vector<400x32xf32>
    %dot_general3A_42 = tpu.matmul %get3A_1, %get3A_40, %dot_general3A_41 {dimension_numbers = #tpu.dot_dimension_numbers<[1], [0], [0], [1], [0, 0, 1, 1], [], []>, transpose_lhs_hint = false} : vector<400x128xf32>, vector<128x32xf32>, vector<400x32xf32> -> vector<400x32xf32>
    %swap3A_43 = arith.constant 1 : index
    %swap3A_44 = arith.constant 0 : index
    %swap3A_45 = arith.constant 0 : index
    %swap3A_46 = arith.constant 0 : index
    %swap3A_47 = vector.load %arg4[%swap3A_43, %swap3A_44, %swap3A_45, %swap3A_46] : memref<8x2x400x32xf32, #tpu.memory_space<vmem>>, vector<1x1x400x32xf32>
    %swap3A_48 = vector.shape_cast %swap3A_47 : vector<1x1x400x32xf32> to vector<400x32xf32>
    %swap3A_49 = vector.shape_cast %dot_general3A_42 : vector<400x32xf32> to vector<1x1x400x32xf32>
    tpu.vector_store %arg4[%swap3A_43, %swap3A_44, %swap3A_45, %swap3A_46], %swap3A_49 {strides = array<i32>} : memref<8x2x400x32xf32, #tpu.memory_space<vmem>>, vector<1x1x400x32xf32>,
    %get3A_50 = arith.constant 1 : index
    %get3A_51 = arith.constant 0 : index
    %get3A_52 = arith.constant 32 : index
    %get3A_53 = vector.load %arg2[%get3A_50, %get3A_51, %get3A_52] : memref<8x128x64xf32, #tpu.memory_space<vmem>>, vector<1x128x32xf32>
    %get3A_54 = vector.shape_cast %get3A_53 : vector<1x128x32xf32> to vector<128x32xf32>
    %dot_general3A_55 = arith.constant dense<0.000000e+00> : vector<400x32xf32>
    %dot_general3A_56 = tpu.matmul %get3A_1, %get3A_54, %dot_general3A_55 {dimension_numbers = #tpu.dot_dimension_numbers<[1], [0], [0], [1], [0, 0, 1, 1], [], []>, transpose_lhs_hint = false} : vector<400x128xf32>, vector<128x32xf32>, vector<400x32xf32> -> vector<400x32xf32>
    %swap3A_57 = arith.constant 1 : index
    %swap3A_58 = arith.constant 1 : index
    %swap3A_59 = arith.constant 0 : index
    %swap3A_60 = arith.constant 0 : index
    %swap3A_61 = vector.load %arg4[%swap3A_57, %swap3A_58, %swap3A_59, %swap3A_60] : memref<8x2x400x32xf32, #tpu.memory_space<vmem>>, vector<1x1x400x32xf32>
    %swap3A_62 = vector.shape_cast %swap3A_61 : vector<1x1x400x32xf32> to vector<400x32xf32>
    %swap3A_63 = vector.shape_cast %dot_general3A_56 : vector<400x32xf32> to vector<1x1x400x32xf32>
    tpu.vector_store %arg4[%swap3A_57, %swap3A_58, %swap3A_59, %swap3A_60], %swap3A_63 {strides = array<i32>} : memref<8x2x400x32xf32, #tpu.memory_space<vmem>>, vector<1x1x400x32xf32>,
    %get3A_64 = arith.constant 2 : index
    %get3A_65 = arith.constant 0 : index
    %get3A_66 = arith.constant 0 : index
    %get3A_67 = vector.load %arg2[%get3A_64, %get3A_65, %get3A_66] : memref<8x128x64xf32, #tpu.memory_space<vmem>>, vector<1x128x32xf32>
    %get3A_68 = vector.shape_cast %get3A_67 : vector<1x128x32xf32> to vector<128x32xf32>
    %dot_general3A_69 = arith.constant dense<0.000000e+00> : vector<400x32xf32>
    %dot_general3A_70 = tpu.matmul %get3A_1, %get3A_68, %dot_general3A_69 {dimension_numbers = #tpu.dot_dimension_numbers<[1], [0], [0], [1], [0, 0, 1, 1], [], []>, transpose_lhs_hint = false} : vector<400x128xf32>, vector<128x32xf32>, vector<400x32xf32> -> vector<400x32xf32>
    %swap3A_71 = arith.constant 2 : index
    %swap3A_72 = arith.constant 0 : index
    %swap3A_73 = arith.constant 0 : index
    %swap3A_74 = arith.constant 0 : index
    %swap3A_75 = vector.load %arg4[%swap3A_71, %swap3A_72, %swap3A_73, %swap3A_74] : memref<8x2x400x32xf32, #tpu.memory_space<vmem>>, vector<1x1x400x32xf32>
    %swap3A_76 = vector.shape_cast %swap3A_75 : vector<1x1x400x32xf32> to vector<400x32xf32>
    %swap3A_77 = vector.shape_cast %dot_general3A_70 : vector<400x32xf32> to vector<1x1x400x32xf32>
    tpu.vector_store %arg4[%swap3A_71, %swap3A_72, %swap3A_73, %swap3A_74], %swap3A_77 {strides = array<i32>} : memref<8x2x400x32xf32, #tpu.memory_space<vmem>>, vector<1x1x400x32xf32>,
    %get3A_78 = arith.constant 2 : index
    %get3A_79 = arith.constant 0 : index
    %get3A_80 = arith.constant 32 : index
    %get3A_81 = vector.load %arg2[%get3A_78, %get3A_79, %get3A_80] : memref<8x128x64xf32, #tpu.memory_space<vmem>>, vector<1x128x32xf32>
    %get3A_82 = vector.shape_cast %get3A_81 : vector<1x128x32xf32> to vector<128x32xf32>
    %dot_general3A_83 = arith.constant dense<0.000000e+00> : vector<400x32xf32>
    %dot_general3A_84 = tpu.matmul %get3A_1, %get3A_82, %dot_general3A_83 {dimension_numbers = #tpu.dot_dimension_numbers<[1], [0], [0], [1], [0, 0, 1, 1], [], []>, transpose_lhs_hint = false} : vector<400x128xf32>, vector<128x32xf32>, vector<400x32xf32> -> vector<400x32xf32>
    %swap3A_85 = arith.constant 2 : index
    %swap3A_86 = arith.constant 1 : index
    %swap3A_87 = arith.constant 0 : index
    %swap3A_88 = arith.constant 0 : index
    %swap3A_89 = vector.load %arg4[%swap3A_85, %swap3A_86, %swap3A_87, %swap3A_88] : memref<8x2x400x32xf32, #tpu.memory_space<vmem>>, vector<1x1x400x32xf32>
    %swap3A_90 = vector.shape_cast %swap3A_89 : vector<1x1x400x32xf32> to vector<400x32xf32>
    %swap3A_91 = vector.shape_cast %dot_general3A_84 : vector<400x32xf32> to vector<1x1x400x32xf32>
    tpu.vector_store %arg4[%swap3A_85, %swap3A_86, %swap3A_87, %swap3A_88], %swap3A_91 {strides = array<i32>} : memref<8x2x400x32xf32, #tpu.memory_space<vmem>>, vector<1x1x400x32xf32>,
    %get3A_92 = arith.constant 3 : index
    %get3A_93 = arith.constant 0 : index
    %get3A_94 = arith.constant 0 : index
    %get3A_95 = vector.load %arg2[%get3A_92, %get3A_93, %get3A_94] : memref<8x128x64xf32, #tpu.memory_space<vmem>>, vector<1x128x32xf32>
    %get3A_96 = vector.shape_cast %get3A_95 : vector<1x128x32xf32> to vector<128x32xf32>
    %dot_general3A_97 = arith.constant dense<0.000000e+00> : vector<400x32xf32>
    %dot_general3A_98 = tpu.matmul %get3A_1, %get3A_96, %dot_general3A_97 {dimension_numbers = #tpu.dot_dimension_numbers<[1], [0], [0], [1], [0, 0, 1, 1], [], []>, transpose_lhs_hint = false} : vector<400x128xf32>, vector<128x32xf32>, vector<400x32xf32> -> vector<400x32xf32>
    %swap3A_99 = arith.constant 3 : index
    %swap3A_100 = arith.constant 0 : index
    %swap3A_101 = arith.constant 0 : index
    %swap3A_102 = arith.constant 0 : index
    %swap3A_103 = vector.load %arg4[%swap3A_99, %swap3A_100, %swap3A_101, %swap3A_102] : memref<8x2x400x32xf32, #tpu.memory_space<vmem>>, vector<1x1x400x32xf32>
    %swap3A_104 = vector.shape_cast %swap3A_103 : vector<1x1x400x32xf32> to vector<400x32xf32>
    %swap3A_105 = vector.shape_cast %dot_general3A_98 : vector<400x32xf32> to vector<1x1x400x32xf32>
    tpu.vector_store %arg4[%swap3A_99, %swap3A_100, %swap3A_101, %swap3A_102], %swap3A_105 {strides = array<i32>} : memref<8x2x400x32xf32, #tpu.memory_space<vmem>>, vector<1x1x400x32xf32>,
    %get3A_106 = arith.constant 3 : index
    %get3A_107 = arith.constant 0 : index
    %get3A_108 = arith.constant 32 : index
    %get3A_109 = vector.load %arg2[%get3A_106, %get3A_107, %get3A_108] : memref<8x128x64xf32, #tpu.memory_space<vmem>>, vector<1x128x32xf32>
    %get3A_110 = vector.shape_cast %get3A_109 : vector<1x128x32xf32> to vector<128x32xf32>
    %dot_general3A_111 = arith.constant dense<0.000000e+00> : vector<400x32xf32>
    %dot_general3A_112 = tpu.matmul %get3A_1, %get3A_110, %dot_general3A_111 {dimension_numbers = #tpu.dot_dimension_numbers<[1], [0], [0], [1], [0, 0, 1, 1], [], []>, transpose_lhs_hint = false} : vector<400x128xf32>, vector<128x32xf32>, vector<400x32xf32> -> vector<400x32xf32>
    %swap3A_113 = arith.constant 3 : index
    %swap3A_114 = arith.constant 1 : index
    %swap3A_115 = arith.constant 0 : index
    %swap3A_116 = arith.constant 0 : index
    %swap3A_117 = vector.load %arg4[%swap3A_113, %swap3A_114, %swap3A_115, %swap3A_116] : memref<8x2x400x32xf32, #tpu.memory_space<vmem>>, vector<1x1x400x32xf32>
    %swap3A_118 = vector.shape_cast %swap3A_117 : vector<1x1x400x32xf32> to vector<400x32xf32>
    %swap3A_119 = vector.shape_cast %dot_general3A_112 : vector<400x32xf32> to vector<1x1x400x32xf32>
    tpu.vector_store %arg4[%swap3A_113, %swap3A_114, %swap3A_115, %swap3A_116], %swap3A_119 {strides = array<i32>} : memref<8x2x400x32xf32, #tpu.memory_space<vmem>>, vector<1x1x400x32xf32>,
    %get3A_120 = arith.constant 4 : index
    %get3A_121 = arith.constant 0 : index
    %get3A_122 = arith.constant 0 : index
    %get3A_123 = vector.load %arg2[%get3A_120, %get3A_121, %get3A_122] : memref<8x128x64xf32, #tpu.memory_space<vmem>>, vector<1x128x32xf32>
    %get3A_124 = vector.shape_cast %get3A_123 : vector<1x128x32xf32> to vector<128x32xf32>
    %dot_general3A_125 = arith.constant dense<0.000000e+00> : vector<400x32xf32>
    %dot_general3A_126 = tpu.matmul %get3A_1, %get3A_124, %dot_general3A_125 {dimension_numbers = #tpu.dot_dimension_numbers<[1], [0], [0], [1], [0, 0, 1, 1], [], []>, transpose_lhs_hint = false} : vector<400x128xf32>, vector<128x32xf32>, vector<400x32xf32> -> vector<400x32xf32>
    %swap3A_127 = arith.constant 4 : index
    %swap3A_128 = arith.constant 0 : index
    %swap3A_129 = arith.constant 0 : index
    %swap3A_130 = arith.constant 0 : index
    %swap3A_131 = vector.load %arg4[%swap3A_127, %swap3A_128, %swap3A_129, %swap3A_130] : memref<8x2x400x32xf32, #tpu.memory_space<vmem>>, vector<1x1x400x32xf32>
    %swap3A_132 = vector.shape_cast %swap3A_131 : vector<1x1x400x32xf32> to vector<400x32xf32>
    %swap3A_133 = vector.shape_cast %dot_general3A_126 : vector<400x32xf32> to vector<1x1x400x32xf32>
    tpu.vector_store %arg4[%swap3A_127, %swap3A_128, %swap3A_129, %swap3A_130], %swap3A_133 {strides = array<i32>} : memref<8x2x400x32xf32, #tpu.memory_space<vmem>>, vector<1x1x400x32xf32>,
    %get3A_134 = arith.constant 4 : index
    %get3A_135 = arith.constant 0 : index
    %get3A_136 = arith.constant 32 : index
    %get3A_137 = vector.load %arg2[%get3A_134, %get3A_135, %get3A_136] : memref<8x128x64xf32, #tpu.memory_space<vmem>>, vector<1x128x32xf32>
    %get3A_138 = vector.shape_cast %get3A_137 : vector<1x128x32xf32> to vector<128x32xf32>
    %dot_general3A_139 = arith.constant dense<0.000000e+00> : vector<400x32xf32>
    %dot_general3A_140 = tpu.matmul %get3A_1, %get3A_138, %dot_general3A_139 {dimension_numbers = #tpu.dot_dimension_numbers<[1], [0], [0], [1], [0, 0, 1, 1], [], []>, transpose_lhs_hint = false} : vector<400x128xf32>, vector<128x32xf32>, vector<400x32xf32> -> vector<400x32xf32>
    %swap3A_141 = arith.constant 4 : index
    %swap3A_142 = arith.constant 1 : index
    %swap3A_143 = arith.constant 0 : index
    %swap3A_144 = arith.constant 0 : index
    %swap3A_145 = vector.load %arg4[%swap3A_141, %swap3A_142, %swap3A_143, %swap3A_144] : memref<8x2x400x32xf32, #tpu.memory_space<vmem>>, vector<1x1x400x32xf32>
    %swap3A_146 = vector.shape_cast %swap3A_145 : vector<1x1x400x32xf32> to vector<400x32xf32>
    %swap3A_147 = vector.shape_cast %dot_general3A_140 : vector<400x32xf32> to vector<1x1x400x32xf32>
    tpu.vector_store %arg4[%swap3A_141, %swap3A_142, %swap3A_143, %swap3A_144], %swap3A_147 {strides = array<i32>} : memref<8x2x400x32xf32, #tpu.memory_space<vmem>>, vector<1x1x400x32xf32>,
    %get3A_148 = arith.constant 5 : index
    %get3A_149 = arith.constant 0 : index
    %get3A_150 = arith.constant 0 : index
    %get3A_151 = vector.load %arg2[%get3A_148, %get3A_149, %get3A_150] : memref<8x128x64xf32, #tpu.memory_space<vmem>>, vector<1x128x32xf32>
    %get3A_152 = vector.shape_cast %get3A_151 : vector<1x128x32xf32> to vector<128x32xf32>
    %dot_general3A_153 = arith.constant dense<0.000000e+00> : vector<400x32xf32>
    %dot_general3A_154 = tpu.matmul %get3A_1, %get3A_152, %dot_general3A_153 {dimension_numbers = #tpu.dot_dimension_numbers<[1], [0], [0], [1], [0, 0, 1, 1], [], []>, transpose_lhs_hint = false} : vector<400x128xf32>, vector<128x32xf32>, vector<400x32xf32> -> vector<400x32xf32>
    %swap3A_155 = arith.constant 5 : index
    %swap3A_156 = arith.constant 0 : index
    %swap3A_157 = arith.constant 0 : index
    %swap3A_158 = arith.constant 0 : index
    %swap3A_159 = vector.load %arg4[%swap3A_155, %swap3A_156, %swap3A_157, %swap3A_158] : memref<8x2x400x32xf32, #tpu.memory_space<vmem>>, vector<1x1x400x32xf32>
    %swap3A_160 = vector.shape_cast %swap3A_159 : vector<1x1x400x32xf32> to vector<400x32xf32>
    %swap3A_161 = vector.shape_cast %dot_general3A_154 : vector<400x32xf32> to vector<1x1x400x32xf32>
    tpu.vector_store %arg4[%swap3A_155, %swap3A_156, %swap3A_157, %swap3A_158], %swap3A_161 {strides = array<i32>} : memref<8x2x400x32xf32, #tpu.memory_space<vmem>>, vector<1x1x400x32xf32>,
    %get3A_162 = arith.constant 5 : index
    %get3A_163 = arith.constant 0 : index
    %get3A_164 = arith.constant 32 : index
    %get3A_165 = vector.load %arg2[%get3A_162, %get3A_163, %get3A_164] : memref<8x128x64xf32, #tpu.memory_space<vmem>>, vector<1x128x32xf32>
    %get3A_166 = vector.shape_cast %get3A_165 : vector<1x128x32xf32> to vector<128x32xf32>
    %dot_general3A_167 = arith.constant dense<0.000000e+00> : vector<400x32xf32>
    %dot_general3A_168 = tpu.matmul %get3A_1, %get3A_166, %dot_general3A_167 {dimension_numbers = #tpu.dot_dimension_numbers<[1], [0], [0], [1], [0, 0, 1, 1], [], []>, transpose_lhs_hint = false} : vector<400x128xf32>, vector<128x32xf32>, vector<400x32xf32> -> vector<400x32xf32>
    %swap3A_169 = arith.constant 5 : index
    %swap3A_170 = arith.constant 1 : index
    %swap3A_171 = arith.constant 0 : index
    %swap3A_172 = arith.constant 0 : index
    %swap3A_173 = vector.load %arg4[%swap3A_169, %swap3A_170, %swap3A_171, %swap3A_172] : memref<8x2x400x32xf32, #tpu.memory_space<vmem>>, vector<1x1x400x32xf32>
    %swap3A_174 = vector.shape_cast %swap3A_173 : vector<1x1x400x32xf32> to vector<400x32xf32>
    %swap3A_175 = vector.shape_cast %dot_general3A_168 : vector<400x32xf32> to vector<1x1x400x32xf32>
    tpu.vector_store %arg4[%swap3A_169, %swap3A_170, %swap3A_171, %swap3A_172], %swap3A_175 {strides = array<i32>} : memref<8x2x400x32xf32, #tpu.memory_space<vmem>>, vector<1x1x400x32xf32>,
    %get3A_176 = arith.constant 6 : index
    %get3A_177 = arith.constant 0 : index
    %get3A_178 = arith.constant 0 : index
    %get3A_179 = vector.load %arg2[%get3A_176, %get3A_177, %get3A_178] : memref<8x128x64xf32, #tpu.memory_space<vmem>>, vector<1x128x32xf32>
    %get3A_180 = vector.shape_cast %get3A_179 : vector<1x128x32xf32> to vector<128x32xf32>
    %dot_general3A_181 = arith.constant dense<0.000000e+00> : vector<400x32xf32>
    %dot_general3A_182 = tpu.matmul %get3A_1, %get3A_180, %dot_general3A_181 {dimension_numbers = #tpu.dot_dimension_numbers<[1], [0], [0], [1], [0, 0, 1, 1], [], []>, transpose_lhs_hint = false} : vector<400x128xf32>, vector<128x32xf32>, vector<400x32xf32> -> vector<400x32xf32>
    %swap3A_183 = arith.constant 6 : index
    %swap3A_184 = arith.constant 0 : index
    %swap3A_185 = arith.constant 0 : index
    %swap3A_186 = arith.constant 0 : index
    %swap3A_187 = vector.load %arg4[%swap3A_183, %swap3A_184, %swap3A_185, %swap3A_186] : memref<8x2x400x32xf32, #tpu.memory_space<vmem>>, vector<1x1x400x32xf32>
    %swap3A_188 = vector.shape_cast %swap3A_187 : vector<1x1x400x32xf32> to vector<400x32xf32>
    %swap3A_189 = vector.shape_cast %dot_general3A_182 : vector<400x32xf32> to vector<1x1x400x32xf32>
    tpu.vector_store %arg4[%swap3A_183, %swap3A_184, %swap3A_185, %swap3A_186], %swap3A_189 {strides = array<i32>} : memref<8x2x400x32xf32, #tpu.memory_space<vmem>>, vector<1x1x400x32xf32>,
    %get3A_190 = arith.constant 6 : index
    %get3A_191 = arith.constant 0 : index
    %get3A_192 = arith.constant 32 : index
    %get3A_193 = vector.load %arg2[%get3A_190, %get3A_191, %get3A_192] : memref<8x128x64xf32, #tpu.memory_space<vmem>>, vector<1x128x32xf32>
    %get3A_194 = vector.shape_cast %get3A_193 : vector<1x128x32xf32> to vector<128x32xf32>
    %dot_general3A_195 = arith.constant dense<0.000000e+00> : vector<400x32xf32>
    %dot_general3A_196 = tpu.matmul %get3A_1, %get3A_194, %dot_general3A_195 {dimension_numbers = #tpu.dot_dimension_numbers<[1], [0], [0], [1], [0, 0, 1, 1], [], []>, transpose_lhs_hint = false} : vector<400x128xf32>, vector<128x32xf32>, vector<400x32xf32> -> vector<400x32xf32>
    %swap3A_197 = arith.constant 6 : index
    %swap3A_198 = arith.constant 1 : index
    %swap3A_199 = arith.constant 0 : index
    %swap3A_200 = arith.constant 0 : index
    %swap3A_201 = vector.load %arg4[%swap3A_197, %swap3A_198, %swap3A_199, %swap3A_200] : memref<8x2x400x32xf32, #tpu.memory_space<vmem>>, vector<1x1x400x32xf32>
    %swap3A_202 = vector.shape_cast %swap3A_201 : vector<1x1x400x32xf32> to vector<400x32xf32>
    %swap3A_203 = vector.shape_cast %dot_general3A_196 : vector<400x32xf32> to vector<1x1x400x32xf32>
    tpu.vector_store %arg4[%swap3A_197, %swap3A_198, %swap3A_199, %swap3A_200], %swap3A_203 {strides = array<i32>} : memref<8x2x400x32xf32, #tpu.memory_space<vmem>>, vector<1x1x400x32xf32>,
    %get3A_204 = arith.constant 7 : index
    %get3A_205 = arith.constant 0 : index
    %get3A_206 = arith.constant 0 : index
    %get3A_207 = vector.load %arg2[%get3A_204, %get3A_205, %get3A_206] : memref<8x128x64xf32, #tpu.memory_space<vmem>>, vector<1x128x32xf32>
    %get3A_208 = vector.shape_cast %get3A_207 : vector<1x128x32xf32> to vector<128x32xf32>
    %dot_general3A_209 = arith.constant dense<0.000000e+00> : vector<400x32xf32>
    %dot_general3A_210 = tpu.matmul %get3A_1, %get3A_208, %dot_general3A_209 {dimension_numbers = #tpu.dot_dimension_numbers<[1], [0], [0], [1], [0, 0, 1, 1], [], []>, transpose_lhs_hint = false} : vector<400x128xf32>, vector<128x32xf32>, vector<400x32xf32> -> vector<400x32xf32>
    %swap3A_211 = arith.constant 7 : index
    %swap3A_212 = arith.constant 0 : index
    %swap3A_213 = arith.constant 0 : index
    %swap3A_214 = arith.constant 0 : index
    %swap3A_215 = vector.load %arg4[%swap3A_211, %swap3A_212, %swap3A_213, %swap3A_214] : memref<8x2x400x32xf32, #tpu.memory_space<vmem>>, vector<1x1x400x32xf32>
    %swap3A_216 = vector.shape_cast %swap3A_215 : vector<1x1x400x32xf32> to vector<400x32xf32>
    %swap3A_217 = vector.shape_cast %dot_general3A_210 : vector<400x32xf32> to vector<1x1x400x32xf32>
    tpu.vector_store %arg4[%swap3A_211, %swap3A_212, %swap3A_213, %swap3A_214], %swap3A_217 {strides = array<i32>} : memref<8x2x400x32xf32, #tpu.memory_space<vmem>>, vector<1x1x400x32xf32>,
    %get3A_218 = arith.constant 7 : index
    %get3A_219 = arith.constant 0 : index
    %get3A_220 = arith.constant 32 : index
    %get3A_221 = vector.load %arg2[%get3A_218, %get3A_219, %get3A_220] : memref<8x128x64xf32, #tpu.memory_space<vmem>>, vector<1x128x32xf32>
    %get3A_222 = vector.shape_cast %get3A_221 : vector<1x128x32xf32> to vector<128x32xf32>
    %dot_general3A_223 = arith.constant dense<0.000000e+00> : vector<400x32xf32>
    %dot_general3A_224 = tpu.matmul %get3A_1, %get3A_222, %dot_general3A_223 {dimension_numbers = #tpu.dot_dimension_numbers<[1], [0], [0], [1], [0, 0, 1, 1], [], []>, transpose_lhs_hint = false} : vector<400x128xf32>, vector<128x32xf32>, vector<400x32xf32> -> vector<400x32xf32>
    %swap3A_225 = arith.constant 7 : index
    %swap3A_226 = arith.constant 1 : index
    %swap3A_227 = arith.constant 0 : index
    %swap3A_228 = arith.constant 0 : index
    %swap3A_229 = vector.load %arg4[%swap3A_225, %swap3A_226, %swap3A_227, %swap3A_228] : memref<8x2x400x32xf32, #tpu.memory_space<vmem>>, vector<1x1x400x32xf32>
    %swap3A_230 = vector.shape_cast %swap3A_229 : vector<1x1x400x32xf32> to vector<400x32xf32>
    %swap3A_231 = vector.shape_cast %dot_general3A_224 : vector<400x32xf32> to vector<1x1x400x32xf32>
    tpu.vector_store %arg4[%swap3A_225, %swap3A_226, %swap3A_227, %swap3A_228], %swap3A_231 {strides = array<i32>} : memref<8x2x400x32xf32, #tpu.memory_space<vmem>>, vector<1x1x400x32xf32>,
    return
  }
  func.func @transform_0(%arg0: i32) -> (i32, i32) {
    %c0_i32 = arith.constant 0 : i32
    %c0_i32_0 = arith.constant 0 : i32
    return %arg0, %c0_i32 : i32, i32
  }
  func.func @transform_1(%arg0: i32) -> (i32, i32, i32) {
    %c0_i32 = arith.constant 0 : i32
    %c0_i32_0 = arith.constant 0 : i32
    %c0_i32_1 = arith.constant 0 : i32
    %c0_i32_2 = arith.constant 0 : i32
    return %c0_i32, %c0_i32_0, %c0_i32_1 : i32, i32, i32
  }
  func.func @transform_2(%arg0: i32) -> i32 {
    %c0_i32 = arith.constant 0 : i32
    %c0_i32_0 = arith.constant 0 : i32
    return %c0_i32 : i32
  }
  func.func @transform_3(%arg0: i32) -> (i32, i32, i32, i32) {
    %c0_i32 = arith.constant 0 : i32
    %c0_i32_0 = arith.constant 0 : i32
    %c0_i32_1 = arith.constant 0 : i32
    %c0_i32_2 = arith.constant 0 : i32
    return %c0_i32, %c0_i32_0, %arg0, %c0_i32_1 : i32, i32, i32, i32
  }
}

</mosaic_0001>

<sc_bundles>
// kernel: kernel.4.cloned.1.call-start
scs
__scs_entry_jumppad:
0x0: {  	(pc) =	sbr.rel $0x88, $3  }
0x1: {  	(tag) =	ssettag $0x0;
	lr =	simm.s32 $0x1  }
0x2: {  	[smem:$0x3F9D] =	sst lr;
	_ =	strace $0xD0000000  }
0x3: {  	_ = 	snop  }
0x4: {  	_ = 	snop  }
0x5: {  	_ = 	snop  }
0x6: {  	_ = 	snop  }
0x7: {  	_ = 	snop  }
__scs_overlays_trampoline_lowered:
0x8: {  	[smem:$0x3FAC] =	sst s0  }
0x9: {  	[smem:$0x3FAD] =	sst s1  }
0xa: {  	[smem:$0x3FAE] =	sst s2  }
0xb: {  	[smem:$0x3FAF] =	sst s3  }
0xc: {  	[smem:$0x3FB0] =	sst s4  }
0xd: {  	[smem:$0x3FB1] =	sst s5  }
0xe: {  	[smem:$0x3FB2] =	sst s6  }
0xf: {  	[smem:$0x3FB3] =	sst s7  }
0x10: {  	[smem:$0x3FB4] =	sst s8  }
0x11: {  	[smem:$0x3FB5] =	sst s9;
	s0 =	simm.s32 @!p0 $0x0  }
0x12: {  	s1 =	sld [smem:$0x3F9B];
	s0 =	simm.s32 @p0 $0x1  }
0x13: {  	[smem:$0x3FB6] =	sst s0;
	s0 =	simm.s32 @!p1 $0x0  }
0x14: {  	s2 =	sld [smem:$0x3F9A];
	s0 =	simm.s32 @p1 $0x1  }
0x15: {  	[smem:$0x3FB7] =	sst s0;
	s0 =	simm.s32 @!p2 $0x0  }
0x16: {  	s3 =	sld [smem:$0x3FDB];
	s0 =	simm.s32 @p2 $0x1  }
0x17: {  	s4 =	simm.s32 $0x1BF5;
	[smem:$0x3FB9] =	sst s0  }
0x18: {  	s0 =	sld [smem:$0x3F9C];
	_ =	swait.ge [sflag:s4], $0x0  }
0x19: {  	s7 =	sld [smem:$0x3F9D]  }
0x1a: {  	s8 =	sadd.s32 $0xFFFFE003, lr  }
0x1b: {  	s9 =	sadd.s32 $0xFFFFFEF7, lr;
	s5 =	simm.s32 $0xFFFFFFFF;
	p2 =	slt.u32 s8, $0xFFFFF086  }
0x1c: {  	p1 =	slt.u32 s9, $0xF7A;
	s5 =	simm.s32 @!p2 $0x0  }
0x1d: {  	s5 =	simm.s32 @p1 $0x1;
	p0 =	seq.s32 s7, s2  }
0x1e: {  	s7 =	smul.u32 @!p0 $0xF7A, s2;
	p2 =	seq.s32 @!p0 s5, $0x0  }
0x1f: {  	s9 =	smul.u32 $0xF7A, s1;
	s8 =	simm.s32 @!p0 $0x1BF5;
	p2 =	por !p2, p0  }
0x20: {  	[sflag:s8] =	ssyncset.s32 @!p0 $0xFFFFF086;
	s6 =	sadd.s32 @!p0 s3, s7;
	s7 =	simm.s32 @!p0 $0x108  }
0x21: {  	s3 =	sadd.s32 s3, s9;
	s6 =	sadd.s32 @!p0 $0x88, s6;
	s7 =	simm.s32 @p2 $0x1082  }
0x22: {  	[simem:s7], [sflag:s8] =	dma.local @!p0 [hbm:s6], $0xF7A  }
0x23: {  	s9 =	sor.u32 $0xD0000000, s2;
	s6 =	simm.s32 $0x108;
	_ =	swait.ge @!p0 [sflag:s8], $0x0  }
0x24: {  	s3 =	sadd.s32 $0x88, s3;
	s6 =	simm.s32 @!p1 $0x1082;
	[sflag:s4] =	ssyncset.s32 $0xFFFFF086  }
0x25: {  	[simem:s6], [sflag:s4] =	dma.local [hbm:s3], $0xF7A  }
0x26: {  	[smem:$0x3F9D] =	sst s1;
	(tag) =	ssettag s2;
	_ =	strace s9  }
0x27: {  	s1 =	sld [smem:$0x3FAD]  }
0x28: {  	s2 =	sld [smem:$0x3FAE]  }
0x29: {  	s4 =	sld [smem:$0x3FB0]  }
0x2a: {  	p0 =	seq.s32 s5, $0x0;
	s5 =	sld [smem:$0x3FB1]  }
0x2b: {  	s6 =	sld [smem:$0x3FB2]  }
0x2c: {  	s7 =	sld [smem:$0x3FB3]  }
0x2d: {  	s3 =	simm.s32 $0x108;
	s8 =	sld [smem:$0x3FB4]  }
0x2e: {  	s3 =	simm.s32 @!p0 $0x1082;
	s9 =	sld [smem:$0x3FB5]  }
0x2f: {  	lr =	sadd.s32 s0, s3;
	s0 =	sld [smem:$0x3FAC]  }
0x30: {  	s3 =	sld [smem:$0x3FAF]  }
0x31: {  	[smem:$0x3FB8] =	sst s10  }
0x32: {  	s10 =	sld [smem:$0x3FB6];
	_ =	sdelay $0x3  }
0x33: {  	p0 =	seq.s32 s10, $0x1;
	s10 =	sld [smem:$0x3FB8];
	_ =	sdelay $0x3  }
0x34: {  	[smem:$0x3FB8] =	sst s10  }
0x35: {  	s10 =	sld [smem:$0x3FB7];
	_ =	sdelay $0x3  }
0x36: {  	p1 =	seq.s32 s10, $0x1;
	s10 =	sld [smem:$0x3FB8];
	_ =	sdelay $0x3  }
0x37: {  	[smem:$0x3FB8] =	sst s10  }
0x38: {  	s10 =	sld [smem:$0x3FB9]  }
0x39: {  	_ = 	snop;
	(pc) =	sbr.ind lr, $3  }
0x3a: {  	_ = 	snop  }
0x3b: {  	_ = 	snop  }
0x3c: {  	p2 =	seq.s32 s10, $0x1;
	s10 =	sld [smem:$0x3FB8]  }
0x3d: {  	_ =	shalt  }
0x3e: {  	_ =	shalt  }
0x3f: {  	_ =	shalt  }
0x40: {  	_ =	shalt  }
0x41: {  	_ =	shalt  }
0x42: {  	_ =	shalt  }
0x43: {  	_ =	shalt  }
0x44: {  	_ =	shalt  }
0x45: {  	_ =	shalt  }
0x46: {  	_ =	shalt  }
0x47: {  	_ =	shalt  }
0x48: {  	_ =	shalt  }
0x49: {  	_ =	shalt  }
0x4a: {  	_ =	shalt  }
0x4b: {  	_ =	shalt  }
0x4c: {  	_ =	shalt  }
0x4d: {  	_ =	shalt  }
0x4e: {  	_ =	shalt  }
0x4f: {  	_ =	shalt  }
0x50: {  	_ =	shalt  }
0x51: {  	_ =	shalt  }
0x52: {  	_ =	shalt  }
0x53: {  	_ =	shalt  }
0x54: {  	_ =	shalt  }
0x55: {  	_ =	shalt  }
0x56: {  	_ =	shalt  }
0x57: {  	_ =	shalt  }
0x58: {  	_ =	shalt  }
0x59: {  	_ =	shalt  }
0x5a: {  	_ =	shalt  }
0x5b: {  	_ =	shalt  }
0x5c: {  	_ =	shalt  }
0x5d: {  	_ =	shalt  }
0x5e: {  	_ =	shalt  }
0x5f: {  	_ =	shalt  }
0x60: {  	_ =	shalt  }
0x61: {  	_ =	shalt  }
0x62: {  	_ =	shalt  }
0x63: {  	_ =	shalt  }
0x64: {  	_ =	shalt  }
0x65: {  	_ =	shalt  }
0x66: {  	_ =	shalt  }
0x67: {  	_ =	shalt  }
0x68: {  	_ =	shalt  }
0x69: {  	_ =	shalt  }
0x6a: {  	_ =	shalt  }
0x6b: {  	_ =	shalt  }
0x6c: {  	_ =	shalt  }
0x6d: {  	_ =	shalt  }
0x6e: {  	_ =	shalt  }
0x6f: {  	_ =	shalt  }
0x70: {  	_ =	shalt  }
0x71: {  	_ =	shalt  }
0x72: {  	_ =	shalt  }
0x73: {  	_ =	shalt  }
0x74: {  	_ =	shalt  }
0x75: {  	_ =	shalt  }
0x76: {  	_ =	shalt  }
0x77: {  	_ =	shalt  }
0x78: {  	_ =	shalt  }
0x79: {  	_ =	shalt  }
0x7a: {  	_ =	shalt  }
0x7b: {  	_ =	shalt  }
0x7c: {  	_ =	shalt  }
0x7d: {  	_ =	shalt  }
0x7e: {  	_ =	shalt  }
0x7f: {  	_ =	shalt  }
0x80: {  	_ =	shalt  }
0x81: {  	_ =	shalt  }
0x82: {  	_ =	shalt  }
0x83: {  	_ =	shalt  }
0x84: {  	_ =	shalt  }
0x85: {  	_ =	shalt  }
0x86: {  	_ =	shalt  }
0x87: {  	_ =	shalt  }
.Lfunc_end0:
.L_simem_size_0:
called_computation_lowered:
.L_overlay_start_0:
0x88: {  	s2 =	sld [smem:$0x3FD9]  }
0x89: {  	s3 =	sld [smem:$0x3FFE];
	_ =	sdelay $0x1  }
0x8a: {  	s1 =	srdreg.scid  }
0x8b: {  	s0 =	sand.u32 $0x1, s1  }
0x8c: {  	s16 =	sshll.u32 s0, $0xA;
	s2 =	sadd.s32 s3, s2  }
0x8d: {  	s2 =	sadd.s32 s2, s16  }
0x8e: {  	[smem:$0x3FC4] =	sst s2  }
0x8f: {  	_ = 	snop  }
0x90: {  	(tm) =	ssettm $0x1  }
0x91: {  	s17 =	sld [smem:$0x3FFB];
	_ =	sdelay $0x3  }
0x92: {  	_ =	strace s17  }
0x93: {  	s2 =	sld [smem:$0x3FFC];
	_ =	sdelay $0x3  }
0x94: {  	_ =	strace s2  }
0x95: {  	s2 =	sld [smem:$0x3FFD];
	_ =	sdelay $0x3  }
0x96: {  	_ =	strace s2  }
0x97: {  	_ =	strace $0x8FFFFFFF  }
0x98: {  	s18 =	sld [smem:$0x3FDB];
	_ =	sdelay $0x1  }
0x99: {  	s19 =	simm.s32 $_scs_section_size  }
0x9a: {  	s4 =	simm.s32 $_size__tile_overlayer_lowered;
	s5 =	simm.s32 $_tile_overlayer_lowered  }
0x9b: {  	s22 =	simm.s32 $0x1BFF;
	s21 =	sshll.u32 s5, $0x1;
	s2 =	sadd.s32 s19, s18  }
0x9c: {  	s6 =	simm.s32 $0x0;
	s20 =	sshll.u32 s4, $0x1;
	s4 =	sadd.s32 s21, s2  }
0x9d: {  	[timem:s6], [sflag:s22] =	dma.local [hbm:s4], s20  }
0x9e: {  	_ =	swait.ge [sflag:s22], s20  }
0x9f: {  	s3 =	ssub.s32 $0x0, s20;
	[sflag:s22] =	ssyncset.done $0x0  }
0xa0: {  	[sflag:s22] =	ssyncadd.s32 s3;
	_ =	sdelay $0x1  }
0xa1: {  	s23 =	simm.s32 $0x1B8B  }
0xa2: {  	_ =	swait.ge [sflag:s23], $0x1  }
0xa3: {  	[sflag:s23] =	ssyncset.done $0x0  }
0xa4: {  	s25 =	simm.s32 $0x1B8E;
	s24 =	sld [smem:$0x3FFE];
	[sflag:s23] =	ssyncadd.s32 $0xFFFFFFFF  }
0xa5: {  	s26 =	simm.s32 $execute0_lowered;
	[smem:$0x3FD2] =	sst s25  }
0xa6: {  	s4 =	sshll.u32 s26, $0x1;
	_ =	strace $0x80000046;
	[dreg:$0x1] =	wrdreg $0xFFFFFFFF  }
0xa7: {  	s28 =	simm.s32 $_size_execute0_lowered;
	s2 =	sadd.s32 s2, s4;
	[dreg:$0x0] =	wrdreg $0x0  }
0xa8: {  	s4 =	sshll.u32 s28, $0x1;
	[dreg:$0x2] =	wrdreg s2  }
0xa9: {  	[dreg:$0x3] =	wrdreg s4  }
0xaa: {  	[dreg:$0x4] =	wrdreg $0xC0  }
0xab: {  	_ =	task [dreg:s6], $0x5FFFF  }
0xac: {  	[dreg:$0x1] =	wrdreg $0xFFFFFFFF  }
0xad: {  	[dreg:$0x0] =	wrdreg $0x60  }
0xae: {  	[dreg:$0x2] =	wrdreg s24  }
0xaf: {  	[dreg:$0x3] =	wrdreg $0x1C9A00  }
0xb0: {  	[dreg:$0x4] =	wrdreg $0x179900  }
0xb1: {  	[dreg:$0x5] =	wrdreg $0x129800  }
0xb2: {  	[dreg:$0x6] =	wrdreg $0x9  }
0xb3: {  	_ =	task.clear_ibuf [dreg:s6], $0x7FFFF;
	_ =	strace $0x90000046  }
0xb4: {  	s29 =	simm.s32 $0x9;
	_ =	strace $0x80000048  }
0xb5: {  	_ =	swait.ge [sflag:s29], $0x1  }
0xb6: {  	[sflag:s29] =	ssyncadd.s32 $0xFFFFFFFF  }
0xb7: {  	_ =	strace $0x90000048  }
0xb8: {  	_ =	sfence  }
0xb9: {  	s30 =	sld [smem:$0x0];
	_ =	sdelay $0x2  }
0xba: {  	s31 =	sshll.u32 s1, $0xD;
	s1 =	sshrl.u32 s1, $0x2  }
0xbb: {  	s3 =	sand.u32 $0x4000, s31;
	s1 =	sadd.s32 s1, s30  }
0xbc: {  	s0 =	sor.u32 s3, s0;
	s1 =	sshll.u32 s1, $0x11  }
0xbd: {  	s0 =	sor.u32 s1, s0  }
0xbe: {  	s0 =	sadd.s32 $0x8F2B, s0  }
0xbf: {  	[sflag:s0] =	ssyncadd.remote.s32 $0x1  }
0xc0: {  	_ =	sfence.sel $0xFFFF  }
0xc1: {  	[dreg:$0x0] =	wrdreg $0xFFFFFFFF;
	(pc) =	sbr.abs _section_cstart, $3  }
0xc2: {  	[dreg:$0x1] =	wrdreg $0xFFFFFFFF  }
0xc3: {  	_ =	task.clear_ibuf [dreg:s6], $0x2FFFF;
	_ =	strace $0x9FFFFFFF  }
0xc4: {  	(tm) =	ssettm $0x7FFFFFFF  }
0xc5: {  	_ =	shalt  }
tec
execute0_lowered:
.L_overlay_start_1:
0x0: {  	(tag) =	ssettag $0x1  }
0x1: {  	s0 =	rddreg [dreg:$0x0]  }
0x2: {  	s2 =	rddreg [dreg:$0x1]  }
0x3: {  	s3 =	rddreg [dreg:$0x2]  }
0x4: {  	s4 =	rddreg [dreg:$0x3];
	s11 =	stileid.u32  }
0x5: {  	s5 =	simm.s32 $0x0;
	s19 =	srdreg.scid;
	s15 =	simm.s32 $0x12480  }
0x6: {  	s28 =	simm.s32 $0x2;
	s29 =	simm.s32 $0x3;
	s30 =	simm.s32 $0x4  }
0x7: {  	s31 =	simm.s32 $0x5;
	s12 =	simm.s32 $0xC000;
	s16 =	simm.s32 $0xA000  }
0x8: {  	s1 =	smul.u32 $0x5000, s11;
	[smem:$0x7FF] =	sst s5;
	s6 =	sadd.s32 $0x280E00, s0  }
0x9: {  	s5 =	sand.u32 $0x1, s19;
	s10 =	sadd.s32 $0x14E00, s0;
	_ =	strace $0x80000047  }
0xa: {  	s7 =	sshll.u32 s5, $0x2;
	s9 =	ssub.s32 $0x2, s5;
	[dreg:$0x5] =	wrdreg s10  }
0xb: {  	s1 =	sshrl.u32 s1, $0x3;
	s8 =	sadd.s32 s7, s0;
	s7 =	smul.u32 $0x280, s11  }
0xc: {  	s20 =	sshrl.u32 s9, $0x1;
	s1 =	sadd.s32 s1, s0;
	s0 =	sadd.s32 $0x28E00, s0  }
0xd: {  	s11 =	smul.u32 $0x14000, s11;
	[dreg:$0x6] =	wrdreg s0;
	s22 =	sadd.s32 $0xE00, s1  }
0xe: {  	s21 =	ssub.s32 s9, s20;
	s1 =	sadd.s32 $0xAE00, s1;
	[dreg:$0x8] =	wrdreg s22  }
0xf: {  	s17 =	simm.s32 $0xB000;
	s0 =	smax.u32 s21, $0x1;
	[dreg:$0x9] =	wrdreg s1  }
0x10: {  	s14 =	sadd.s32 s7, s2;
	s23 =	sshrl.u32 s11, $0x2;
	[dreg:$0xc] =	wrdreg s0  }
0x11: {  	s13 =	smul.u32 $0x50000, s5;
	s1 =	sadd.s32 s23, s3;
	[dreg:$0x7] =	wrdreg s14  }
0x12: {  	s21 =	simm.s32 $0x9;
	s22 =	sadd.s32 $0x3CE00, s8;
	[dreg:$0xb] =	wrdreg s1  }
0x13: {  	s11 =	simm.s32 $0x12700;
	s24 =	sadd.s32 $0x1400, s1;
	[dreg:$0xa] =	wrdreg s22  }
0x14: {  	s0 =	simm.s32 $0x6;
	s25 =	sadd.s32 $0x2800, s1;
	[dreg:$0xd] =	wrdreg s24  }
0x15: {  	s23 =	simm.s32 $0x8;
	s26 =	sadd.s32 $0x3C00, s1;
	[dreg:$0xe] =	wrdreg s25  }
0x16: {  	s8 =	simm.s32 $0x0;
	s1 =	simm.s32 $0x7;
	[dreg:$0xf] =	wrdreg s26  }
0x17: {  	v0 =	vimm.f32 $0.0e+00;
	v1 =	vimm.f32 $1.000000000e+00;
	v2 =	vimm.f32 $6.999999880e-01;
	s24 =	simm.s32 $0x80;
	s25 =	simm.s32 $0x12400;
	s26 =	simm.s32 $0x1  }
.LBB2_1:
0x18: {  	[dreg:$0x10] =	wrdreg s8;
	s5 =	simm.s32 $0x80;
	s8 =	simm.s32 $0x0  }
.LBB2_2:
0x19: {  	p0 =	sne.s32 s5, $0x4F80;
	[tilespmem:s8+$0x11000] =	vst v0;
	s9 =	smov.u32 s5;
	s5 =	sadd.s32 $0x80, s5  }
.Ltmp0:
0x1a: {  	[tilespmem:s8+$0x11010] =	vst v0;
	(pc) =	sbr.rel @p0 .LBB2_2-.Ltmp0, $2  }
0x1b: {  	_ =	sdelay $0x2  }
0x1c: {  	s8 =	sshra.s32 s9, $0x2  }
0x1d: {  	[tilespmem:s8+$0x11000] =	vst v0  }
0x1e: {  	[tilespmem:s8+$0x11010] =	vst v0  }
0x1f: {  	[tilespmem:$0x12400] =	vst v1  }
0x20: {  	[tilespmem:$0x12410] =	vst v1  }
0x21: {  	[tilespmem:$0x12420] =	vst v1  }
0x22: {  	[tilespmem:$0x12430] =	vst v1  }
0x23: {  	[tilespmem:$0x12440] =	vst v1  }
0x24: {  	[tilespmem:$0x12450] =	vst v1  }
0x25: {  	[tilespmem:$0x12460] =	vst v1  }
0x26: {  	[tilespmem:$0x12470] =	vst v1  }
0x27: {  	[tilespmem:$0x12480] =	vst v0  }
0x28: {  	[tilespmem:$0x12490] =	vst v0  }
0x29: {  	[tilespmem:$0x124A0] =	vst v0  }
0x2a: {  	[tilespmem:$0x124B0] =	vst v0  }
0x2b: {  	[tilespmem:$0x124C0] =	vst v0  }
0x2c: {  	[tilespmem:$0x124D0] =	vst v0  }
0x2d: {  	[tilespmem:$0x124E0] =	vst v0  }
0x2e: {  	[tilespmem:$0x124F0] =	vst v0  }
0x2f: {  	[tilespmem:$0x12500] =	vst v0  }
0x30: {  	[tilespmem:$0x12510] =	vst v0  }
0x31: {  	[tilespmem:$0x12520] =	vst v0  }
0x32: {  	[tilespmem:$0x12530] =	vst v0  }
0x33: {  	[tilespmem:$0x12540] =	vst v0  }
0x34: {  	[tilespmem:$0x12550] =	vst v0  }
0x35: {  	[tilespmem:$0x12560] =	vst v0  }
0x36: {  	[tilespmem:$0x12570] =	vst v0  }
0x37: {  	[tilespmem:$0x12580] =	vst v0  }
0x38: {  	[tilespmem:$0x12590] =	vst v0  }
0x39: {  	[tilespmem:$0x125A0] =	vst v0  }
0x3a: {  	[tilespmem:$0x125B0] =	vst v0  }
0x3b: {  	[tilespmem:$0x125C0] =	vst v0  }
0x3c: {  	[tilespmem:$0x125D0] =	vst v0  }
0x3d: {  	[tilespmem:$0x125E0] =	vst v0  }
0x3e: {  	[tilespmem:$0x125F0] =	vst v0  }
0x3f: {  	[tilespmem:$0x12600] =	vst v0  }
0x40: {  	[tilespmem:$0x12610] =	vst v0  }
0x41: {  	[tilespmem:$0x12620] =	vst v0  }
0x42: {  	[tilespmem:$0x12630] =	vst v0  }
0x43: {  	[tilespmem:$0x12640] =	vst v0  }
0x44: {  	[tilespmem:$0x12650] =	vst v0  }
0x45: {  	[tilespmem:$0x12660] =	vst v0  }
0x46: {  	[tilespmem:$0x12670] =	vst v0  }
0x47: {  	[tilespmem:$0x12680] =	vst v0  }
0x48: {  	[tilespmem:$0x12690] =	vst v0  }
0x49: {  	[tilespmem:$0x126A0] =	vst v0  }
0x4a: {  	[tilespmem:$0x126B0] =	vst v0  }
0x4b: {  	[tilespmem:$0x126C0] =	vst v0  }
0x4c: {  	[tilespmem:$0x126D0] =	vst v0  }
0x4d: {  	[tilespmem:$0x126E0] =	vst v0  }
0x4e: {  	[tilespmem:$0x126F0] =	vst v0  }
0x4f: {  	[spmem:s14] =	stream.linear.scatter [tilespmem:s15], [sflag:$0x9], $0x280, $0x38;
	[tilespmem:$0x1CC28] =	vst v63  }
0x50: {  	_ =	swait.ge [sflag:s21], $0x280  }
0x51: {  	[sflag:s21] =	ssyncset.done $0x0  }
0x52: {  	s22 =	simm.s32 $0x11000;
	s5 =	rddreg [dreg:$0xb];
	[sflag:s21] =	ssyncadd.s32 $0xFFFFFD80  }
0x53: {  	[spmem:s5] =	stream.linear.scatter [tilespmem:s22], [sflag:$0x9], $0x1400, $0x38;
	[tilespmem:$0x1CC28] =	vst v63  }
0x54: {  	_ =	swait.ge [sflag:s21], $0x1400  }
0x55: {  	[sflag:s21] =	ssyncset.done $0x0  }
0x56: {  	s9 =	rddreg [dreg:$0xd];
	[sflag:s21] =	ssyncadd.s32 $0xFFFFEC00  }
0x57: {  	[spmem:s9] =	stream.linear.scatter [tilespmem:s22], [sflag:$0x9], $0x1400, $0x38;
	[tilespmem:$0x1CC28] =	vst v63  }
0x58: {  	_ =	swait.ge [sflag:s21], $0x1400  }
0x59: {  	[sflag:s21] =	ssyncset.done $0x0  }
0x5a: {  	s10 =	rddreg [dreg:$0xe];
	[sflag:s21] =	ssyncadd.s32 $0xFFFFEC00  }
0x5b: {  	[spmem:s10] =	stream.linear.scatter [tilespmem:s22], [sflag:$0x9], $0x1400, $0x38;
	[tilespmem:$0x1CC28] =	vst v63  }
0x5c: {  	_ =	swait.ge [sflag:s21], $0x1400  }
0x5d: {  	[sflag:s21] =	ssyncset.done $0x0  }
0x5e: {  	s18 =	rddreg [dreg:$0xf];
	[sflag:s21] =	ssyncadd.s32 $0xFFFFEC00  }
0x5f: {  	[spmem:s18] =	stream.linear.scatter [tilespmem:s22], [sflag:$0x9], $0x1400, $0x38;
	[tilespmem:$0x1CC28] =	vst v63  }
0x60: {  	_ =	swait.ge [sflag:s21], $0x1400  }
0x61: {  	[sflag:s21] =	ssyncset.done $0x0  }
0x62: {  	s19 =	simm.s32 $0x0;
	s20 =	rddreg [dreg:$0x8];
	[sflag:s21] =	ssyncadd.s32 $0xFFFFEC00  }
0x63: {  	[tilespmem:s19], [sflag:$0x9] =	stream.linear.gather [hbm4b:s20+s19], $0x5000, $0x38;
	[tilespmem:$0x1CC28] =	vst v63  }
0x64: {  	_ =	swait.ge [sflag:s21], $0x5000  }
0x65: {  	[sflag:s21] =	ssyncset.done $0x0  }
0x66: {  	s9 =	simm.s32 $0x5000;
	s22 =	rddreg [dreg:$0x9];
	[sflag:s21] =	ssyncadd.s32 $0xFFFFB000  }
0x67: {  	[tilespmem:s9], [sflag:$0x9] =	stream.linear.gather [hbm4b:s22+s19], $0x5000, $0x38;
	[tilespmem:$0x1CC28] =	vst v63  }
0x68: {  	_ =	swait.ge [sflag:s21], $0x5000  }
0x69: {  	[sflag:s21] =	ssyncset.done $0x0  }
0x6a: {  	s5 =	simm.s32 $0x0;
	[sflag:s21] =	ssyncadd.s32 $0xFFFFB000  }
0x6b: {  	v3 =	vld [tilespmem:s5+$0x0]  }
0x6c: {  	v4 =	vld [tilespmem:s5+$0x5000];
	_ =	sdelay $0x4  }
0x6d: {  	s8 =	simm.s32 $0x40;
	vm0 =	veq.s32 v3, v4  }
.LBB2_4:
0x6e: {  	p0 =	sne.s32 s8, $0x13FC0;
	v3 =	vsel vm0, $0x2800, v3;
	v4 =	vsel vm0, $0x2800, v4;
	s9 =	smov.u32 s8;
	s8 =	sadd.s32 $0x40, s8  }
0x6f: {  	s9 =	sshra.s32 s9, $0x2;
	[tilespmem:s5+$0x0] =	vst v3  }
0x70: {  	v3 =	vld [tilespmem:s9+$0x0];
	[tilespmem:s5+$0x5000] =	vst v4;
	s5 =	smov.u32 s9  }
0x71: {  	v4 =	vld [tilespmem:s5+$0x5000]  }
.Ltmp1:
0x72: {  	(pc) =	sbr.rel @p0 .LBB2_4-.Ltmp1, $2  }
0x73: {  	_ =	sdelay $0x2  }
0x74: {  	vm0 =	veq.s32 v3, v4  }
0x75: {  	v3 =	vsel vm0, $0x2800, v3  }
0x76: {  	v4 =	vsel vm0, $0x2800, v4;
	[tilespmem:s5+$0x0] =	vst v3  }
0x77: {  	[tilespmem:s5+$0x5000] =	vst v4  }
0x78: {  	s22 =	simm.s32 $0x0;
	[bflag:$0x0] =	sbarrier.arrive $0xFFFF  }
0x79: {  	[spmem:s2] =	stream.indirect.scatter.add.f32 [tilespmem:s25], [sflag:$0x1], $0x1, s22, s24, $0xb8;
	[tilespmem:$0x1CC28] =	vst v63  }
0x7a: {  	s8 =	simm.s32 $0x80  }
0x7b: {  	[spmem:s2] =	stream.indirect.scatter.add.f32 [tilespmem:s25], [sflag:$0x2], $0x1, s8, s24, $0xb8;
	[tilespmem:$0x1CC28] =	vst v63  }
0x7c: {  	s9 =	simm.s32 $0x100  }
0x7d: {  	[spmem:s2] =	stream.indirect.scatter.add.f32 [tilespmem:s25], [sflag:$0x3], $0x1, s9, s24, $0xb8;
	[tilespmem:$0x1CC28] =	vst v63  }
0x7e: {  	s10 =	simm.s32 $0x180  }
0x7f: {  	[spmem:s2] =	stream.indirect.scatter.add.f32 [tilespmem:s25], [sflag:$0x4], $0x1, s10, s24, $0xb8;
	[tilespmem:$0x1CC28] =	vst v63  }
0x80: {  	s18 =	simm.s32 $0x200  }
0x81: {  	[spmem:s2] =	stream.indirect.scatter.add.f32 [tilespmem:s25], [sflag:$0x5], $0x1, s18, s24, $0xb8;
	[tilespmem:$0x1CC28] =	vst v63  }
0x82: {  	s19 =	simm.s32 $0x280  }
0x83: {  	[spmem:s2] =	stream.indirect.scatter.add.f32 [tilespmem:s25], [sflag:$0x6], $0x1, s19, s24, $0xb8;
	[tilespmem:$0x1CC28] =	vst v63  }
0x84: {  	s20 =	simm.s32 $0x300  }
0x85: {  	[spmem:s2] =	stream.indirect.scatter.add.f32 [tilespmem:s25], [sflag:$0x7], $0x1, s20, s24, $0xb8;
	[tilespmem:$0x1CC28] =	vst v63  }
0x86: {  	s22 =	simm.s32 $0x380  }
0x87: {  	[spmem:s2] =	stream.indirect.scatter.add.f32 [tilespmem:s25], [sflag:$0x8], $0x1, s22, s24, $0xb8;
	[tilespmem:$0x1CC28] =	vst v63  }
0x88: {  	_ =	swait.ge [sflag:s26], $0x80  }
0x89: {  	[sflag:s26] =	ssyncset.done $0x0  }
0x8a: {  	[sflag:s26] =	ssyncadd.s32 $0xFFFFFF80  }
0x8b: {  	_ =	swait.ge [sflag:s28], $0x80  }
0x8c: {  	[sflag:s28] =	ssyncset.done $0x0  }
0x8d: {  	[sflag:s28] =	ssyncadd.s32 $0xFFFFFF80  }
0x8e: {  	_ =	swait.ge [sflag:s29], $0x80  }
0x8f: {  	[sflag:s29] =	ssyncset.done $0x0  }
0x90: {  	[sflag:s29] =	ssyncadd.s32 $0xFFFFFF80  }
0x91: {  	_ =	swait.ge [sflag:s30], $0x80  }
0x92: {  	[sflag:s30] =	ssyncset.done $0x0  }
0x93: {  	[sflag:s30] =	ssyncadd.s32 $0xFFFFFF80  }
0x94: {  	_ =	swait.ge [sflag:s31], $0x80  }
0x95: {  	[sflag:s31] =	ssyncset.done $0x0  }
0x96: {  	[sflag:s31] =	ssyncadd.s32 $0xFFFFFF80  }
0x97: {  	_ =	swait.ge [sflag:s0], $0x80  }
0x98: {  	[sflag:s0] =	ssyncset.done $0x0  }
0x99: {  	[sflag:s0] =	ssyncadd.s32 $0xFFFFFF80  }
0x9a: {  	_ =	swait.ge [sflag:s1], $0x80  }
0x9b: {  	[sflag:s1] =	ssyncset.done $0x0  }
0x9c: {  	[sflag:s1] =	ssyncadd.s32 $0xFFFFFF80  }
0x9d: {  	_ =	swait.ge [sflag:s23], $0x80  }
0x9e: {  	s5 =	simm.s32 $0x1000;
	s8 =	simm.s32 $0x2000;
	[sflag:s23] =	ssyncset.done $0x0  }
.LBB2_6:
0x9f: {  	s9 =	sshra.s32 s5, $0x2  }
0xa0: {  	[sflag:s23] =	ssyncadd.s32 $0xFFFFFF80;
	s5 =	smov.u32 s8;
	s10 =	sadd.s32 $0x1000, s8  }
0xa1: {  	[spmem:s2] =	stream.indirect.scatter.add.f32 [tilespmem:s25], [sflag:$0x1], $0x1, s9, s24, $0xb8;
	[tilespmem:$0x1CC28] =	vst v63  }
0xa2: {  	p0 =	sne.s32 s8, $0x13000;
	s8 =	sadd.s32 $0x80, s9  }
0xa3: {  	[spmem:s2] =	stream.indirect.scatter.add.f32 [tilespmem:s25], [sflag:$0x2], $0x1, s8, s24, $0xb8;
	[tilespmem:$0x1CC28] =	vst v63  }
0xa4: {  	s8 =	sadd.s32 $0x100, s9  }
0xa5: {  	[spmem:s2] =	stream.indirect.scatter.add.f32 [tilespmem:s25], [sflag:$0x3], $0x1, s8, s24, $0xb8;
	[tilespmem:$0x1CC28] =	vst v63  }
0xa6: {  	s8 =	sadd.s32 $0x180, s9  }
0xa7: {  	[spmem:s2] =	stream.indirect.scatter.add.f32 [tilespmem:s25], [sflag:$0x4], $0x1, s8, s24, $0xb8;
	[tilespmem:$0x1CC28] =	vst v63  }
0xa8: {  	s8 =	sadd.s32 $0x200, s9  }
0xa9: {  	[spmem:s2] =	stream.indirect.scatter.add.f32 [tilespmem:s25], [sflag:$0x5], $0x1, s8, s24, $0xb8;
	[tilespmem:$0x1CC28] =	vst v63  }
0xaa: {  	s8 =	sadd.s32 $0x280, s9  }
0xab: {  	[spmem:s2] =	stream.indirect.scatter.add.f32 [tilespmem:s25], [sflag:$0x6], $0x1, s8, s24, $0xb8;
	[tilespmem:$0x1CC28] =	vst v63  }
0xac: {  	s8 =	sadd.s32 $0x300, s9  }
0xad: {  	[spmem:s2] =	stream.indirect.scatter.add.f32 [tilespmem:s25], [sflag:$0x7], $0x1, s8, s24, $0xb8;
	[tilespmem:$0x1CC28] =	vst v63  }
0xae: {  	s8 =	sadd.s32 $0x380, s9  }
0xaf: {  	[spmem:s2] =	stream.indirect.scatter.add.f32 [tilespmem:s25], [sflag:$0x8], $0x1, s8, s24, $0xb8;
	[tilespmem:$0x1CC28] =	vst v63  }
0xb0: {  	_ =	swait.ge [sflag:s26], $0x80  }
0xb1: {  	[sflag:s26] =	ssyncset.done $0x0  }
0xb2: {  	[sflag:s26] =	ssyncadd.s32 $0xFFFFFF80  }
0xb3: {  	_ =	swait.ge [sflag:s28], $0x80  }
0xb4: {  	[sflag:s28] =	ssyncset.done $0x0  }
0xb5: {  	[sflag:s28] =	ssyncadd.s32 $0xFFFFFF80  }
0xb6: {  	_ =	swait.ge [sflag:s29], $0x80  }
0xb7: {  	[sflag:s29] =	ssyncset.done $0x0  }
0xb8: {  	[sflag:s29] =	ssyncadd.s32 $0xFFFFFF80  }
0xb9: {  	_ =	swait.ge [sflag:s30], $0x80  }
0xba: {  	[sflag:s30] =	ssyncset.done $0x0  }
0xbb: {  	[sflag:s30] =	ssyncadd.s32 $0xFFFFFF80  }
0xbc: {  	_ =	swait.ge [sflag:s31], $0x80  }
0xbd: {  	[sflag:s31] =	ssyncset.done $0x0  }
0xbe: {  	[sflag:s31] =	ssyncadd.s32 $0xFFFFFF80  }
0xbf: {  	_ =	swait.ge [sflag:s0], $0x80  }
0xc0: {  	[sflag:s0] =	ssyncset.done $0x0  }
0xc1: {  	[sflag:s0] =	ssyncadd.s32 $0xFFFFFF80  }
.Ltmp2:
0xc2: {  	_ =	swait.ge [sflag:s1], $0x80;
	(pc) =	sbr.rel @p0 .LBB2_6-.Ltmp2, $4  }
0xc3: {  	[sflag:s1] =	ssyncset.done $0x0  }
0xc4: {  	[sflag:s1] =	ssyncadd.s32 $0xFFFFFF80  }
0xc5: {  	_ =	swait.ge [sflag:s23], $0x80  }
0xc6: {  	s8 =	smov.u32 s10;
	[sflag:s23] =	ssyncset.done $0x0  }
0xc7: {  	s5 =	sshra.s32 s5, $0x2;
	[sflag:s23] =	ssyncadd.s32 $0xFFFFFF80  }
0xc8: {  	[spmem:s2] =	stream.indirect.scatter.add.f32 [tilespmem:s25], [sflag:$0x1], $0x1, s5, s24, $0xb8;
	[tilespmem:$0x1CC28] =	vst v63  }
0xc9: {  	s8 =	sadd.s32 $0x80, s5  }
0xca: {  	[spmem:s2] =	stream.indirect.scatter.add.f32 [tilespmem:s25], [sflag:$0x2], $0x1, s8, s24, $0xb8;
	[tilespmem:$0x1CC28] =	vst v63  }
0xcb: {  	s10 =	sadd.s32 $0x100, s5  }
0xcc: {  	[spmem:s2] =	stream.indirect.scatter.add.f32 [tilespmem:s25], [sflag:$0x3], $0x1, s10, s24, $0xb8;
	[tilespmem:$0x1CC28] =	vst v63  }
0xcd: {  	s18 =	sadd.s32 $0x180, s5  }
0xce: {  	[spmem:s2] =	stream.indirect.scatter.add.f32 [tilespmem:s25], [sflag:$0x4], $0x1, s18, s24, $0xb8;
	[tilespmem:$0x1CC28] =	vst v63  }
0xcf: {  	s19 =	sadd.s32 $0x200, s5  }
0xd0: {  	[spmem:s2] =	stream.indirect.scatter.add.f32 [tilespmem:s25], [sflag:$0x5], $0x1, s19, s24, $0xb8;
	[tilespmem:$0x1CC28] =	vst v63  }
0xd1: {  	s20 =	sadd.s32 $0x280, s5  }
0xd2: {  	[spmem:s2] =	stream.indirect.scatter.add.f32 [tilespmem:s25], [sflag:$0x6], $0x1, s20, s24, $0xb8;
	[tilespmem:$0x1CC28] =	vst v63  }
0xd3: {  	s22 =	sadd.s32 $0x300, s5  }
0xd4: {  	[spmem:s2] =	stream.indirect.scatter.add.f32 [tilespmem:s25], [sflag:$0x7], $0x1, s22, s24, $0xb8;
	[tilespmem:$0x1CC28] =	vst v63  }
0xd5: {  	s5 =	sadd.s32 $0x380, s5  }
0xd6: {  	[spmem:s2] =	stream.indirect.scatter.add.f32 [tilespmem:s25], [sflag:$0x8], $0x1, s5, s24, $0xb8;
	[tilespmem:$0x1CC28] =	vst v63  }
0xd7: {  	_ =	swait.ge [sflag:s26], $0x80  }
0xd8: {  	[sflag:s26] =	ssyncset.done $0x0  }
0xd9: {  	[sflag:s26] =	ssyncadd.s32 $0xFFFFFF80  }
0xda: {  	_ =	swait.ge [sflag:s28], $0x80  }
0xdb: {  	[sflag:s28] =	ssyncset.done $0x0  }
0xdc: {  	[sflag:s28] =	ssyncadd.s32 $0xFFFFFF80  }
0xdd: {  	_ =	swait.ge [sflag:s29], $0x80  }
0xde: {  	[sflag:s29] =	ssyncset.done $0x0  }
0xdf: {  	[sflag:s29] =	ssyncadd.s32 $0xFFFFFF80  }
0xe0: {  	_ =	swait.ge [sflag:s30], $0x80  }
0xe1: {  	[sflag:s30] =	ssyncset.done $0x0  }
0xe2: {  	[sflag:s30] =	ssyncadd.s32 $0xFFFFFF80  }
0xe3: {  	_ =	swait.ge [sflag:s31], $0x80  }
0xe4: {  	[sflag:s31] =	ssyncset.done $0x0  }
0xe5: {  	[sflag:s31] =	ssyncadd.s32 $0xFFFFFF80  }
0xe6: {  	_ =	swait.ge [sflag:s0], $0x80  }
0xe7: {  	[sflag:s0] =	ssyncset.done $0x0  }
0xe8: {  	[sflag:s0] =	ssyncadd.s32 $0xFFFFFF80  }
0xe9: {  	_ =	swait.ge [sflag:s1], $0x80  }
0xea: {  	[sflag:s1] =	ssyncset.done $0x0  }
0xeb: {  	[sflag:s1] =	ssyncadd.s32 $0xFFFFFF80  }
0xec: {  	_ =	swait.ge [sflag:s23], $0x80  }
0xed: {  	[sflag:s23] =	ssyncset.done $0x0  }
0xee: {  	[sflag:s23] =	ssyncadd.s32 $0xFFFFFF80  }
0xef: {  	[bflag:$0x0] =	sbarrier.arrive $0xFFFF  }
0xf0: {  	[tilespmem:s15], [sflag:$0x9] =	stream.linear.gather [spmem:s14], $0x280, $0x38;
	[tilespmem:$0x1CC28] =	vst v63  }
0xf1: {  	_ =	swait.ge [sflag:s21], $0x280  }
0xf2: {  	[sflag:s21] =	ssyncset.done $0x0  }
0xf3: {  	s18 =	simm.s32 $0x0;
	[sflag:s21] =	ssyncadd.s32 $0xFFFFFD80  }
0xf4: {  	v8 =	vld [tilespmem:s18+$0x12480];
	_ =	sdelay $0x4  }
0xf5: {  	vm0 =	vge.f32 v8, $4.000000000e+00;
	vm1 =	vge.f32 v8, $1.600000000e+01  }
0xf6: {  	v3 =	vsel vm0, $0x3EB33333, v2;
	v4 =	vsel vm1, $0x3F000000, v1  }
0xf7: {  	vm6 =	vge.f32 v8, $6.400000000e+01;
	v3 =	vmul.f32 v4, v3  }
0xf8: {  	v4 =	vsel vm6, $0x3F000000, v1  }
0xf9: {  	vm7 =	vge.f32 v8, $2.560000000e+02;
	v3 =	vmul.f32 v3, v4  }
0xfa: {  	v4 =	vsel vm7, $0x3F000000, v1  }
0xfb: {  	vm8 =	vge.f32 v8, $1.024000000e+03;
	v3 =	vmul.f32 v3, v4  }
0xfc: {  	v4 =	vsel vm8, $0x3F000000, v1  }
0xfd: {  	vm9 =	vge.f32 v8, $4.096000000e+03;
	v3 =	vmul.f32 v3, v4  }
0xfe: {  	v4 =	vsel vm9, $0x3F000000, v1  }
0xff: {  	vm10 =	vge.f32 v8, $1.638400000e+04;
	v4 =	vmul.f32 v3, v4  }
0x100: {  	s19 =	simm.s32 $0x10;
	v5 =	vsel vm10, $0x3F000000, v1  }
0x101: {  	vm11 =	vge.f32 v8, $6.553600000e+04;
	v3 =	vld [tilespmem:s19+$0x12480];
	v4 =	vmul.f32 v4, v5  }
0x102: {  	v5 =	vsel vm11, $0x3F000000, v1  }
0x103: {  	vm12 =	vge.f32 v8, $2.621440000e+05;
	v4 =	vmul.f32 v4, v5  }
0x104: {  	v5 =	vsel vm12, $0x3F000000, v1  }
0x105: {  	v9 =	vmul.f32 $5.000000000e-01, v8;
	v4 =	vmul.f32 v4, v5  }
0x106: {  	vm13 =	vge.f32 v3, $4.000000000e+00;
	vm14 =	vge.f32 v3, $1.600000000e+01  }
0x107: {  	v5 =	vsel vm13, $0x3EB33333, v2;
	v7 =	vsel vm14, $0x3F000000, v1;
	v6 =	vmul.f32 v4, v9  }
0x108: {  	vm15 =	vge.f32 v3, $6.400000000e+01;
	v5 =	vmul.f32 v7, v5  }
0x109: {  	v7 =	vsel vm15, $0x3F000000, v1;
	v6 =	vmul.f32 v6, v4  }
0x10a: {  	vm4 =	vge.f32 v3, $2.560000000e+02;
	v5 =	vmul.f32 v5, v7  }
0x10b: {  	v7 =	vsel vm4, $0x3F000000, v1;
	v6 =	vsub.f32 $1.500000000e+00, v6  }
0x10c: {  	vm5 =	vge.f32 v3, $1.024000000e+03;
	v5 =	vmul.f32 v5, v7  }
0x10d: {  	v6 =	vmul.f32 v6, v4;
	v4 =	vsel vm5, $0x3F000000, v1  }
0x10e: {  	vm6 =	vge.f32 v3, $4.096000000e+03;
	v4 =	vmul.f32 v5, v4  }
0x10f: {  	v5 =	vsel vm6, $0x3F000000, v1;
	v7 =	vmul.f32 v6, v9  }
0x110: {  	vm7 =	vge.f32 v3, $1.638400000e+04;
	v5 =	vmul.f32 v4, v5  }
0x111: {  	s14 =	simm.s32 $0x20;
	v10 =	vsel vm7, $0x3F000000, v1;
	v7 =	vmul.f32 v7, v6  }
0x112: {  	vm8 =	vge.f32 v3, $6.553600000e+04;
	v4 =	vld [tilespmem:s14+$0x12480];
	v5 =	vmul.f32 v5, v10  }
0x113: {  	v10 =	vsel vm8, $0x3F000000, v1;
	v7 =	vsub.f32 $1.500000000e+00, v7  }
0x114: {  	vm9 =	vge.f32 v3, $2.621440000e+05;
	v5 =	vmul.f32 v5, v10  }
0x115: {  	v10 =	vsel vm9, $0x3F000000, v1;
	v6 =	vmul.f32 v7, v6  }
0x116: {  	v7 =	vmul.f32 v5, v10  }
0x117: {  	vm10 =	vge.f32 v4, $4.000000000e+00;
	v5 =	vmul.f32 $5.000000000e-01, v3;
	v10 =	vmul.f32 v6, v9  }
0x118: {  	vm11 =	vge.f32 v4, $1.600000000e+01;
	v11 =	vsel vm10, $0x3EB33333, v2  }
0x119: {  	v13 =	vsel vm11, $0x3F000000, v1;
	v12 =	vmul.f32 v7, v5;
	v10 =	vmul.f32 v10, v6  }
0x11a: {  	vm12 =	vge.f32 v4, $6.400000000e+01;
	v11 =	vmul.f32 v13, v11  }
0x11b: {  	v13 =	vsel vm12, $0x3F000000, v1;
	v12 =	vmul.f32 v12, v7;
	v10 =	vsub.f32 $1.500000000e+00, v10  }
0x11c: {  	vm13 =	vge.f32 v4, $2.560000000e+02;
	v11 =	vmul.f32 v11, v13  }
0x11d: {  	v13 =	vsel vm13, $0x3F000000, v1;
	v12 =	vsub.f32 $1.500000000e+00, v12;
	v10 =	vmul.f32 v10, v6  }
0x11e: {  	vm14 =	vge.f32 v4, $1.024000000e+03;
	v6 =	vmul.f32 v11, v13  }
0x11f: {  	v11 =	vsel vm14, $0x3F000000, v1;
	v7 =	vmul.f32 v12, v7;
	v12 =	vmul.f32 v10, v9  }
0x120: {  	vm15 =	vge.f32 v4, $4.096000000e+03;
	v6 =	vmul.f32 v6, v11  }
0x121: {  	v11 =	vsel vm15, $0x3F000000, v1;
	v13 =	vmul.f32 v7, v5;
	v12 =	vmul.f32 v12, v10  }
0x122: {  	s10 =	simm.s32 $0x30;
	vm4 =	vge.f32 v4, $1.638400000e+04;
	v11 =	vmul.f32 v6, v11  }
0x123: {  	v14 =	vsel vm4, $0x3F000000, v1;
	v6 =	vld [tilespmem:s10+$0x12480];
	v13 =	vmul.f32 v13, v7;
	v12 =	vsub.f32 $1.500000000e+00, v12  }
0x124: {  	vm5 =	vge.f32 v4, $6.553600000e+04;
	v11 =	vmul.f32 v11, v14  }
0x125: {  	v14 =	vsel vm5, $0x3F000000, v1;
	v13 =	vsub.f32 $1.500000000e+00, v13;
	v10 =	vmul.f32 v12, v10  }
0x126: {  	vm6 =	vge.f32 v4, $2.621440000e+05;
	vm15 =	vgt.f32 v8, $5.000000000e-01;
	v11 =	vmul.f32 v11, v14  }
0x127: {  	v12 =	vsel vm6, $0x3F000000, v1;
	v13 =	vmul.f32 v13, v7;
	v14 =	vmul.f32 v10, v9  }
0x128: {  	vm7 =	vge.f32 v6, $4.096000000e+03;
	v7 =	vmul.f32 $5.000000000e-01, v4;
	v11 =	vmul.f32 v11, v12  }
0x129: {  	vm8 =	vge.f32 v6, $4.000000000e+00;
	v12 =	vmul.f32 v13, v5;
	v14 =	vmul.f32 v14, v10  }
0x12a: {  	vm9 =	vge.f32 v6, $1.600000000e+01;
	v15 =	vsel vm8, $0x3EB33333, v2;
	v16 =	vmul.f32 v11, v7  }
0x12b: {  	v17 =	vsel vm9, $0x3F000000, v1;
	v12 =	vmul.f32 v12, v13;
	v14 =	vsub.f32 $1.500000000e+00, v14  }
0x12c: {  	vm10 =	vge.f32 v6, $6.400000000e+01;
	v15 =	vmul.f32 v17, v15;
	v16 =	vmul.f32 v16, v11  }
0x12d: {  	v60 =	vsel vm10, $0x3F000000, v1;
	v12 =	vsub.f32 $1.500000000e+00, v12;
	v14 =	vmul.f32 v14, v10  }
0x12e: {  	vm11 =	vge.f32 v6, $2.560000000e+02;
	v10 =	vmul.f32 v15, v60;
	v15 =	vsub.f32 $1.500000000e+00, v16  }
0x12f: {  	v61 =	vsel vm11, $0x3F000000, v1;
	v62 =	vmul.f32 v12, v13;
	v9 =	vmul.f32 v14, v9  }
0x130: {  	vm12 =	vge.f32 v6, $1.024000000e+03;
	v12 =	vmul.f32 v10, v61;
	v10 =	vmul.f32 v15, v11  }
0x131: {  	v11 =	vsel vm12, $0x3F000000, v1;
	v13 =	vmul.f32 v62, v5;
	v9 =	vmul.f32 v9, v14  }
0x132: {  	vm13 =	vge.f32 v6, $1.638400000e+04;
	v11 =	vmul.f32 v12, v11;
	v12 =	vsel vm7, $0x3F000000, v1  }
0x133: {  	v15 =	vmul.f32 v10, v7;
	v13 =	vmul.f32 v13, v62;
	v9 =	vsub.f32 $1.500000000e+00, v9  }
0x134: {  	s22 =	simm.s32 $0x40;
	vm14 =	vge.f32 v6, $6.553600000e+04;
	v11 =	vmul.f32 v11, v12;
	v12 =	vsel vm13, $0x3F000000, v1  }
0x135: {  	v8 =	vld [tilespmem:s22+$0x12480];
	v15 =	vmul.f32 v15, v10;
	v63 =	vsub.f32 $1.500000000e+00, v13;
	v18 =	vmul.f32 v9, v14  }
0x136: {  	v13 =	vmul.f32 v11, v12;
	v14 =	vsel vm14, $0x3F000000, v1  }
0x137: {  	s5 =	simm.s32 $0x0;
	s15 =	simm.s32 $0x140;
	v12 =	vsub.f32 $1.500000000e+00, v15;
	v9 =	vmul.f32 v63, v62;
	v11 =	vnsel vm15, $0x0, v18  }
.LBB2_8:
0x138: {  	p0 =	sne.s32 s15, $0x9C0;
	v13 =	vmul.f32 v13, v14;
	vm0 =	vge.f32 v6, $2.621440000e+05;
	[tilespmem:s18+$0x12700] =	vst v11;
	s18 =	smov.u32 s19;
	s19 =	smov.u32 s14  }
0x139: {  	s14 =	smov.u32 s10;
	s10 =	smov.u32 s22;
	v11 =	vsel vm0, $0x3F000000, v1;
	v10 =	vmul.f32 v12, v10;
	v12 =	vmul.f32 v9, v5  }
0x13a: {  	vm0 =	vge.f32 v8, $4.096000000e+03;
	v11 =	vmul.f32 v13, v11;
	v13 =	vmul.f32 $5.000000000e-01, v6;
	v15 =	vmovc v8  }
0x13b: {  	vm1 =	vge.f32 v15, $4.000000000e+00;
	v8 =	vmul.f32 v10, v7;
	v12 =	vmul.f32 v12, v9  }
0x13c: {  	v14 =	vsel vm1, $0x3EB33333, v2;
	vm1 =	vge.f32 v15, $1.600000000e+01;
	v16 =	vmul.f32 v11, v13  }
0x13d: {  	v17 =	vsel vm1, $0x3F000000, v1;
	v8 =	vmul.f32 v8, v10;
	v12 =	vsub.f32 $1.500000000e+00, v12  }
0x13e: {  	vm1 =	vge.f32 v15, $6.400000000e+01;
	v14 =	vmul.f32 v17, v14;
	v16 =	vmul.f32 v16, v11  }
0x13f: {  	v17 =	vsel vm1, $0x3F000000, v1;
	v8 =	vsub.f32 $1.500000000e+00, v8;
	v9 =	vmul.f32 v12, v9  }
0x140: {  	vm1 =	vge.f32 v15, $2.560000000e+02;
	v12 =	vmul.f32 v14, v17;
	v14 =	vsub.f32 $1.500000000e+00, v16  }
0x141: {  	v16 =	vsel vm1, $0x3F000000, v1;
	v17 =	vmul.f32 v8, v10;
	v8 =	vmul.f32 v9, v5;
	v5 =	vmovc v7;
	v7 =	vmovc v13  }
0x142: {  	vm1 =	vge.f32 v15, $1.024000000e+03;
	v12 =	vmul.f32 v12, v16;
	v10 =	vmul.f32 v14, v11  }
0x143: {  	v11 =	vsel vm1, $0x3F000000, v1;
	v13 =	vmul.f32 v17, v5;
	v8 =	vmul.f32 v8, v9  }
0x144: {  	v11 =	vmul.f32 v12, v11;
	v12 =	vsel vm0, $0x3F000000, v1;
	vm0 =	vge.f32 v15, $1.638400000e+04  }
.Ltmp3:
0x145: {  	v14 =	vmul.f32 v10, v7;
	v13 =	vmul.f32 v13, v17;
	v16 =	vsub.f32 $1.500000000e+00, v8;
	(pc) =	sbr.rel @p0 .LBB2_8-.Ltmp3, $4  }
0x146: {  	s22 =	sshra.s32 s15, $0x2;
	v11 =	vmul.f32 v11, v12;
	v12 =	vsel vm0, $0x3F000000, v1;
	vm0 =	vge.f32 v15, $6.553600000e+04  }
0x147: {  	v18 =	vmul.f32 v14, v10;
	v8 =	vld [tilespmem:s22+$0x12480];
	v19 =	vsub.f32 $1.500000000e+00, v13;
	v16 =	vmul.f32 v16, v9  }
0x148: {  	v14 =	vsel vm0, $0x3F000000, v1;
	vm0 =	vgt.f32 v3, $5.000000000e-01;
	v3 =	vmovc v4;
	v4 =	vmovc v6;
	v13 =	vmul.f32 v11, v12  }
0x149: {  	s15 =	sadd.s32 $0x40, s15;
	v6 =	vmovc v15;
	v12 =	vsub.f32 $1.500000000e+00, v18;
	v9 =	vmul.f32 v19, v17;
	v11 =	vnsel vm0, $0x0, v16  }
0x14a: {  	_ =	sdelay $0x1  }
0x14b: {  	vm0 =	vge.f32 v8, $4.000000000e+00;
	vm1 =	vge.f32 v8, $1.600000000e+01  }
0x14c: {  	v15 =	vsel vm0, $0x3EB33333, v2;
	v16 =	vsel vm1, $0x3F000000, v1  }
0x14d: {  	vm4 =	vge.f32 v8, $6.400000000e+01;
	v15 =	vmul.f32 v16, v15  }
0x14e: {  	v31 =	vsel vm4, $0x3F000000, v1  }
0x14f: {  	vm5 =	vge.f32 v8, $2.560000000e+02;
	v15 =	vmul.f32 v15, v31  }
0x150: {  	v32 =	vsel vm5, $0x3F000000, v1  }
0x151: {  	vm6 =	vge.f32 v8, $1.024000000e+03;
	v15 =	vmul.f32 v15, v32  }
0x152: {  	v33 =	vsel vm6, $0x3F000000, v1  }
0x153: {  	vm7 =	vge.f32 v8, $4.096000000e+03;
	v15 =	vmul.f32 v15, v33  }
0x154: {  	v34 =	vsel vm7, $0x3F000000, v1  }
0x155: {  	vm8 =	vge.f32 v8, $1.638400000e+04;
	v15 =	vmul.f32 v15, v34  }
0x156: {  	v35 =	vsel vm8, $0x3F000000, v1  }
0x157: {  	vm9 =	vge.f32 v8, $6.553600000e+04;
	v15 =	vmul.f32 v15, v35  }
0x158: {  	v13 =	vmul.f32 v13, v14;
	vm10 =	vge.f32 v6, $2.621440000e+05;
	v36 =	vsel vm9, $0x3F000000, v1  }
0x159: {  	v37 =	vsel vm10, $0x3F000000, v1;
	vm11 =	vge.f32 v8, $2.621440000e+05;
	v14 =	vmul.f32 v15, v36  }
0x15a: {  	v38 =	vmul.f32 $5.000000000e-01, v6;
	v13 =	vmul.f32 v13, v37;
	v39 =	vsel vm11, $0x3F000000, v1  }
0x15b: {  	v40 =	vmul.f32 $5.000000000e-01, v8;
	v14 =	vmul.f32 v14, v39  }
0x15c: {  	v17 =	vmul.f32 v13, v38  }
0x15d: {  	v18 =	vmul.f32 v14, v40  }
0x15e: {  	v17 =	vmul.f32 v17, v13  }
0x15f: {  	v18 =	vmul.f32 v18, v14  }
0x160: {  	v17 =	vsub.f32 $1.500000000e+00, v17  }
0x161: {  	v18 =	vsub.f32 $1.500000000e+00, v18  }
0x162: {  	v13 =	vmul.f32 v17, v13  }
0x163: {  	v14 =	vmul.f32 v18, v14  }
0x164: {  	v17 =	vmul.f32 v13, v38  }
0x165: {  	v18 =	vmul.f32 v14, v40  }
0x166: {  	v17 =	vmul.f32 v17, v13  }
0x167: {  	v18 =	vmul.f32 v18, v14  }
0x168: {  	v17 =	vsub.f32 $1.500000000e+00, v17  }
0x169: {  	v10 =	vmul.f32 v12, v10;
	v41 =	vsub.f32 $1.500000000e+00, v18  }
0x16a: {  	v13 =	vmul.f32 v17, v13  }
0x16b: {  	v42 =	vmul.f32 v10, v7;
	v12 =	vmul.f32 v41, v14  }
0x16c: {  	v43 =	vmul.f32 v13, v38  }
0x16d: {  	v17 =	vmul.f32 v42, v10;
	v44 =	vmul.f32 v12, v40  }
0x16e: {  	v14 =	vmul.f32 v43, v13  }
0x16f: {  	v17 =	vsub.f32 $1.500000000e+00, v17;
	v18 =	vmul.f32 v44, v12  }
0x170: {  	v14 =	vsub.f32 $1.500000000e+00, v14  }
0x171: {  	v10 =	vmul.f32 v17, v10;
	v45 =	vsub.f32 $1.500000000e+00, v18  }
0x172: {  	v13 =	vmul.f32 v14, v13  }
0x173: {  	v46 =	vmul.f32 v10, v7;
	v12 =	vmul.f32 v45, v12  }
0x174: {  	v47 =	vmul.f32 v13, v38  }
0x175: {  	v14 =	vmul.f32 v46, v10;
	v48 =	vmul.f32 v12, v40  }
0x176: {  	v17 =	vmul.f32 v47, v13  }
0x177: {  	v14 =	vsub.f32 $1.500000000e+00, v14;
	v18 =	vmul.f32 v48, v12  }
0x178: {  	v17 =	vsub.f32 $1.500000000e+00, v17  }
0x179: {  	v10 =	vmul.f32 v14, v10;
	v49 =	vsub.f32 $1.500000000e+00, v18  }
0x17a: {  	v50 =	vmul.f32 v9, v5;
	v13 =	vmul.f32 v17, v13  }
0x17b: {  	v51 =	vmul.f32 v10, v7;
	v12 =	vmul.f32 v49, v12  }
0x17c: {  	v52 =	vmul.f32 v50, v9;
	v53 =	vmul.f32 v13, v38  }
0x17d: {  	v17 =	vmul.f32 v51, v10;
	v19 =	vmul.f32 v12, v40  }
0x17e: {  	v14 =	vsub.f32 $1.500000000e+00, v52;
	v18 =	vmul.f32 v53, v13  }
0x17f: {  	v17 =	vsub.f32 $1.500000000e+00, v17;
	v19 =	vmul.f32 v19, v12  }
0x180: {  	v54 =	vmul.f32 v14, v9;
	v55 =	vsub.f32 $1.500000000e+00, v18  }
0x181: {  	v10 =	vmul.f32 v17, v10;
	v56 =	vsub.f32 $1.500000000e+00, v19  }
0x182: {  	v57 =	vmul.f32 v54, v5;
	v13 =	vmul.f32 v55, v13  }
0x183: {  	v58 =	vmul.f32 v10, v7;
	v12 =	vmul.f32 v56, v12  }
0x184: {  	v5 =	vmul.f32 v57, v54;
	v14 =	vmul.f32 v13, v38  }
0x185: {  	v7 =	vmul.f32 v58, v10;
	v59 =	vmul.f32 v12, v40  }
0x186: {  	v5 =	vsub.f32 $1.500000000e+00, v5;
	v14 =	vmul.f32 v14, v13  }
0x187: {  	v7 =	vsub.f32 $1.500000000e+00, v7;
	v15 =	vmul.f32 v59, v12  }
0x188: {  	v5 =	vmul.f32 v5, v54;
	v60 =	vsub.f32 $1.500000000e+00, v14  }
0x189: {  	vm12 =	vgt.f32 v3, $5.000000000e-01;
	v3 =	vmul.f32 v7, v10;
	v61 =	vsub.f32 $1.500000000e+00, v15  }
0x18a: {  	[tilespmem:s18+$0x12700] =	vst v11;
	vm13 =	vgt.f32 v4, $5.000000000e-01;
	v5 =	vnsel vm12, $0x0, v5;
	v62 =	vmul.f32 v60, v13  }
0x18b: {  	vm14 =	vgt.f32 v6, $5.000000000e-01;
	[tilespmem:s19+$0x12700] =	vst v5;
	v3 =	vnsel vm13, $0x0, v3;
	v63 =	vmul.f32 v61, v12  }
0x18c: {  	vm15 =	vgt.f32 v8, $5.000000000e-01;
	[tilespmem:s14+$0x12700] =	vst v3;
	v3 =	vnsel vm14, $0x0, v62  }
0x18d: {  	[tilespmem:s10+$0x12700] =	vst v3;
	v3 =	vnsel vm15, $0x0, v63  }
0x18e: {  	s10 =	simm.s32 $0x0;
	[tilespmem:s22+$0x12700] =	vst v3  }
.LBB2_10:
0x18f: {  	s8 =	smul.u32 $0xA0, s10;
	_ =	sdelay $0x1  }
0x190: {  	s8 =	sadd.s32 s7, s8  }
0x191: {  	s14 =	sshll.u32 s8, $0x5  }
0x192: {  	s8 =	sadd.s32 s13, s14  }
0x193: {  	s8 =	sshrl.u32 s8, $0x3  }
0x194: {  	s9 =	sadd.s32 s6, s8  }
0x195: {  	s15 =	simm.s32 $0x0;
	s18 =	simm.s32 $0xE800;
	s9 =	sadd.s32 $0x8C000, s9  }
0x196: {  	[tilespmem:s18], [sflag:$0x9] =	stream.linear.gather [hbm4b:s9+s15], $0x1400, $0x38;
	[tilespmem:$0x1CC28] =	vst v63  }
0x197: {  	_ =	swait.ge [sflag:s21], $0x1400  }
0x198: {  	[sflag:s21] =	ssyncset.done $0x0;
	s22 =	rddreg [dreg:$0x5]  }
0x199: {  	[sflag:s21] =	ssyncadd.s32 $0xFFFFEC00;
	s8 =	sadd.s32 s22, s8  }
0x19a: {  	v3 =	vmov s5;
	[hbm4b:s8+s15] =	stream.linear.scatter [tilespmem:s18], [sflag:$0x9], $0x1400, $0x38;
	[tilespmem:$0x1CC28] =	vst v63  }
0x19b: {  	_ =	swait.ge [sflag:s21], $0x1400  }
0x19c: {  	[sflag:s21] =	ssyncset.done $0x0  }
0x19d: {  	s8 =	simm.s32 $0x0;
	[sflag:s21] =	ssyncadd.s32 $0xFFFFEC00  }
0x19e: {  	v4 =	vld [tilespmem:s8+$0xE800]  }
0x19f: {  	v5 =	vld.idx.msk [tilespmem:v3+s11+$0x0], $0xffff  }
0x1a0: {  	v6 =	vld [tilespmem:s8+$0xE810];
	_ =	sdelay $0x2  }
0x1a1: {  	s15 =	sadd.s32 $0x1, s5  }
0x1a2: {  	s9 =	simm.s32 $0x80;
	s18 =	simm.s32 $0x100;
	v3 =	vmov s15  }
.LBB2_11:
0x1a3: {  	p0 =	sne.s32 s18, $0x4F80;
	v4 =	vmul.f32 v4, v5;
	v5 =	vmul.f32 v6, v5;
	_ =	sdelay $0x1  }
0x1a4: {  	s19 =	sshra.s32 s9, $0x2;
	s9 =	smov.u32 s18;
	[tilespmem:s8+$0xC000] =	vst v4  }
0x1a5: {  	v4 =	vld [tilespmem:s19+$0xE800];
	[tilespmem:s8+$0xC010] =	vst v5;
	s8 =	smov.u32 s19  }
0x1a6: {  	v5 =	vld.idx.msk [tilespmem:v3+s11+$0x0], $0xffff  }
.Ltmp4:
0x1a7: {  	v6 =	vld [tilespmem:s8+$0xE810];
	(pc) =	sbr.rel @p0 .LBB2_11-.Ltmp4, $3  }
0x1a8: {  	_ =	sdelay $0x1  }
0x1a9: {  	s15 =	sadd.s32 $0x1, s15  }
0x1aa: {  	s18 =	sadd.s32 $0x80, s18;
	v3 =	vmov s15  }
0x1ab: {  	v4 =	vmul.f32 v4, v5  }
0x1ac: {  	v63 =	vmul.f32 v6, v5  }
0x1ad: {  	s9 =	sshra.s32 s9, $0x2;
	[tilespmem:s8+$0xC000] =	vst v4  }
0x1ae: {  	v4 =	vld [tilespmem:s9+$0xE800];
	[tilespmem:s8+$0xC010] =	vst v63  }
0x1af: {  	v3 =	vld.idx.msk [tilespmem:v3+s11+$0x0], $0xffff  }
0x1b0: {  	v5 =	vld [tilespmem:s9+$0xE810];
	_ =	sdelay $0x3  }
0x1b1: {  	v4 =	vmul.f32 v4, v3  }
0x1b2: {  	s10 =	sadd.s32 $0x1, s10;
	v3 =	vmul.f32 v5, v3  }
0x1b3: {  	p0 =	sne.s32 s10, $0x4;
	[tilespmem:s9+$0xC000] =	vst v4  }
.Ltmp5:
0x1b4: {  	s22 =	sadd.s32 s14, s4;
	[tilespmem:s9+$0xC010] =	vst v3;
	(pc) =	sbr.rel @p0 .LBB2_10-.Ltmp5, $4  }
0x1b5: {  	[spmem:s22] =	stream.linear.scatter [tilespmem:s12], [sflag:$0x9], $0x1400, $0x38;
	[tilespmem:$0x1CC28] =	vst v63  }
0x1b6: {  	_ =	swait.ge [sflag:s21], $0x1400  }
0x1b7: {  	[sflag:s21] =	ssyncset.done $0x0  }
0x1b8: {  	s5 =	sadd.s32 $0xA0, s5;
	[sflag:s21] =	ssyncadd.s32 $0xFFFFEC00  }
0x1b9: {  	[bflag:$0x0] =	sbarrier.arrive $0xFFFF;
	s5 =	simm.s32 $0x0  }
0x1ba: {  	[tilespmem:s16], [sflag:$0x1] =	stream.indirect.gather [spmem:s4], $0x20, s5, s24, $0xb8;
	[tilespmem:$0x1CC28] =	vst v63  }
0x1bb: {  	_ = 	snop  }
0x1bc: {  	[tilespmem:s17], [sflag:$0x2] =	stream.indirect.gather [spmem:s4], $0x20, s24, s24, $0xb8;
	[tilespmem:$0x1CC28] =	vst v63  }
0x1bd: {  	_ =	swait.ge [sflag:s26], $0x1000  }
0x1be: {  	[sflag:s26] =	ssyncset.done $0x0  }
0x1bf: {  	s19 =	simm.s32 $0x5000;
	[sflag:s26] =	ssyncadd.s32 $0xFFFFF000  }
0x1c0: {  	[spmem:s3] =	stream.indirect.scatter.add.f32 [tilespmem:s16], [sflag:$0x5], $0x20, s19, s24, $0xb8;
	[tilespmem:$0x1CC28] =	vst v63  }
0x1c1: {  	_ =	swait.ge [sflag:s28], $0x1000  }
0x1c2: {  	[sflag:s28] =	ssyncset.done $0x0  }
0x1c3: {  	s20 =	simm.s32 $0x5080;
	[sflag:s28] =	ssyncadd.s32 $0xFFFFF000  }
0x1c4: {  	[spmem:s3] =	stream.indirect.scatter.add.f32 [tilespmem:s17], [sflag:$0x6], $0x20, s20, s24, $0xb8;
	[tilespmem:$0x1CC28] =	vst v63  }
0x1c5: {  	_ =	swait.ge [sflag:s31], $0x1000  }
0x1c6: {  	[sflag:s31] =	ssyncset.done $0x0  }
0x1c7: {  	s22 =	simm.s32 $0x100;
	[sflag:s31] =	ssyncadd.s32 $0xFFFFF000  }
0x1c8: {  	[tilespmem:s16], [sflag:$0x1] =	stream.indirect.gather [spmem:s4], $0x20, s22, s24, $0xb8;
	[tilespmem:$0x1CC28] =	vst v63  }
0x1c9: {  	_ =	swait.ge [sflag:s0], $0x1000  }
0x1ca: {  	[sflag:s0] =	ssyncset.done $0x0  }
0x1cb: {  	s8 =	simm.s32 $0x180;
	s5 =	simm.s32 $0x400;
	[sflag:s0] =	ssyncadd.s32 $0xFFFFF000  }
.LBB2_14:
0x1cc: {  	[tilespmem:s17], [sflag:$0x2] =	stream.indirect.gather [spmem:s4], $0x20, s8, s24, $0xb8;
	[tilespmem:$0x1CC28] =	vst v63  }
0x1cd: {  	s8 =	smov.u32 s5  }
0x1ce: {  	p0 =	sne.s32 s5, $0x13800;
	s5 =	sadd.s32 $0x400, s5;
	_ =	swait.ge [sflag:s26], $0x1000  }
0x1cf: {  	s8 =	sshra.s32 s8, $0x2;
	[sflag:s26] =	ssyncset.done $0x0  }
0x1d0: {  	s9 =	sadd.s32 $0x5000, s8;
	[sflag:s26] =	ssyncadd.s32 $0xFFFFF000  }
0x1d1: {  	[spmem:s3] =	stream.indirect.scatter.add.f32 [tilespmem:s16], [sflag:$0x5], $0x20, s9, s24, $0xb8;
	[tilespmem:$0x1CC28] =	vst v63  }
0x1d2: {  	_ =	swait.ge [sflag:s28], $0x1000  }
0x1d3: {  	[sflag:s28] =	ssyncset.done $0x0  }
0x1d4: {  	s9 =	sadd.s32 $0x5080, s8;
	[sflag:s28] =	ssyncadd.s32 $0xFFFFF000  }
0x1d5: {  	[spmem:s3] =	stream.indirect.scatter.add.f32 [tilespmem:s17], [sflag:$0x6], $0x20, s9, s24, $0xb8;
	[tilespmem:$0x1CC28] =	vst v63  }
0x1d6: {  	_ =	swait.ge [sflag:s31], $0x1000  }
0x1d7: {  	[sflag:s31] =	ssyncset.done $0x0  }
.Ltmp6:
0x1d8: {  	s9 =	sadd.s32 $0x100, s8;
	[sflag:s31] =	ssyncadd.s32 $0xFFFFF000;
	(pc) =	sbr.rel @p0 .LBB2_14-.Ltmp6, $4  }
0x1d9: {  	[tilespmem:s16], [sflag:$0x1] =	stream.indirect.gather [spmem:s4], $0x20, s9, s24, $0xb8;
	[tilespmem:$0x1CC28] =	vst v63  }
0x1da: {  	_ =	swait.ge [sflag:s0], $0x1000  }
0x1db: {  	[sflag:s0] =	ssyncset.done $0x0  }
0x1dc: {  	s8 =	sadd.s32 $0x180, s8;
	[sflag:s0] =	ssyncadd.s32 $0xFFFFF000  }
0x1dd: {  	[tilespmem:s17], [sflag:$0x2] =	stream.indirect.gather [spmem:s4], $0x20, s8, s24, $0xb8;
	[tilespmem:$0x1CC28] =	vst v63  }
0x1de: {  	_ =	swait.ge [sflag:s26], $0x1000  }
0x1df: {  	[sflag:s26] =	ssyncset.done $0x0  }
0x1e0: {  	s5 =	simm.s32 $0x9F00;
	[sflag:s26] =	ssyncadd.s32 $0xFFFFF000  }
0x1e1: {  	[spmem:s3] =	stream.indirect.scatter.add.f32 [tilespmem:s16], [sflag:$0x5], $0x20, s5, s24, $0xb8;
	[tilespmem:$0x1CC28] =	vst v63  }
0x1e2: {  	_ =	swait.ge [sflag:s28], $0x1000  }
0x1e3: {  	[sflag:s28] =	ssyncset.done $0x0  }
0x1e4: {  	s22 =	simm.s32 $0x9F80;
	[sflag:s28] =	ssyncadd.s32 $0xFFFFF000  }
0x1e5: {  	[spmem:s3] =	stream.indirect.scatter.add.f32 [tilespmem:s17], [sflag:$0x6], $0x20, s22, s24, $0xb8;
	[tilespmem:$0x1CC28] =	vst v63  }
0x1e6: {  	_ =	swait.ge [sflag:s31], $0x1000  }
0x1e7: {  	[sflag:s31] =	ssyncset.done $0x0  }
0x1e8: {  	[sflag:s31] =	ssyncadd.s32 $0xFFFFF000  }
0x1e9: {  	_ =	swait.ge [sflag:s0], $0x1000  }
0x1ea: {  	[sflag:s0] =	ssyncset.done $0x0  }
0x1eb: {  	s10 =	simm.s32 $0x0;
	[sflag:s0] =	ssyncadd.s32 $0xFFFFF000  }
0x1ec: {  	s14 =	simm.s32 $0x0;
	s5 =	simm.s32 $0x0;
	[bflag:$0x0] =	sbarrier.arrive $0xFFFF  }
.LBB2_16:
0x1ed: {  	p0 =	seq.s32 s14, $0x0  }
0x1ee: {  	s8 =	simm.s32 @!p0 $0x5  }
0x1ef: {  	_ =	swait.ge @!p0 [sflag:s8], $0x1400  }
0x1f0: {  	[sflag:s8] =	ssyncset.done @!p0 $0x0  }
0x1f1: {  	s9 =	smul.u32 $0xA0, s14;
	[sflag:s8] =	ssyncadd.s32 @!p0 $0xFFFFEC00;
	s8 =	simm.s32 @!p0 $0x6  }
0x1f2: {  	_ =	swait.ge @!p0 [sflag:s8], $0x1400  }
0x1f3: {  	s9 =	sadd.s32 s7, s9;
	[sflag:s8] =	ssyncset.done @!p0 $0x0  }
0x1f4: {  	s18 =	sshll.u32 s9, $0x5;
	[sflag:s8] =	ssyncadd.s32 @!p0 $0xFFFFEC00;
	s8 =	simm.s32 @!p0 $0x7  }
0x1f5: {  	s20 =	sadd.s32 s13, s18;
	_ =	swait.ge @!p0 [sflag:s8], $0x1400  }
0x1f6: {  	s15 =	sshrl.u32 s20, $0x3;
	[sflag:s8] =	ssyncset.done @!p0 $0x0  }
0x1f7: {  	s19 =	sadd.s32 s18, s3;
	[sflag:s8] =	ssyncadd.s32 @!p0 $0xFFFFEC00;
	s8 =	sadd.s32 s6, s15  }
0x1f8: {  	[tilespmem:s12], [sflag:$0x1] =	stream.linear.gather [spmem:s19], $0x1400, $0x38;
	[tilespmem:$0x1CC28] =	vst v63  }
0x1f9: {  	s22 =	simm.s32 $0xE800;
	s8 =	sadd.s32 $0x78000, s8  }
0x1fa: {  	[tilespmem:s22], [sflag:$0x3] =	stream.linear.gather [hbm4b:s8+s5], $0x1400, $0x38;
	[tilespmem:$0x1CC28] =	vst v63  }
0x1fb: {  	_ =	swait.ge [sflag:s26], $0x1400  }
0x1fc: {  	v3 =	vmov s10;
	[sflag:s26] =	ssyncset.done $0x0  }
0x1fd: {  	[sflag:s26] =	ssyncadd.s32 $0xFFFFEC00  }
0x1fe: {  	_ =	swait.ge [sflag:s29], $0x1400  }
0x1ff: {  	[sflag:s29] =	ssyncset.done $0x0  }
0x200: {  	[sflag:s29] =	ssyncadd.s32 $0xFFFFEC00  }
0x201: {  	s8 =	simm.s32 $0x0;
	v3 =	vld.idx.msk [tilespmem:v3+s11+$0x0], $0xffff  }
0x202: {  	v4 =	vld [tilespmem:s8+$0xC010]  }
0x203: {  	v5 =	vld [tilespmem:s8+$0xC000]  }
0x204: {  	v6 =	vld [tilespmem:s8+$0xE800]  }
0x205: {  	v7 =	vld [tilespmem:s8+$0xE810]  }
0x206: {  	v8 =	vadd.f32 v3, v3;
	_ =	sdelay $0x1  }
0x207: {  	v5 =	vmul.f32 v5, v8;
	v4 =	vmul.f32 v4, v8;
	_ =	sdelay $0x1  }
0x208: {  	s9 =	sadd.s32 $0x1, s10;
	v6 =	vsub.f32 v6, v5;
	v5 =	vsub.f32 v7, v4  }
0x209: {  	s20 =	simm.s32 $0x100;
	s22 =	simm.s32 $0x80;
	v4 =	vmov s9  }
.LBB2_17:
0x20a: {  	p0 =	sne.s32 s20, $0x4F80;
	[tilespmem:s8+$0xFC00] =	vst v6;
	v6 =	vmul.f32 v6, v3;
	v3 =	vmul.f32 v5, v3  }
0x20b: {  	[tilespmem:s8+$0xFC10] =	vst v5  }
0x20c: {  	[tilespmem:s8+$0xC000] =	vst v6  }
0x20d: {  	[tilespmem:s8+$0xC010] =	vst v3  }
0x20e: {  	v3 =	vld.idx.msk [tilespmem:v4+s11+$0x0], $0xffff  }
0x20f: {  	s8 =	sshra.s32 s22, $0x2;
	s22 =	smov.u32 s20  }
0x210: {  	v4 =	vld [tilespmem:s8+$0xC010]  }
0x211: {  	v5 =	vld [tilespmem:s8+$0xC000]  }
0x212: {  	v6 =	vld [tilespmem:s8+$0xE800]  }
0x213: {  	v7 =	vld [tilespmem:s8+$0xE810]  }
0x214: {  	v8 =	vadd.f32 v3, v3  }
.Ltmp7:
0x215: {  	(pc) =	sbr.rel @p0 .LBB2_17-.Ltmp7, $3  }
0x216: {  	v4 =	vmul.f32 v4, v8;
	v5 =	vmul.f32 v5, v8;
	_ =	sdelay $0x1  }
0x217: {  	s9 =	sadd.s32 $0x1, s9;
	v6 =	vsub.f32 v6, v5;
	v5 =	vsub.f32 v7, v4  }
0x218: {  	s20 =	sadd.s32 $0x80, s20;
	v4 =	vmov s9  }
0x219: {  	[tilespmem:s8+$0xFC00] =	vst v6;
	v62 =	vmul.f32 v6, v3  }
0x21a: {  	v3 =	vmul.f32 v5, v3;
	[tilespmem:s8+$0xFC10] =	vst v5  }
0x21b: {  	[tilespmem:s8+$0xC000] =	vst v62  }
0x21c: {  	[tilespmem:s8+$0xC010] =	vst v3  }
0x21d: {  	v3 =	vld.idx.msk [tilespmem:v4+s11+$0x0], $0xffff  }
0x21e: {  	s9 =	sshra.s32 s22, $0x2  }
0x21f: {  	v63 =	vld [tilespmem:s9+$0xC000]  }
0x220: {  	v5 =	vld [tilespmem:s9+$0xC010]  }
0x221: {  	v6 =	vld [tilespmem:s9+$0xE800]  }
0x222: {  	v7 =	vld [tilespmem:s9+$0xE810];
	v8 =	vadd.f32 v3, v3;
	_ =	sdelay $0x1  }
0x223: {  	v4 =	vmul.f32 v63, v8  }
0x224: {  	v5 =	vmul.f32 v5, v8  }
0x225: {  	v4 =	vsub.f32 v6, v4  }
0x226: {  	v5 =	vsub.f32 v7, v5  }
0x227: {  	[tilespmem:s9+$0xFC00] =	vst v4;
	v4 =	vmul.f32 v4, v3  }
0x228: {  	v3 =	vmul.f32 v5, v3;
	[tilespmem:s9+$0xFC10] =	vst v5  }
0x229: {  	s20 =	rddreg [dreg:$0x6];
	s22 =	simm.s32 $0xFC00;
	s14 =	sadd.s32 $0x1, s14;
	[tilespmem:s9+$0xC000] =	vst v4  }
0x22a: {  	p0 =	sne.s32 s14, $0x4;
	s8 =	sadd.s32 s20, s15;
	[tilespmem:s9+$0xC010] =	vst v3;
	s9 =	simm.s32 $0x0  }
0x22b: {  	[hbm4b:s8+s9] =	stream.linear.scatter [tilespmem:s22], [sflag:$0x5], $0x1400, $0x38;
	[tilespmem:$0x1CC28] =	vst v63  }
.Ltmp8:
0x22c: {  	_ = 	snop;
	(pc) =	sbr.rel @p0 .LBB2_16-.Ltmp8, $4  }
0x22d: {  	s20 =	sadd.s32 s18, s4  }
0x22e: {  	[spmem:s20] =	stream.linear.scatter [tilespmem:s12], [sflag:$0x6], $0x1400, $0x38;
	[tilespmem:$0x1CC28] =	vst v63  }
0x22f: {  	s10 =	sadd.s32 $0xA0, s10;
	s22 =	simm.s32 $0x11000  }
0x230: {  	[spmem:s19] =	stream.linear.scatter [tilespmem:s22], [sflag:$0x7], $0x1400, $0x38;
	[tilespmem:$0x1CC28] =	vst v63  }
0x231: {  	_ =	swait.ge [sflag:s31], $0x1400  }
0x232: {  	[sflag:s31] =	ssyncset.done $0x0  }
0x233: {  	[sflag:s31] =	ssyncadd.s32 $0xFFFFEC00  }
0x234: {  	_ =	swait.ge [sflag:s0], $0x1400  }
0x235: {  	[sflag:s0] =	ssyncset.done $0x0  }
0x236: {  	[sflag:s0] =	ssyncadd.s32 $0xFFFFEC00  }
0x237: {  	_ =	swait.ge [sflag:s1], $0x1400  }
0x238: {  	[sflag:s1] =	ssyncset.done $0x0  }
0x239: {  	[sflag:s1] =	ssyncadd.s32 $0xFFFFEC00  }
0x23a: {  	s5 =	simm.s32 $0x0;
	[bflag:$0x0] =	sbarrier.arrive $0xFFFF  }
0x23b: {  	[tilespmem:s16], [sflag:$0x1] =	stream.indirect.gather [spmem:s4], $0x20, s5, s24, $0xb8;
	[tilespmem:$0x1CC28] =	vst v63  }
0x23c: {  	_ = 	snop  }
0x23d: {  	[tilespmem:s17], [sflag:$0x2] =	stream.indirect.gather [spmem:s4], $0x20, s24, s24, $0xb8;
	[tilespmem:$0x1CC28] =	vst v63  }
0x23e: {  	_ =	swait.ge [sflag:s26], $0x1000  }
0x23f: {  	[sflag:s26] =	ssyncset.done $0x0  }
0x240: {  	s19 =	simm.s32 $0x5000;
	[sflag:s26] =	ssyncadd.s32 $0xFFFFF000  }
0x241: {  	[spmem:s3] =	stream.indirect.scatter.add.f32 [tilespmem:s16], [sflag:$0x5], $0x20, s19, s24, $0xb8;
	[tilespmem:$0x1CC28] =	vst v63  }
0x242: {  	_ =	swait.ge [sflag:s28], $0x1000  }
0x243: {  	[sflag:s28] =	ssyncset.done $0x0  }
0x244: {  	s20 =	simm.s32 $0x5080;
	[sflag:s28] =	ssyncadd.s32 $0xFFFFF000  }
0x245: {  	[spmem:s3] =	stream.indirect.scatter.add.f32 [tilespmem:s17], [sflag:$0x6], $0x20, s20, s24, $0xb8;
	[tilespmem:$0x1CC28] =	vst v63  }
0x246: {  	_ =	swait.ge [sflag:s31], $0x1000  }
0x247: {  	[sflag:s31] =	ssyncset.done $0x0  }
0x248: {  	s22 =	simm.s32 $0x100;
	[sflag:s31] =	ssyncadd.s32 $0xFFFFF000  }
0x249: {  	[tilespmem:s16], [sflag:$0x1] =	stream.indirect.gather [spmem:s4], $0x20, s22, s24, $0xb8;
	[tilespmem:$0x1CC28] =	vst v63  }
0x24a: {  	_ =	swait.ge [sflag:s0], $0x1000  }
0x24b: {  	[sflag:s0] =	ssyncset.done $0x0  }
0x24c: {  	s8 =	simm.s32 $0x180;
	s5 =	simm.s32 $0x400;
	[sflag:s0] =	ssyncadd.s32 $0xFFFFF000  }
.LBB2_20:
0x24d: {  	[tilespmem:s17], [sflag:$0x2] =	stream.indirect.gather [spmem:s4], $0x20, s8, s24, $0xb8;
	[tilespmem:$0x1CC28] =	vst v63  }
0x24e: {  	s8 =	smov.u32 s5  }
0x24f: {  	p0 =	sne.s32 s5, $0x13800;
	s5 =	sadd.s32 $0x400, s5;
	_ =	swait.ge [sflag:s26], $0x1000  }
0x250: {  	s8 =	sshra.s32 s8, $0x2;
	[sflag:s26] =	ssyncset.done $0x0  }
0x251: {  	s9 =	sadd.s32 $0x5000, s8;
	[sflag:s26] =	ssyncadd.s32 $0xFFFFF000  }
0x252: {  	[spmem:s3] =	stream.indirect.scatter.add.f32 [tilespmem:s16], [sflag:$0x5], $0x20, s9, s24, $0xb8;
	[tilespmem:$0x1CC28] =	vst v63  }
0x253: {  	_ =	swait.ge [sflag:s28], $0x1000  }
0x254: {  	[sflag:s28] =	ssyncset.done $0x0  }
0x255: {  	s9 =	sadd.s32 $0x5080, s8;
	[sflag:s28] =	ssyncadd.s32 $0xFFFFF000  }
0x256: {  	[spmem:s3] =	stream.indirect.scatter.add.f32 [tilespmem:s17], [sflag:$0x6], $0x20, s9, s24, $0xb8;
	[tilespmem:$0x1CC28] =	vst v63  }
0x257: {  	_ =	swait.ge [sflag:s31], $0x1000  }
0x258: {  	[sflag:s31] =	ssyncset.done $0x0  }
.Ltmp9:
0x259: {  	s9 =	sadd.s32 $0x100, s8;
	[sflag:s31] =	ssyncadd.s32 $0xFFFFF000;
	(pc) =	sbr.rel @p0 .LBB2_20-.Ltmp9, $4  }
0x25a: {  	[tilespmem:s16], [sflag:$0x1] =	stream.indirect.gather [spmem:s4], $0x20, s9, s24, $0xb8;
	[tilespmem:$0x1CC28] =	vst v63  }
0x25b: {  	_ =	swait.ge [sflag:s0], $0x1000  }
0x25c: {  	[sflag:s0] =	ssyncset.done $0x0  }
0x25d: {  	s8 =	sadd.s32 $0x180, s8;
	[sflag:s0] =	ssyncadd.s32 $0xFFFFF000  }
0x25e: {  	[tilespmem:s17], [sflag:$0x2] =	stream.indirect.gather [spmem:s4], $0x20, s8, s24, $0xb8;
	[tilespmem:$0x1CC28] =	vst v63  }
0x25f: {  	_ =	swait.ge [sflag:s26], $0x1000  }
0x260: {  	[sflag:s26] =	ssyncset.done $0x0  }
0x261: {  	s5 =	simm.s32 $0x9F00;
	[sflag:s26] =	ssyncadd.s32 $0xFFFFF000  }
0x262: {  	[spmem:s3] =	stream.indirect.scatter.add.f32 [tilespmem:s16], [sflag:$0x5], $0x20, s5, s24, $0xb8;
	[tilespmem:$0x1CC28] =	vst v63  }
0x263: {  	_ =	swait.ge [sflag:s28], $0x1000  }
0x264: {  	[sflag:s28] =	ssyncset.done $0x0  }
0x265: {  	s22 =	simm.s32 $0x9F80;
	[sflag:s28] =	ssyncadd.s32 $0xFFFFF000  }
0x266: {  	[spmem:s3] =	stream.indirect.scatter.add.f32 [tilespmem:s17], [sflag:$0x6], $0x20, s22, s24, $0xb8;
	[tilespmem:$0x1CC28] =	vst v63  }
0x267: {  	_ =	swait.ge [sflag:s31], $0x1000  }
0x268: {  	[sflag:s31] =	ssyncset.done $0x0  }
0x269: {  	[sflag:s31] =	ssyncadd.s32 $0xFFFFF000  }
0x26a: {  	_ =	swait.ge [sflag:s0], $0x1000  }
0x26b: {  	[sflag:s0] =	ssyncset.done $0x0  }
0x26c: {  	s10 =	simm.s32 $0x0;
	[sflag:s0] =	ssyncadd.s32 $0xFFFFF000  }
0x26d: {  	s14 =	simm.s32 $0x0;
	s5 =	simm.s32 $0x0;
	[bflag:$0x0] =	sbarrier.arrive $0xFFFF  }
.LBB2_22:
0x26e: {  	p0 =	seq.s32 s14, $0x0  }
0x26f: {  	s8 =	simm.s32 @!p0 $0x5  }
0x270: {  	_ =	swait.ge @!p0 [sflag:s8], $0x1400  }
0x271: {  	[sflag:s8] =	ssyncset.done @!p0 $0x0  }
0x272: {  	[sflag:s8] =	ssyncadd.s32 @!p0 $0xFFFFEC00;
	s8 =	simm.s32 @!p0 $0x6  }
0x273: {  	s9 =	smul.u32 $0xA0, s14;
	_ =	swait.ge @!p0 [sflag:s8], $0x1400  }
0x274: {  	[sflag:s8] =	ssyncset.done @!p0 $0x0  }
0x275: {  	s9 =	sadd.s32 s7, s9;
	[sflag:s8] =	ssyncadd.s32 @!p0 $0xFFFFEC00;
	s8 =	simm.s32 @!p0 $0x7  }
0x276: {  	s18 =	sshll.u32 s9, $0x5;
	_ =	swait.ge @!p0 [sflag:s8], $0x1400  }
0x277: {  	s19 =	sadd.s32 s18, s3;
	s20 =	sadd.s32 s13, s18;
	[sflag:s8] =	ssyncset.done @!p0 $0x0  }
0x278: {  	s22 =	rddreg [dreg:$0x5];
	[sflag:s8] =	ssyncadd.s32 @!p0 $0xFFFFEC00;
	s8 =	sshrl.u32 s20, $0x3  }
0x279: {  	[tilespmem:s12], [sflag:$0x1] =	stream.linear.gather [spmem:s19], $0x1400, $0x38;
	[tilespmem:$0x1CC28] =	vst v63  }
0x27a: {  	s15 =	simm.s32 $0xD400;
	s22 =	sadd.s32 s22, s8;
	s8 =	sadd.s32 s6, s8  }
0x27b: {  	[tilespmem:s15], [sflag:$0x2] =	stream.linear.gather [hbm4b:s22+s5], $0x1400, $0x38;
	[tilespmem:$0x1CC28] =	vst v63  }
0x27c: {  	s20 =	simm.s32 $0xE800;
	s8 =	sadd.s32 $0x64000, s8  }
0x27d: {  	[tilespmem:s20], [sflag:$0x3] =	stream.linear.gather [hbm4b:s8+s5], $0x1400, $0x38;
	[tilespmem:$0x1CC28] =	vst v63  }
0x27e: {  	_ =	swait.ge [sflag:s26], $0x1400  }
0x27f: {  	[sflag:s26] =	ssyncset.done $0x0  }
0x280: {  	[sflag:s26] =	ssyncadd.s32 $0xFFFFEC00  }
0x281: {  	_ =	swait.ge [sflag:s28], $0x1400  }
0x282: {  	v3 =	vmov s10;
	[sflag:s28] =	ssyncset.done $0x0  }
0x283: {  	[sflag:s28] =	ssyncadd.s32 $0xFFFFEC00  }
0x284: {  	_ =	swait.ge [sflag:s29], $0x1400  }
0x285: {  	[sflag:s29] =	ssyncset.done $0x0  }
0x286: {  	[sflag:s29] =	ssyncadd.s32 $0xFFFFEC00  }
0x287: {  	s15 =	simm.s32 $0x0;
	v3 =	vld.idx.msk [tilespmem:v3+s11+$0x0], $0xffff  }
0x288: {  	v4 =	vld [tilespmem:s15+$0xC010]  }
0x289: {  	v5 =	vld [tilespmem:s15+$0xC000]  }
0x28a: {  	v6 =	vld [tilespmem:s15+$0xE800]  }
0x28b: {  	v7 =	vld [tilespmem:s15+$0xE810]  }
0x28c: {  	v9 =	vld [tilespmem:s15+$0xD400];
	v8 =	vadd.f32 v3, v3  }
0x28d: {  	v10 =	vld [tilespmem:s15+$0xD410]  }
0x28e: {  	v5 =	vmul.f32 v5, v8;
	v4 =	vmul.f32 v4, v8;
	_ =	sdelay $0x1  }
0x28f: {  	v5 =	vsub.f32 v6, v5;
	v4 =	vsub.f32 v7, v4;
	_ =	sdelay $0x1  }
0x290: {  	s9 =	sadd.s32 $0x1, s10;
	v6 =	vsub.f32 v5, v9;
	v5 =	vsub.f32 v4, v10  }
0x291: {  	s8 =	simm.s32 $0x80;
	s20 =	simm.s32 $0x100;
	v4 =	vmov s9  }
.LBB2_23:
0x292: {  	p0 =	sne.s32 s20, $0x4F80;
	[tilespmem:s15+$0xFC00] =	vst v6;
	v6 =	vmul.f32 v6, v3;
	v3 =	vmul.f32 v5, v3  }
0x293: {  	[tilespmem:s15+$0xFC10] =	vst v5  }
0x294: {  	[tilespmem:s15+$0xC000] =	vst v6  }
0x295: {  	[tilespmem:s15+$0xC010] =	vst v3  }
0x296: {  	v3 =	vld.idx.msk [tilespmem:v4+s11+$0x0], $0xffff  }
0x297: {  	s15 =	sshra.s32 s8, $0x2;
	s8 =	smov.u32 s20  }
0x298: {  	v4 =	vld [tilespmem:s15+$0xC010]  }
0x299: {  	v5 =	vld [tilespmem:s15+$0xC000]  }
0x29a: {  	v6 =	vld [tilespmem:s15+$0xE800]  }
0x29b: {  	v7 =	vld [tilespmem:s15+$0xE810]  }
0x29c: {  	v8 =	vadd.f32 v3, v3;
	v9 =	vld [tilespmem:s15+$0xD400]  }
0x29d: {  	v10 =	vld [tilespmem:s15+$0xD410]  }
0x29e: {  	v4 =	vmul.f32 v4, v8;
	v5 =	vmul.f32 v5, v8  }
.Ltmp10:
0x29f: {  	(pc) =	sbr.rel @p0 .LBB2_23-.Ltmp10, $3  }
0x2a0: {  	v5 =	vsub.f32 v6, v5;
	v4 =	vsub.f32 v7, v4;
	_ =	sdelay $0x1  }
0x2a1: {  	s9 =	sadd.s32 $0x1, s9;
	v6 =	vsub.f32 v5, v9;
	v5 =	vsub.f32 v4, v10  }
0x2a2: {  	s20 =	sadd.s32 $0x80, s20;
	v4 =	vmov s9  }
0x2a3: {  	[tilespmem:s15+$0xFC00] =	vst v6;
	v62 =	vmul.f32 v6, v3  }
0x2a4: {  	v3 =	vmul.f32 v5, v3;
	[tilespmem:s15+$0xFC10] =	vst v5  }
0x2a5: {  	[tilespmem:s15+$0xC000] =	vst v62  }
0x2a6: {  	[tilespmem:s15+$0xC010] =	vst v3  }
0x2a7: {  	v3 =	vld.idx.msk [tilespmem:v4+s11+$0x0], $0xffff  }
0x2a8: {  	s8 =	sshra.s32 s8, $0x2  }
0x2a9: {  	v63 =	vld [tilespmem:s8+$0xC000]  }
0x2aa: {  	v5 =	vld [tilespmem:s8+$0xC010]  }
0x2ab: {  	v6 =	vld [tilespmem:s8+$0xE800]  }
0x2ac: {  	v7 =	vld [tilespmem:s8+$0xE810];
	v8 =	vadd.f32 v3, v3  }
0x2ad: {  	v9 =	vld [tilespmem:s8+$0xD400]  }
0x2ae: {  	v10 =	vld [tilespmem:s8+$0xD410];
	v4 =	vmul.f32 v63, v8  }
0x2af: {  	v5 =	vmul.f32 v5, v8  }
0x2b0: {  	v4 =	vsub.f32 v6, v4  }
0x2b1: {  	v5 =	vsub.f32 v7, v5  }
0x2b2: {  	v4 =	vsub.f32 v4, v9  }
0x2b3: {  	v5 =	vsub.f32 v5, v10  }
0x2b4: {  	[tilespmem:s8+$0xFC00] =	vst v4;
	v4 =	vmul.f32 v4, v3  }
0x2b5: {  	v3 =	vmul.f32 v5, v3;
	[tilespmem:s8+$0xFC10] =	vst v5  }
0x2b6: {  	s14 =	sadd.s32 $0x1, s14;
	[tilespmem:s8+$0xC000] =	vst v4  }
0x2b7: {  	s9 =	simm.s32 $0xFC00;
	p0 =	sne.s32 s14, $0x4;
	s15 =	simm.s32 $0x0;
	[tilespmem:s8+$0xC010] =	vst v3  }
0x2b8: {  	[hbm4b:s22+s15] =	stream.linear.scatter [tilespmem:s9], [sflag:$0x5], $0x1400, $0x38;
	[tilespmem:$0x1CC28] =	vst v63  }
.Ltmp11:
0x2b9: {  	_ = 	snop;
	(pc) =	sbr.rel @p0 .LBB2_22-.Ltmp11, $4  }
0x2ba: {  	s20 =	sadd.s32 s18, s4  }
0x2bb: {  	[spmem:s20] =	stream.linear.scatter [tilespmem:s12], [sflag:$0x6], $0x1400, $0x38;
	[tilespmem:$0x1CC28] =	vst v63  }
0x2bc: {  	s10 =	sadd.s32 $0xA0, s10;
	s22 =	simm.s32 $0x11000  }
0x2bd: {  	[spmem:s19] =	stream.linear.scatter [tilespmem:s22], [sflag:$0x7], $0x1400, $0x38;
	[tilespmem:$0x1CC28] =	vst v63  }
0x2be: {  	_ =	swait.ge [sflag:s31], $0x1400  }
0x2bf: {  	[sflag:s31] =	ssyncset.done $0x0  }
0x2c0: {  	[sflag:s31] =	ssyncadd.s32 $0xFFFFEC00  }
0x2c1: {  	_ =	swait.ge [sflag:s0], $0x1400  }
0x2c2: {  	[sflag:s0] =	ssyncset.done $0x0  }
0x2c3: {  	[sflag:s0] =	ssyncadd.s32 $0xFFFFEC00  }
0x2c4: {  	_ =	swait.ge [sflag:s1], $0x1400  }
0x2c5: {  	[sflag:s1] =	ssyncset.done $0x0  }
0x2c6: {  	[sflag:s1] =	ssyncadd.s32 $0xFFFFEC00  }
0x2c7: {  	s5 =	simm.s32 $0x0;
	[bflag:$0x0] =	sbarrier.arrive $0xFFFF  }
0x2c8: {  	[tilespmem:s16], [sflag:$0x1] =	stream.indirect.gather [spmem:s4], $0x20, s5, s24, $0xb8;
	[tilespmem:$0x1CC28] =	vst v63  }
0x2c9: {  	_ = 	snop  }
0x2ca: {  	[tilespmem:s17], [sflag:$0x2] =	stream.indirect.gather [spmem:s4], $0x20, s24, s24, $0xb8;
	[tilespmem:$0x1CC28] =	vst v63  }
0x2cb: {  	_ =	swait.ge [sflag:s26], $0x1000  }
0x2cc: {  	[sflag:s26] =	ssyncset.done $0x0  }
0x2cd: {  	s19 =	simm.s32 $0x5000;
	[sflag:s26] =	ssyncadd.s32 $0xFFFFF000  }
0x2ce: {  	[spmem:s3] =	stream.indirect.scatter.add.f32 [tilespmem:s16], [sflag:$0x5], $0x20, s19, s24, $0xb8;
	[tilespmem:$0x1CC28] =	vst v63  }
0x2cf: {  	_ =	swait.ge [sflag:s28], $0x1000  }
0x2d0: {  	[sflag:s28] =	ssyncset.done $0x0  }
0x2d1: {  	s20 =	simm.s32 $0x5080;
	[sflag:s28] =	ssyncadd.s32 $0xFFFFF000  }
0x2d2: {  	[spmem:s3] =	stream.indirect.scatter.add.f32 [tilespmem:s17], [sflag:$0x6], $0x20, s20, s24, $0xb8;
	[tilespmem:$0x1CC28] =	vst v63  }
0x2d3: {  	_ =	swait.ge [sflag:s31], $0x1000  }
0x2d4: {  	[sflag:s31] =	ssyncset.done $0x0  }
0x2d5: {  	s22 =	simm.s32 $0x100;
	[sflag:s31] =	ssyncadd.s32 $0xFFFFF000  }
0x2d6: {  	[tilespmem:s16], [sflag:$0x1] =	stream.indirect.gather [spmem:s4], $0x20, s22, s24, $0xb8;
	[tilespmem:$0x1CC28] =	vst v63  }
0x2d7: {  	_ =	swait.ge [sflag:s0], $0x1000  }
0x2d8: {  	[sflag:s0] =	ssyncset.done $0x0  }
0x2d9: {  	s8 =	simm.s32 $0x180;
	s5 =	simm.s32 $0x400;
	[sflag:s0] =	ssyncadd.s32 $0xFFFFF000  }
.LBB2_26:
0x2da: {  	[tilespmem:s17], [sflag:$0x2] =	stream.indirect.gather [spmem:s4], $0x20, s8, s24, $0xb8;
	[tilespmem:$0x1CC28] =	vst v63  }
0x2db: {  	s8 =	smov.u32 s5  }
0x2dc: {  	p0 =	sne.s32 s5, $0x13800;
	s5 =	sadd.s32 $0x400, s5;
	_ =	swait.ge [sflag:s26], $0x1000  }
0x2dd: {  	s8 =	sshra.s32 s8, $0x2;
	[sflag:s26] =	ssyncset.done $0x0  }
0x2de: {  	s9 =	sadd.s32 $0x5000, s8;
	[sflag:s26] =	ssyncadd.s32 $0xFFFFF000  }
0x2df: {  	[spmem:s3] =	stream.indirect.scatter.add.f32 [tilespmem:s16], [sflag:$0x5], $0x20, s9, s24, $0xb8;
	[tilespmem:$0x1CC28] =	vst v63  }
0x2e0: {  	_ =	swait.ge [sflag:s28], $0x1000  }
0x2e1: {  	[sflag:s28] =	ssyncset.done $0x0  }
0x2e2: {  	s9 =	sadd.s32 $0x5080, s8;
	[sflag:s28] =	ssyncadd.s32 $0xFFFFF000  }
0x2e3: {  	[spmem:s3] =	stream.indirect.scatter.add.f32 [tilespmem:s17], [sflag:$0x6], $0x20, s9, s24, $0xb8;
	[tilespmem:$0x1CC28] =	vst v63  }
0x2e4: {  	_ =	swait.ge [sflag:s31], $0x1000  }
0x2e5: {  	[sflag:s31] =	ssyncset.done $0x0  }
.Ltmp12:
0x2e6: {  	s9 =	sadd.s32 $0x100, s8;
	[sflag:s31] =	ssyncadd.s32 $0xFFFFF000;
	(pc) =	sbr.rel @p0 .LBB2_26-.Ltmp12, $4  }
0x2e7: {  	[tilespmem:s16], [sflag:$0x1] =	stream.indirect.gather [spmem:s4], $0x20, s9, s24, $0xb8;
	[tilespmem:$0x1CC28] =	vst v63  }
0x2e8: {  	_ =	swait.ge [sflag:s0], $0x1000  }
0x2e9: {  	[sflag:s0] =	ssyncset.done $0x0  }
0x2ea: {  	s8 =	sadd.s32 $0x180, s8;
	[sflag:s0] =	ssyncadd.s32 $0xFFFFF000  }
0x2eb: {  	[tilespmem:s17], [sflag:$0x2] =	stream.indirect.gather [spmem:s4], $0x20, s8, s24, $0xb8;
	[tilespmem:$0x1CC28] =	vst v63  }
0x2ec: {  	_ =	swait.ge [sflag:s26], $0x1000  }
0x2ed: {  	[sflag:s26] =	ssyncset.done $0x0  }
0x2ee: {  	s5 =	simm.s32 $0x9F00;
	[sflag:s26] =	ssyncadd.s32 $0xFFFFF000  }
0x2ef: {  	[spmem:s3] =	stream.indirect.scatter.add.f32 [tilespmem:s16], [sflag:$0x5], $0x20, s5, s24, $0xb8;
	[tilespmem:$0x1CC28] =	vst v63  }
0x2f0: {  	_ =	swait.ge [sflag:s28], $0x1000  }
0x2f1: {  	[sflag:s28] =	ssyncset.done $0x0  }
0x2f2: {  	s22 =	simm.s32 $0x9F80;
	[sflag:s28] =	ssyncadd.s32 $0xFFFFF000  }
0x2f3: {  	[spmem:s3] =	stream.indirect.scatter.add.f32 [tilespmem:s17], [sflag:$0x6], $0x20, s22, s24, $0xb8;
	[tilespmem:$0x1CC28] =	vst v63  }
0x2f4: {  	_ =	swait.ge [sflag:s31], $0x1000  }
0x2f5: {  	[sflag:s31] =	ssyncset.done $0x0  }
0x2f6: {  	[sflag:s31] =	ssyncadd.s32 $0xFFFFF000  }
0x2f7: {  	_ =	swait.ge [sflag:s0], $0x1000  }
0x2f8: {  	[sflag:s0] =	ssyncset.done $0x0  }
0x2f9: {  	s10 =	simm.s32 $0x0;
	[sflag:s0] =	ssyncadd.s32 $0xFFFFF000  }
0x2fa: {  	s14 =	simm.s32 $0x0;
	s5 =	simm.s32 $0x0;
	[bflag:$0x0] =	sbarrier.arrive $0xFFFF  }
.LBB2_28:
0x2fb: {  	p0 =	seq.s32 s14, $0x0  }
0x2fc: {  	s8 =	simm.s32 @!p0 $0x5  }
0x2fd: {  	_ =	swait.ge @!p0 [sflag:s8], $0x1400  }
0x2fe: {  	[sflag:s8] =	ssyncset.done @!p0 $0x0  }
0x2ff: {  	[sflag:s8] =	ssyncadd.s32 @!p0 $0xFFFFEC00;
	s8 =	simm.s32 @!p0 $0x6  }
0x300: {  	s9 =	smul.u32 $0xA0, s14;
	_ =	swait.ge @!p0 [sflag:s8], $0x1400  }
0x301: {  	[sflag:s8] =	ssyncset.done @!p0 $0x0  }
0x302: {  	s9 =	sadd.s32 s7, s9;
	[sflag:s8] =	ssyncadd.s32 @!p0 $0xFFFFEC00;
	s8 =	simm.s32 @!p0 $0x7  }
0x303: {  	s18 =	sshll.u32 s9, $0x5;
	_ =	swait.ge @!p0 [sflag:s8], $0x1400  }
0x304: {  	s19 =	sadd.s32 s18, s3;
	s20 =	sadd.s32 s13, s18;
	[sflag:s8] =	ssyncset.done @!p0 $0x0  }
0x305: {  	s22 =	rddreg [dreg:$0x6];
	[sflag:s8] =	ssyncadd.s32 @!p0 $0xFFFFEC00;
	s8 =	sshrl.u32 s20, $0x3  }
0x306: {  	[tilespmem:s12], [sflag:$0x1] =	stream.linear.gather [spmem:s19], $0x1400, $0x38;
	[tilespmem:$0x1CC28] =	vst v63  }
0x307: {  	s15 =	simm.s32 $0xD400;
	s22 =	sadd.s32 s22, s8;
	s8 =	sadd.s32 s6, s8  }
0x308: {  	[tilespmem:s15], [sflag:$0x2] =	stream.linear.gather [hbm4b:s22+s5], $0x1400, $0x38;
	[tilespmem:$0x1CC28] =	vst v63  }
0x309: {  	s20 =	simm.s32 $0xE800;
	s8 =	sadd.s32 $0x50000, s8  }
0x30a: {  	[tilespmem:s20], [sflag:$0x3] =	stream.linear.gather [hbm4b:s8+s5], $0x1400, $0x38;
	[tilespmem:$0x1CC28] =	vst v63  }
0x30b: {  	_ =	swait.ge [sflag:s26], $0x1400  }
0x30c: {  	[sflag:s26] =	ssyncset.done $0x0  }
0x30d: {  	[sflag:s26] =	ssyncadd.s32 $0xFFFFEC00  }
0x30e: {  	_ =	swait.ge [sflag:s28], $0x1400  }
0x30f: {  	v3 =	vmov s10;
	[sflag:s28] =	ssyncset.done $0x0  }
0x310: {  	[sflag:s28] =	ssyncadd.s32 $0xFFFFEC00  }
0x311: {  	_ =	swait.ge [sflag:s29], $0x1400  }
0x312: {  	[sflag:s29] =	ssyncset.done $0x0  }
0x313: {  	[sflag:s29] =	ssyncadd.s32 $0xFFFFEC00  }
0x314: {  	s15 =	simm.s32 $0x0;
	v3 =	vld.idx.msk [tilespmem:v3+s11+$0x0], $0xffff  }
0x315: {  	v4 =	vld [tilespmem:s15+$0xC010]  }
0x316: {  	v5 =	vld [tilespmem:s15+$0xC000]  }
0x317: {  	v6 =	vld [tilespmem:s15+$0xE800]  }
0x318: {  	v7 =	vld [tilespmem:s15+$0xE810]  }
0x319: {  	v9 =	vld [tilespmem:s15+$0xD400];
	v8 =	vadd.f32 v3, v3  }
0x31a: {  	v10 =	vld [tilespmem:s15+$0xD410]  }
0x31b: {  	v5 =	vmul.f32 v5, v8;
	v4 =	vmul.f32 v4, v8;
	_ =	sdelay $0x1  }
0x31c: {  	v5 =	vsub.f32 v6, v5;
	v4 =	vsub.f32 v7, v4;
	_ =	sdelay $0x1  }
0x31d: {  	s9 =	sadd.s32 $0x1, s10;
	v6 =	vsub.f32 v5, v9;
	v5 =	vsub.f32 v4, v10  }
0x31e: {  	s8 =	simm.s32 $0x80;
	s20 =	simm.s32 $0x100;
	v4 =	vmov s9  }
.LBB2_29:
0x31f: {  	p0 =	sne.s32 s20, $0x4F80;
	[tilespmem:s15+$0xFC00] =	vst v6;
	v6 =	vmul.f32 v6, v3;
	v3 =	vmul.f32 v5, v3  }
0x320: {  	[tilespmem:s15+$0xFC10] =	vst v5  }
0x321: {  	[tilespmem:s15+$0xC000] =	vst v6  }
0x322: {  	[tilespmem:s15+$0xC010] =	vst v3  }
0x323: {  	v3 =	vld.idx.msk [tilespmem:v4+s11+$0x0], $0xffff  }
0x324: {  	s15 =	sshra.s32 s8, $0x2;
	s8 =	smov.u32 s20  }
0x325: {  	v4 =	vld [tilespmem:s15+$0xC010]  }
0x326: {  	v5 =	vld [tilespmem:s15+$0xC000]  }
0x327: {  	v6 =	vld [tilespmem:s15+$0xE800]  }
0x328: {  	v7 =	vld [tilespmem:s15+$0xE810]  }
0x329: {  	v8 =	vadd.f32 v3, v3;
	v9 =	vld [tilespmem:s15+$0xD400]  }
0x32a: {  	v10 =	vld [tilespmem:s15+$0xD410]  }
0x32b: {  	v4 =	vmul.f32 v4, v8;
	v5 =	vmul.f32 v5, v8  }
.Ltmp13:
0x32c: {  	(pc) =	sbr.rel @p0 .LBB2_29-.Ltmp13, $3  }
0x32d: {  	v5 =	vsub.f32 v6, v5;
	v4 =	vsub.f32 v7, v4;
	_ =	sdelay $0x1  }
0x32e: {  	s9 =	sadd.s32 $0x1, s9;
	v6 =	vsub.f32 v5, v9;
	v5 =	vsub.f32 v4, v10  }
0x32f: {  	s20 =	sadd.s32 $0x80, s20;
	v4 =	vmov s9  }
0x330: {  	[tilespmem:s15+$0xFC00] =	vst v6;
	v62 =	vmul.f32 v6, v3  }
0x331: {  	v3 =	vmul.f32 v5, v3;
	[tilespmem:s15+$0xFC10] =	vst v5  }
0x332: {  	[tilespmem:s15+$0xC000] =	vst v62  }
0x333: {  	[tilespmem:s15+$0xC010] =	vst v3  }
0x334: {  	v3 =	vld.idx.msk [tilespmem:v4+s11+$0x0], $0xffff  }
0x335: {  	s8 =	sshra.s32 s8, $0x2  }
0x336: {  	v63 =	vld [tilespmem:s8+$0xC000]  }
0x337: {  	v5 =	vld [tilespmem:s8+$0xC010]  }
0x338: {  	v6 =	vld [tilespmem:s8+$0xE800]  }
0x339: {  	v7 =	vld [tilespmem:s8+$0xE810];
	v8 =	vadd.f32 v3, v3  }
0x33a: {  	v9 =	vld [tilespmem:s8+$0xD400]  }
0x33b: {  	v10 =	vld [tilespmem:s8+$0xD410];
	v4 =	vmul.f32 v63, v8  }
0x33c: {  	v5 =	vmul.f32 v5, v8  }
0x33d: {  	v4 =	vsub.f32 v6, v4  }
0x33e: {  	v5 =	vsub.f32 v7, v5  }
0x33f: {  	v4 =	vsub.f32 v4, v9  }
0x340: {  	v5 =	vsub.f32 v5, v10  }
0x341: {  	[tilespmem:s8+$0xFC00] =	vst v4;
	v4 =	vmul.f32 v4, v3  }
0x342: {  	v3 =	vmul.f32 v5, v3;
	[tilespmem:s8+$0xFC10] =	vst v5  }
0x343: {  	s14 =	sadd.s32 $0x1, s14;
	[tilespmem:s8+$0xC000] =	vst v4  }
0x344: {  	s9 =	simm.s32 $0xFC00;
	p0 =	sne.s32 s14, $0x4;
	s15 =	simm.s32 $0x0;
	[tilespmem:s8+$0xC010] =	vst v3  }
0x345: {  	[hbm4b:s22+s15] =	stream.linear.scatter [tilespmem:s9], [sflag:$0x5], $0x1400, $0x38;
	[tilespmem:$0x1CC28] =	vst v63  }
.Ltmp14:
0x346: {  	_ = 	snop;
	(pc) =	sbr.rel @p0 .LBB2_28-.Ltmp14, $4  }
0x347: {  	s20 =	sadd.s32 s18, s4  }
0x348: {  	[spmem:s20] =	stream.linear.scatter [tilespmem:s12], [sflag:$0x6], $0x1400, $0x38;
	[tilespmem:$0x1CC28] =	vst v63  }
0x349: {  	s10 =	sadd.s32 $0xA0, s10;
	s22 =	simm.s32 $0x11000  }
0x34a: {  	[spmem:s19] =	stream.linear.scatter [tilespmem:s22], [sflag:$0x7], $0x1400, $0x38;
	[tilespmem:$0x1CC28] =	vst v63  }
0x34b: {  	_ =	swait.ge [sflag:s31], $0x1400  }
0x34c: {  	[sflag:s31] =	ssyncset.done $0x0  }
0x34d: {  	[sflag:s31] =	ssyncadd.s32 $0xFFFFEC00  }
0x34e: {  	_ =	swait.ge [sflag:s0], $0x1400  }
0x34f: {  	[sflag:s0] =	ssyncset.done $0x0  }
0x350: {  	[sflag:s0] =	ssyncadd.s32 $0xFFFFEC00  }
0x351: {  	_ =	swait.ge [sflag:s1], $0x1400  }
0x352: {  	[sflag:s1] =	ssyncset.done $0x0  }
0x353: {  	[sflag:s1] =	ssyncadd.s32 $0xFFFFEC00  }
0x354: {  	s5 =	simm.s32 $0x0;
	[bflag:$0x0] =	sbarrier.arrive $0xFFFF  }
0x355: {  	[tilespmem:s16], [sflag:$0x1] =	stream.indirect.gather [spmem:s4], $0x20, s5, s24, $0xb8;
	[tilespmem:$0x1CC28] =	vst v63  }
0x356: {  	_ = 	snop  }
0x357: {  	[tilespmem:s17], [sflag:$0x2] =	stream.indirect.gather [spmem:s4], $0x20, s24, s24, $0xb8;
	[tilespmem:$0x1CC28] =	vst v63  }
0x358: {  	_ =	swait.ge [sflag:s26], $0x1000  }
0x359: {  	[sflag:s26] =	ssyncset.done $0x0  }
0x35a: {  	s19 =	simm.s32 $0x5000;
	[sflag:s26] =	ssyncadd.s32 $0xFFFFF000  }
0x35b: {  	[spmem:s3] =	stream.indirect.scatter.add.f32 [tilespmem:s16], [sflag:$0x5], $0x20, s19, s24, $0xb8;
	[tilespmem:$0x1CC28] =	vst v63  }
0x35c: {  	_ =	swait.ge [sflag:s28], $0x1000  }
0x35d: {  	[sflag:s28] =	ssyncset.done $0x0  }
0x35e: {  	s20 =	simm.s32 $0x5080;
	[sflag:s28] =	ssyncadd.s32 $0xFFFFF000  }
0x35f: {  	[spmem:s3] =	stream.indirect.scatter.add.f32 [tilespmem:s17], [sflag:$0x6], $0x20, s20, s24, $0xb8;
	[tilespmem:$0x1CC28] =	vst v63  }
0x360: {  	_ =	swait.ge [sflag:s31], $0x1000  }
0x361: {  	[sflag:s31] =	ssyncset.done $0x0  }
0x362: {  	s22 =	simm.s32 $0x100;
	[sflag:s31] =	ssyncadd.s32 $0xFFFFF000  }
0x363: {  	[tilespmem:s16], [sflag:$0x1] =	stream.indirect.gather [spmem:s4], $0x20, s22, s24, $0xb8;
	[tilespmem:$0x1CC28] =	vst v63  }
0x364: {  	_ =	swait.ge [sflag:s0], $0x1000  }
0x365: {  	[sflag:s0] =	ssyncset.done $0x0  }
0x366: {  	s8 =	simm.s32 $0x180;
	s5 =	simm.s32 $0x400;
	[sflag:s0] =	ssyncadd.s32 $0xFFFFF000  }
.LBB2_32:
0x367: {  	[tilespmem:s17], [sflag:$0x2] =	stream.indirect.gather [spmem:s4], $0x20, s8, s24, $0xb8;
	[tilespmem:$0x1CC28] =	vst v63  }
0x368: {  	s8 =	smov.u32 s5  }
0x369: {  	p0 =	sne.s32 s5, $0x13800;
	s5 =	sadd.s32 $0x400, s5;
	_ =	swait.ge [sflag:s26], $0x1000  }
0x36a: {  	s8 =	sshra.s32 s8, $0x2;
	[sflag:s26] =	ssyncset.done $0x0  }
0x36b: {  	s9 =	sadd.s32 $0x5000, s8;
	[sflag:s26] =	ssyncadd.s32 $0xFFFFF000  }
0x36c: {  	[spmem:s3] =	stream.indirect.scatter.add.f32 [tilespmem:s16], [sflag:$0x5], $0x20, s9, s24, $0xb8;
	[tilespmem:$0x1CC28] =	vst v63  }
0x36d: {  	_ =	swait.ge [sflag:s28], $0x1000  }
0x36e: {  	[sflag:s28] =	ssyncset.done $0x0  }
0x36f: {  	s9 =	sadd.s32 $0x5080, s8;
	[sflag:s28] =	ssyncadd.s32 $0xFFFFF000  }
0x370: {  	[spmem:s3] =	stream.indirect.scatter.add.f32 [tilespmem:s17], [sflag:$0x6], $0x20, s9, s24, $0xb8;
	[tilespmem:$0x1CC28] =	vst v63  }
0x371: {  	_ =	swait.ge [sflag:s31], $0x1000  }
0x372: {  	[sflag:s31] =	ssyncset.done $0x0  }
.Ltmp15:
0x373: {  	s9 =	sadd.s32 $0x100, s8;
	[sflag:s31] =	ssyncadd.s32 $0xFFFFF000;
	(pc) =	sbr.rel @p0 .LBB2_32-.Ltmp15, $4  }
0x374: {  	[tilespmem:s16], [sflag:$0x1] =	stream.indirect.gather [spmem:s4], $0x20, s9, s24, $0xb8;
	[tilespmem:$0x1CC28] =	vst v63  }
0x375: {  	_ =	swait.ge [sflag:s0], $0x1000  }
0x376: {  	[sflag:s0] =	ssyncset.done $0x0  }
0x377: {  	s8 =	sadd.s32 $0x180, s8;
	[sflag:s0] =	ssyncadd.s32 $0xFFFFF000  }
0x378: {  	[tilespmem:s17], [sflag:$0x2] =	stream.indirect.gather [spmem:s4], $0x20, s8, s24, $0xb8;
	[tilespmem:$0x1CC28] =	vst v63  }
0x379: {  	_ =	swait.ge [sflag:s26], $0x1000  }
0x37a: {  	[sflag:s26] =	ssyncset.done $0x0  }
0x37b: {  	s5 =	simm.s32 $0x9F00;
	[sflag:s26] =	ssyncadd.s32 $0xFFFFF000  }
0x37c: {  	[spmem:s3] =	stream.indirect.scatter.add.f32 [tilespmem:s16], [sflag:$0x5], $0x20, s5, s24, $0xb8;
	[tilespmem:$0x1CC28] =	vst v63  }
0x37d: {  	_ =	swait.ge [sflag:s28], $0x1000  }
0x37e: {  	[sflag:s28] =	ssyncset.done $0x0  }
0x37f: {  	s22 =	simm.s32 $0x9F80;
	[sflag:s28] =	ssyncadd.s32 $0xFFFFF000  }
0x380: {  	[spmem:s3] =	stream.indirect.scatter.add.f32 [tilespmem:s17], [sflag:$0x6], $0x20, s22, s24, $0xb8;
	[tilespmem:$0x1CC28] =	vst v63  }
0x381: {  	_ =	swait.ge [sflag:s31], $0x1000  }
0x382: {  	[sflag:s31] =	ssyncset.done $0x0  }
0x383: {  	[sflag:s31] =	ssyncadd.s32 $0xFFFFF000  }
0x384: {  	_ =	swait.ge [sflag:s0], $0x1000  }
0x385: {  	[sflag:s0] =	ssyncset.done $0x0  }
0x386: {  	s10 =	simm.s32 $0x0;
	[sflag:s0] =	ssyncadd.s32 $0xFFFFF000  }
0x387: {  	s14 =	simm.s32 $0x0;
	s5 =	simm.s32 $0x0;
	[bflag:$0x0] =	sbarrier.arrive $0xFFFF  }
.LBB2_34:
0x388: {  	p0 =	seq.s32 s14, $0x0  }
0x389: {  	s8 =	simm.s32 @!p0 $0x5  }
0x38a: {  	_ =	swait.ge @!p0 [sflag:s8], $0x1400  }
0x38b: {  	[sflag:s8] =	ssyncset.done @!p0 $0x0  }
0x38c: {  	[sflag:s8] =	ssyncadd.s32 @!p0 $0xFFFFEC00;
	s8 =	simm.s32 @!p0 $0x6  }
0x38d: {  	s9 =	smul.u32 $0xA0, s14;
	_ =	swait.ge @!p0 [sflag:s8], $0x1400  }
0x38e: {  	[sflag:s8] =	ssyncset.done @!p0 $0x0  }
0x38f: {  	s9 =	sadd.s32 s7, s9;
	[sflag:s8] =	ssyncadd.s32 @!p0 $0xFFFFEC00;
	s8 =	simm.s32 @!p0 $0x7  }
0x390: {  	s18 =	sshll.u32 s9, $0x5;
	_ =	swait.ge @!p0 [sflag:s8], $0x1400  }
0x391: {  	s19 =	sadd.s32 s18, s3;
	s20 =	sadd.s32 s13, s18;
	[sflag:s8] =	ssyncset.done @!p0 $0x0  }
0x392: {  	s22 =	rddreg [dreg:$0x5];
	[sflag:s8] =	ssyncadd.s32 @!p0 $0xFFFFEC00;
	s8 =	sshrl.u32 s20, $0x3  }
0x393: {  	[tilespmem:s12], [sflag:$0x1] =	stream.linear.gather [spmem:s19], $0x1400, $0x38;
	[tilespmem:$0x1CC28] =	vst v63  }
0x394: {  	s15 =	simm.s32 $0xD400;
	s22 =	sadd.s32 s22, s8;
	s8 =	sadd.s32 s6, s8  }
0x395: {  	[tilespmem:s15], [sflag:$0x2] =	stream.linear.gather [hbm4b:s22+s5], $0x1400, $0x38;
	[tilespmem:$0x1CC28] =	vst v63  }
0x396: {  	s20 =	simm.s32 $0xE800;
	s8 =	sadd.s32 $0x3C000, s8  }
0x397: {  	[tilespmem:s20], [sflag:$0x3] =	stream.linear.gather [hbm4b:s8+s5], $0x1400, $0x38;
	[tilespmem:$0x1CC28] =	vst v63  }
0x398: {  	_ =	swait.ge [sflag:s26], $0x1400  }
0x399: {  	[sflag:s26] =	ssyncset.done $0x0  }
0x39a: {  	[sflag:s26] =	ssyncadd.s32 $0xFFFFEC00  }
0x39b: {  	_ =	swait.ge [sflag:s28], $0x1400  }
0x39c: {  	v3 =	vmov s10;
	[sflag:s28] =	ssyncset.done $0x0  }
0x39d: {  	[sflag:s28] =	ssyncadd.s32 $0xFFFFEC00  }
0x39e: {  	_ =	swait.ge [sflag:s29], $0x1400  }
0x39f: {  	[sflag:s29] =	ssyncset.done $0x0  }
0x3a0: {  	[sflag:s29] =	ssyncadd.s32 $0xFFFFEC00  }
0x3a1: {  	s15 =	simm.s32 $0x0;
	v3 =	vld.idx.msk [tilespmem:v3+s11+$0x0], $0xffff  }
0x3a2: {  	v4 =	vld [tilespmem:s15+$0xC010]  }
0x3a3: {  	v5 =	vld [tilespmem:s15+$0xC000]  }
0x3a4: {  	v6 =	vld [tilespmem:s15+$0xE800]  }
0x3a5: {  	v7 =	vld [tilespmem:s15+$0xE810]  }
0x3a6: {  	v9 =	vld [tilespmem:s15+$0xD400];
	v8 =	vadd.f32 v3, v3  }
0x3a7: {  	v10 =	vld [tilespmem:s15+$0xD410]  }
0x3a8: {  	v5 =	vmul.f32 v5, v8;
	v4 =	vmul.f32 v4, v8;
	_ =	sdelay $0x1  }
0x3a9: {  	v5 =	vsub.f32 v6, v5;
	v4 =	vsub.f32 v7, v4;
	_ =	sdelay $0x1  }
0x3aa: {  	s9 =	sadd.s32 $0x1, s10;
	v6 =	vsub.f32 v5, v9;
	v5 =	vsub.f32 v4, v10  }
0x3ab: {  	s8 =	simm.s32 $0x80;
	s20 =	simm.s32 $0x100;
	v4 =	vmov s9  }
.LBB2_35:
0x3ac: {  	p0 =	sne.s32 s20, $0x4F80;
	[tilespmem:s15+$0xFC00] =	vst v6;
	v6 =	vmul.f32 v6, v3;
	v3 =	vmul.f32 v5, v3  }
0x3ad: {  	[tilespmem:s15+$0xFC10] =	vst v5  }
0x3ae: {  	[tilespmem:s15+$0xC000] =	vst v6  }
0x3af: {  	[tilespmem:s15+$0xC010] =	vst v3  }
0x3b0: {  	v3 =	vld.idx.msk [tilespmem:v4+s11+$0x0], $0xffff  }
0x3b1: {  	s15 =	sshra.s32 s8, $0x2;
	s8 =	smov.u32 s20  }
0x3b2: {  	v4 =	vld [tilespmem:s15+$0xC010]  }
0x3b3: {  	v5 =	vld [tilespmem:s15+$0xC000]  }
0x3b4: {  	v6 =	vld [tilespmem:s15+$0xE800]  }
0x3b5: {  	v7 =	vld [tilespmem:s15+$0xE810]  }
0x3b6: {  	v8 =	vadd.f32 v3, v3;
	v9 =	vld [tilespmem:s15+$0xD400]  }
0x3b7: {  	v10 =	vld [tilespmem:s15+$0xD410]  }
0x3b8: {  	v4 =	vmul.f32 v4, v8;
	v5 =	vmul.f32 v5, v8  }
.Ltmp16:
0x3b9: {  	(pc) =	sbr.rel @p0 .LBB2_35-.Ltmp16, $3  }
0x3ba: {  	v5 =	vsub.f32 v6, v5;
	v4 =	vsub.f32 v7, v4;
	_ =	sdelay $0x1  }
0x3bb: {  	s9 =	sadd.s32 $0x1, s9;
	v6 =	vsub.f32 v5, v9;
	v5 =	vsub.f32 v4, v10  }
0x3bc: {  	s20 =	sadd.s32 $0x80, s20;
	v4 =	vmov s9  }
0x3bd: {  	[tilespmem:s15+$0xFC00] =	vst v6;
	v62 =	vmul.f32 v6, v3  }
0x3be: {  	v3 =	vmul.f32 v5, v3;
	[tilespmem:s15+$0xFC10] =	vst v5  }
0x3bf: {  	[tilespmem:s15+$0xC000] =	vst v62  }
0x3c0: {  	[tilespmem:s15+$0xC010] =	vst v3  }
0x3c1: {  	v3 =	vld.idx.msk [tilespmem:v4+s11+$0x0], $0xffff  }
0x3c2: {  	s8 =	sshra.s32 s8, $0x2  }
0x3c3: {  	v63 =	vld [tilespmem:s8+$0xC000]  }
0x3c4: {  	v5 =	vld [tilespmem:s8+$0xC010]  }
0x3c5: {  	v6 =	vld [tilespmem:s8+$0xE800]  }
0x3c6: {  	v7 =	vld [tilespmem:s8+$0xE810];
	v8 =	vadd.f32 v3, v3  }
0x3c7: {  	v9 =	vld [tilespmem:s8+$0xD400]  }
0x3c8: {  	v10 =	vld [tilespmem:s8+$0xD410];
	v4 =	vmul.f32 v63, v8  }
0x3c9: {  	v5 =	vmul.f32 v5, v8  }
0x3ca: {  	v4 =	vsub.f32 v6, v4  }
0x3cb: {  	v5 =	vsub.f32 v7, v5  }
0x3cc: {  	v4 =	vsub.f32 v4, v9  }
0x3cd: {  	v5 =	vsub.f32 v5, v10  }
0x3ce: {  	[tilespmem:s8+$0xFC00] =	vst v4;
	v4 =	vmul.f32 v4, v3  }
0x3cf: {  	v3 =	vmul.f32 v5, v3;
	[tilespmem:s8+$0xFC10] =	vst v5  }
0x3d0: {  	s14 =	sadd.s32 $0x1, s14;
	[tilespmem:s8+$0xC000] =	vst v4  }
0x3d1: {  	s9 =	simm.s32 $0xFC00;
	p0 =	sne.s32 s14, $0x4;
	s15 =	simm.s32 $0x0;
	[tilespmem:s8+$0xC010] =	vst v3  }
0x3d2: {  	[hbm4b:s22+s15] =	stream.linear.scatter [tilespmem:s9], [sflag:$0x5], $0x1400, $0x38;
	[tilespmem:$0x1CC28] =	vst v63  }
.Ltmp17:
0x3d3: {  	_ = 	snop;
	(pc) =	sbr.rel @p0 .LBB2_34-.Ltmp17, $4  }
0x3d4: {  	s20 =	sadd.s32 s18, s4  }
0x3d5: {  	[spmem:s20] =	stream.linear.scatter [tilespmem:s12], [sflag:$0x6], $0x1400, $0x38;
	[tilespmem:$0x1CC28] =	vst v63  }
0x3d6: {  	s10 =	sadd.s32 $0xA0, s10;
	s22 =	simm.s32 $0x11000  }
0x3d7: {  	[spmem:s19] =	stream.linear.scatter [tilespmem:s22], [sflag:$0x7], $0x1400, $0x38;
	[tilespmem:$0x1CC28] =	vst v63  }
0x3d8: {  	_ =	swait.ge [sflag:s31], $0x1400  }
0x3d9: {  	[sflag:s31] =	ssyncset.done $0x0  }
0x3da: {  	[sflag:s31] =	ssyncadd.s32 $0xFFFFEC00  }
0x3db: {  	_ =	swait.ge [sflag:s0], $0x1400  }
0x3dc: {  	[sflag:s0] =	ssyncset.done $0x0  }
0x3dd: {  	[sflag:s0] =	ssyncadd.s32 $0xFFFFEC00  }
0x3de: {  	_ =	swait.ge [sflag:s1], $0x1400  }
0x3df: {  	[sflag:s1] =	ssyncset.done $0x0  }
0x3e0: {  	[sflag:s1] =	ssyncadd.s32 $0xFFFFEC00  }
0x3e1: {  	s5 =	simm.s32 $0x0;
	[bflag:$0x0] =	sbarrier.arrive $0xFFFF  }
0x3e2: {  	[tilespmem:s16], [sflag:$0x1] =	stream.indirect.gather [spmem:s4], $0x20, s5, s24, $0xb8;
	[tilespmem:$0x1CC28] =	vst v63  }
0x3e3: {  	_ = 	snop  }
0x3e4: {  	[tilespmem:s17], [sflag:$0x2] =	stream.indirect.gather [spmem:s4], $0x20, s24, s24, $0xb8;
	[tilespmem:$0x1CC28] =	vst v63  }
0x3e5: {  	_ =	swait.ge [sflag:s26], $0x1000  }
0x3e6: {  	[sflag:s26] =	ssyncset.done $0x0  }
0x3e7: {  	s19 =	simm.s32 $0x5000;
	[sflag:s26] =	ssyncadd.s32 $0xFFFFF000  }
0x3e8: {  	[spmem:s3] =	stream.indirect.scatter.add.f32 [tilespmem:s16], [sflag:$0x5], $0x20, s19, s24, $0xb8;
	[tilespmem:$0x1CC28] =	vst v63  }
0x3e9: {  	_ =	swait.ge [sflag:s28], $0x1000  }
0x3ea: {  	[sflag:s28] =	ssyncset.done $0x0  }
0x3eb: {  	s20 =	simm.s32 $0x5080;
	[sflag:s28] =	ssyncadd.s32 $0xFFFFF000  }
0x3ec: {  	[spmem:s3] =	stream.indirect.scatter.add.f32 [tilespmem:s17], [sflag:$0x6], $0x20, s20, s24, $0xb8;
	[tilespmem:$0x1CC28] =	vst v63  }
0x3ed: {  	_ =	swait.ge [sflag:s31], $0x1000  }
0x3ee: {  	[sflag:s31] =	ssyncset.done $0x0  }
0x3ef: {  	s22 =	simm.s32 $0x100;
	[sflag:s31] =	ssyncadd.s32 $0xFFFFF000  }
0x3f0: {  	[tilespmem:s16], [sflag:$0x1] =	stream.indirect.gather [spmem:s4], $0x20, s22, s24, $0xb8;
	[tilespmem:$0x1CC28] =	vst v63  }
0x3f1: {  	_ =	swait.ge [sflag:s0], $0x1000  }
0x3f2: {  	[sflag:s0] =	ssyncset.done $0x0  }
0x3f3: {  	s8 =	simm.s32 $0x180;
	s5 =	simm.s32 $0x400;
	[sflag:s0] =	ssyncadd.s32 $0xFFFFF000  }
.LBB2_38:
0x3f4: {  	[tilespmem:s17], [sflag:$0x2] =	stream.indirect.gather [spmem:s4], $0x20, s8, s24, $0xb8;
	[tilespmem:$0x1CC28] =	vst v63  }
0x3f5: {  	s8 =	smov.u32 s5  }
0x3f6: {  	p0 =	sne.s32 s5, $0x13800;
	s5 =	sadd.s32 $0x400, s5;
	_ =	swait.ge [sflag:s26], $0x1000  }
0x3f7: {  	s8 =	sshra.s32 s8, $0x2;
	[sflag:s26] =	ssyncset.done $0x0  }
0x3f8: {  	s9 =	sadd.s32 $0x5000, s8;
	[sflag:s26] =	ssyncadd.s32 $0xFFFFF000  }
0x3f9: {  	[spmem:s3] =	stream.indirect.scatter.add.f32 [tilespmem:s16], [sflag:$0x5], $0x20, s9, s24, $0xb8;
	[tilespmem:$0x1CC28] =	vst v63  }
0x3fa: {  	_ =	swait.ge [sflag:s28], $0x1000  }
0x3fb: {  	[sflag:s28] =	ssyncset.done $0x0  }
0x3fc: {  	s9 =	sadd.s32 $0x5080, s8;
	[sflag:s28] =	ssyncadd.s32 $0xFFFFF000  }
0x3fd: {  	[spmem:s3] =	stream.indirect.scatter.add.f32 [tilespmem:s17], [sflag:$0x6], $0x20, s9, s24, $0xb8;
	[tilespmem:$0x1CC28] =	vst v63  }
0x3fe: {  	_ =	swait.ge [sflag:s31], $0x1000  }
0x3ff: {  	[sflag:s31] =	ssyncset.done $0x0  }
.Ltmp18:
0x400: {  	s9 =	sadd.s32 $0x100, s8;
	[sflag:s31] =	ssyncadd.s32 $0xFFFFF000;
	(pc) =	sbr.rel @p0 .LBB2_38-.Ltmp18, $4  }
0x401: {  	[tilespmem:s16], [sflag:$0x1] =	stream.indirect.gather [spmem:s4], $0x20, s9, s24, $0xb8;
	[tilespmem:$0x1CC28] =	vst v63  }
0x402: {  	_ =	swait.ge [sflag:s0], $0x1000  }
0x403: {  	[sflag:s0] =	ssyncset.done $0x0  }
0x404: {  	s8 =	sadd.s32 $0x180, s8;
	[sflag:s0] =	ssyncadd.s32 $0xFFFFF000  }
0x405: {  	[tilespmem:s17], [sflag:$0x2] =	stream.indirect.gather [spmem:s4], $0x20, s8, s24, $0xb8;
	[tilespmem:$0x1CC28] =	vst v63  }
0x406: {  	_ =	swait.ge [sflag:s26], $0x1000  }
0x407: {  	[sflag:s26] =	ssyncset.done $0x0  }
0x408: {  	s5 =	simm.s32 $0x9F00;
	[sflag:s26] =	ssyncadd.s32 $0xFFFFF000  }
0x409: {  	[spmem:s3] =	stream.indirect.scatter.add.f32 [tilespmem:s16], [sflag:$0x5], $0x20, s5, s24, $0xb8;
	[tilespmem:$0x1CC28] =	vst v63  }
0x40a: {  	_ =	swait.ge [sflag:s28], $0x1000  }
0x40b: {  	[sflag:s28] =	ssyncset.done $0x0  }
0x40c: {  	s22 =	simm.s32 $0x9F80;
	[sflag:s28] =	ssyncadd.s32 $0xFFFFF000  }
0x40d: {  	[spmem:s3] =	stream.indirect.scatter.add.f32 [tilespmem:s17], [sflag:$0x6], $0x20, s22, s24, $0xb8;
	[tilespmem:$0x1CC28] =	vst v63  }
0x40e: {  	_ =	swait.ge [sflag:s31], $0x1000  }
0x40f: {  	[sflag:s31] =	ssyncset.done $0x0  }
0x410: {  	[sflag:s31] =	ssyncadd.s32 $0xFFFFF000  }
0x411: {  	_ =	swait.ge [sflag:s0], $0x1000  }
0x412: {  	[sflag:s0] =	ssyncset.done $0x0  }
0x413: {  	s10 =	simm.s32 $0x0;
	[sflag:s0] =	ssyncadd.s32 $0xFFFFF000  }
0x414: {  	s14 =	simm.s32 $0x0;
	s5 =	simm.s32 $0x0;
	[bflag:$0x0] =	sbarrier.arrive $0xFFFF  }
.LBB2_40:
0x415: {  	p0 =	seq.s32 s14, $0x0  }
0x416: {  	s8 =	simm.s32 @!p0 $0x5  }
0x417: {  	_ =	swait.ge @!p0 [sflag:s8], $0x1400  }
0x418: {  	[sflag:s8] =	ssyncset.done @!p0 $0x0  }
0x419: {  	[sflag:s8] =	ssyncadd.s32 @!p0 $0xFFFFEC00;
	s8 =	simm.s32 @!p0 $0x6  }
0x41a: {  	s9 =	smul.u32 $0xA0, s14;
	_ =	swait.ge @!p0 [sflag:s8], $0x1400  }
0x41b: {  	[sflag:s8] =	ssyncset.done @!p0 $0x0  }
0x41c: {  	s9 =	sadd.s32 s7, s9;
	[sflag:s8] =	ssyncadd.s32 @!p0 $0xFFFFEC00;
	s8 =	simm.s32 @!p0 $0x7  }
0x41d: {  	s18 =	sshll.u32 s9, $0x5;
	_ =	swait.ge @!p0 [sflag:s8], $0x1400  }
0x41e: {  	s19 =	sadd.s32 s18, s3;
	s20 =	sadd.s32 s13, s18;
	[sflag:s8] =	ssyncset.done @!p0 $0x0  }
0x41f: {  	s22 =	rddreg [dreg:$0x6];
	[sflag:s8] =	ssyncadd.s32 @!p0 $0xFFFFEC00;
	s8 =	sshrl.u32 s20, $0x3  }
0x420: {  	[tilespmem:s12], [sflag:$0x1] =	stream.linear.gather [spmem:s19], $0x1400, $0x38;
	[tilespmem:$0x1CC28] =	vst v63  }
0x421: {  	s15 =	simm.s32 $0xD400;
	s22 =	sadd.s32 s22, s8;
	s8 =	sadd.s32 s6, s8  }
0x422: {  	[tilespmem:s15], [sflag:$0x2] =	stream.linear.gather [hbm4b:s22+s5], $0x1400, $0x38;
	[tilespmem:$0x1CC28] =	vst v63  }
0x423: {  	s20 =	simm.s32 $0xE800;
	s8 =	sadd.s32 $0x28000, s8  }
0x424: {  	[tilespmem:s20], [sflag:$0x3] =	stream.linear.gather [hbm4b:s8+s5], $0x1400, $0x38;
	[tilespmem:$0x1CC28] =	vst v63  }
0x425: {  	_ =	swait.ge [sflag:s26], $0x1400  }
0x426: {  	[sflag:s26] =	ssyncset.done $0x0  }
0x427: {  	[sflag:s26] =	ssyncadd.s32 $0xFFFFEC00  }
0x428: {  	_ =	swait.ge [sflag:s28], $0x1400  }
0x429: {  	v3 =	vmov s10;
	[sflag:s28] =	ssyncset.done $0x0  }
0x42a: {  	[sflag:s28] =	ssyncadd.s32 $0xFFFFEC00  }
0x42b: {  	_ =	swait.ge [sflag:s29], $0x1400  }
0x42c: {  	[sflag:s29] =	ssyncset.done $0x0  }
0x42d: {  	[sflag:s29] =	ssyncadd.s32 $0xFFFFEC00  }
0x42e: {  	s15 =	simm.s32 $0x0;
	v3 =	vld.idx.msk [tilespmem:v3+s11+$0x0], $0xffff  }
0x42f: {  	v4 =	vld [tilespmem:s15+$0xC010]  }
0x430: {  	v5 =	vld [tilespmem:s15+$0xC000]  }
0x431: {  	v6 =	vld [tilespmem:s15+$0xE800]  }
0x432: {  	v7 =	vld [tilespmem:s15+$0xE810]  }
0x433: {  	v9 =	vld [tilespmem:s15+$0xD400];
	v8 =	vadd.f32 v3, v3  }
0x434: {  	v10 =	vld [tilespmem:s15+$0xD410]  }
0x435: {  	v5 =	vmul.f32 v5, v8;
	v4 =	vmul.f32 v4, v8;
	_ =	sdelay $0x1  }
0x436: {  	v5 =	vsub.f32 v6, v5;
	v4 =	vsub.f32 v7, v4;
	_ =	sdelay $0x1  }
0x437: {  	s9 =	sadd.s32 $0x1, s10;
	v6 =	vsub.f32 v5, v9;
	v5 =	vsub.f32 v4, v10  }
0x438: {  	s8 =	simm.s32 $0x80;
	s20 =	simm.s32 $0x100;
	v4 =	vmov s9  }
.LBB2_41:
0x439: {  	p0 =	sne.s32 s20, $0x4F80;
	[tilespmem:s15+$0xFC00] =	vst v6;
	v6 =	vmul.f32 v6, v3;
	v3 =	vmul.f32 v5, v3  }
0x43a: {  	[tilespmem:s15+$0xFC10] =	vst v5  }
0x43b: {  	[tilespmem:s15+$0xC000] =	vst v6  }
0x43c: {  	[tilespmem:s15+$0xC010] =	vst v3  }
0x43d: {  	v3 =	vld.idx.msk [tilespmem:v4+s11+$0x0], $0xffff  }
0x43e: {  	s15 =	sshra.s32 s8, $0x2;
	s8 =	smov.u32 s20  }
0x43f: {  	v4 =	vld [tilespmem:s15+$0xC010]  }
0x440: {  	v5 =	vld [tilespmem:s15+$0xC000]  }
0x441: {  	v6 =	vld [tilespmem:s15+$0xE800]  }
0x442: {  	v7 =	vld [tilespmem:s15+$0xE810]  }
0x443: {  	v8 =	vadd.f32 v3, v3;
	v9 =	vld [tilespmem:s15+$0xD400]  }
0x444: {  	v10 =	vld [tilespmem:s15+$0xD410]  }
0x445: {  	v4 =	vmul.f32 v4, v8;
	v5 =	vmul.f32 v5, v8  }
.Ltmp19:
0x446: {  	(pc) =	sbr.rel @p0 .LBB2_41-.Ltmp19, $3  }
0x447: {  	v5 =	vsub.f32 v6, v5;
	v4 =	vsub.f32 v7, v4;
	_ =	sdelay $0x1  }
0x448: {  	s9 =	sadd.s32 $0x1, s9;
	v6 =	vsub.f32 v5, v9;
	v5 =	vsub.f32 v4, v10  }
0x449: {  	s20 =	sadd.s32 $0x80, s20;
	v4 =	vmov s9  }
0x44a: {  	[tilespmem:s15+$0xFC00] =	vst v6;
	v62 =	vmul.f32 v6, v3  }
0x44b: {  	v3 =	vmul.f32 v5, v3;
	[tilespmem:s15+$0xFC10] =	vst v5  }
0x44c: {  	[tilespmem:s15+$0xC000] =	vst v62  }
0x44d: {  	[tilespmem:s15+$0xC010] =	vst v3  }
0x44e: {  	v3 =	vld.idx.msk [tilespmem:v4+s11+$0x0], $0xffff  }
0x44f: {  	s8 =	sshra.s32 s8, $0x2  }
0x450: {  	v63 =	vld [tilespmem:s8+$0xC000]  }
0x451: {  	v5 =	vld [tilespmem:s8+$0xC010]  }
0x452: {  	v6 =	vld [tilespmem:s8+$0xE800]  }
0x453: {  	v7 =	vld [tilespmem:s8+$0xE810];
	v8 =	vadd.f32 v3, v3  }
0x454: {  	v9 =	vld [tilespmem:s8+$0xD400]  }
0x455: {  	v10 =	vld [tilespmem:s8+$0xD410];
	v4 =	vmul.f32 v63, v8  }
0x456: {  	v5 =	vmul.f32 v5, v8  }
0x457: {  	v4 =	vsub.f32 v6, v4  }
0x458: {  	v5 =	vsub.f32 v7, v5  }
0x459: {  	v4 =	vsub.f32 v4, v9  }
0x45a: {  	v5 =	vsub.f32 v5, v10  }
0x45b: {  	[tilespmem:s8+$0xFC00] =	vst v4;
	v4 =	vmul.f32 v4, v3  }
0x45c: {  	v3 =	vmul.f32 v5, v3;
	[tilespmem:s8+$0xFC10] =	vst v5  }
0x45d: {  	s14 =	sadd.s32 $0x1, s14;
	[tilespmem:s8+$0xC000] =	vst v4  }
0x45e: {  	s9 =	simm.s32 $0xFC00;
	p0 =	sne.s32 s14, $0x4;
	s15 =	simm.s32 $0x0;
	[tilespmem:s8+$0xC010] =	vst v3  }
0x45f: {  	[hbm4b:s22+s15] =	stream.linear.scatter [tilespmem:s9], [sflag:$0x5], $0x1400, $0x38;
	[tilespmem:$0x1CC28] =	vst v63  }
.Ltmp20:
0x460: {  	_ = 	snop;
	(pc) =	sbr.rel @p0 .LBB2_40-.Ltmp20, $4  }
0x461: {  	s20 =	sadd.s32 s18, s4  }
0x462: {  	[spmem:s20] =	stream.linear.scatter [tilespmem:s12], [sflag:$0x6], $0x1400, $0x38;
	[tilespmem:$0x1CC28] =	vst v63  }
0x463: {  	s10 =	sadd.s32 $0xA0, s10;
	s22 =	simm.s32 $0x11000  }
0x464: {  	[spmem:s19] =	stream.linear.scatter [tilespmem:s22], [sflag:$0x7], $0x1400, $0x38;
	[tilespmem:$0x1CC28] =	vst v63  }
0x465: {  	_ =	swait.ge [sflag:s31], $0x1400  }
0x466: {  	[sflag:s31] =	ssyncset.done $0x0  }
0x467: {  	[sflag:s31] =	ssyncadd.s32 $0xFFFFEC00  }
0x468: {  	_ =	swait.ge [sflag:s0], $0x1400  }
0x469: {  	[sflag:s0] =	ssyncset.done $0x0  }
0x46a: {  	[sflag:s0] =	ssyncadd.s32 $0xFFFFEC00  }
0x46b: {  	_ =	swait.ge [sflag:s1], $0x1400  }
0x46c: {  	[sflag:s1] =	ssyncset.done $0x0  }
0x46d: {  	[sflag:s1] =	ssyncadd.s32 $0xFFFFEC00  }
0x46e: {  	s5 =	simm.s32 $0x0;
	[bflag:$0x0] =	sbarrier.arrive $0xFFFF  }
0x46f: {  	[tilespmem:s16], [sflag:$0x1] =	stream.indirect.gather [spmem:s4], $0x20, s5, s24, $0xb8;
	[tilespmem:$0x1CC28] =	vst v63  }
0x470: {  	_ = 	snop  }
0x471: {  	[tilespmem:s17], [sflag:$0x2] =	stream.indirect.gather [spmem:s4], $0x20, s24, s24, $0xb8;
	[tilespmem:$0x1CC28] =	vst v63  }
0x472: {  	_ =	swait.ge [sflag:s26], $0x1000  }
0x473: {  	[sflag:s26] =	ssyncset.done $0x0  }
0x474: {  	s19 =	simm.s32 $0x5000;
	[sflag:s26] =	ssyncadd.s32 $0xFFFFF000  }
0x475: {  	[spmem:s3] =	stream.indirect.scatter.add.f32 [tilespmem:s16], [sflag:$0x5], $0x20, s19, s24, $0xb8;
	[tilespmem:$0x1CC28] =	vst v63  }
0x476: {  	_ =	swait.ge [sflag:s28], $0x1000  }
0x477: {  	[sflag:s28] =	ssyncset.done $0x0  }
0x478: {  	s20 =	simm.s32 $0x5080;
	[sflag:s28] =	ssyncadd.s32 $0xFFFFF000  }
0x479: {  	[spmem:s3] =	stream.indirect.scatter.add.f32 [tilespmem:s17], [sflag:$0x6], $0x20, s20, s24, $0xb8;
	[tilespmem:$0x1CC28] =	vst v63  }
0x47a: {  	_ =	swait.ge [sflag:s31], $0x1000  }
0x47b: {  	[sflag:s31] =	ssyncset.done $0x0  }
0x47c: {  	s22 =	simm.s32 $0x100;
	[sflag:s31] =	ssyncadd.s32 $0xFFFFF000  }
0x47d: {  	[tilespmem:s16], [sflag:$0x1] =	stream.indirect.gather [spmem:s4], $0x20, s22, s24, $0xb8;
	[tilespmem:$0x1CC28] =	vst v63  }
0x47e: {  	_ =	swait.ge [sflag:s0], $0x1000  }
0x47f: {  	[sflag:s0] =	ssyncset.done $0x0  }
0x480: {  	s8 =	simm.s32 $0x180;
	s5 =	simm.s32 $0x400;
	[sflag:s0] =	ssyncadd.s32 $0xFFFFF000  }
.LBB2_44:
0x481: {  	[tilespmem:s17], [sflag:$0x2] =	stream.indirect.gather [spmem:s4], $0x20, s8, s24, $0xb8;
	[tilespmem:$0x1CC28] =	vst v63  }
0x482: {  	s8 =	smov.u32 s5  }
0x483: {  	p0 =	sne.s32 s5, $0x13800;
	s5 =	sadd.s32 $0x400, s5;
	_ =	swait.ge [sflag:s26], $0x1000  }
0x484: {  	s8 =	sshra.s32 s8, $0x2;
	[sflag:s26] =	ssyncset.done $0x0  }
0x485: {  	s9 =	sadd.s32 $0x5000, s8;
	[sflag:s26] =	ssyncadd.s32 $0xFFFFF000  }
0x486: {  	[spmem:s3] =	stream.indirect.scatter.add.f32 [tilespmem:s16], [sflag:$0x5], $0x20, s9, s24, $0xb8;
	[tilespmem:$0x1CC28] =	vst v63  }
0x487: {  	_ =	swait.ge [sflag:s28], $0x1000  }
0x488: {  	[sflag:s28] =	ssyncset.done $0x0  }
0x489: {  	s9 =	sadd.s32 $0x5080, s8;
	[sflag:s28] =	ssyncadd.s32 $0xFFFFF000  }
0x48a: {  	[spmem:s3] =	stream.indirect.scatter.add.f32 [tilespmem:s17], [sflag:$0x6], $0x20, s9, s24, $0xb8;
	[tilespmem:$0x1CC28] =	vst v63  }
0x48b: {  	_ =	swait.ge [sflag:s31], $0x1000  }
0x48c: {  	[sflag:s31] =	ssyncset.done $0x0  }
.Ltmp21:
0x48d: {  	s9 =	sadd.s32 $0x100, s8;
	[sflag:s31] =	ssyncadd.s32 $0xFFFFF000;
	(pc) =	sbr.rel @p0 .LBB2_44-.Ltmp21, $4  }
0x48e: {  	[tilespmem:s16], [sflag:$0x1] =	stream.indirect.gather [spmem:s4], $0x20, s9, s24, $0xb8;
	[tilespmem:$0x1CC28] =	vst v63  }
0x48f: {  	_ =	swait.ge [sflag:s0], $0x1000  }
0x490: {  	[sflag:s0] =	ssyncset.done $0x0  }
0x491: {  	s8 =	sadd.s32 $0x180, s8;
	[sflag:s0] =	ssyncadd.s32 $0xFFFFF000  }
0x492: {  	[tilespmem:s17], [sflag:$0x2] =	stream.indirect.gather [spmem:s4], $0x20, s8, s24, $0xb8;
	[tilespmem:$0x1CC28] =	vst v63  }
0x493: {  	_ =	swait.ge [sflag:s26], $0x1000  }
0x494: {  	[sflag:s26] =	ssyncset.done $0x0  }
0x495: {  	s5 =	simm.s32 $0x9F00;
	[sflag:s26] =	ssyncadd.s32 $0xFFFFF000  }
0x496: {  	[spmem:s3] =	stream.indirect.scatter.add.f32 [tilespmem:s16], [sflag:$0x5], $0x20, s5, s24, $0xb8;
	[tilespmem:$0x1CC28] =	vst v63  }
0x497: {  	_ =	swait.ge [sflag:s28], $0x1000  }
0x498: {  	[sflag:s28] =	ssyncset.done $0x0  }
0x499: {  	s22 =	simm.s32 $0x9F80;
	[sflag:s28] =	ssyncadd.s32 $0xFFFFF000  }
0x49a: {  	[spmem:s3] =	stream.indirect.scatter.add.f32 [tilespmem:s17], [sflag:$0x6], $0x20, s22, s24, $0xb8;
	[tilespmem:$0x1CC28] =	vst v63  }
0x49b: {  	_ =	swait.ge [sflag:s31], $0x1000  }
0x49c: {  	[sflag:s31] =	ssyncset.done $0x0  }
0x49d: {  	[sflag:s31] =	ssyncadd.s32 $0xFFFFF000  }
0x49e: {  	_ =	swait.ge [sflag:s0], $0x1000  }
0x49f: {  	[sflag:s0] =	ssyncset.done $0x0  }
0x4a0: {  	s10 =	simm.s32 $0x0;
	[sflag:s0] =	ssyncadd.s32 $0xFFFFF000  }
0x4a1: {  	s14 =	simm.s32 $0x0;
	s5 =	simm.s32 $0x0;
	[bflag:$0x0] =	sbarrier.arrive $0xFFFF  }
.LBB2_46:
0x4a2: {  	p0 =	seq.s32 s14, $0x0  }
0x4a3: {  	s8 =	simm.s32 @!p0 $0x5  }
0x4a4: {  	_ =	swait.ge @!p0 [sflag:s8], $0x1400  }
0x4a5: {  	[sflag:s8] =	ssyncset.done @!p0 $0x0  }
0x4a6: {  	[sflag:s8] =	ssyncadd.s32 @!p0 $0xFFFFEC00;
	s8 =	simm.s32 @!p0 $0x6  }
0x4a7: {  	s9 =	smul.u32 $0xA0, s14;
	_ =	swait.ge @!p0 [sflag:s8], $0x1400  }
0x4a8: {  	[sflag:s8] =	ssyncset.done @!p0 $0x0  }
0x4a9: {  	s9 =	sadd.s32 s7, s9;
	[sflag:s8] =	ssyncadd.s32 @!p0 $0xFFFFEC00;
	s8 =	simm.s32 @!p0 $0x7  }
0x4aa: {  	s18 =	sshll.u32 s9, $0x5;
	_ =	swait.ge @!p0 [sflag:s8], $0x1400  }
0x4ab: {  	s19 =	sadd.s32 s18, s3;
	s20 =	sadd.s32 s13, s18;
	[sflag:s8] =	ssyncset.done @!p0 $0x0  }
0x4ac: {  	s22 =	rddreg [dreg:$0x5];
	[sflag:s8] =	ssyncadd.s32 @!p0 $0xFFFFEC00;
	s8 =	sshrl.u32 s20, $0x3  }
0x4ad: {  	[tilespmem:s12], [sflag:$0x1] =	stream.linear.gather [spmem:s19], $0x1400, $0x38;
	[tilespmem:$0x1CC28] =	vst v63  }
0x4ae: {  	s15 =	simm.s32 $0xD400;
	s22 =	sadd.s32 s22, s8;
	s8 =	sadd.s32 s6, s8  }
0x4af: {  	[tilespmem:s15], [sflag:$0x2] =	stream.linear.gather [hbm4b:s22+s5], $0x1400, $0x38;
	[tilespmem:$0x1CC28] =	vst v63  }
0x4b0: {  	s20 =	simm.s32 $0xE800;
	s8 =	sadd.s32 $0x14000, s8  }
0x4b1: {  	[tilespmem:s20], [sflag:$0x3] =	stream.linear.gather [hbm4b:s8+s5], $0x1400, $0x38;
	[tilespmem:$0x1CC28] =	vst v63  }
0x4b2: {  	_ =	swait.ge [sflag:s26], $0x1400  }
0x4b3: {  	[sflag:s26] =	ssyncset.done $0x0  }
0x4b4: {  	[sflag:s26] =	ssyncadd.s32 $0xFFFFEC00  }
0x4b5: {  	_ =	swait.ge [sflag:s28], $0x1400  }
0x4b6: {  	v3 =	vmov s10;
	[sflag:s28] =	ssyncset.done $0x0  }
0x4b7: {  	[sflag:s28] =	ssyncadd.s32 $0xFFFFEC00  }
0x4b8: {  	_ =	swait.ge [sflag:s29], $0x1400  }
0x4b9: {  	[sflag:s29] =	ssyncset.done $0x0  }
0x4ba: {  	[sflag:s29] =	ssyncadd.s32 $0xFFFFEC00  }
0x4bb: {  	s15 =	simm.s32 $0x0;
	v3 =	vld.idx.msk [tilespmem:v3+s11+$0x0], $0xffff  }
0x4bc: {  	v4 =	vld [tilespmem:s15+$0xC010]  }
0x4bd: {  	v5 =	vld [tilespmem:s15+$0xC000]  }
0x4be: {  	v6 =	vld [tilespmem:s15+$0xE800]  }
0x4bf: {  	v7 =	vld [tilespmem:s15+$0xE810]  }
0x4c0: {  	v9 =	vld [tilespmem:s15+$0xD400];
	v8 =	vadd.f32 v3, v3  }
0x4c1: {  	v10 =	vld [tilespmem:s15+$0xD410]  }
0x4c2: {  	v5 =	vmul.f32 v5, v8;
	v4 =	vmul.f32 v4, v8;
	_ =	sdelay $0x1  }
0x4c3: {  	v5 =	vsub.f32 v6, v5;
	v4 =	vsub.f32 v7, v4;
	_ =	sdelay $0x1  }
0x4c4: {  	s9 =	sadd.s32 $0x1, s10;
	v6 =	vsub.f32 v5, v9;
	v5 =	vsub.f32 v4, v10  }
0x4c5: {  	s8 =	simm.s32 $0x80;
	s20 =	simm.s32 $0x100;
	v4 =	vmov s9  }
.LBB2_47:
0x4c6: {  	p0 =	sne.s32 s20, $0x4F80;
	[tilespmem:s15+$0xFC00] =	vst v6;
	v6 =	vmul.f32 v6, v3;
	v3 =	vmul.f32 v5, v3  }
0x4c7: {  	[tilespmem:s15+$0xFC10] =	vst v5  }
0x4c8: {  	[tilespmem:s15+$0xC000] =	vst v6  }
0x4c9: {  	[tilespmem:s15+$0xC010] =	vst v3  }
0x4ca: {  	v3 =	vld.idx.msk [tilespmem:v4+s11+$0x0], $0xffff  }
0x4cb: {  	s15 =	sshra.s32 s8, $0x2;
	s8 =	smov.u32 s20  }
0x4cc: {  	v4 =	vld [tilespmem:s15+$0xC010]  }
0x4cd: {  	v5 =	vld [tilespmem:s15+$0xC000]  }
0x4ce: {  	v6 =	vld [tilespmem:s15+$0xE800]  }
0x4cf: {  	v7 =	vld [tilespmem:s15+$0xE810]  }
0x4d0: {  	v8 =	vadd.f32 v3, v3;
	v9 =	vld [tilespmem:s15+$0xD400]  }
0x4d1: {  	v10 =	vld [tilespmem:s15+$0xD410]  }
0x4d2: {  	v4 =	vmul.f32 v4, v8;
	v5 =	vmul.f32 v5, v8  }
.Ltmp22:
0x4d3: {  	(pc) =	sbr.rel @p0 .LBB2_47-.Ltmp22, $3  }
0x4d4: {  	v5 =	vsub.f32 v6, v5;
	v4 =	vsub.f32 v7, v4;
	_ =	sdelay $0x1  }
0x4d5: {  	s9 =	sadd.s32 $0x1, s9;
	v6 =	vsub.f32 v5, v9;
	v5 =	vsub.f32 v4, v10  }
0x4d6: {  	s20 =	sadd.s32 $0x80, s20;
	v4 =	vmov s9  }
0x4d7: {  	[tilespmem:s15+$0xFC00] =	vst v6;
	v62 =	vmul.f32 v6, v3  }
0x4d8: {  	v3 =	vmul.f32 v5, v3;
	[tilespmem:s15+$0xFC10] =	vst v5  }
0x4d9: {  	[tilespmem:s15+$0xC000] =	vst v62  }
0x4da: {  	[tilespmem:s15+$0xC010] =	vst v3  }
0x4db: {  	v3 =	vld.idx.msk [tilespmem:v4+s11+$0x0], $0xffff  }
0x4dc: {  	s8 =	sshra.s32 s8, $0x2  }
0x4dd: {  	v63 =	vld [tilespmem:s8+$0xC000]  }
0x4de: {  	v5 =	vld [tilespmem:s8+$0xC010]  }
0x4df: {  	v6 =	vld [tilespmem:s8+$0xE800]  }
0x4e0: {  	v7 =	vld [tilespmem:s8+$0xE810];
	v8 =	vadd.f32 v3, v3  }
0x4e1: {  	v9 =	vld [tilespmem:s8+$0xD400]  }
0x4e2: {  	v10 =	vld [tilespmem:s8+$0xD410];
	v4 =	vmul.f32 v63, v8  }
0x4e3: {  	v5 =	vmul.f32 v5, v8  }
0x4e4: {  	v4 =	vsub.f32 v6, v4  }
0x4e5: {  	v5 =	vsub.f32 v7, v5  }
0x4e6: {  	v4 =	vsub.f32 v4, v9  }
0x4e7: {  	v5 =	vsub.f32 v5, v10  }
0x4e8: {  	[tilespmem:s8+$0xFC00] =	vst v4;
	v4 =	vmul.f32 v4, v3  }
0x4e9: {  	v3 =	vmul.f32 v5, v3;
	[tilespmem:s8+$0xFC10] =	vst v5  }
0x4ea: {  	s14 =	sadd.s32 $0x1, s14;
	[tilespmem:s8+$0xC000] =	vst v4  }
0x4eb: {  	s9 =	simm.s32 $0xFC00;
	p0 =	sne.s32 s14, $0x4;
	s15 =	simm.s32 $0x0;
	[tilespmem:s8+$0xC010] =	vst v3  }
0x4ec: {  	[hbm4b:s22+s15] =	stream.linear.scatter [tilespmem:s9], [sflag:$0x5], $0x1400, $0x38;
	[tilespmem:$0x1CC28] =	vst v63  }
.Ltmp23:
0x4ed: {  	_ = 	snop;
	(pc) =	sbr.rel @p0 .LBB2_46-.Ltmp23, $4  }
0x4ee: {  	s20 =	sadd.s32 s18, s4  }
0x4ef: {  	[spmem:s20] =	stream.linear.scatter [tilespmem:s12], [sflag:$0x6], $0x1400, $0x38;
	[tilespmem:$0x1CC28] =	vst v63  }
0x4f0: {  	s10 =	sadd.s32 $0xA0, s10;
	s22 =	simm.s32 $0x11000  }
0x4f1: {  	[spmem:s19] =	stream.linear.scatter [tilespmem:s22], [sflag:$0x7], $0x1400, $0x38;
	[tilespmem:$0x1CC28] =	vst v63  }
0x4f2: {  	_ =	swait.ge [sflag:s31], $0x1400  }
0x4f3: {  	[sflag:s31] =	ssyncset.done $0x0  }
0x4f4: {  	[sflag:s31] =	ssyncadd.s32 $0xFFFFEC00  }
0x4f5: {  	_ =	swait.ge [sflag:s0], $0x1400  }
0x4f6: {  	[sflag:s0] =	ssyncset.done $0x0  }
0x4f7: {  	[sflag:s0] =	ssyncadd.s32 $0xFFFFEC00  }
0x4f8: {  	_ =	swait.ge [sflag:s1], $0x1400  }
0x4f9: {  	[sflag:s1] =	ssyncset.done $0x0  }
0x4fa: {  	[sflag:s1] =	ssyncadd.s32 $0xFFFFEC00  }
0x4fb: {  	s5 =	simm.s32 $0x0;
	[bflag:$0x0] =	sbarrier.arrive $0xFFFF  }
0x4fc: {  	[tilespmem:s16], [sflag:$0x1] =	stream.indirect.gather [spmem:s4], $0x20, s5, s24, $0xb8;
	[tilespmem:$0x1CC28] =	vst v63  }
0x4fd: {  	_ = 	snop  }
0x4fe: {  	[tilespmem:s17], [sflag:$0x2] =	stream.indirect.gather [spmem:s4], $0x20, s24, s24, $0xb8;
	[tilespmem:$0x1CC28] =	vst v63  }
0x4ff: {  	_ =	swait.ge [sflag:s26], $0x1000  }
0x500: {  	[sflag:s26] =	ssyncset.done $0x0  }
0x501: {  	s19 =	simm.s32 $0x5000;
	[sflag:s26] =	ssyncadd.s32 $0xFFFFF000  }
0x502: {  	[spmem:s3] =	stream.indirect.scatter.add.f32 [tilespmem:s16], [sflag:$0x5], $0x20, s19, s24, $0xb8;
	[tilespmem:$0x1CC28] =	vst v63  }
0x503: {  	_ =	swait.ge [sflag:s28], $0x1000  }
0x504: {  	[sflag:s28] =	ssyncset.done $0x0  }
0x505: {  	s20 =	simm.s32 $0x5080;
	[sflag:s28] =	ssyncadd.s32 $0xFFFFF000  }
0x506: {  	[spmem:s3] =	stream.indirect.scatter.add.f32 [tilespmem:s17], [sflag:$0x6], $0x20, s20, s24, $0xb8;
	[tilespmem:$0x1CC28] =	vst v63  }
0x507: {  	_ =	swait.ge [sflag:s31], $0x1000  }
0x508: {  	[sflag:s31] =	ssyncset.done $0x0  }
0x509: {  	s22 =	simm.s32 $0x100;
	[sflag:s31] =	ssyncadd.s32 $0xFFFFF000  }
0x50a: {  	[tilespmem:s16], [sflag:$0x1] =	stream.indirect.gather [spmem:s4], $0x20, s22, s24, $0xb8;
	[tilespmem:$0x1CC28] =	vst v63  }
0x50b: {  	_ =	swait.ge [sflag:s0], $0x1000  }
0x50c: {  	[sflag:s0] =	ssyncset.done $0x0  }
0x50d: {  	s8 =	simm.s32 $0x180;
	s5 =	simm.s32 $0x400;
	[sflag:s0] =	ssyncadd.s32 $0xFFFFF000  }
.LBB2_50:
0x50e: {  	[tilespmem:s17], [sflag:$0x2] =	stream.indirect.gather [spmem:s4], $0x20, s8, s24, $0xb8;
	[tilespmem:$0x1CC28] =	vst v63  }
0x50f: {  	s8 =	smov.u32 s5  }
0x510: {  	p0 =	sne.s32 s5, $0x13800;
	s5 =	sadd.s32 $0x400, s5;
	_ =	swait.ge [sflag:s26], $0x1000  }
0x511: {  	s8 =	sshra.s32 s8, $0x2;
	[sflag:s26] =	ssyncset.done $0x0  }
0x512: {  	s9 =	sadd.s32 $0x5000, s8;
	[sflag:s26] =	ssyncadd.s32 $0xFFFFF000  }
0x513: {  	[spmem:s3] =	stream.indirect.scatter.add.f32 [tilespmem:s16], [sflag:$0x5], $0x20, s9, s24, $0xb8;
	[tilespmem:$0x1CC28] =	vst v63  }
0x514: {  	_ =	swait.ge [sflag:s28], $0x1000  }
0x515: {  	[sflag:s28] =	ssyncset.done $0x0  }
0x516: {  	s9 =	sadd.s32 $0x5080, s8;
	[sflag:s28] =	ssyncadd.s32 $0xFFFFF000  }
0x517: {  	[spmem:s3] =	stream.indirect.scatter.add.f32 [tilespmem:s17], [sflag:$0x6], $0x20, s9, s24, $0xb8;
	[tilespmem:$0x1CC28] =	vst v63  }
0x518: {  	_ =	swait.ge [sflag:s31], $0x1000  }
0x519: {  	[sflag:s31] =	ssyncset.done $0x0  }
.Ltmp24:
0x51a: {  	s9 =	sadd.s32 $0x100, s8;
	[sflag:s31] =	ssyncadd.s32 $0xFFFFF000;
	(pc) =	sbr.rel @p0 .LBB2_50-.Ltmp24, $4  }
0x51b: {  	[tilespmem:s16], [sflag:$0x1] =	stream.indirect.gather [spmem:s4], $0x20, s9, s24, $0xb8;
	[tilespmem:$0x1CC28] =	vst v63  }
0x51c: {  	_ =	swait.ge [sflag:s0], $0x1000  }
0x51d: {  	[sflag:s0] =	ssyncset.done $0x0  }
0x51e: {  	s8 =	sadd.s32 $0x180, s8;
	[sflag:s0] =	ssyncadd.s32 $0xFFFFF000  }
0x51f: {  	[tilespmem:s17], [sflag:$0x2] =	stream.indirect.gather [spmem:s4], $0x20, s8, s24, $0xb8;
	[tilespmem:$0x1CC28] =	vst v63  }
0x520: {  	_ =	swait.ge [sflag:s26], $0x1000  }
0x521: {  	[sflag:s26] =	ssyncset.done $0x0  }
0x522: {  	s5 =	simm.s32 $0x9F00;
	[sflag:s26] =	ssyncadd.s32 $0xFFFFF000  }
0x523: {  	[spmem:s3] =	stream.indirect.scatter.add.f32 [tilespmem:s16], [sflag:$0x5], $0x20, s5, s24, $0xb8;
	[tilespmem:$0x1CC28] =	vst v63  }
0x524: {  	_ =	swait.ge [sflag:s28], $0x1000  }
0x525: {  	[sflag:s28] =	ssyncset.done $0x0  }
0x526: {  	s22 =	simm.s32 $0x9F80;
	[sflag:s28] =	ssyncadd.s32 $0xFFFFF000  }
0x527: {  	[spmem:s3] =	stream.indirect.scatter.add.f32 [tilespmem:s17], [sflag:$0x6], $0x20, s22, s24, $0xb8;
	[tilespmem:$0x1CC28] =	vst v63  }
0x528: {  	_ =	swait.ge [sflag:s31], $0x1000  }
0x529: {  	[sflag:s31] =	ssyncset.done $0x0  }
0x52a: {  	[sflag:s31] =	ssyncadd.s32 $0xFFFFF000  }
0x52b: {  	_ =	swait.ge [sflag:s0], $0x1000  }
0x52c: {  	[sflag:s0] =	ssyncset.done $0x0  }
0x52d: {  	[sflag:s0] =	ssyncadd.s32 $0xFFFFF000  }
0x52e: {  	s10 =	simm.s32 $0x0;
	[bflag:$0x0] =	sbarrier.arrive $0xFFFF  }
0x52f: {  	s14 =	simm.s32 $0x0;
	s5 =	simm.s32 $0x0;
	s22 =	rddreg [dreg:$0xa]  }
.LBB2_52:
0x530: {  	s8 =	smul.u32 $0xA0, s14;
	_ =	sdelay $0x1  }
0x531: {  	s18 =	sadd.s32 s7, s8  }
0x532: {  	s8 =	sshll.u32 s18, $0x5  }
0x533: {  	s9 =	sadd.s32 s8, s3  }
0x534: {  	[tilespmem:s12], [sflag:$0x9] =	stream.linear.gather [spmem:s9], $0x1400, $0x38;
	[tilespmem:$0x1CC28] =	vst v63  }
0x535: {  	s8 =	sadd.s32 s13, s8;
	_ =	swait.ge [sflag:s21], $0x1400  }
0x536: {  	s8 =	sshrl.u32 s8, $0x3;
	[sflag:s21] =	ssyncset.done $0x0;
	s19 =	rddreg [dreg:$0x6]  }
0x537: {  	s15 =	simm.s32 $0xD400;
	[sflag:s21] =	ssyncadd.s32 $0xFFFFEC00;
	s9 =	sadd.s32 s19, s8  }
0x538: {  	[tilespmem:s15], [sflag:$0x9] =	stream.linear.gather [hbm4b:s9+s5], $0x1400, $0x38;
	[tilespmem:$0x1CC28] =	vst v63  }
0x539: {  	_ =	swait.ge [sflag:s21], $0x1400  }
0x53a: {  	[sflag:s21] =	ssyncset.done $0x0  }
0x53b: {  	s20 =	simm.s32 $0xE800;
	s8 =	sadd.s32 s6, s8;
	[sflag:s21] =	ssyncadd.s32 $0xFFFFEC00  }
0x53c: {  	v3 =	vmov s10;
	[tilespmem:s20], [sflag:$0x9] =	stream.linear.gather [hbm4b:s8+s5], $0x1400, $0x38;
	[tilespmem:$0x1CC28] =	vst v63  }
0x53d: {  	_ =	swait.ge [sflag:s21], $0x1400  }
0x53e: {  	[sflag:s21] =	ssyncset.done $0x0  }
0x53f: {  	s15 =	simm.s32 $0x0;
	[sflag:s21] =	ssyncadd.s32 $0xFFFFEC00  }
0x540: {  	v4 =	vld [tilespmem:s15+$0xC000]  }
0x541: {  	v3 =	vld.idx.msk [tilespmem:v3+s11+$0x0], $0xffff  }
0x542: {  	v5 =	vld [tilespmem:s15+$0xC010]  }
0x543: {  	v6 =	vld [tilespmem:s15+$0xE800]  }
0x544: {  	v7 =	vld [tilespmem:s15+$0xE810]  }
0x545: {  	v8 =	vld [tilespmem:s15+$0xD400]  }
0x546: {  	v9 =	vld [tilespmem:s15+$0xD410]  }
0x547: {  	v4 =	vmul.f32 v4, v3;
	v3 =	vmul.f32 v5, v3;
	_ =	sdelay $0x1  }
0x548: {  	v4 =	vsub.f32 v6, v4;
	v6 =	vsub.f32 v7, v3  }
0x549: {  	s8 =	sadd.s32 $0x1, s10  }
0x54a: {  	s19 =	simm.s32 $0x100;
	s9 =	simm.s32 $0x80;
	v3 =	vmov s8;
	v5 =	vsub.f32 v4, v8;
	v4 =	vsub.f32 v6, v9  }
.LBB2_53:
0x54b: {  	p0 =	sne.s32 s19, $0x4F80  }
0x54c: {  	v5 =	vmax.f32 v5, $0.0e+00;
	v4 =	vmax.f32 v4, $0.0e+00  }
0x54d: {  	s20 =	sshra.s32 s9, $0x2;
	s9 =	smov.u32 s19;
	[tilespmem:s15+$0xFC00] =	vst v5  }
0x54e: {  	v5 =	vld [tilespmem:s20+$0xC000];
	[tilespmem:s15+$0xFC10] =	vst v4;
	s15 =	smov.u32 s20  }
0x54f: {  	v3 =	vld.idx.msk [tilespmem:v3+s11+$0x0], $0xffff  }
0x550: {  	v4 =	vld [tilespmem:s15+$0xC010]  }
0x551: {  	v6 =	vld [tilespmem:s15+$0xE800]  }
0x552: {  	v7 =	vld [tilespmem:s15+$0xE810]  }
0x553: {  	v8 =	vld [tilespmem:s15+$0xD400]  }
0x554: {  	v9 =	vld [tilespmem:s15+$0xD410]  }
.Ltmp25:
0x555: {  	v5 =	vmul.f32 v5, v3;
	v3 =	vmul.f32 v4, v3;
	(pc) =	sbr.rel @p0 .LBB2_53-.Ltmp25, $4  }
0x556: {  	_ = 	snop  }
0x557: {  	v4 =	vsub.f32 v6, v5;
	v6 =	vsub.f32 v7, v3  }
0x558: {  	s8 =	sadd.s32 $0x1, s8  }
0x559: {  	s19 =	sadd.s32 $0x80, s19;
	v3 =	vmov s8;
	v5 =	vsub.f32 v4, v8;
	v4 =	vsub.f32 v6, v9  }
0x55a: {  	_ = 	snop  }
0x55b: {  	v5 =	vmax.f32 v5, $0.0e+00  }
0x55c: {  	s8 =	sshra.s32 s9, $0x2;
	v4 =	vmax.f32 v4, $0.0e+00;
	[tilespmem:s15+$0xFC00] =	vst v5  }
0x55d: {  	v5 =	vld [tilespmem:s8+$0xC000];
	[tilespmem:s15+$0xFC10] =	vst v4  }
0x55e: {  	v3 =	vld.idx.msk [tilespmem:v3+s11+$0x0], $0xffff  }
0x55f: {  	v4 =	vld [tilespmem:s8+$0xC010]  }
0x560: {  	v6 =	vld [tilespmem:s8+$0xE800]  }
0x561: {  	v7 =	vld [tilespmem:s8+$0xE810]  }
0x562: {  	v8 =	vld [tilespmem:s8+$0xD400]  }
0x563: {  	v9 =	vld [tilespmem:s8+$0xD410];
	v5 =	vmul.f32 v5, v3  }
0x564: {  	v3 =	vmul.f32 v4, v3  }
0x565: {  	v63 =	vsub.f32 v6, v5  }
0x566: {  	v3 =	vsub.f32 v7, v3  }
0x567: {  	v4 =	vsub.f32 v63, v8  }
0x568: {  	v3 =	vsub.f32 v3, v9  }
0x569: {  	s20 =	sshll.u32 s18, $0x3;
	s14 =	sadd.s32 $0x1, s14;
	v4 =	vmax.f32 v4, $0.0e+00  }
0x56a: {  	s18 =	simm.s32 $0xFC00;
	s19 =	simm.s32 $0x20;
	p0 =	sne.s32 s14, $0x4;
	v3 =	vmax.f32 v3, $0.0e+00;
	[tilespmem:s8+$0xFC00] =	vst v4  }
.Ltmp26:
0x56b: {  	s15 =	sadd.s32 s20, s22;
	s20 =	simm.s32 $0x40;
	[tilespmem:s8+$0xFC10] =	vst v3;
	(pc) =	sbr.rel @p0 .LBB2_52-.Ltmp26, $4  }
0x56c: {  	[hbm4b:s15+s19] =	stream.strided.scatter [tilespmem:s18], [sflag:$0x9], $0x1400, s20, s19, $0x38;
	[tilespmem:$0x1CC28] =	vst v63  }
0x56d: {  	_ =	swait.ge [sflag:s21], $0x1400  }
0x56e: {  	[sflag:s21] =	ssyncset.done $0x0  }
0x56f: {  	s10 =	sadd.s32 $0xA0, s10;
	[sflag:s21] =	ssyncadd.s32 $0xFFFFEC00  }
0x570: {  	s8 =	rddreg [dreg:$0x10]  }
0x571: {  	s5 =	rddreg [dreg:$0xc];
	s8 =	sadd.s32 $0x1, s8  }
0x572: {  	p0 =	sne.s32 s8, s5  }
.Ltmp27:
0x573: {  	_ = 	snop;
	(pc) =	sbr.rel @p0 .LBB2_1-.Ltmp27, $2  }
0x574: {  	_ =	sdelay $0x2  }
0x575: {  	s14 =	rddreg [dreg:$0x7];
	s15 =	simm.s32 $0x12480  }
0x576: {  	_ =	sfence.sel $0x180000  }
0x577: {  	[bflag:$0x0] =	sbarrier.arrive $0xFFFF  }
0x578: {  	_ =	strace $0x90000047  }
0x579: {  	s0 =	stileid.u32;
	[bflag:$0x2] =	sbarrier.arrive $0xFFFF  }
0x57a: {  	p0 =	sne.s32 s0, $0x0;
	s0 =	rddreg [dreg:$0x4]  }
0x57b: {  	s0 =	sadd.s32 @!p0 $0x100000, s0  }
0x57c: {  	[sflag:s0] =	ssyncadd.tile.s32 @!p0 $0x1;
	_ =	shalt  }
.Lfunc_end2:
_tile_overlayer_lowered:
.L_overlay_start_2:
0x57d: {  	(tag) =	ssettag $0x2  }
0x57e: {  	s0 =	rddreg [dreg:$0x0];
	s2 =	stileid.u32  }
0x57f: {  	s1 =	rddreg [dreg:$0x1];
	p0 =	sne.s32 s2, $0x0  }
0x580: {  	s3 =	rddreg [dreg:$0x2];
	[bflag:$0x3] =	sbarrier.arrive $0xFFFF;
	s2 =	simm.s32 @!p0 $0x1C09  }
0x581: {  	[timem:s3], [sflag:s2] =	dma.local @!p0 [hbm:s0], s1  }
0x582: {  	s0 =	simm.s32 @!p0 $0x9  }
0x583: {  	_ =	swait.ge @!p0 [sflag:s0], s1  }
0x584: {  	s1 =	ssub.s32 @!p0 $0x0, s1;
	[sflag:s0] =	ssyncset.done @!p0 $0x0  }
0x585: {  	[sflag:s0] =	ssyncadd.s32 @!p0 s1  }
0x586: {  	[bflag:$0x3] =	sbarrier.arrive $0xFFFF  }
0x587: {  	_ =	shalt  }

</sc_bundles>
